<compile_context>
chip_gen: v7x
topology: tpu7x:2x2x1
jax: 0.10.2.dev20260603
libtpu: 0.0.44.dev20260713+nightly
codegen_flags: <defaults>
</compile_context>

<pallas_src>
import functools

import jax
import jax.numpy as jnp
from jax import lax
from jax.experimental import pallas as pl
from jax.experimental.pallas import tpu as pltpu
from jax.experimental.pallas import tpu_sc as plsc

N = 10000
E = 320000

NC, NS = 2, 16
NW = NC * NS
NP = 10112
RPT = NP // NS
EPAD = 327680
PAD = EPAD - E
EPT = EPAD // NW
NCH = EPT // 128
ZR = RPT // 2

_mesh = plsc.VectorSubcoreMesh(core_axis_name="c", subcore_axis_name="s")



def _deg_body(dsti_hbm, out_hbm, idx_v, ones_v, zbuf_v, acc_sh, sem):
    cid = lax.axis_index("c")
    sid = lax.axis_index("s")
    wid = cid * NS + sid
    r0 = sid * RPT
    pltpu.sync_copy(dsti_hbm.at[pl.ds(wid * NCH, NCH), :], idx_v)
    zero16 = jnp.zeros((16,), jnp.float32)
    one16 = jnp.ones((16,), jnp.float32)

    def fill_z(i, c):
        zbuf_v[i, :] = zero16
        return c

    lax.fori_loop(0, RPT, fill_z, 0)

    def fill_o(i, c):
        ones_v[i, :] = one16
        return c

    lax.fori_loop(0, 128, fill_o, 0)
    pltpu.sync_copy(zbuf_v, acc_sh.at[pl.ds(r0, RPT), :])
    plsc.subcore_barrier()

    def scat(j, c):
        pltpu.async_copy(ones_v, acc_sh.at[idx_v.at[j]], sem, add=True)
        return c

    lax.fori_loop(0, NCH, scat, 0)

    def drain(j, c):
        pltpu.make_async_copy(ones_v, acc_sh.at[idx_v.at[0]], sem).wait()
        return c

    lax.fori_loop(0, NCH, drain, 0)
    plsc.subcore_barrier()
    pltpu.sync_copy(acc_sh.at[pl.ds(r0, RPT), :],
                    out_hbm.at[cid, pl.ds(r0, RPT), :])


_deg_call = pl.kernel(
    _deg_body,
    out_type=jax.ShapeDtypeStruct((NC, NP, 16), jnp.float32),
    mesh=_mesh,
    compiler_params=pltpu.CompilerParams(use_tc_tiling_on_sc=False),
    scratch_types=[
        pltpu.VMEM((NCH, 128), jnp.int32),
        pltpu.VMEM((128, 16), jnp.float32),
        pltpu.VMEM((RPT, 16), jnp.float32),
        pltpu.VMEM_SHARED((NP, 16), jnp.float32),
        pltpu.SemaphoreType.DMA,
    ],
)



def _make_prop(F, CR, BLK):
    KS = CR // 128
    NMC = EPT // CR
    NB = NMC // BLK
    assert NB * BLK == NMC and NB % 2 == 0 and BLK % 2 == 0
    ZN = min(CR, RPT)
    zchunks = []
    off = 0
    while off < RPT:
        ln = min(ZN - ZN % 8, RPT - off)
        zchunks.append((off, ln))
        off += ln

    def body(y_hbm, srci_hbm, dsti_hbm, out_hbm, srcc_v, dsti_v, rows_v,
             acc_sh, sem0, sem1):
        cid = lax.axis_index("c")
        sid = lax.axis_index("s")
        wid = cid * NS + sid
        r0 = sid * RPT
        pltpu.sync_copy(dsti_hbm.at[pl.ds(wid * NCH, NCH), :], dsti_v)
        zero16 = jnp.zeros((16,), jnp.float32)

        def fill_z(i, c):
            for k in range(F // 16):
                rows_v[0, i, pl.ds(k * 16, 16)] = zero16
            return c

        lax.fori_loop(0, ZN, fill_z, 0)
        for off, ln in zchunks:
            pltpu.sync_copy(rows_v.at[0, pl.ds(0, ln), :],
                            acc_sh.at[pl.ds(r0 + off, ln), :])
        plsc.subcore_barrier()

        sems = (sem0, sem1)

        def load_block(b, q):
            pltpu.sync_copy(
                srci_hbm.at[pl.ds(wid * EPT + b * BLK * CR, BLK * CR)],
                srcc_v.at[q])

        def issue_gather(p, q, off):
            pltpu.async_copy(y_hbm.at[srcc_v.at[q, pl.ds(off * CR, CR)]],
                             rows_v.at[p], sems[p])

        def wait_scatter(c, p):
            pltpu.make_async_copy(y_hbm.at[srcc_v.at[0, pl.ds(0, CR)]],
                                  rows_v.at[p], sems[p]).wait()

            def sc_one(k, cc):
                pltpu.sync_copy(rows_v.at[p, pl.ds(k * 128, 128), :],
                                acc_sh.at[dsti_v.at[c * KS + k]], add=True)
                return cc

            lax.fori_loop(0, KS, sc_one, 0)

        load_block(0, 0)
        issue_gather(0, 0, 0)

        def blockpair(i, carry):
            for q in (0, 1):
                b = 2 * i + q
                @pl.when(b + 1 < NB)
                def _():
                    load_block(b + 1, 1 - q)

                for j in range(BLK):
                    c = b * BLK + j
                    p = j % 2
                    if j < BLK - 1:
                        issue_gather(1 - p, q, j + 1)
                    else:
                        @pl.when(c + 1 < NMC)
                        def _():
                            issue_gather(1 - p, 1 - q, 0)
                    wait_scatter(c, p)
            return carry

        lax.fori_loop(0, NB // 2, blockpair, 0)
        plsc.subcore_barrier()
        pltpu.sync_copy(acc_sh.at[pl.ds(r0, RPT), :],
                        out_hbm.at[cid, pl.ds(r0, RPT), :])

    return pl.kernel(
        body,
        out_type=jax.ShapeDtypeStruct((NC, NP, F), jnp.float32),
        mesh=_mesh,
        compiler_params=pltpu.CompilerParams(use_tc_tiling_on_sc=False),
        scratch_types=[
            pltpu.VMEM((2, BLK * CR), jnp.int32),
            pltpu.VMEM((NCH, 128), jnp.int32),
            pltpu.VMEM((2, CR, F), jnp.float32),
            pltpu.VMEM_SHARED((NP, F), jnp.float32),
            pltpu.SemaphoreType.DMA,
            pltpu.SemaphoreType.DMA,
        ],
    )


_prop128 = _make_prop(128, 128, 8)
_prop64 = _make_prop(64, 512, 2)



def _pre_stage(degp_ref, x_ref, W1_ref, dis_ref, y1_ref):
    deg = 1.0 + degp_ref[0, :N, 0:1] + degp_ref[1, :N, 0:1]
    dis = lax.rsqrt(deg)
    dis_ref[:, :] = dis
    y1_ref[:, :] = dis * jnp.dot(x_ref[:, :], W1_ref[:, :],
                                 preferred_element_type=jnp.float32)


def _mid_stage(dis_ref, z_ref, y1_ref, b1_ref, W2_ref, y2_ref):
    dis = dis_ref[:, :]
    z = z_ref[0, :N, :] + z_ref[1, :N, :]
    x1 = jnp.maximum(dis * (z + y1_ref[:, :]) + b1_ref[0, :], 0.0)
    y2_ref[:, :] = dis * jnp.dot(x1, W2_ref[:, :],
                                 preferred_element_type=jnp.float32)


def _dense_stage(dis_ref, z_ref, y2_ref, b2_ref, Wp_ref, bp_ref,
                 Wd1_ref, bd1_ref, Wd2_ref, bd2_ref, Wd3_ref, bd3_ref,
                 out_ref):
    dis = dis_ref[:, :]
    z = z_ref[0, :N, :] + z_ref[1, :N, :]
    emb = jnp.maximum(dis * (z + y2_ref[:, :]) + b2_ref[0, :], 0.0)
    res = jnp.dot(emb, Wp_ref[:, :],
                  preferred_element_type=jnp.float32) + bp_ref[0, :]
    h = jnp.maximum(jnp.dot(emb, Wd1_ref[:, :],
                            preferred_element_type=jnp.float32) + bd1_ref[0, :],
                    0.0)
    h = jnp.maximum(jnp.dot(h, Wd2_ref[:, :],
                            preferred_element_type=jnp.float32) + bd2_ref[0, :],
                    0.0)
    x5 = jnp.dot(h, Wd3_ref[:, :],
                 preferred_element_type=jnp.float32) + bd3_ref[0, :]
    sp = jnp.maximum(x5, 0.0) + jnp.log1p(jnp.exp(-jnp.abs(x5)))
    out_ref[:, :] = jnp.concatenate([emb, res, sp], axis=1)


def kernel(raw_x, edge_index, W1, b1, W2, b2, Wp, bp, Wd1, bd1, Wd2, bd2,
           Wd3, bd3):
    src = edge_index[0]
    dst = edge_index[1]
    ept_real = E // NW
    padt = EPT - ept_real
    psrc = (jnp.arange(padt, dtype=jnp.int32) * 41) % N
    pdst = N + jnp.arange(padt, dtype=jnp.int32) % (NP - N)
    srcp = jnp.concatenate(
        [src.reshape(NW, ept_real),
         jnp.broadcast_to(psrc, (NW, padt))], axis=1).reshape(-1)
    dstp = jnp.concatenate(
        [dst.reshape(NW, ept_real),
         jnp.broadcast_to(pdst, (NW, padt))], axis=1).reshape(-1)
    dsti2d = dstp.reshape(EPAD // 128, 128)

    degp = _deg_call(dsti2d)

    dis, y1 = pl.pallas_call(
        _pre_stage,
        out_shape=(jax.ShapeDtypeStruct((N, 1), jnp.float32),
                   jax.ShapeDtypeStruct((N, 128), jnp.float32)),
    )(degp, raw_x, W1)

    z1 = _prop128(y1, srcp, dsti2d)

    y2 = pl.pallas_call(
        _mid_stage,
        out_shape=jax.ShapeDtypeStruct((N, 64), jnp.float32),
    )(dis, z1, y1, b1.reshape(1, -1), W2)

    z2 = _prop64(y2, srcp, dsti2d)

    return pl.pallas_call(
        _dense_stage,
        out_shape=jax.ShapeDtypeStruct((N, 208), jnp.float32),
    )(dis, z2, y2, b2.reshape(1, -1), Wp, bp.reshape(1, -1),
      Wd1, bd1.reshape(1, -1), Wd2, bd2.reshape(1, -1), Wd3,
      bd3.reshape(1, -1))

# --- scband reference (transcript-rebuilt; emitter-appended) ---
"""Pipeline reference for scband-gcn-30090540876084 (READ-ONLY COPY).

The authoritative reference and input builder live on the scoring server;
editing this copy changes nothing except your own understanding.
"""

import jax, jax.numpy as jnp
import numpy as np

N_NODES = 10000
N_EDGES = 320000
IN_CH = 128
ENC1 = 128
EMB = 64
DEC1 = 64
DEC2 = 64
OUT_CH = 128
CLUSTER = 16


def glorot(key, shape):
    lim = float(np.sqrt(6.0 / (shape[0] + shape[1])))
    return jax.random.uniform(key, shape, dtype=jnp.float32, minval=-lim, maxval=lim)


def setup_inputs(seed: int = 0) -> dict:
    key = jax.random.key(seed)
    ks = jax.random.split(key, 16)
    raw_x = jax.random.normal(ks[0], (N_NODES, IN_CH), dtype=jnp.float32)
    edge_index = jax.random.randint(ks[1], (2, N_EDGES), 0, N_NODES, dtype=jnp.int64 if jax.config.jax_enable_x64 else jnp.int32).astype(jnp.int32)
    W1 = glorot(ks[2], (IN_CH, ENC1))
    b1 = jnp.zeros((ENC1,), dtype=jnp.float32)
    W2 = glorot(ks[3], (ENC1, EMB))
    b2 = jnp.zeros((EMB,), dtype=jnp.float32)
    Wp = glorot(ks[4], (EMB, CLUSTER))
    bp = jnp.zeros((CLUSTER,), dtype=jnp.float32)
    Wd1 = glorot(ks[5], (EMB, DEC1))
    bd1 = jnp.zeros((DEC1,), dtype=jnp.float32)
    Wd2 = glorot(ks[6], (DEC1, DEC2))
    bd2 = jnp.zeros((DEC2,), dtype=jnp.float32)
    Wd3 = glorot(ks[7], (DEC2, OUT_CH))
    bd3 = jnp.zeros((OUT_CH,), dtype=jnp.float32)
    return {"raw_x": raw_x, "edge_index": edge_index, "W1": W1, "b1": b1, "W2": W2, "b2": b2,
            "Wp": Wp, "bp": bp, "Wd1": Wd1, "bd1": bd1, "Wd2": Wd2, "bd2": bd2, "Wd3": Wd3, "bd3": bd3}


def gcn_conv(x, edge_index, W, b, num_nodes):
    # PyG GCNConv: add self-loops, symmetric normalization, x @ W first, then propagate (sum), then + bias
    loop = jnp.arange(num_nodes, dtype=edge_index.dtype)
    src = jnp.concatenate([edge_index[0], loop])
    dst = jnp.concatenate([edge_index[1], loop])
    deg = jnp.zeros((num_nodes,), dtype=x.dtype).at[dst].add(1.0)
    deg_inv_sqrt = jnp.where(deg > 0, 1.0 / jnp.sqrt(deg), 0.0)
    norm = deg_inv_sqrt[src] * deg_inv_sqrt[dst]
    xw = x @ W
    msg = xw[src] * norm[:, None]
    out = jnp.zeros((num_nodes, W.shape[1]), dtype=x.dtype).at[dst].add(msg)
    return out + b


def reference(raw_x, edge_index, W1, b1, W2, b2, Wp, bp, Wd1, bd1, Wd2, bd2, Wd3, bd3):
    num_nodes = raw_x.shape[0]
    x1 = gcn_conv(raw_x, edge_index, W1, b1, num_nodes)
    x_1 = jax.nn.relu(x1)
    x = x_1  # dropout p=0.0 (eval)
    x_2 = gcn_conv(x, edge_index, W2, b2, num_nodes)
    embeding_x = jax.nn.relu(x_2)
    result = embeding_x @ Wp + bp
    x_3 = embeding_x @ Wd1 + bd1
    x = jax.nn.relu(x_3)
    x_4 = x @ Wd2 + bd2
    x = jax.nn.relu(x_4)
    x_5 = x @ Wd3 + bd3
    x = jax.nn.softplus(x_5)
    return jnp.concatenate([embeding_x, result, x], axis=1)

if __name__ == "__main__":
    import jax
    _d = setup_inputs()
    print(jax.jit(kernel)(*tuple(_d.values())))

</pallas_src>

<mosaic_0001>
#map = affine_map<(d0, d1) -> (0, 0)>
#map1 = affine_map<(d0, d1) -> (0, 0, 0)>
module attributes {stable_mosaic.version = 14 : i64} {
  func.func @_deg_body(%arg0: i32, %arg1: i32, %arg2: memref<2560x128xi32, #tpu.memory_space<hbm>>, %arg3: memref<2x10112x16xf32, #tpu.memory_space<hbm>>, %arg4: memref<80x128xi32, #tpu.memory_space<vmem>>, %arg5: memref<128x16xf32, #tpu.memory_space<vmem>>, %arg6: memref<632x16xf32, #tpu.memory_space<vmem>>, %arg7: memref<10112x16xf32, #tpu.memory_space<vmem_shared>>, %arg8: memref<!tpu.dma_semaphore, #tpu.memory_space<semaphore_mem>>) attributes {dimension_semantics = [#tpu.dimension_semantics<core_parallel>, #tpu.dimension_semantics<subcore_parallel>], iteration_bounds = array<i64: 2, 16>, scalar_prefetch = 0 : i64, scratch_operands = 5 : i64, tpu.core_type = #tpu.core_type<sc_vector_subcore>, window_params = [{transform_indices = #map}, {transform_indices = #map1}]} {
    %mul3A = arith.constant 16 : i32
    %mul3A_0 = arith.muli %arg0, %mul3A : i32
    %add3A = arith.addi %mul3A_0, %arg1 : i32
    %mul3A_1 = arith.constant 632 : i32
    %mul3A_2 = arith.muli %arg1, %mul3A_1 : i32
    %mul3A_3 = arith.constant 80 : i32
    %mul3A_4 = arith.muli %add3A, %mul3A_3 : i32
    "tpu.region"() ({
      %run_scoped3A = tpu.sem_alloc : memref<!tpu.dma_semaphore, #tpu.memory_space<semaphore_mem>>
      %dma_start3A = arith.constant 0 : i32
      %dma_start3A_32 = tpu.memref_slice %arg2[%mul3A_4, %dma_start3A] : memref<2560x128xi32, #tpu.memory_space<hbm>> -> memref<80x128xi32, #tpu.memory_space<hbm>>
      %dma_start3A_33 = arith.constant 0 : i32
      %dma_start3A_34 = tpu.memref_slice %arg2[%mul3A_4, %dma_start3A_33] : memref<2560x128xi32, #tpu.memory_space<hbm>> -> memref<80x128xi32, #tpu.memory_space<hbm>>
      tpu.enqueue_dma source(%dma_start3A_34 : memref<80x128xi32, #tpu.memory_space<hbm>>) target(%arg4 : memref<80x128xi32, #tpu.memory_space<vmem>>) target_semaphore(%run_scoped3A : memref<!tpu.dma_semaphore, #tpu.memory_space<semaphore_mem>>)
      %dma_wait3A = arith.constant 0 : i32
      %dma_wait3A_35 = tpu.memref_slice %arg2[%mul3A_4, %dma_wait3A] : memref<2560x128xi32, #tpu.memory_space<hbm>> -> memref<80x128xi32, #tpu.memory_space<hbm>>
      %dma_wait3A_36 = arith.constant 0 : i32
      %dma_wait3A_37 = tpu.memref_slice %arg2[%mul3A_4, %dma_wait3A_36] : memref<2560x128xi32, #tpu.memory_space<hbm>> -> memref<80x128xi32, #tpu.memory_space<hbm>>
      tpu.wait_dma2 semaphore(%run_scoped3A : memref<!tpu.dma_semaphore, #tpu.memory_space<semaphore_mem>>) src(%dma_wait3A_37 : memref<80x128xi32, #tpu.memory_space<hbm>>) dst(%arg4 : memref<80x128xi32, #tpu.memory_space<vmem>>)
      tpu.yield
    }) : () -> ()
    %broadcast_in_dim3A = arith.constant 0.000000e+00 : f32
    %broadcast_in_dim3A_5 = vector.broadcast %broadcast_in_dim3A : f32 to vector<16xf32>
    %broadcast_in_dim3A_6 = arith.constant 1.000000e+00 : f32
    %broadcast_in_dim3A_7 = vector.broadcast %broadcast_in_dim3A_6 : f32 to vector<16xf32>
    %scan3A = arith.constant 0 : i32
    %scan3A_8 = arith.constant 0 : i32
    %scan3A_9 = arith.constant 632 : i32
    %scan3A_10 = arith.addi %scan3A_8, %scan3A_9 : i32
    %scan3A_11 = arith.constant 1 : i32
    scf.for %scan3A_32 = %scan3A_8 to %scan3A_10 step %scan3A_11  : i32 {
      %swap3A = arith.index_cast %scan3A_32 : i32 to index
      %swap3A_33 = arith.constant 0 : index
      %swap3A_34 = tpu.vector_load %arg6[%swap3A, %swap3A_33] {strides = array<i32>} : memref<632x16xf32, #tpu.memory_space<vmem>>, vector<1x16xf32>,
      %swap3A_35 = vector.shape_cast %swap3A_34 : vector<1x16xf32> to vector<16xf32>
      %swap3A_36 = vector.shape_cast %broadcast_in_dim3A_5 : vector<16xf32> to vector<1x16xf32>
      tpu.vector_store %arg6[%swap3A, %swap3A_33], %swap3A_36 {strides = array<i32>} : memref<632x16xf32, #tpu.memory_space<vmem>>, vector<1x16xf32>,
    }
    %scan3A_12 = arith.constant 632 : i32
    %scan3A_13 = arith.constant 0 : i32
    %scan3A_14 = arith.constant 0 : i32
    %scan3A_15 = arith.constant 128 : i32
    %scan3A_16 = arith.addi %scan3A_14, %scan3A_15 : i32
    %scan3A_17 = arith.constant 1 : i32
    scf.for %scan3A_32 = %scan3A_14 to %scan3A_16 step %scan3A_17  : i32 {
      %swap3A = arith.index_cast %scan3A_32 : i32 to index
      %swap3A_33 = arith.constant 0 : index
      %swap3A_34 = tpu.vector_load %arg5[%swap3A, %swap3A_33] {strides = array<i32>} : memref<128x16xf32, #tpu.memory_space<vmem>>, vector<1x16xf32>,
      %swap3A_35 = vector.shape_cast %swap3A_34 : vector<1x16xf32> to vector<16xf32>
      %swap3A_36 = vector.shape_cast %broadcast_in_dim3A_7 : vector<16xf32> to vector<1x16xf32>
      tpu.vector_store %arg5[%swap3A, %swap3A_33], %swap3A_36 {strides = array<i32>} : memref<128x16xf32, #tpu.memory_space<vmem>>, vector<1x16xf32>,
    }
    %scan3A_18 = arith.constant 128 : i32
    "tpu.region"() ({
      %run_scoped3A = tpu.sem_alloc : memref<!tpu.dma_semaphore, #tpu.memory_space<semaphore_mem>>
      %dma_start3A = arith.constant 0 : i32
      %dma_start3A_32 = tpu.memref_slice %arg7[%mul3A_2, %dma_start3A] : memref<10112x16xf32, #tpu.memory_space<vmem_shared>> -> memref<632x16xf32, #tpu.memory_space<vmem_shared>>
      %dma_start3A_33 = arith.constant 0 : i32
      %dma_start3A_34 = tpu.memref_slice %arg7[%mul3A_2, %dma_start3A_33] : memref<10112x16xf32, #tpu.memory_space<vmem_shared>> -> memref<632x16xf32, #tpu.memory_space<vmem_shared>>
      tpu.enqueue_dma source(%arg6 : memref<632x16xf32, #tpu.memory_space<vmem>>) target(%dma_start3A_34 : memref<632x16xf32, #tpu.memory_space<vmem_shared>>) target_semaphore(%run_scoped3A : memref<!tpu.dma_semaphore, #tpu.memory_space<semaphore_mem>>)
      %dma_wait3A = arith.constant 0 : i32
      %dma_wait3A_35 = tpu.memref_slice %arg7[%mul3A_2, %dma_wait3A] : memref<10112x16xf32, #tpu.memory_space<vmem_shared>> -> memref<632x16xf32, #tpu.memory_space<vmem_shared>>
      %dma_wait3A_36 = arith.constant 0 : i32
      %dma_wait3A_37 = tpu.memref_slice %arg7[%mul3A_2, %dma_wait3A_36] : memref<10112x16xf32, #tpu.memory_space<vmem_shared>> -> memref<632x16xf32, #tpu.memory_space<vmem_shared>>
      tpu.wait_dma2 semaphore(%run_scoped3A : memref<!tpu.dma_semaphore, #tpu.memory_space<semaphore_mem>>) src(%arg6 : memref<632x16xf32, #tpu.memory_space<vmem>>) dst(%dma_wait3A_37 : memref<632x16xf32, #tpu.memory_space<vmem_shared>>)
      tpu.yield
    }) : () -> ()
    %barrier3A = arith.constant 0 : index
    tpu.barrier barrier_id(%barrier3A)
    %scan3A_19 = arith.constant 0 : i32
    %scan3A_20 = arith.constant 0 : i32
    %scan3A_21 = arith.constant 80 : i32
    %scan3A_22 = arith.addi %scan3A_20, %scan3A_21 : i32
    %scan3A_23 = arith.constant 1 : i32
    scf.for %scan3A_32 = %scan3A_20 to %scan3A_22 step %scan3A_23  : i32 {
      %dma_start3A = arith.constant 0 : i32
      %dma_start3A_33 = tpu.memref_slice %arg4[%scan3A_32, %dma_start3A] : memref<80x128xi32, #tpu.memory_space<vmem>> -> memref<1x128xi32, #tpu.memory_space<vmem>>
      %dma_start3A_34 = tpu.memref_squeeze %dma_start3A_33 : memref<1x128xi32, #tpu.memory_space<vmem>> -> memref<128xi32, #tpu.memory_space<vmem>>
      %dma_start3A_35 = arith.constant 0 : i32
      %dma_start3A_36 = arith.constant 0 : i32
      %dma_start3A_37 = tpu.memref_slice %arg7[%dma_start3A_35, %dma_start3A_36] : memref<10112x16xf32, #tpu.memory_space<vmem_shared>> -> memref<10112x16xf32, #tpu.memory_space<vmem_shared>>
      tpu.enqueue_indirect_dma source(%arg5 : memref<128x16xf32, #tpu.memory_space<vmem>>) target(%dma_start3A_37 : memref<10112x16xf32, #tpu.memory_space<vmem_shared>>) offsets(%dma_start3A_34 : memref<128xi32, #tpu.memory_space<vmem>>) semaphore(%arg8 : memref<!tpu.dma_semaphore, #tpu.memory_space<semaphore_mem>>) {add = true}
    }
    %scan3A_24 = arith.constant 80 : i32
    %scan3A_25 = arith.constant 0 : i32
    %scan3A_26 = arith.constant 0 : i32
    %scan3A_27 = arith.constant 80 : i32
    %scan3A_28 = arith.addi %scan3A_26, %scan3A_27 : i32
    %scan3A_29 = arith.constant 1 : i32
    scf.for %scan3A_32 = %scan3A_26 to %scan3A_28 step %scan3A_29  : i32 {
      %dma_wait3A = arith.constant 0 : i32
      %dma_wait3A_33 = arith.constant 0 : i32
      %dma_wait3A_34 = tpu.memref_slice %arg4[%dma_wait3A, %dma_wait3A_33] : memref<80x128xi32, #tpu.memory_space<vmem>> -> memref<1x128xi32, #tpu.memory_space<vmem>>
      %dma_wait3A_35 = tpu.memref_squeeze %dma_wait3A_34 : memref<1x128xi32, #tpu.memory_space<vmem>> -> memref<128xi32, #tpu.memory_space<vmem>>
      %dma_wait3A_36 = arith.constant 0 : i32
      %dma_wait3A_37 = arith.constant 0 : i32
      %dma_wait3A_38 = tpu.memref_slice %arg7[%dma_wait3A_36, %dma_wait3A_37] : memref<10112x16xf32, #tpu.memory_space<vmem_shared>> -> memref<10112x16xf32, #tpu.memory_space<vmem_shared>>
      tpu.wait_indirect_dma semaphore(%arg8 : memref<!tpu.dma_semaphore, #tpu.memory_space<semaphore_mem>>) src(%arg5 : memref<128x16xf32, #tpu.memory_space<vmem>>) dst(%dma_wait3A_38 : memref<10112x16xf32, #tpu.memory_space<vmem_shared>>)
    }
    %scan3A_30 = arith.constant 80 : i32
    %barrier3A_31 = arith.constant 0 : index
    tpu.barrier barrier_id(%barrier3A_31)
    "tpu.region"() ({
      %run_scoped3A = tpu.sem_alloc : memref<!tpu.dma_semaphore, #tpu.memory_space<semaphore_mem>>
      %dma_start3A = arith.constant 0 : i32
      %dma_start3A_32 = tpu.memref_slice %arg3[%arg0, %mul3A_2, %dma_start3A] : memref<2x10112x16xf32, #tpu.memory_space<hbm>> -> memref<1x632x16xf32, #tpu.memory_space<hbm>>
      %dma_start3A_33 = tpu.memref_squeeze %dma_start3A_32 : memref<1x632x16xf32, #tpu.memory_space<hbm>> -> memref<632x16xf32, #tpu.memory_space<hbm>>
      %dma_start3A_34 = arith.constant 0 : i32
      %dma_start3A_35 = tpu.memref_slice %arg7[%mul3A_2, %dma_start3A_34] : memref<10112x16xf32, #tpu.memory_space<vmem_shared>> -> memref<632x16xf32, #tpu.memory_space<vmem_shared>>
      tpu.enqueue_dma source(%dma_start3A_35 : memref<632x16xf32, #tpu.memory_space<vmem_shared>>) target(%dma_start3A_33 : memref<632x16xf32, #tpu.memory_space<hbm>>) target_semaphore(%run_scoped3A : memref<!tpu.dma_semaphore, #tpu.memory_space<semaphore_mem>>)
      %dma_wait3A = arith.constant 0 : i32
      %dma_wait3A_36 = tpu.memref_slice %arg3[%arg0, %mul3A_2, %dma_wait3A] : memref<2x10112x16xf32, #tpu.memory_space<hbm>> -> memref<1x632x16xf32, #tpu.memory_space<hbm>>
      %dma_wait3A_37 = tpu.memref_squeeze %dma_wait3A_36 : memref<1x632x16xf32, #tpu.memory_space<hbm>> -> memref<632x16xf32, #tpu.memory_space<hbm>>
      %dma_wait3A_38 = arith.constant 0 : i32
      %dma_wait3A_39 = tpu.memref_slice %arg7[%mul3A_2, %dma_wait3A_38] : memref<10112x16xf32, #tpu.memory_space<vmem_shared>> -> memref<632x16xf32, #tpu.memory_space<vmem_shared>>
      tpu.wait_dma2 semaphore(%run_scoped3A : memref<!tpu.dma_semaphore, #tpu.memory_space<semaphore_mem>>) src(%dma_wait3A_39 : memref<632x16xf32, #tpu.memory_space<vmem_shared>>) dst(%dma_wait3A_37 : memref<632x16xf32, #tpu.memory_space<hbm>>)
      tpu.yield
    }) : () -> ()
    return
  }
}

#map = affine_map<(d0, d1) -> (0, 0)>
#map1 = affine_map<(d0, d1) -> (0)>
#map2 = affine_map<(d0, d1) -> (0, 0, 0)>
module attributes {stable_mosaic.version = 14 : i64} {
  func.func @body(%arg0: i32, %arg1: i32, %arg2: memref<10000x64xf32, #tpu.memory_space<hbm>>, %arg3: memref<327680xi32, #tpu.memory_space<hbm>>, %arg4: memref<2560x128xi32, #tpu.memory_space<hbm>>, %arg5: memref<2x10112x64xf32, #tpu.memory_space<hbm>>, %arg6: memref<2x1024xi32, #tpu.memory_space<vmem>>, %arg7: memref<80x128xi32, #tpu.memory_space<vmem>>, %arg8: memref<2x512x64xf32, #tpu.memory_space<vmem>>, %arg9: memref<10112x64xf32, #tpu.memory_space<vmem_shared>>, %arg10: memref<!tpu.dma_semaphore, #tpu.memory_space<semaphore_mem>>, %arg11: memref<!tpu.dma_semaphore, #tpu.memory_space<semaphore_mem>>) attributes {dimension_semantics = [#tpu.dimension_semantics<core_parallel>, #tpu.dimension_semantics<subcore_parallel>], iteration_bounds = array<i64: 2, 16>, scalar_prefetch = 0 : i64, scratch_operands = 6 : i64, tpu.core_type = #tpu.core_type<sc_vector_subcore>, window_params = [{transform_indices = #map}, {transform_indices = #map1}, {transform_indices = #map}, {transform_indices = #map2}]} {
    %mul3A = arith.constant 16 : i32
    %mul3A_0 = arith.muli %arg0, %mul3A : i32
    %add3A = arith.addi %mul3A_0, %arg1 : i32
    %mul3A_1 = arith.constant 632 : i32
    %mul3A_2 = arith.muli %arg1, %mul3A_1 : i32
    %mul3A_3 = arith.constant 80 : i32
    %mul3A_4 = arith.muli %add3A, %mul3A_3 : i32
    "tpu.region"() ({
      %run_scoped3A_39 = tpu.sem_alloc : memref<!tpu.dma_semaphore, #tpu.memory_space<semaphore_mem>>
      %dma_start3A_40 = arith.constant 0 : i32
      %dma_start3A_41 = tpu.memref_slice %arg4[%mul3A_4, %dma_start3A_40] : memref<2560x128xi32, #tpu.memory_space<hbm>> -> memref<80x128xi32, #tpu.memory_space<hbm>>
      %dma_start3A_42 = arith.constant 0 : i32
      %dma_start3A_43 = tpu.memref_slice %arg4[%mul3A_4, %dma_start3A_42] : memref<2560x128xi32, #tpu.memory_space<hbm>> -> memref<80x128xi32, #tpu.memory_space<hbm>>
      tpu.enqueue_dma source(%dma_start3A_43 : memref<80x128xi32, #tpu.memory_space<hbm>>) target(%arg7 : memref<80x128xi32, #tpu.memory_space<vmem>>) target_semaphore(%run_scoped3A_39 : memref<!tpu.dma_semaphore, #tpu.memory_space<semaphore_mem>>)
      %dma_wait3A = arith.constant 0 : i32
      %dma_wait3A_44 = tpu.memref_slice %arg4[%mul3A_4, %dma_wait3A] : memref<2560x128xi32, #tpu.memory_space<hbm>> -> memref<80x128xi32, #tpu.memory_space<hbm>>
      %dma_wait3A_45 = arith.constant 0 : i32
      %dma_wait3A_46 = tpu.memref_slice %arg4[%mul3A_4, %dma_wait3A_45] : memref<2560x128xi32, #tpu.memory_space<hbm>> -> memref<80x128xi32, #tpu.memory_space<hbm>>
      tpu.wait_dma2 semaphore(%run_scoped3A_39 : memref<!tpu.dma_semaphore, #tpu.memory_space<semaphore_mem>>) src(%dma_wait3A_46 : memref<80x128xi32, #tpu.memory_space<hbm>>) dst(%arg7 : memref<80x128xi32, #tpu.memory_space<vmem>>)
      tpu.yield
    }) : () -> ()
    %broadcast_in_dim3A = arith.constant 0.000000e+00 : f32
    %broadcast_in_dim3A_5 = vector.broadcast %broadcast_in_dim3A : f32 to vector<16xf32>
    %scan3A = arith.constant 0 : i32
    %scan3A_6 = arith.constant 0 : i32
    %scan3A_7 = arith.constant 512 : i32
    %scan3A_8 = arith.addi %scan3A_6, %scan3A_7 : i32
    %scan3A_9 = arith.constant 1 : i32
    scf.for %scan3A_39 = %scan3A_6 to %scan3A_8 step %scan3A_9  : i32 {
      %swap3A = arith.constant 0 : i32
      %swap3A_40 = arith.index_cast %swap3A : i32 to index
      %swap3A_41 = arith.index_cast %scan3A_39 : i32 to index
      %swap3A_42 = arith.constant 0 : index
      %swap3A_43 = tpu.vector_load %arg8[%swap3A_40, %swap3A_41, %swap3A_42] {strides = array<i32>} : memref<2x512x64xf32, #tpu.memory_space<vmem>>, vector<1x1x16xf32>,
      %swap3A_44 = vector.shape_cast %swap3A_43 : vector<1x1x16xf32> to vector<16xf32>
      %swap3A_45 = vector.shape_cast %broadcast_in_dim3A_5 : vector<16xf32> to vector<1x1x16xf32>
      tpu.vector_store %arg8[%swap3A_40, %swap3A_41, %swap3A_42], %swap3A_45 {strides = array<i32>} : memref<2x512x64xf32, #tpu.memory_space<vmem>>, vector<1x1x16xf32>,
      %swap3A_46 = arith.constant 0 : i32
      %swap3A_47 = arith.index_cast %swap3A_46 : i32 to index
      %swap3A_48 = arith.index_cast %scan3A_39 : i32 to index
      %swap3A_49 = arith.constant 16 : index
      %swap3A_50 = tpu.vector_load %arg8[%swap3A_47, %swap3A_48, %swap3A_49] {strides = array<i32>} : memref<2x512x64xf32, #tpu.memory_space<vmem>>, vector<1x1x16xf32>,
      %swap3A_51 = vector.shape_cast %swap3A_50 : vector<1x1x16xf32> to vector<16xf32>
      %swap3A_52 = vector.shape_cast %broadcast_in_dim3A_5 : vector<16xf32> to vector<1x1x16xf32>
      tpu.vector_store %arg8[%swap3A_47, %swap3A_48, %swap3A_49], %swap3A_52 {strides = array<i32>} : memref<2x512x64xf32, #tpu.memory_space<vmem>>, vector<1x1x16xf32>,
      %swap3A_53 = arith.constant 0 : i32
      %swap3A_54 = arith.index_cast %swap3A_53 : i32 to index
      %swap3A_55 = arith.index_cast %scan3A_39 : i32 to index
      %swap3A_56 = arith.constant 32 : index
      %swap3A_57 = tpu.vector_load %arg8[%swap3A_54, %swap3A_55, %swap3A_56] {strides = array<i32>} : memref<2x512x64xf32, #tpu.memory_space<vmem>>, vector<1x1x16xf32>,
      %swap3A_58 = vector.shape_cast %swap3A_57 : vector<1x1x16xf32> to vector<16xf32>
      %swap3A_59 = vector.shape_cast %broadcast_in_dim3A_5 : vector<16xf32> to vector<1x1x16xf32>
      tpu.vector_store %arg8[%swap3A_54, %swap3A_55, %swap3A_56], %swap3A_59 {strides = array<i32>} : memref<2x512x64xf32, #tpu.memory_space<vmem>>, vector<1x1x16xf32>,
      %swap3A_60 = arith.constant 0 : i32
      %swap3A_61 = arith.index_cast %swap3A_60 : i32 to index
      %swap3A_62 = arith.index_cast %scan3A_39 : i32 to index
      %swap3A_63 = arith.constant 48 : index
      %swap3A_64 = tpu.vector_load %arg8[%swap3A_61, %swap3A_62, %swap3A_63] {strides = array<i32>} : memref<2x512x64xf32, #tpu.memory_space<vmem>>, vector<1x1x16xf32>,
      %swap3A_65 = vector.shape_cast %swap3A_64 : vector<1x1x16xf32> to vector<16xf32>
      %swap3A_66 = vector.shape_cast %broadcast_in_dim3A_5 : vector<16xf32> to vector<1x1x16xf32>
      tpu.vector_store %arg8[%swap3A_61, %swap3A_62, %swap3A_63], %swap3A_66 {strides = array<i32>} : memref<2x512x64xf32, #tpu.memory_space<vmem>>, vector<1x1x16xf32>,
    }
    %scan3A_10 = arith.constant 512 : i32
    %add3A_11 = arith.constant 0 : i32
    %add3A_12 = arith.addi %mul3A_2, %add3A_11 : i32
    %run_scoped3A = arith.constant 0 : i32
    "tpu.region"() ({
      %run_scoped3A_39 = tpu.sem_alloc : memref<!tpu.dma_semaphore, #tpu.memory_space<semaphore_mem>>
      %dma_start3A_40 = arith.constant 0 : i32
      %dma_start3A_41 = arith.constant 0 : i32
      %dma_start3A_42 = tpu.memref_slice %arg8[%run_scoped3A, %dma_start3A_40, %dma_start3A_41] : memref<2x512x64xf32, #tpu.memory_space<vmem>> -> memref<1x512x64xf32, #tpu.memory_space<vmem>>
      %dma_start3A_43 = tpu.memref_squeeze %dma_start3A_42 : memref<1x512x64xf32, #tpu.memory_space<vmem>> -> memref<512x64xf32, #tpu.memory_space<vmem>>
      %dma_start3A_44 = arith.constant 0 : i32
      %dma_start3A_45 = tpu.memref_slice %arg9[%add3A_12, %dma_start3A_44] : memref<10112x64xf32, #tpu.memory_space<vmem_shared>> -> memref<512x64xf32, #tpu.memory_space<vmem_shared>>
      %dma_start3A_46 = arith.constant 0 : i32
      %dma_start3A_47 = tpu.memref_slice %arg9[%add3A_12, %dma_start3A_46] : memref<10112x64xf32, #tpu.memory_space<vmem_shared>> -> memref<512x64xf32, #tpu.memory_space<vmem_shared>>
      %dma_start3A_48 = arith.constant 0 : i32
      %dma_start3A_49 = arith.constant 0 : i32
      %dma_start3A_50 = tpu.memref_slice %arg8[%run_scoped3A, %dma_start3A_48, %dma_start3A_49] : memref<2x512x64xf32, #tpu.memory_space<vmem>> -> memref<1x512x64xf32, #tpu.memory_space<vmem>>
      %dma_start3A_51 = tpu.memref_squeeze %dma_start3A_50 : memref<1x512x64xf32, #tpu.memory_space<vmem>> -> memref<512x64xf32, #tpu.memory_space<vmem>>
      tpu.enqueue_dma source(%dma_start3A_51 : memref<512x64xf32, #tpu.memory_space<vmem>>) target(%dma_start3A_47 : memref<512x64xf32, #tpu.memory_space<vmem_shared>>) target_semaphore(%run_scoped3A_39 : memref<!tpu.dma_semaphore, #tpu.memory_space<semaphore_mem>>)
      %dma_wait3A = arith.constant 0 : i32
      %dma_wait3A_52 = arith.constant 0 : i32
      %dma_wait3A_53 = tpu.memref_slice %arg8[%run_scoped3A, %dma_wait3A, %dma_wait3A_52] : memref<2x512x64xf32, #tpu.memory_space<vmem>> -> memref<1x512x64xf32, #tpu.memory_space<vmem>>
      %dma_wait3A_54 = tpu.memref_squeeze %dma_wait3A_53 : memref<1x512x64xf32, #tpu.memory_space<vmem>> -> memref<512x64xf32, #tpu.memory_space<vmem>>
      %dma_wait3A_55 = arith.constant 0 : i32
      %dma_wait3A_56 = tpu.memref_slice %arg9[%add3A_12, %dma_wait3A_55] : memref<10112x64xf32, #tpu.memory_space<vmem_shared>> -> memref<512x64xf32, #tpu.memory_space<vmem_shared>>
      %dma_wait3A_57 = arith.constant 0 : i32
      %dma_wait3A_58 = tpu.memref_slice %arg9[%add3A_12, %dma_wait3A_57] : memref<10112x64xf32, #tpu.memory_space<vmem_shared>> -> memref<512x64xf32, #tpu.memory_space<vmem_shared>>
      %dma_wait3A_59 = arith.constant 0 : i32
      %dma_wait3A_60 = arith.constant 0 : i32
      %dma_wait3A_61 = tpu.memref_slice %arg8[%run_scoped3A, %dma_wait3A_59, %dma_wait3A_60] : memref<2x512x64xf32, #tpu.memory_space<vmem>> -> memref<1x512x64xf32, #tpu.memory_space<vmem>>
      %dma_wait3A_62 = tpu.memref_squeeze %dma_wait3A_61 : memref<1x512x64xf32, #tpu.memory_space<vmem>> -> memref<512x64xf32, #tpu.memory_space<vmem>>
      tpu.wait_dma2 semaphore(%run_scoped3A_39 : memref<!tpu.dma_semaphore, #tpu.memory_space<semaphore_mem>>) src(%dma_wait3A_62 : memref<512x64xf32, #tpu.memory_space<vmem>>) dst(%dma_wait3A_58 : memref<512x64xf32, #tpu.memory_space<vmem_shared>>)
      tpu.yield
    }) : () -> ()
    %add3A_13 = arith.constant 512 : i32
    %add3A_14 = arith.addi %mul3A_2, %add3A_13 : i32
    %run_scoped3A_15 = arith.constant 0 : i32
    "tpu.region"() ({
      %run_scoped3A_39 = tpu.sem_alloc : memref<!tpu.dma_semaphore, #tpu.memory_space<semaphore_mem>>
      %dma_start3A_40 = arith.constant 0 : i32
      %dma_start3A_41 = arith.constant 0 : i32
      %dma_start3A_42 = tpu.memref_slice %arg8[%run_scoped3A_15, %dma_start3A_40, %dma_start3A_41] : memref<2x512x64xf32, #tpu.memory_space<vmem>> -> memref<1x120x64xf32, #tpu.memory_space<vmem>>
      %dma_start3A_43 = tpu.memref_squeeze %dma_start3A_42 : memref<1x120x64xf32, #tpu.memory_space<vmem>> -> memref<120x64xf32, #tpu.memory_space<vmem>>
      %dma_start3A_44 = arith.constant 0 : i32
      %dma_start3A_45 = tpu.memref_slice %arg9[%add3A_14, %dma_start3A_44] : memref<10112x64xf32, #tpu.memory_space<vmem_shared>> -> memref<120x64xf32, #tpu.memory_space<vmem_shared>>
      %dma_start3A_46 = arith.constant 0 : i32
      %dma_start3A_47 = tpu.memref_slice %arg9[%add3A_14, %dma_start3A_46] : memref<10112x64xf32, #tpu.memory_space<vmem_shared>> -> memref<120x64xf32, #tpu.memory_space<vmem_shared>>
      %dma_start3A_48 = arith.constant 0 : i32
      %dma_start3A_49 = arith.constant 0 : i32
      %dma_start3A_50 = tpu.memref_slice %arg8[%run_scoped3A_15, %dma_start3A_48, %dma_start3A_49] : memref<2x512x64xf32, #tpu.memory_space<vmem>> -> memref<1x120x64xf32, #tpu.memory_space<vmem>>
      %dma_start3A_51 = tpu.memref_squeeze %dma_start3A_50 : memref<1x120x64xf32, #tpu.memory_space<vmem>> -> memref<120x64xf32, #tpu.memory_space<vmem>>
      tpu.enqueue_dma source(%dma_start3A_51 : memref<120x64xf32, #tpu.memory_space<vmem>>) target(%dma_start3A_47 : memref<120x64xf32, #tpu.memory_space<vmem_shared>>) target_semaphore(%run_scoped3A_39 : memref<!tpu.dma_semaphore, #tpu.memory_space<semaphore_mem>>)
      %dma_wait3A = arith.constant 0 : i32
      %dma_wait3A_52 = arith.constant 0 : i32
      %dma_wait3A_53 = tpu.memref_slice %arg8[%run_scoped3A_15, %dma_wait3A, %dma_wait3A_52] : memref<2x512x64xf32, #tpu.memory_space<vmem>> -> memref<1x120x64xf32, #tpu.memory_space<vmem>>
      %dma_wait3A_54 = tpu.memref_squeeze %dma_wait3A_53 : memref<1x120x64xf32, #tpu.memory_space<vmem>> -> memref<120x64xf32, #tpu.memory_space<vmem>>
      %dma_wait3A_55 = arith.constant 0 : i32
      %dma_wait3A_56 = tpu.memref_slice %arg9[%add3A_14, %dma_wait3A_55] : memref<10112x64xf32, #tpu.memory_space<vmem_shared>> -> memref<120x64xf32, #tpu.memory_space<vmem_shared>>
      %dma_wait3A_57 = arith.constant 0 : i32
      %dma_wait3A_58 = tpu.memref_slice %arg9[%add3A_14, %dma_wait3A_57] : memref<10112x64xf32, #tpu.memory_space<vmem_shared>> -> memref<120x64xf32, #tpu.memory_space<vmem_shared>>
      %dma_wait3A_59 = arith.constant 0 : i32
      %dma_wait3A_60 = arith.constant 0 : i32
      %dma_wait3A_61 = tpu.memref_slice %arg8[%run_scoped3A_15, %dma_wait3A_59, %dma_wait3A_60] : memref<2x512x64xf32, #tpu.memory_space<vmem>> -> memref<1x120x64xf32, #tpu.memory_space<vmem>>
      %dma_wait3A_62 = tpu.memref_squeeze %dma_wait3A_61 : memref<1x120x64xf32, #tpu.memory_space<vmem>> -> memref<120x64xf32, #tpu.memory_space<vmem>>
      tpu.wait_dma2 semaphore(%run_scoped3A_39 : memref<!tpu.dma_semaphore, #tpu.memory_space<semaphore_mem>>) src(%dma_wait3A_62 : memref<120x64xf32, #tpu.memory_space<vmem>>) dst(%dma_wait3A_58 : memref<120x64xf32, #tpu.memory_space<vmem_shared>>)
      tpu.yield
    }) : () -> ()
    %barrier3A = arith.constant 0 : index
    tpu.barrier barrier_id(%barrier3A)
    %mul3A_16 = arith.constant 10240 : i32
    %mul3A_17 = arith.muli %add3A, %mul3A_16 : i32
    %add3A_18 = arith.constant 0 : i32
    %add3A_19 = arith.addi %mul3A_17, %add3A_18 : i32
    %run_scoped3A_20 = arith.constant 0 : i32
    "tpu.region"() ({
      %run_scoped3A_39 = tpu.sem_alloc : memref<!tpu.dma_semaphore, #tpu.memory_space<semaphore_mem>>
      %dma_start3A_40 = arith.constant 0 : i32
      %dma_start3A_41 = tpu.memref_slice %arg6[%run_scoped3A_20, %dma_start3A_40] : memref<2x1024xi32, #tpu.memory_space<vmem>> -> memref<1x1024xi32, #tpu.memory_space<vmem>>
      %dma_start3A_42 = tpu.memref_squeeze %dma_start3A_41 : memref<1x1024xi32, #tpu.memory_space<vmem>> -> memref<1024xi32, #tpu.memory_space<vmem>>
      %dma_start3A_43 = tpu.memref_slice %arg3[%add3A_19] : memref<327680xi32, #tpu.memory_space<hbm>> -> memref<1024xi32, #tpu.memory_space<hbm>>
      %dma_start3A_44 = arith.constant 0 : i32
      %dma_start3A_45 = tpu.memref_slice %arg6[%run_scoped3A_20, %dma_start3A_44] : memref<2x1024xi32, #tpu.memory_space<vmem>> -> memref<1x1024xi32, #tpu.memory_space<vmem>>
      %dma_start3A_46 = tpu.memref_squeeze %dma_start3A_45 : memref<1x1024xi32, #tpu.memory_space<vmem>> -> memref<1024xi32, #tpu.memory_space<vmem>>
      %dma_start3A_47 = tpu.memref_slice %arg3[%add3A_19] : memref<327680xi32, #tpu.memory_space<hbm>> -> memref<1024xi32, #tpu.memory_space<hbm>>
      tpu.enqueue_dma source(%dma_start3A_47 : memref<1024xi32, #tpu.memory_space<hbm>>) target(%dma_start3A_46 : memref<1024xi32, #tpu.memory_space<vmem>>) target_semaphore(%run_scoped3A_39 : memref<!tpu.dma_semaphore, #tpu.memory_space<semaphore_mem>>)
      %dma_wait3A = arith.constant 0 : i32
      %dma_wait3A_48 = tpu.memref_slice %arg6[%run_scoped3A_20, %dma_wait3A] : memref<2x1024xi32, #tpu.memory_space<vmem>> -> memref<1x1024xi32, #tpu.memory_space<vmem>>
      %dma_wait3A_49 = tpu.memref_squeeze %dma_wait3A_48 : memref<1x1024xi32, #tpu.memory_space<vmem>> -> memref<1024xi32, #tpu.memory_space<vmem>>
      %dma_wait3A_50 = tpu.memref_slice %arg3[%add3A_19] : memref<327680xi32, #tpu.memory_space<hbm>> -> memref<1024xi32, #tpu.memory_space<hbm>>
      %dma_wait3A_51 = arith.constant 0 : i32
      %dma_wait3A_52 = tpu.memref_slice %arg6[%run_scoped3A_20, %dma_wait3A_51] : memref<2x1024xi32, #tpu.memory_space<vmem>> -> memref<1x1024xi32, #tpu.memory_space<vmem>>
      %dma_wait3A_53 = tpu.memref_squeeze %dma_wait3A_52 : memref<1x1024xi32, #tpu.memory_space<vmem>> -> memref<1024xi32, #tpu.memory_space<vmem>>
      %dma_wait3A_54 = tpu.memref_slice %arg3[%add3A_19] : memref<327680xi32, #tpu.memory_space<hbm>> -> memref<1024xi32, #tpu.memory_space<hbm>>
      tpu.wait_dma2 semaphore(%run_scoped3A_39 : memref<!tpu.dma_semaphore, #tpu.memory_space<semaphore_mem>>) src(%dma_wait3A_54 : memref<1024xi32, #tpu.memory_space<hbm>>) dst(%dma_wait3A_53 : memref<1024xi32, #tpu.memory_space<vmem>>)
      tpu.yield
    }) : () -> ()
    %dma_start3A = arith.constant 0 : i32
    %dma_start3A_21 = arith.constant 0 : i32
    %dma_start3A_22 = arith.constant 0 : i32
    %dma_start3A_23 = arith.constant 0 : i32
    %dma_start3A_24 = tpu.memref_slice %arg8[%dma_start3A_21, %dma_start3A_22, %dma_start3A_23] : memref<2x512x64xf32, #tpu.memory_space<vmem>> -> memref<1x512x64xf32, #tpu.memory_space<vmem>>
    %dma_start3A_25 = tpu.memref_squeeze %dma_start3A_24 : memref<1x512x64xf32, #tpu.memory_space<vmem>> -> memref<512x64xf32, #tpu.memory_space<vmem>>
    %dma_start3A_26 = arith.constant 0 : i32
    %dma_start3A_27 = tpu.memref_slice %arg6[%dma_start3A, %dma_start3A_26] : memref<2x1024xi32, #tpu.memory_space<vmem>> -> memref<1x512xi32, #tpu.memory_space<vmem>>
    %dma_start3A_28 = tpu.memref_squeeze %dma_start3A_27 : memref<1x512xi32, #tpu.memory_space<vmem>> -> memref<512xi32, #tpu.memory_space<vmem>>
    %dma_start3A_29 = arith.constant 0 : i32
    %dma_start3A_30 = arith.constant 0 : i32
    %dma_start3A_31 = tpu.memref_slice %arg2[%dma_start3A_29, %dma_start3A_30] : memref<10000x64xf32, #tpu.memory_space<hbm>> -> memref<10000x64xf32, #tpu.memory_space<hbm>>
    tpu.enqueue_indirect_dma source(%dma_start3A_31 : memref<10000x64xf32, #tpu.memory_space<hbm>>) target(%dma_start3A_25 : memref<512x64xf32, #tpu.memory_space<vmem>>) offsets(%dma_start3A_28 : memref<512xi32, #tpu.memory_space<vmem>>) semaphore(%arg10 : memref<!tpu.dma_semaphore, #tpu.memory_space<semaphore_mem>>)
    %scan3A_32 = arith.constant 0 : i32
    %scan3A_33 = arith.constant 0 : i32
    %scan3A_34 = arith.constant 5 : i32
    %scan3A_35 = arith.addi %scan3A_33, %scan3A_34 : i32
    %scan3A_36 = arith.constant 1 : i32
    scf.for %scan3A_39 = %scan3A_33 to %scan3A_35 step %scan3A_36  : i32 {
      %mul3A_40 = arith.constant 2 : i32
      %mul3A_41 = arith.muli %mul3A_40, %scan3A_39 : i32
      %add3A_42 = arith.constant 0 : i32
      %add3A_43 = arith.addi %mul3A_41, %add3A_42 : i32
      %add3A_44 = arith.constant 1 : i32
      %add3A_45 = arith.addi %add3A_43, %add3A_44 : i32
      %lt3A = arith.constant 10 : i32
      %lt3A_46 = arith.cmpi slt, %add3A_45, %lt3A : i32
      %convert_element_type3A = arith.extui %lt3A_46 : i1 to i32
      %cond3A = arith.constant 0 : i32
      %cond3A_47 = arith.cmpi ne, %convert_element_type3A, %cond3A : i32
      scf.if %cond3A_47 {
        %add3A_184 = arith.constant 1 : i32
        %add3A_185 = arith.addi %add3A_43, %add3A_184 : i32
        %mul3A_186 = arith.constant 10240 : i32
        %mul3A_187 = arith.muli %add3A, %mul3A_186 : i32
        %mul3A_188 = arith.constant 2 : i32
        %mul3A_189 = arith.muli %add3A_185, %mul3A_188 : i32
        %mul3A_190 = arith.constant 512 : i32
        %mul3A_191 = arith.muli %mul3A_189, %mul3A_190 : i32
        %add3A_192 = arith.addi %mul3A_187, %mul3A_191 : i32
        %run_scoped3A_193 = arith.constant 1 : i32
        "tpu.region"() ({
          %run_scoped3A_194 = tpu.sem_alloc : memref<!tpu.dma_semaphore, #tpu.memory_space<semaphore_mem>>
          %dma_start3A_195 = arith.constant 0 : i32
          %dma_start3A_196 = tpu.memref_slice %arg6[%run_scoped3A_193, %dma_start3A_195] : memref<2x1024xi32, #tpu.memory_space<vmem>> -> memref<1x1024xi32, #tpu.memory_space<vmem>>
          %dma_start3A_197 = tpu.memref_squeeze %dma_start3A_196 : memref<1x1024xi32, #tpu.memory_space<vmem>> -> memref<1024xi32, #tpu.memory_space<vmem>>
          %dma_start3A_198 = tpu.memref_slice %arg3[%add3A_192] : memref<327680xi32, #tpu.memory_space<hbm>> -> memref<1024xi32, #tpu.memory_space<hbm>>
          %dma_start3A_199 = arith.constant 0 : i32
          %dma_start3A_200 = tpu.memref_slice %arg6[%run_scoped3A_193, %dma_start3A_199] : memref<2x1024xi32, #tpu.memory_space<vmem>> -> memref<1x1024xi32, #tpu.memory_space<vmem>>
          %dma_start3A_201 = tpu.memref_squeeze %dma_start3A_200 : memref<1x1024xi32, #tpu.memory_space<vmem>> -> memref<1024xi32, #tpu.memory_space<vmem>>
          %dma_start3A_202 = tpu.memref_slice %arg3[%add3A_192] : memref<327680xi32, #tpu.memory_space<hbm>> -> memref<1024xi32, #tpu.memory_space<hbm>>
          tpu.enqueue_dma source(%dma_start3A_202 : memref<1024xi32, #tpu.memory_space<hbm>>) target(%dma_start3A_201 : memref<1024xi32, #tpu.memory_space<vmem>>) target_semaphore(%run_scoped3A_194 : memref<!tpu.dma_semaphore, #tpu.memory_space<semaphore_mem>>)
          %dma_wait3A_203 = arith.constant 0 : i32
          %dma_wait3A_204 = tpu.memref_slice %arg6[%run_scoped3A_193, %dma_wait3A_203] : memref<2x1024xi32, #tpu.memory_space<vmem>> -> memref<1x1024xi32, #tpu.memory_space<vmem>>
          %dma_wait3A_205 = tpu.memref_squeeze %dma_wait3A_204 : memref<1x1024xi32, #tpu.memory_space<vmem>> -> memref<1024xi32, #tpu.memory_space<vmem>>
          %dma_wait3A_206 = tpu.memref_slice %arg3[%add3A_192] : memref<327680xi32, #tpu.memory_space<hbm>> -> memref<1024xi32, #tpu.memory_space<hbm>>
          %dma_wait3A_207 = arith.constant 0 : i32
          %dma_wait3A_208 = tpu.memref_slice %arg6[%run_scoped3A_193, %dma_wait3A_207] : memref<2x1024xi32, #tpu.memory_space<vmem>> -> memref<1x1024xi32, #tpu.memory_space<vmem>>
          %dma_wait3A_209 = tpu.memref_squeeze %dma_wait3A_208 : memref<1x1024xi32, #tpu.memory_space<vmem>> -> memref<1024xi32, #tpu.memory_space<vmem>>
          %dma_wait3A_210 = tpu.memref_slice %arg3[%add3A_192] : memref<327680xi32, #tpu.memory_space<hbm>> -> memref<1024xi32, #tpu.memory_space<hbm>>
          tpu.wait_dma2 semaphore(%run_scoped3A_194 : memref<!tpu.dma_semaphore, #tpu.memory_space<semaphore_mem>>) src(%dma_wait3A_210 : memref<1024xi32, #tpu.memory_space<hbm>>) dst(%dma_wait3A_209 : memref<1024xi32, #tpu.memory_space<vmem>>)
          tpu.yield
        }) : () -> ()
      } else {
      }
      %mul3A_48 = arith.constant 2 : i32
      %mul3A_49 = arith.muli %add3A_43, %mul3A_48 : i32
      %add3A_50 = arith.constant 0 : i32
      %add3A_51 = arith.addi %mul3A_49, %add3A_50 : i32
      %dma_start3A_52 = arith.constant 0 : i32
      %dma_start3A_53 = arith.constant 1 : i32
      %dma_start3A_54 = arith.constant 0 : i32
      %dma_start3A_55 = arith.constant 0 : i32
      %dma_start3A_56 = tpu.memref_slice %arg8[%dma_start3A_53, %dma_start3A_54, %dma_start3A_55] : memref<2x512x64xf32, #tpu.memory_space<vmem>> -> memref<1x512x64xf32, #tpu.memory_space<vmem>>
      %dma_start3A_57 = tpu.memref_squeeze %dma_start3A_56 : memref<1x512x64xf32, #tpu.memory_space<vmem>> -> memref<512x64xf32, #tpu.memory_space<vmem>>
      %dma_start3A_58 = arith.constant 512 : i32
      %dma_start3A_59 = tpu.memref_slice %arg6[%dma_start3A_52, %dma_start3A_58] : memref<2x1024xi32, #tpu.memory_space<vmem>> -> memref<1x512xi32, #tpu.memory_space<vmem>>
      %dma_start3A_60 = tpu.memref_squeeze %dma_start3A_59 : memref<1x512xi32, #tpu.memory_space<vmem>> -> memref<512xi32, #tpu.memory_space<vmem>>
      %dma_start3A_61 = arith.constant 0 : i32
      %dma_start3A_62 = arith.constant 0 : i32
      %dma_start3A_63 = tpu.memref_slice %arg2[%dma_start3A_61, %dma_start3A_62] : memref<10000x64xf32, #tpu.memory_space<hbm>> -> memref<10000x64xf32, #tpu.memory_space<hbm>>
      tpu.enqueue_indirect_dma source(%dma_start3A_63 : memref<10000x64xf32, #tpu.memory_space<hbm>>) target(%dma_start3A_57 : memref<512x64xf32, #tpu.memory_space<vmem>>) offsets(%dma_start3A_60 : memref<512xi32, #tpu.memory_space<vmem>>) semaphore(%arg11 : memref<!tpu.dma_semaphore, #tpu.memory_space<semaphore_mem>>)
      %dma_wait3A = arith.constant 0 : i32
      %dma_wait3A_64 = arith.constant 0 : i32
      %dma_wait3A_65 = arith.constant 0 : i32
      %dma_wait3A_66 = arith.constant 0 : i32
      %dma_wait3A_67 = tpu.memref_slice %arg8[%dma_wait3A_64, %dma_wait3A_65, %dma_wait3A_66] : memref<2x512x64xf32, #tpu.memory_space<vmem>> -> memref<1x512x64xf32, #tpu.memory_space<vmem>>
      %dma_wait3A_68 = tpu.memref_squeeze %dma_wait3A_67 : memref<1x512x64xf32, #tpu.memory_space<vmem>> -> memref<512x64xf32, #tpu.memory_space<vmem>>
      %dma_wait3A_69 = arith.constant 0 : i32
      %dma_wait3A_70 = tpu.memref_slice %arg6[%dma_wait3A, %dma_wait3A_69] : memref<2x1024xi32, #tpu.memory_space<vmem>> -> memref<1x512xi32, #tpu.memory_space<vmem>>
      %dma_wait3A_71 = tpu.memref_squeeze %dma_wait3A_70 : memref<1x512xi32, #tpu.memory_space<vmem>> -> memref<512xi32, #tpu.memory_space<vmem>>
      %dma_wait3A_72 = arith.constant 0 : i32
      %dma_wait3A_73 = arith.constant 0 : i32
      %dma_wait3A_74 = tpu.memref_slice %arg2[%dma_wait3A_72, %dma_wait3A_73] : memref<10000x64xf32, #tpu.memory_space<hbm>> -> memref<10000x64xf32, #tpu.memory_space<hbm>>
      tpu.wait_indirect_dma semaphore(%arg10 : memref<!tpu.dma_semaphore, #tpu.memory_space<semaphore_mem>>) src(%dma_wait3A_74 : memref<10000x64xf32, #tpu.memory_space<hbm>>) dst(%dma_wait3A_68 : memref<512x64xf32, #tpu.memory_space<vmem>>)
      %scan3A_75 = arith.constant 0 : i32
      %scan3A_76 = arith.constant 0 : i32
      %scan3A_77 = arith.constant 4 : i32
      %scan3A_78 = arith.addi %scan3A_76, %scan3A_77 : i32
      %scan3A_79 = arith.constant 1 : i32
      scf.for %scan3A_184 = %scan3A_76 to %scan3A_78 step %scan3A_79  : i32 {
        %mul3A_185 = arith.constant 128 : i32
        %mul3A_186 = arith.muli %scan3A_184, %mul3A_185 : i32
        %mul3A_187 = arith.constant 4 : i32
        %mul3A_188 = arith.muli %add3A_51, %mul3A_187 : i32
        %add3A_189 = arith.addi %mul3A_188, %scan3A_184 : i32
        %run_scoped3A_190 = arith.constant 0 : i32
        "tpu.region"() ({
          %run_scoped3A_191 = tpu.sem_alloc : memref<!tpu.dma_semaphore, #tpu.memory_space<semaphore_mem>>
          %dma_start3A_192 = arith.constant 0 : i32
          %dma_start3A_193 = tpu.memref_slice %arg8[%run_scoped3A_190, %mul3A_186, %dma_start3A_192] : memref<2x512x64xf32, #tpu.memory_space<vmem>> -> memref<1x128x64xf32, #tpu.memory_space<vmem>>
          %dma_start3A_194 = tpu.memref_squeeze %dma_start3A_193 : memref<1x128x64xf32, #tpu.memory_space<vmem>> -> memref<128x64xf32, #tpu.memory_space<vmem>>
          %dma_start3A_195 = arith.constant 0 : i32
          %dma_start3A_196 = tpu.memref_slice %arg7[%add3A_189, %dma_start3A_195] : memref<80x128xi32, #tpu.memory_space<vmem>> -> memref<1x128xi32, #tpu.memory_space<vmem>>
          %dma_start3A_197 = tpu.memref_squeeze %dma_start3A_196 : memref<1x128xi32, #tpu.memory_space<vmem>> -> memref<128xi32, #tpu.memory_space<vmem>>
          %dma_start3A_198 = arith.constant 0 : i32
          %dma_start3A_199 = arith.constant 0 : i32
          %dma_start3A_200 = tpu.memref_slice %arg9[%dma_start3A_198, %dma_start3A_199] : memref<10112x64xf32, #tpu.memory_space<vmem_shared>> -> memref<10112x64xf32, #tpu.memory_space<vmem_shared>>
          tpu.enqueue_indirect_dma source(%dma_start3A_194 : memref<128x64xf32, #tpu.memory_space<vmem>>) target(%dma_start3A_200 : memref<10112x64xf32, #tpu.memory_space<vmem_shared>>) offsets(%dma_start3A_197 : memref<128xi32, #tpu.memory_space<vmem>>) semaphore(%run_scoped3A_191 : memref<!tpu.dma_semaphore, #tpu.memory_space<semaphore_mem>>) {add = true}
          %dma_wait3A_201 = arith.constant 0 : i32
          %dma_wait3A_202 = tpu.memref_slice %arg8[%run_scoped3A_190, %mul3A_186, %dma_wait3A_201] : memref<2x512x64xf32, #tpu.memory_space<vmem>> -> memref<1x128x64xf32, #tpu.memory_space<vmem>>
          %dma_wait3A_203 = tpu.memref_squeeze %dma_wait3A_202 : memref<1x128x64xf32, #tpu.memory_space<vmem>> -> memref<128x64xf32, #tpu.memory_space<vmem>>
          %dma_wait3A_204 = arith.constant 0 : i32
          %dma_wait3A_205 = tpu.memref_slice %arg7[%add3A_189, %dma_wait3A_204] : memref<80x128xi32, #tpu.memory_space<vmem>> -> memref<1x128xi32, #tpu.memory_space<vmem>>
          %dma_wait3A_206 = tpu.memref_squeeze %dma_wait3A_205 : memref<1x128xi32, #tpu.memory_space<vmem>> -> memref<128xi32, #tpu.memory_space<vmem>>
          %dma_wait3A_207 = arith.constant 0 : i32
          %dma_wait3A_208 = arith.constant 0 : i32
          %dma_wait3A_209 = tpu.memref_slice %arg9[%dma_wait3A_207, %dma_wait3A_208] : memref<10112x64xf32, #tpu.memory_space<vmem_shared>> -> memref<10112x64xf32, #tpu.memory_space<vmem_shared>>
          tpu.wait_indirect_dma semaphore(%run_scoped3A_191 : memref<!tpu.dma_semaphore, #tpu.memory_space<semaphore_mem>>) src(%dma_wait3A_203 : memref<128x64xf32, #tpu.memory_space<vmem>>) dst(%dma_wait3A_209 : memref<10112x64xf32, #tpu.memory_space<vmem_shared>>)
          tpu.yield
        }) : () -> ()
      }
      %scan3A_80 = arith.constant 4 : i32
      %mul3A_81 = arith.constant 2 : i32
      %mul3A_82 = arith.muli %add3A_43, %mul3A_81 : i32
      %add3A_83 = arith.constant 1 : i32
      %add3A_84 = arith.addi %mul3A_82, %add3A_83 : i32
      %add3A_85 = arith.constant 1 : i32
      %add3A_86 = arith.addi %add3A_84, %add3A_85 : i32
      %lt3A_87 = arith.constant 20 : i32
      %lt3A_88 = arith.cmpi slt, %add3A_86, %lt3A_87 : i32
      %convert_element_type3A_89 = arith.extui %lt3A_88 : i1 to i32
      %cond3A_90 = arith.constant 0 : i32
      %cond3A_91 = arith.cmpi ne, %convert_element_type3A_89, %cond3A_90 : i32
      scf.if %cond3A_91 {
        %dma_start3A_184 = arith.constant 1 : i32
        %dma_start3A_185 = arith.constant 0 : i32
        %dma_start3A_186 = arith.constant 0 : i32
        %dma_start3A_187 = arith.constant 0 : i32
        %dma_start3A_188 = tpu.memref_slice %arg8[%dma_start3A_185, %dma_start3A_186, %dma_start3A_187] : memref<2x512x64xf32, #tpu.memory_space<vmem>> -> memref<1x512x64xf32, #tpu.memory_space<vmem>>
        %dma_start3A_189 = tpu.memref_squeeze %dma_start3A_188 : memref<1x512x64xf32, #tpu.memory_space<vmem>> -> memref<512x64xf32, #tpu.memory_space<vmem>>
        %dma_start3A_190 = arith.constant 0 : i32
        %dma_start3A_191 = tpu.memref_slice %arg6[%dma_start3A_184, %dma_start3A_190] : memref<2x1024xi32, #tpu.memory_space<vmem>> -> memref<1x512xi32, #tpu.memory_space<vmem>>
        %dma_start3A_192 = tpu.memref_squeeze %dma_start3A_191 : memref<1x512xi32, #tpu.memory_space<vmem>> -> memref<512xi32, #tpu.memory_space<vmem>>
        %dma_start3A_193 = arith.constant 0 : i32
        %dma_start3A_194 = arith.constant 0 : i32
        %dma_start3A_195 = tpu.memref_slice %arg2[%dma_start3A_193, %dma_start3A_194] : memref<10000x64xf32, #tpu.memory_space<hbm>> -> memref<10000x64xf32, #tpu.memory_space<hbm>>
        tpu.enqueue_indirect_dma source(%dma_start3A_195 : memref<10000x64xf32, #tpu.memory_space<hbm>>) target(%dma_start3A_189 : memref<512x64xf32, #tpu.memory_space<vmem>>) offsets(%dma_start3A_192 : memref<512xi32, #tpu.memory_space<vmem>>) semaphore(%arg10 : memref<!tpu.dma_semaphore, #tpu.memory_space<semaphore_mem>>)
      } else {
      }
      %dma_wait3A_92 = arith.constant 0 : i32
      %dma_wait3A_93 = arith.constant 1 : i32
      %dma_wait3A_94 = arith.constant 0 : i32
      %dma_wait3A_95 = arith.constant 0 : i32
      %dma_wait3A_96 = tpu.memref_slice %arg8[%dma_wait3A_93, %dma_wait3A_94, %dma_wait3A_95] : memref<2x512x64xf32, #tpu.memory_space<vmem>> -> memref<1x512x64xf32, #tpu.memory_space<vmem>>
      %dma_wait3A_97 = tpu.memref_squeeze %dma_wait3A_96 : memref<1x512x64xf32, #tpu.memory_space<vmem>> -> memref<512x64xf32, #tpu.memory_space<vmem>>
      %dma_wait3A_98 = arith.constant 0 : i32
      %dma_wait3A_99 = tpu.memref_slice %arg6[%dma_wait3A_92, %dma_wait3A_98] : memref<2x1024xi32, #tpu.memory_space<vmem>> -> memref<1x512xi32, #tpu.memory_space<vmem>>
      %dma_wait3A_100 = tpu.memref_squeeze %dma_wait3A_99 : memref<1x512xi32, #tpu.memory_space<vmem>> -> memref<512xi32, #tpu.memory_space<vmem>>
      %dma_wait3A_101 = arith.constant 0 : i32
      %dma_wait3A_102 = arith.constant 0 : i32
      %dma_wait3A_103 = tpu.memref_slice %arg2[%dma_wait3A_101, %dma_wait3A_102] : memref<10000x64xf32, #tpu.memory_space<hbm>> -> memref<10000x64xf32, #tpu.memory_space<hbm>>
      tpu.wait_indirect_dma semaphore(%arg11 : memref<!tpu.dma_semaphore, #tpu.memory_space<semaphore_mem>>) src(%dma_wait3A_103 : memref<10000x64xf32, #tpu.memory_space<hbm>>) dst(%dma_wait3A_97 : memref<512x64xf32, #tpu.memory_space<vmem>>)
      %scan3A_104 = arith.constant 0 : i32
      %scan3A_105 = arith.constant 0 : i32
      %scan3A_106 = arith.constant 4 : i32
      %scan3A_107 = arith.addi %scan3A_105, %scan3A_106 : i32
      %scan3A_108 = arith.constant 1 : i32
      scf.for %scan3A_184 = %scan3A_105 to %scan3A_107 step %scan3A_108  : i32 {
        %mul3A_185 = arith.constant 128 : i32
        %mul3A_186 = arith.muli %scan3A_184, %mul3A_185 : i32
        %mul3A_187 = arith.constant 4 : i32
        %mul3A_188 = arith.muli %add3A_84, %mul3A_187 : i32
        %add3A_189 = arith.addi %mul3A_188, %scan3A_184 : i32
        %run_scoped3A_190 = arith.constant 1 : i32
        "tpu.region"() ({
          %run_scoped3A_191 = tpu.sem_alloc : memref<!tpu.dma_semaphore, #tpu.memory_space<semaphore_mem>>
          %dma_start3A_192 = arith.constant 0 : i32
          %dma_start3A_193 = tpu.memref_slice %arg8[%run_scoped3A_190, %mul3A_186, %dma_start3A_192] : memref<2x512x64xf32, #tpu.memory_space<vmem>> -> memref<1x128x64xf32, #tpu.memory_space<vmem>>
          %dma_start3A_194 = tpu.memref_squeeze %dma_start3A_193 : memref<1x128x64xf32, #tpu.memory_space<vmem>> -> memref<128x64xf32, #tpu.memory_space<vmem>>
          %dma_start3A_195 = arith.constant 0 : i32
          %dma_start3A_196 = tpu.memref_slice %arg7[%add3A_189, %dma_start3A_195] : memref<80x128xi32, #tpu.memory_space<vmem>> -> memref<1x128xi32, #tpu.memory_space<vmem>>
          %dma_start3A_197 = tpu.memref_squeeze %dma_start3A_196 : memref<1x128xi32, #tpu.memory_space<vmem>> -> memref<128xi32, #tpu.memory_space<vmem>>
          %dma_start3A_198 = arith.constant 0 : i32
          %dma_start3A_199 = arith.constant 0 : i32
          %dma_start3A_200 = tpu.memref_slice %arg9[%dma_start3A_198, %dma_start3A_199] : memref<10112x64xf32, #tpu.memory_space<vmem_shared>> -> memref<10112x64xf32, #tpu.memory_space<vmem_shared>>
          tpu.enqueue_indirect_dma source(%dma_start3A_194 : memref<128x64xf32, #tpu.memory_space<vmem>>) target(%dma_start3A_200 : memref<10112x64xf32, #tpu.memory_space<vmem_shared>>) offsets(%dma_start3A_197 : memref<128xi32, #tpu.memory_space<vmem>>) semaphore(%run_scoped3A_191 : memref<!tpu.dma_semaphore, #tpu.memory_space<semaphore_mem>>) {add = true}
          %dma_wait3A_201 = arith.constant 0 : i32
          %dma_wait3A_202 = tpu.memref_slice %arg8[%run_scoped3A_190, %mul3A_186, %dma_wait3A_201] : memref<2x512x64xf32, #tpu.memory_space<vmem>> -> memref<1x128x64xf32, #tpu.memory_space<vmem>>
          %dma_wait3A_203 = tpu.memref_squeeze %dma_wait3A_202 : memref<1x128x64xf32, #tpu.memory_space<vmem>> -> memref<128x64xf32, #tpu.memory_space<vmem>>
          %dma_wait3A_204 = arith.constant 0 : i32
          %dma_wait3A_205 = tpu.memref_slice %arg7[%add3A_189, %dma_wait3A_204] : memref<80x128xi32, #tpu.memory_space<vmem>> -> memref<1x128xi32, #tpu.memory_space<vmem>>
          %dma_wait3A_206 = tpu.memref_squeeze %dma_wait3A_205 : memref<1x128xi32, #tpu.memory_space<vmem>> -> memref<128xi32, #tpu.memory_space<vmem>>
          %dma_wait3A_207 = arith.constant 0 : i32
          %dma_wait3A_208 = arith.constant 0 : i32
          %dma_wait3A_209 = tpu.memref_slice %arg9[%dma_wait3A_207, %dma_wait3A_208] : memref<10112x64xf32, #tpu.memory_space<vmem_shared>> -> memref<10112x64xf32, #tpu.memory_space<vmem_shared>>
          tpu.wait_indirect_dma semaphore(%run_scoped3A_191 : memref<!tpu.dma_semaphore, #tpu.memory_space<semaphore_mem>>) src(%dma_wait3A_203 : memref<128x64xf32, #tpu.memory_space<vmem>>) dst(%dma_wait3A_209 : memref<10112x64xf32, #tpu.memory_space<vmem_shared>>)
          tpu.yield
        }) : () -> ()
      }
      %scan3A_109 = arith.constant 4 : i32
      %mul3A_110 = arith.constant 2 : i32
      %mul3A_111 = arith.muli %mul3A_110, %scan3A_39 : i32
      %add3A_112 = arith.constant 1 : i32
      %add3A_113 = arith.addi %mul3A_111, %add3A_112 : i32
      %add3A_114 = arith.constant 1 : i32
      %add3A_115 = arith.addi %add3A_113, %add3A_114 : i32
      %lt3A_116 = arith.constant 10 : i32
      %lt3A_117 = arith.cmpi slt, %add3A_115, %lt3A_116 : i32
      %convert_element_type3A_118 = arith.extui %lt3A_117 : i1 to i32
      %cond3A_119 = arith.constant 0 : i32
      %cond3A_120 = arith.cmpi ne, %convert_element_type3A_118, %cond3A_119 : i32
      scf.if %cond3A_120 {
        %add3A_184 = arith.constant 1 : i32
        %add3A_185 = arith.addi %add3A_113, %add3A_184 : i32
        %mul3A_186 = arith.constant 10240 : i32
        %mul3A_187 = arith.muli %add3A, %mul3A_186 : i32
        %mul3A_188 = arith.constant 2 : i32
        %mul3A_189 = arith.muli %add3A_185, %mul3A_188 : i32
        %mul3A_190 = arith.constant 512 : i32
        %mul3A_191 = arith.muli %mul3A_189, %mul3A_190 : i32
        %add3A_192 = arith.addi %mul3A_187, %mul3A_191 : i32
        %run_scoped3A_193 = arith.constant 0 : i32
        "tpu.region"() ({
          %run_scoped3A_194 = tpu.sem_alloc : memref<!tpu.dma_semaphore, #tpu.memory_space<semaphore_mem>>
          %dma_start3A_195 = arith.constant 0 : i32
          %dma_start3A_196 = tpu.memref_slice %arg6[%run_scoped3A_193, %dma_start3A_195] : memref<2x1024xi32, #tpu.memory_space<vmem>> -> memref<1x1024xi32, #tpu.memory_space<vmem>>
          %dma_start3A_197 = tpu.memref_squeeze %dma_start3A_196 : memref<1x1024xi32, #tpu.memory_space<vmem>> -> memref<1024xi32, #tpu.memory_space<vmem>>
          %dma_start3A_198 = tpu.memref_slice %arg3[%add3A_192] : memref<327680xi32, #tpu.memory_space<hbm>> -> memref<1024xi32, #tpu.memory_space<hbm>>
          %dma_start3A_199 = arith.constant 0 : i32
          %dma_start3A_200 = tpu.memref_slice %arg6[%run_scoped3A_193, %dma_start3A_199] : memref<2x1024xi32, #tpu.memory_space<vmem>> -> memref<1x1024xi32, #tpu.memory_space<vmem>>
          %dma_start3A_201 = tpu.memref_squeeze %dma_start3A_200 : memref<1x1024xi32, #tpu.memory_space<vmem>> -> memref<1024xi32, #tpu.memory_space<vmem>>
          %dma_start3A_202 = tpu.memref_slice %arg3[%add3A_192] : memref<327680xi32, #tpu.memory_space<hbm>> -> memref<1024xi32, #tpu.memory_space<hbm>>
          tpu.enqueue_dma source(%dma_start3A_202 : memref<1024xi32, #tpu.memory_space<hbm>>) target(%dma_start3A_201 : memref<1024xi32, #tpu.memory_space<vmem>>) target_semaphore(%run_scoped3A_194 : memref<!tpu.dma_semaphore, #tpu.memory_space<semaphore_mem>>)
          %dma_wait3A_203 = arith.constant 0 : i32
          %dma_wait3A_204 = tpu.memref_slice %arg6[%run_scoped3A_193, %dma_wait3A_203] : memref<2x1024xi32, #tpu.memory_space<vmem>> -> memref<1x1024xi32, #tpu.memory_space<vmem>>
          %dma_wait3A_205 = tpu.memref_squeeze %dma_wait3A_204 : memref<1x1024xi32, #tpu.memory_space<vmem>> -> memref<1024xi32, #tpu.memory_space<vmem>>
          %dma_wait3A_206 = tpu.memref_slice %arg3[%add3A_192] : memref<327680xi32, #tpu.memory_space<hbm>> -> memref<1024xi32, #tpu.memory_space<hbm>>
          %dma_wait3A_207 = arith.constant 0 : i32
          %dma_wait3A_208 = tpu.memref_slice %arg6[%run_scoped3A_193, %dma_wait3A_207] : memref<2x1024xi32, #tpu.memory_space<vmem>> -> memref<1x1024xi32, #tpu.memory_space<vmem>>
          %dma_wait3A_209 = tpu.memref_squeeze %dma_wait3A_208 : memref<1x1024xi32, #tpu.memory_space<vmem>> -> memref<1024xi32, #tpu.memory_space<vmem>>
          %dma_wait3A_210 = tpu.memref_slice %arg3[%add3A_192] : memref<327680xi32, #tpu.memory_space<hbm>> -> memref<1024xi32, #tpu.memory_space<hbm>>
          tpu.wait_dma2 semaphore(%run_scoped3A_194 : memref<!tpu.dma_semaphore, #tpu.memory_space<semaphore_mem>>) src(%dma_wait3A_210 : memref<1024xi32, #tpu.memory_space<hbm>>) dst(%dma_wait3A_209 : memref<1024xi32, #tpu.memory_space<vmem>>)
          tpu.yield
        }) : () -> ()
      } else {
      }
      %mul3A_121 = arith.constant 2 : i32
      %mul3A_122 = arith.muli %add3A_113, %mul3A_121 : i32
      %add3A_123 = arith.constant 0 : i32
      %add3A_124 = arith.addi %mul3A_122, %add3A_123 : i32
      %dma_start3A_125 = arith.constant 1 : i32
      %dma_start3A_126 = arith.constant 1 : i32
      %dma_start3A_127 = arith.constant 0 : i32
      %dma_start3A_128 = arith.constant 0 : i32
      %dma_start3A_129 = tpu.memref_slice %arg8[%dma_start3A_126, %dma_start3A_127, %dma_start3A_128] : memref<2x512x64xf32, #tpu.memory_space<vmem>> -> memref<1x512x64xf32, #tpu.memory_space<vmem>>
      %dma_start3A_130 = tpu.memref_squeeze %dma_start3A_129 : memref<1x512x64xf32, #tpu.memory_space<vmem>> -> memref<512x64xf32, #tpu.memory_space<vmem>>
      %dma_start3A_131 = arith.constant 512 : i32
      %dma_start3A_132 = tpu.memref_slice %arg6[%dma_start3A_125, %dma_start3A_131] : memref<2x1024xi32, #tpu.memory_space<vmem>> -> memref<1x512xi32, #tpu.memory_space<vmem>>
      %dma_start3A_133 = tpu.memref_squeeze %dma_start3A_132 : memref<1x512xi32, #tpu.memory_space<vmem>> -> memref<512xi32, #tpu.memory_space<vmem>>
      %dma_start3A_134 = arith.constant 0 : i32
      %dma_start3A_135 = arith.constant 0 : i32
      %dma_start3A_136 = tpu.memref_slice %arg2[%dma_start3A_134, %dma_start3A_135] : memref<10000x64xf32, #tpu.memory_space<hbm>> -> memref<10000x64xf32, #tpu.memory_space<hbm>>
      tpu.enqueue_indirect_dma source(%dma_start3A_136 : memref<10000x64xf32, #tpu.memory_space<hbm>>) target(%dma_start3A_130 : memref<512x64xf32, #tpu.memory_space<vmem>>) offsets(%dma_start3A_133 : memref<512xi32, #tpu.memory_space<vmem>>) semaphore(%arg11 : memref<!tpu.dma_semaphore, #tpu.memory_space<semaphore_mem>>)
      %dma_wait3A_137 = arith.constant 0 : i32
      %dma_wait3A_138 = arith.constant 0 : i32
      %dma_wait3A_139 = arith.constant 0 : i32
      %dma_wait3A_140 = arith.constant 0 : i32
      %dma_wait3A_141 = tpu.memref_slice %arg8[%dma_wait3A_138, %dma_wait3A_139, %dma_wait3A_140] : memref<2x512x64xf32, #tpu.memory_space<vmem>> -> memref<1x512x64xf32, #tpu.memory_space<vmem>>
      %dma_wait3A_142 = tpu.memref_squeeze %dma_wait3A_141 : memref<1x512x64xf32, #tpu.memory_space<vmem>> -> memref<512x64xf32, #tpu.memory_space<vmem>>
      %dma_wait3A_143 = arith.constant 0 : i32
      %dma_wait3A_144 = tpu.memref_slice %arg6[%dma_wait3A_137, %dma_wait3A_143] : memref<2x1024xi32, #tpu.memory_space<vmem>> -> memref<1x512xi32, #tpu.memory_space<vmem>>
      %dma_wait3A_145 = tpu.memref_squeeze %dma_wait3A_144 : memref<1x512xi32, #tpu.memory_space<vmem>> -> memref<512xi32, #tpu.memory_space<vmem>>
      %dma_wait3A_146 = arith.constant 0 : i32
      %dma_wait3A_147 = arith.constant 0 : i32
      %dma_wait3A_148 = tpu.memref_slice %arg2[%dma_wait3A_146, %dma_wait3A_147] : memref<10000x64xf32, #tpu.memory_space<hbm>> -> memref<10000x64xf32, #tpu.memory_space<hbm>>
      tpu.wait_indirect_dma semaphore(%arg10 : memref<!tpu.dma_semaphore, #tpu.memory_space<semaphore_mem>>) src(%dma_wait3A_148 : memref<10000x64xf32, #tpu.memory_space<hbm>>) dst(%dma_wait3A_142 : memref<512x64xf32, #tpu.memory_space<vmem>>)
      %scan3A_149 = arith.constant 0 : i32
      %scan3A_150 = arith.constant 0 : i32
      %scan3A_151 = arith.constant 4 : i32
      %scan3A_152 = arith.addi %scan3A_150, %scan3A_151 : i32
      %scan3A_153 = arith.constant 1 : i32
      scf.for %scan3A_184 = %scan3A_150 to %scan3A_152 step %scan3A_153  : i32 {
        %mul3A_185 = arith.constant 128 : i32
        %mul3A_186 = arith.muli %scan3A_184, %mul3A_185 : i32
        %mul3A_187 = arith.constant 4 : i32
        %mul3A_188 = arith.muli %add3A_124, %mul3A_187 : i32
        %add3A_189 = arith.addi %mul3A_188, %scan3A_184 : i32
        %run_scoped3A_190 = arith.constant 0 : i32
        "tpu.region"() ({
          %run_scoped3A_191 = tpu.sem_alloc : memref<!tpu.dma_semaphore, #tpu.memory_space<semaphore_mem>>
          %dma_start3A_192 = arith.constant 0 : i32
          %dma_start3A_193 = tpu.memref_slice %arg8[%run_scoped3A_190, %mul3A_186, %dma_start3A_192] : memref<2x512x64xf32, #tpu.memory_space<vmem>> -> memref<1x128x64xf32, #tpu.memory_space<vmem>>
          %dma_start3A_194 = tpu.memref_squeeze %dma_start3A_193 : memref<1x128x64xf32, #tpu.memory_space<vmem>> -> memref<128x64xf32, #tpu.memory_space<vmem>>
          %dma_start3A_195 = arith.constant 0 : i32
          %dma_start3A_196 = tpu.memref_slice %arg7[%add3A_189, %dma_start3A_195] : memref<80x128xi32, #tpu.memory_space<vmem>> -> memref<1x128xi32, #tpu.memory_space<vmem>>
          %dma_start3A_197 = tpu.memref_squeeze %dma_start3A_196 : memref<1x128xi32, #tpu.memory_space<vmem>> -> memref<128xi32, #tpu.memory_space<vmem>>
          %dma_start3A_198 = arith.constant 0 : i32
          %dma_start3A_199 = arith.constant 0 : i32
          %dma_start3A_200 = tpu.memref_slice %arg9[%dma_start3A_198, %dma_start3A_199] : memref<10112x64xf32, #tpu.memory_space<vmem_shared>> -> memref<10112x64xf32, #tpu.memory_space<vmem_shared>>
          tpu.enqueue_indirect_dma source(%dma_start3A_194 : memref<128x64xf32, #tpu.memory_space<vmem>>) target(%dma_start3A_200 : memref<10112x64xf32, #tpu.memory_space<vmem_shared>>) offsets(%dma_start3A_197 : memref<128xi32, #tpu.memory_space<vmem>>) semaphore(%run_scoped3A_191 : memref<!tpu.dma_semaphore, #tpu.memory_space<semaphore_mem>>) {add = true}
          %dma_wait3A_201 = arith.constant 0 : i32
          %dma_wait3A_202 = tpu.memref_slice %arg8[%run_scoped3A_190, %mul3A_186, %dma_wait3A_201] : memref<2x512x64xf32, #tpu.memory_space<vmem>> -> memref<1x128x64xf32, #tpu.memory_space<vmem>>
          %dma_wait3A_203 = tpu.memref_squeeze %dma_wait3A_202 : memref<1x128x64xf32, #tpu.memory_space<vmem>> -> memref<128x64xf32, #tpu.memory_space<vmem>>
          %dma_wait3A_204 = arith.constant 0 : i32
          %dma_wait3A_205 = tpu.memref_slice %arg7[%add3A_189, %dma_wait3A_204] : memref<80x128xi32, #tpu.memory_space<vmem>> -> memref<1x128xi32, #tpu.memory_space<vmem>>
          %dma_wait3A_206 = tpu.memref_squeeze %dma_wait3A_205 : memref<1x128xi32, #tpu.memory_space<vmem>> -> memref<128xi32, #tpu.memory_space<vmem>>
          %dma_wait3A_207 = arith.constant 0 : i32
          %dma_wait3A_208 = arith.constant 0 : i32
          %dma_wait3A_209 = tpu.memref_slice %arg9[%dma_wait3A_207, %dma_wait3A_208] : memref<10112x64xf32, #tpu.memory_space<vmem_shared>> -> memref<10112x64xf32, #tpu.memory_space<vmem_shared>>
          tpu.wait_indirect_dma semaphore(%run_scoped3A_191 : memref<!tpu.dma_semaphore, #tpu.memory_space<semaphore_mem>>) src(%dma_wait3A_203 : memref<128x64xf32, #tpu.memory_space<vmem>>) dst(%dma_wait3A_209 : memref<10112x64xf32, #tpu.memory_space<vmem_shared>>)
          tpu.yield
        }) : () -> ()
      }
      %scan3A_154 = arith.constant 4 : i32
      %mul3A_155 = arith.constant 2 : i32
      %mul3A_156 = arith.muli %add3A_113, %mul3A_155 : i32
      %add3A_157 = arith.constant 1 : i32
      %add3A_158 = arith.addi %mul3A_156, %add3A_157 : i32
      %add3A_159 = arith.constant 1 : i32
      %add3A_160 = arith.addi %add3A_158, %add3A_159 : i32
      %lt3A_161 = arith.constant 20 : i32
      %lt3A_162 = arith.cmpi slt, %add3A_160, %lt3A_161 : i32
      %convert_element_type3A_163 = arith.extui %lt3A_162 : i1 to i32
      %cond3A_164 = arith.constant 0 : i32
      %cond3A_165 = arith.cmpi ne, %convert_element_type3A_163, %cond3A_164 : i32
      scf.if %cond3A_165 {
        %dma_start3A_184 = arith.constant 0 : i32
        %dma_start3A_185 = arith.constant 0 : i32
        %dma_start3A_186 = arith.constant 0 : i32
        %dma_start3A_187 = arith.constant 0 : i32
        %dma_start3A_188 = tpu.memref_slice %arg8[%dma_start3A_185, %dma_start3A_186, %dma_start3A_187] : memref<2x512x64xf32, #tpu.memory_space<vmem>> -> memref<1x512x64xf32, #tpu.memory_space<vmem>>
        %dma_start3A_189 = tpu.memref_squeeze %dma_start3A_188 : memref<1x512x64xf32, #tpu.memory_space<vmem>> -> memref<512x64xf32, #tpu.memory_space<vmem>>
        %dma_start3A_190 = arith.constant 0 : i32
        %dma_start3A_191 = tpu.memref_slice %arg6[%dma_start3A_184, %dma_start3A_190] : memref<2x1024xi32, #tpu.memory_space<vmem>> -> memref<1x512xi32, #tpu.memory_space<vmem>>
        %dma_start3A_192 = tpu.memref_squeeze %dma_start3A_191 : memref<1x512xi32, #tpu.memory_space<vmem>> -> memref<512xi32, #tpu.memory_space<vmem>>
        %dma_start3A_193 = arith.constant 0 : i32
        %dma_start3A_194 = arith.constant 0 : i32
        %dma_start3A_195 = tpu.memref_slice %arg2[%dma_start3A_193, %dma_start3A_194] : memref<10000x64xf32, #tpu.memory_space<hbm>> -> memref<10000x64xf32, #tpu.memory_space<hbm>>
        tpu.enqueue_indirect_dma source(%dma_start3A_195 : memref<10000x64xf32, #tpu.memory_space<hbm>>) target(%dma_start3A_189 : memref<512x64xf32, #tpu.memory_space<vmem>>) offsets(%dma_start3A_192 : memref<512xi32, #tpu.memory_space<vmem>>) semaphore(%arg10 : memref<!tpu.dma_semaphore, #tpu.memory_space<semaphore_mem>>)
      } else {
      }
      %dma_wait3A_166 = arith.constant 0 : i32
      %dma_wait3A_167 = arith.constant 1 : i32
      %dma_wait3A_168 = arith.constant 0 : i32
      %dma_wait3A_169 = arith.constant 0 : i32
      %dma_wait3A_170 = tpu.memref_slice %arg8[%dma_wait3A_167, %dma_wait3A_168, %dma_wait3A_169] : memref<2x512x64xf32, #tpu.memory_space<vmem>> -> memref<1x512x64xf32, #tpu.memory_space<vmem>>
      %dma_wait3A_171 = tpu.memref_squeeze %dma_wait3A_170 : memref<1x512x64xf32, #tpu.memory_space<vmem>> -> memref<512x64xf32, #tpu.memory_space<vmem>>
      %dma_wait3A_172 = arith.constant 0 : i32
      %dma_wait3A_173 = tpu.memref_slice %arg6[%dma_wait3A_166, %dma_wait3A_172] : memref<2x1024xi32, #tpu.memory_space<vmem>> -> memref<1x512xi32, #tpu.memory_space<vmem>>
      %dma_wait3A_174 = tpu.memref_squeeze %dma_wait3A_173 : memref<1x512xi32, #tpu.memory_space<vmem>> -> memref<512xi32, #tpu.memory_space<vmem>>
      %dma_wait3A_175 = arith.constant 0 : i32
      %dma_wait3A_176 = arith.constant 0 : i32
      %dma_wait3A_177 = tpu.memref_slice %arg2[%dma_wait3A_175, %dma_wait3A_176] : memref<10000x64xf32, #tpu.memory_space<hbm>> -> memref<10000x64xf32, #tpu.memory_space<hbm>>
      tpu.wait_indirect_dma semaphore(%arg11 : memref<!tpu.dma_semaphore, #tpu.memory_space<semaphore_mem>>) src(%dma_wait3A_177 : memref<10000x64xf32, #tpu.memory_space<hbm>>) dst(%dma_wait3A_171 : memref<512x64xf32, #tpu.memory_space<vmem>>)
      %scan3A_178 = arith.constant 0 : i32
      %scan3A_179 = arith.constant 0 : i32
      %scan3A_180 = arith.constant 4 : i32
      %scan3A_181 = arith.addi %scan3A_179, %scan3A_180 : i32
      %scan3A_182 = arith.constant 1 : i32
      scf.for %scan3A_184 = %scan3A_179 to %scan3A_181 step %scan3A_182  : i32 {
        %mul3A_185 = arith.constant 128 : i32
        %mul3A_186 = arith.muli %scan3A_184, %mul3A_185 : i32
        %mul3A_187 = arith.constant 4 : i32
        %mul3A_188 = arith.muli %add3A_158, %mul3A_187 : i32
        %add3A_189 = arith.addi %mul3A_188, %scan3A_184 : i32
        %run_scoped3A_190 = arith.constant 1 : i32
        "tpu.region"() ({
          %run_scoped3A_191 = tpu.sem_alloc : memref<!tpu.dma_semaphore, #tpu.memory_space<semaphore_mem>>
          %dma_start3A_192 = arith.constant 0 : i32
          %dma_start3A_193 = tpu.memref_slice %arg8[%run_scoped3A_190, %mul3A_186, %dma_start3A_192] : memref<2x512x64xf32, #tpu.memory_space<vmem>> -> memref<1x128x64xf32, #tpu.memory_space<vmem>>
          %dma_start3A_194 = tpu.memref_squeeze %dma_start3A_193 : memref<1x128x64xf32, #tpu.memory_space<vmem>> -> memref<128x64xf32, #tpu.memory_space<vmem>>
          %dma_start3A_195 = arith.constant 0 : i32
          %dma_start3A_196 = tpu.memref_slice %arg7[%add3A_189, %dma_start3A_195] : memref<80x128xi32, #tpu.memory_space<vmem>> -> memref<1x128xi32, #tpu.memory_space<vmem>>
          %dma_start3A_197 = tpu.memref_squeeze %dma_start3A_196 : memref<1x128xi32, #tpu.memory_space<vmem>> -> memref<128xi32, #tpu.memory_space<vmem>>
          %dma_start3A_198 = arith.constant 0 : i32
          %dma_start3A_199 = arith.constant 0 : i32
          %dma_start3A_200 = tpu.memref_slice %arg9[%dma_start3A_198, %dma_start3A_199] : memref<10112x64xf32, #tpu.memory_space<vmem_shared>> -> memref<10112x64xf32, #tpu.memory_space<vmem_shared>>
          tpu.enqueue_indirect_dma source(%dma_start3A_194 : memref<128x64xf32, #tpu.memory_space<vmem>>) target(%dma_start3A_200 : memref<10112x64xf32, #tpu.memory_space<vmem_shared>>) offsets(%dma_start3A_197 : memref<128xi32, #tpu.memory_space<vmem>>) semaphore(%run_scoped3A_191 : memref<!tpu.dma_semaphore, #tpu.memory_space<semaphore_mem>>) {add = true}
          %dma_wait3A_201 = arith.constant 0 : i32
          %dma_wait3A_202 = tpu.memref_slice %arg8[%run_scoped3A_190, %mul3A_186, %dma_wait3A_201] : memref<2x512x64xf32, #tpu.memory_space<vmem>> -> memref<1x128x64xf32, #tpu.memory_space<vmem>>
          %dma_wait3A_203 = tpu.memref_squeeze %dma_wait3A_202 : memref<1x128x64xf32, #tpu.memory_space<vmem>> -> memref<128x64xf32, #tpu.memory_space<vmem>>
          %dma_wait3A_204 = arith.constant 0 : i32
          %dma_wait3A_205 = tpu.memref_slice %arg7[%add3A_189, %dma_wait3A_204] : memref<80x128xi32, #tpu.memory_space<vmem>> -> memref<1x128xi32, #tpu.memory_space<vmem>>
          %dma_wait3A_206 = tpu.memref_squeeze %dma_wait3A_205 : memref<1x128xi32, #tpu.memory_space<vmem>> -> memref<128xi32, #tpu.memory_space<vmem>>
          %dma_wait3A_207 = arith.constant 0 : i32
          %dma_wait3A_208 = arith.constant 0 : i32
          %dma_wait3A_209 = tpu.memref_slice %arg9[%dma_wait3A_207, %dma_wait3A_208] : memref<10112x64xf32, #tpu.memory_space<vmem_shared>> -> memref<10112x64xf32, #tpu.memory_space<vmem_shared>>
          tpu.wait_indirect_dma semaphore(%run_scoped3A_191 : memref<!tpu.dma_semaphore, #tpu.memory_space<semaphore_mem>>) src(%dma_wait3A_203 : memref<128x64xf32, #tpu.memory_space<vmem>>) dst(%dma_wait3A_209 : memref<10112x64xf32, #tpu.memory_space<vmem_shared>>)
          tpu.yield
        }) : () -> ()
      }
      %scan3A_183 = arith.constant 4 : i32
    }
    %scan3A_37 = arith.constant 5 : i32
    %barrier3A_38 = arith.constant 0 : index
    tpu.barrier barrier_id(%barrier3A_38)
    "tpu.region"() ({
      %run_scoped3A_39 = tpu.sem_alloc : memref<!tpu.dma_semaphore, #tpu.memory_space<semaphore_mem>>
      %dma_start3A_40 = arith.constant 0 : i32
      %dma_start3A_41 = tpu.memref_slice %arg5[%arg0, %mul3A_2, %dma_start3A_40] : memref<2x10112x64xf32, #tpu.memory_space<hbm>> -> memref<1x632x64xf32, #tpu.memory_space<hbm>>
      %dma_start3A_42 = tpu.memref_squeeze %dma_start3A_41 : memref<1x632x64xf32, #tpu.memory_space<hbm>> -> memref<632x64xf32, #tpu.memory_space<hbm>>
      %dma_start3A_43 = arith.constant 0 : i32
      %dma_start3A_44 = tpu.memref_slice %arg9[%mul3A_2, %dma_start3A_43] : memref<10112x64xf32, #tpu.memory_space<vmem_shared>> -> memref<632x64xf32, #tpu.memory_space<vmem_shared>>
      tpu.enqueue_dma source(%dma_start3A_44 : memref<632x64xf32, #tpu.memory_space<vmem_shared>>) target(%dma_start3A_42 : memref<632x64xf32, #tpu.memory_space<hbm>>) target_semaphore(%run_scoped3A_39 : memref<!tpu.dma_semaphore, #tpu.memory_space<semaphore_mem>>)
      %dma_wait3A = arith.constant 0 : i32
      %dma_wait3A_45 = tpu.memref_slice %arg5[%arg0, %mul3A_2, %dma_wait3A] : memref<2x10112x64xf32, #tpu.memory_space<hbm>> -> memref<1x632x64xf32, #tpu.memory_space<hbm>>
      %dma_wait3A_46 = tpu.memref_squeeze %dma_wait3A_45 : memref<1x632x64xf32, #tpu.memory_space<hbm>> -> memref<632x64xf32, #tpu.memory_space<hbm>>
      %dma_wait3A_47 = arith.constant 0 : i32
      %dma_wait3A_48 = tpu.memref_slice %arg9[%mul3A_2, %dma_wait3A_47] : memref<10112x64xf32, #tpu.memory_space<vmem_shared>> -> memref<632x64xf32, #tpu.memory_space<vmem_shared>>
      tpu.wait_dma2 semaphore(%run_scoped3A_39 : memref<!tpu.dma_semaphore, #tpu.memory_space<semaphore_mem>>) src(%dma_wait3A_48 : memref<632x64xf32, #tpu.memory_space<vmem_shared>>) dst(%dma_wait3A_46 : memref<632x64xf32, #tpu.memory_space<hbm>>)
      tpu.yield
    }) : () -> ()
    return
  }
}

#map = affine_map<(d0, d1) -> (0, 0)>
#map1 = affine_map<(d0, d1) -> (0)>
#map2 = affine_map<(d0, d1) -> (0, 0, 0)>
module attributes {stable_mosaic.version = 14 : i64} {
  func.func @body(%arg0: i32, %arg1: i32, %arg2: memref<10000x128xf32, #tpu.memory_space<hbm>>, %arg3: memref<327680xi32, #tpu.memory_space<hbm>>, %arg4: memref<2560x128xi32, #tpu.memory_space<hbm>>, %arg5: memref<2x10112x128xf32, #tpu.memory_space<hbm>>, %arg6: memref<2x1024xi32, #tpu.memory_space<vmem>>, %arg7: memref<80x128xi32, #tpu.memory_space<vmem>>, %arg8: memref<2x128x128xf32, #tpu.memory_space<vmem>>, %arg9: memref<10112x128xf32, #tpu.memory_space<vmem_shared>>, %arg10: memref<!tpu.dma_semaphore, #tpu.memory_space<semaphore_mem>>, %arg11: memref<!tpu.dma_semaphore, #tpu.memory_space<semaphore_mem>>) attributes {dimension_semantics = [#tpu.dimension_semantics<core_parallel>, #tpu.dimension_semantics<subcore_parallel>], iteration_bounds = array<i64: 2, 16>, scalar_prefetch = 0 : i64, scratch_operands = 6 : i64, tpu.core_type = #tpu.core_type<sc_vector_subcore>, window_params = [{transform_indices = #map}, {transform_indices = #map1}, {transform_indices = #map}, {transform_indices = #map2}]} {
    %mul3A = arith.constant 16 : i32
    %mul3A_0 = arith.muli %arg0, %mul3A : i32
    %add3A = arith.addi %mul3A_0, %arg1 : i32
    %mul3A_1 = arith.constant 632 : i32
    %mul3A_2 = arith.muli %arg1, %mul3A_1 : i32
    %mul3A_3 = arith.constant 80 : i32
    %mul3A_4 = arith.muli %add3A, %mul3A_3 : i32
    "tpu.region"() ({
      %run_scoped3A_48 = tpu.sem_alloc : memref<!tpu.dma_semaphore, #tpu.memory_space<semaphore_mem>>
      %dma_start3A_49 = arith.constant 0 : i32
      %dma_start3A_50 = tpu.memref_slice %arg4[%mul3A_4, %dma_start3A_49] : memref<2560x128xi32, #tpu.memory_space<hbm>> -> memref<80x128xi32, #tpu.memory_space<hbm>>
      %dma_start3A_51 = arith.constant 0 : i32
      %dma_start3A_52 = tpu.memref_slice %arg4[%mul3A_4, %dma_start3A_51] : memref<2560x128xi32, #tpu.memory_space<hbm>> -> memref<80x128xi32, #tpu.memory_space<hbm>>
      tpu.enqueue_dma source(%dma_start3A_52 : memref<80x128xi32, #tpu.memory_space<hbm>>) target(%arg7 : memref<80x128xi32, #tpu.memory_space<vmem>>) target_semaphore(%run_scoped3A_48 : memref<!tpu.dma_semaphore, #tpu.memory_space<semaphore_mem>>)
      %dma_wait3A = arith.constant 0 : i32
      %dma_wait3A_53 = tpu.memref_slice %arg4[%mul3A_4, %dma_wait3A] : memref<2560x128xi32, #tpu.memory_space<hbm>> -> memref<80x128xi32, #tpu.memory_space<hbm>>
      %dma_wait3A_54 = arith.constant 0 : i32
      %dma_wait3A_55 = tpu.memref_slice %arg4[%mul3A_4, %dma_wait3A_54] : memref<2560x128xi32, #tpu.memory_space<hbm>> -> memref<80x128xi32, #tpu.memory_space<hbm>>
      tpu.wait_dma2 semaphore(%run_scoped3A_48 : memref<!tpu.dma_semaphore, #tpu.memory_space<semaphore_mem>>) src(%dma_wait3A_55 : memref<80x128xi32, #tpu.memory_space<hbm>>) dst(%arg7 : memref<80x128xi32, #tpu.memory_space<vmem>>)
      tpu.yield
    }) : () -> ()
    %broadcast_in_dim3A = arith.constant 0.000000e+00 : f32
    %broadcast_in_dim3A_5 = vector.broadcast %broadcast_in_dim3A : f32 to vector<16xf32>
    %scan3A = arith.constant 0 : i32
    %scan3A_6 = arith.constant 0 : i32
    %scan3A_7 = arith.constant 128 : i32
    %scan3A_8 = arith.addi %scan3A_6, %scan3A_7 : i32
    %scan3A_9 = arith.constant 1 : i32
    scf.for %scan3A_48 = %scan3A_6 to %scan3A_8 step %scan3A_9  : i32 {
      %swap3A = arith.constant 0 : i32
      %swap3A_49 = arith.index_cast %swap3A : i32 to index
      %swap3A_50 = arith.index_cast %scan3A_48 : i32 to index
      %swap3A_51 = arith.constant 0 : index
      %swap3A_52 = tpu.vector_load %arg8[%swap3A_49, %swap3A_50, %swap3A_51] {strides = array<i32>} : memref<2x128x128xf32, #tpu.memory_space<vmem>>, vector<1x1x16xf32>,
      %swap3A_53 = vector.shape_cast %swap3A_52 : vector<1x1x16xf32> to vector<16xf32>
      %swap3A_54 = vector.shape_cast %broadcast_in_dim3A_5 : vector<16xf32> to vector<1x1x16xf32>
      tpu.vector_store %arg8[%swap3A_49, %swap3A_50, %swap3A_51], %swap3A_54 {strides = array<i32>} : memref<2x128x128xf32, #tpu.memory_space<vmem>>, vector<1x1x16xf32>,
      %swap3A_55 = arith.constant 0 : i32
      %swap3A_56 = arith.index_cast %swap3A_55 : i32 to index
      %swap3A_57 = arith.index_cast %scan3A_48 : i32 to index
      %swap3A_58 = arith.constant 16 : index
      %swap3A_59 = tpu.vector_load %arg8[%swap3A_56, %swap3A_57, %swap3A_58] {strides = array<i32>} : memref<2x128x128xf32, #tpu.memory_space<vmem>>, vector<1x1x16xf32>,
      %swap3A_60 = vector.shape_cast %swap3A_59 : vector<1x1x16xf32> to vector<16xf32>
      %swap3A_61 = vector.shape_cast %broadcast_in_dim3A_5 : vector<16xf32> to vector<1x1x16xf32>
      tpu.vector_store %arg8[%swap3A_56, %swap3A_57, %swap3A_58], %swap3A_61 {strides = array<i32>} : memref<2x128x128xf32, #tpu.memory_space<vmem>>, vector<1x1x16xf32>,
      %swap3A_62 = arith.constant 0 : i32
      %swap3A_63 = arith.index_cast %swap3A_62 : i32 to index
      %swap3A_64 = arith.index_cast %scan3A_48 : i32 to index
      %swap3A_65 = arith.constant 32 : index
      %swap3A_66 = tpu.vector_load %arg8[%swap3A_63, %swap3A_64, %swap3A_65] {strides = array<i32>} : memref<2x128x128xf32, #tpu.memory_space<vmem>>, vector<1x1x16xf32>,
      %swap3A_67 = vector.shape_cast %swap3A_66 : vector<1x1x16xf32> to vector<16xf32>
      %swap3A_68 = vector.shape_cast %broadcast_in_dim3A_5 : vector<16xf32> to vector<1x1x16xf32>
      tpu.vector_store %arg8[%swap3A_63, %swap3A_64, %swap3A_65], %swap3A_68 {strides = array<i32>} : memref<2x128x128xf32, #tpu.memory_space<vmem>>, vector<1x1x16xf32>,
      %swap3A_69 = arith.constant 0 : i32
      %swap3A_70 = arith.index_cast %swap3A_69 : i32 to index
      %swap3A_71 = arith.index_cast %scan3A_48 : i32 to index
      %swap3A_72 = arith.constant 48 : index
      %swap3A_73 = tpu.vector_load %arg8[%swap3A_70, %swap3A_71, %swap3A_72] {strides = array<i32>} : memref<2x128x128xf32, #tpu.memory_space<vmem>>, vector<1x1x16xf32>,
      %swap3A_74 = vector.shape_cast %swap3A_73 : vector<1x1x16xf32> to vector<16xf32>
      %swap3A_75 = vector.shape_cast %broadcast_in_dim3A_5 : vector<16xf32> to vector<1x1x16xf32>
      tpu.vector_store %arg8[%swap3A_70, %swap3A_71, %swap3A_72], %swap3A_75 {strides = array<i32>} : memref<2x128x128xf32, #tpu.memory_space<vmem>>, vector<1x1x16xf32>,
      %swap3A_76 = arith.constant 0 : i32
      %swap3A_77 = arith.index_cast %swap3A_76 : i32 to index
      %swap3A_78 = arith.index_cast %scan3A_48 : i32 to index
      %swap3A_79 = arith.constant 64 : index
      %swap3A_80 = tpu.vector_load %arg8[%swap3A_77, %swap3A_78, %swap3A_79] {strides = array<i32>} : memref<2x128x128xf32, #tpu.memory_space<vmem>>, vector<1x1x16xf32>,
      %swap3A_81 = vector.shape_cast %swap3A_80 : vector<1x1x16xf32> to vector<16xf32>
      %swap3A_82 = vector.shape_cast %broadcast_in_dim3A_5 : vector<16xf32> to vector<1x1x16xf32>
      tpu.vector_store %arg8[%swap3A_77, %swap3A_78, %swap3A_79], %swap3A_82 {strides = array<i32>} : memref<2x128x128xf32, #tpu.memory_space<vmem>>, vector<1x1x16xf32>,
      %swap3A_83 = arith.constant 0 : i32
      %swap3A_84 = arith.index_cast %swap3A_83 : i32 to index
      %swap3A_85 = arith.index_cast %scan3A_48 : i32 to index
      %swap3A_86 = arith.constant 80 : index
      %swap3A_87 = tpu.vector_load %arg8[%swap3A_84, %swap3A_85, %swap3A_86] {strides = array<i32>} : memref<2x128x128xf32, #tpu.memory_space<vmem>>, vector<1x1x16xf32>,
      %swap3A_88 = vector.shape_cast %swap3A_87 : vector<1x1x16xf32> to vector<16xf32>
      %swap3A_89 = vector.shape_cast %broadcast_in_dim3A_5 : vector<16xf32> to vector<1x1x16xf32>
      tpu.vector_store %arg8[%swap3A_84, %swap3A_85, %swap3A_86], %swap3A_89 {strides = array<i32>} : memref<2x128x128xf32, #tpu.memory_space<vmem>>, vector<1x1x16xf32>,
      %swap3A_90 = arith.constant 0 : i32
      %swap3A_91 = arith.index_cast %swap3A_90 : i32 to index
      %swap3A_92 = arith.index_cast %scan3A_48 : i32 to index
      %swap3A_93 = arith.constant 96 : index
      %swap3A_94 = tpu.vector_load %arg8[%swap3A_91, %swap3A_92, %swap3A_93] {strides = array<i32>} : memref<2x128x128xf32, #tpu.memory_space<vmem>>, vector<1x1x16xf32>,
      %swap3A_95 = vector.shape_cast %swap3A_94 : vector<1x1x16xf32> to vector<16xf32>
      %swap3A_96 = vector.shape_cast %broadcast_in_dim3A_5 : vector<16xf32> to vector<1x1x16xf32>
      tpu.vector_store %arg8[%swap3A_91, %swap3A_92, %swap3A_93], %swap3A_96 {strides = array<i32>} : memref<2x128x128xf32, #tpu.memory_space<vmem>>, vector<1x1x16xf32>,
      %swap3A_97 = arith.constant 0 : i32
      %swap3A_98 = arith.index_cast %swap3A_97 : i32 to index
      %swap3A_99 = arith.index_cast %scan3A_48 : i32 to index
      %swap3A_100 = arith.constant 112 : index
      %swap3A_101 = tpu.vector_load %arg8[%swap3A_98, %swap3A_99, %swap3A_100] {strides = array<i32>} : memref<2x128x128xf32, #tpu.memory_space<vmem>>, vector<1x1x16xf32>,
      %swap3A_102 = vector.shape_cast %swap3A_101 : vector<1x1x16xf32> to vector<16xf32>
      %swap3A_103 = vector.shape_cast %broadcast_in_dim3A_5 : vector<16xf32> to vector<1x1x16xf32>
      tpu.vector_store %arg8[%swap3A_98, %swap3A_99, %swap3A_100], %swap3A_103 {strides = array<i32>} : memref<2x128x128xf32, #tpu.memory_space<vmem>>, vector<1x1x16xf32>,
    }
    %scan3A_10 = arith.constant 128 : i32
    %add3A_11 = arith.constant 0 : i32
    %add3A_12 = arith.addi %mul3A_2, %add3A_11 : i32
    %run_scoped3A = arith.constant 0 : i32
    "tpu.region"() ({
      %run_scoped3A_48 = tpu.sem_alloc : memref<!tpu.dma_semaphore, #tpu.memory_space<semaphore_mem>>
      %dma_start3A_49 = arith.constant 0 : i32
      %dma_start3A_50 = arith.constant 0 : i32
      %dma_start3A_51 = tpu.memref_slice %arg8[%run_scoped3A, %dma_start3A_49, %dma_start3A_50] : memref<2x128x128xf32, #tpu.memory_space<vmem>> -> memref<1x128x128xf32, #tpu.memory_space<vmem>>
      %dma_start3A_52 = tpu.memref_squeeze %dma_start3A_51 : memref<1x128x128xf32, #tpu.memory_space<vmem>> -> memref<128x128xf32, #tpu.memory_space<vmem>>
      %dma_start3A_53 = arith.constant 0 : i32
      %dma_start3A_54 = tpu.memref_slice %arg9[%add3A_12, %dma_start3A_53] : memref<10112x128xf32, #tpu.memory_space<vmem_shared>> -> memref<128x128xf32, #tpu.memory_space<vmem_shared>>
      %dma_start3A_55 = arith.constant 0 : i32
      %dma_start3A_56 = tpu.memref_slice %arg9[%add3A_12, %dma_start3A_55] : memref<10112x128xf32, #tpu.memory_space<vmem_shared>> -> memref<128x128xf32, #tpu.memory_space<vmem_shared>>
      %dma_start3A_57 = arith.constant 0 : i32
      %dma_start3A_58 = arith.constant 0 : i32
      %dma_start3A_59 = tpu.memref_slice %arg8[%run_scoped3A, %dma_start3A_57, %dma_start3A_58] : memref<2x128x128xf32, #tpu.memory_space<vmem>> -> memref<1x128x128xf32, #tpu.memory_space<vmem>>
      %dma_start3A_60 = tpu.memref_squeeze %dma_start3A_59 : memref<1x128x128xf32, #tpu.memory_space<vmem>> -> memref<128x128xf32, #tpu.memory_space<vmem>>
      tpu.enqueue_dma source(%dma_start3A_60 : memref<128x128xf32, #tpu.memory_space<vmem>>) target(%dma_start3A_56 : memref<128x128xf32, #tpu.memory_space<vmem_shared>>) target_semaphore(%run_scoped3A_48 : memref<!tpu.dma_semaphore, #tpu.memory_space<semaphore_mem>>)
      %dma_wait3A = arith.constant 0 : i32
      %dma_wait3A_61 = arith.constant 0 : i32
      %dma_wait3A_62 = tpu.memref_slice %arg8[%run_scoped3A, %dma_wait3A, %dma_wait3A_61] : memref<2x128x128xf32, #tpu.memory_space<vmem>> -> memref<1x128x128xf32, #tpu.memory_space<vmem>>
      %dma_wait3A_63 = tpu.memref_squeeze %dma_wait3A_62 : memref<1x128x128xf32, #tpu.memory_space<vmem>> -> memref<128x128xf32, #tpu.memory_space<vmem>>
      %dma_wait3A_64 = arith.constant 0 : i32
      %dma_wait3A_65 = tpu.memref_slice %arg9[%add3A_12, %dma_wait3A_64] : memref<10112x128xf32, #tpu.memory_space<vmem_shared>> -> memref<128x128xf32, #tpu.memory_space<vmem_shared>>
      %dma_wait3A_66 = arith.constant 0 : i32
      %dma_wait3A_67 = tpu.memref_slice %arg9[%add3A_12, %dma_wait3A_66] : memref<10112x128xf32, #tpu.memory_space<vmem_shared>> -> memref<128x128xf32, #tpu.memory_space<vmem_shared>>
      %dma_wait3A_68 = arith.constant 0 : i32
      %dma_wait3A_69 = arith.constant 0 : i32
      %dma_wait3A_70 = tpu.memref_slice %arg8[%run_scoped3A, %dma_wait3A_68, %dma_wait3A_69] : memref<2x128x128xf32, #tpu.memory_space<vmem>> -> memref<1x128x128xf32, #tpu.memory_space<vmem>>
      %dma_wait3A_71 = tpu.memref_squeeze %dma_wait3A_70 : memref<1x128x128xf32, #tpu.memory_space<vmem>> -> memref<128x128xf32, #tpu.memory_space<vmem>>
      tpu.wait_dma2 semaphore(%run_scoped3A_48 : memref<!tpu.dma_semaphore, #tpu.memory_space<semaphore_mem>>) src(%dma_wait3A_71 : memref<128x128xf32, #tpu.memory_space<vmem>>) dst(%dma_wait3A_67 : memref<128x128xf32, #tpu.memory_space<vmem_shared>>)
      tpu.yield
    }) : () -> ()
    %add3A_13 = arith.constant 128 : i32
    %add3A_14 = arith.addi %mul3A_2, %add3A_13 : i32
    %run_scoped3A_15 = arith.constant 0 : i32
    "tpu.region"() ({
      %run_scoped3A_48 = tpu.sem_alloc : memref<!tpu.dma_semaphore, #tpu.memory_space<semaphore_mem>>
      %dma_start3A_49 = arith.constant 0 : i32
      %dma_start3A_50 = arith.constant 0 : i32
      %dma_start3A_51 = tpu.memref_slice %arg8[%run_scoped3A_15, %dma_start3A_49, %dma_start3A_50] : memref<2x128x128xf32, #tpu.memory_space<vmem>> -> memref<1x128x128xf32, #tpu.memory_space<vmem>>
      %dma_start3A_52 = tpu.memref_squeeze %dma_start3A_51 : memref<1x128x128xf32, #tpu.memory_space<vmem>> -> memref<128x128xf32, #tpu.memory_space<vmem>>
      %dma_start3A_53 = arith.constant 0 : i32
      %dma_start3A_54 = tpu.memref_slice %arg9[%add3A_14, %dma_start3A_53] : memref<10112x128xf32, #tpu.memory_space<vmem_shared>> -> memref<128x128xf32, #tpu.memory_space<vmem_shared>>
      %dma_start3A_55 = arith.constant 0 : i32
      %dma_start3A_56 = tpu.memref_slice %arg9[%add3A_14, %dma_start3A_55] : memref<10112x128xf32, #tpu.memory_space<vmem_shared>> -> memref<128x128xf32, #tpu.memory_space<vmem_shared>>
      %dma_start3A_57 = arith.constant 0 : i32
      %dma_start3A_58 = arith.constant 0 : i32
      %dma_start3A_59 = tpu.memref_slice %arg8[%run_scoped3A_15, %dma_start3A_57, %dma_start3A_58] : memref<2x128x128xf32, #tpu.memory_space<vmem>> -> memref<1x128x128xf32, #tpu.memory_space<vmem>>
      %dma_start3A_60 = tpu.memref_squeeze %dma_start3A_59 : memref<1x128x128xf32, #tpu.memory_space<vmem>> -> memref<128x128xf32, #tpu.memory_space<vmem>>
      tpu.enqueue_dma source(%dma_start3A_60 : memref<128x128xf32, #tpu.memory_space<vmem>>) target(%dma_start3A_56 : memref<128x128xf32, #tpu.memory_space<vmem_shared>>) target_semaphore(%run_scoped3A_48 : memref<!tpu.dma_semaphore, #tpu.memory_space<semaphore_mem>>)
      %dma_wait3A = arith.constant 0 : i32
      %dma_wait3A_61 = arith.constant 0 : i32
      %dma_wait3A_62 = tpu.memref_slice %arg8[%run_scoped3A_15, %dma_wait3A, %dma_wait3A_61] : memref<2x128x128xf32, #tpu.memory_space<vmem>> -> memref<1x128x128xf32, #tpu.memory_space<vmem>>
      %dma_wait3A_63 = tpu.memref_squeeze %dma_wait3A_62 : memref<1x128x128xf32, #tpu.memory_space<vmem>> -> memref<128x128xf32, #tpu.memory_space<vmem>>
      %dma_wait3A_64 = arith.constant 0 : i32
      %dma_wait3A_65 = tpu.memref_slice %arg9[%add3A_14, %dma_wait3A_64] : memref<10112x128xf32, #tpu.memory_space<vmem_shared>> -> memref<128x128xf32, #tpu.memory_space<vmem_shared>>
      %dma_wait3A_66 = arith.constant 0 : i32
      %dma_wait3A_67 = tpu.memref_slice %arg9[%add3A_14, %dma_wait3A_66] : memref<10112x128xf32, #tpu.memory_space<vmem_shared>> -> memref<128x128xf32, #tpu.memory_space<vmem_shared>>
      %dma_wait3A_68 = arith.constant 0 : i32
      %dma_wait3A_69 = arith.constant 0 : i32
      %dma_wait3A_70 = tpu.memref_slice %arg8[%run_scoped3A_15, %dma_wait3A_68, %dma_wait3A_69] : memref<2x128x128xf32, #tpu.memory_space<vmem>> -> memref<1x128x128xf32, #tpu.memory_space<vmem>>
      %dma_wait3A_71 = tpu.memref_squeeze %dma_wait3A_70 : memref<1x128x128xf32, #tpu.memory_space<vmem>> -> memref<128x128xf32, #tpu.memory_space<vmem>>
      tpu.wait_dma2 semaphore(%run_scoped3A_48 : memref<!tpu.dma_semaphore, #tpu.memory_space<semaphore_mem>>) src(%dma_wait3A_71 : memref<128x128xf32, #tpu.memory_space<vmem>>) dst(%dma_wait3A_67 : memref<128x128xf32, #tpu.memory_space<vmem_shared>>)
      tpu.yield
    }) : () -> ()
    %add3A_16 = arith.constant 256 : i32
    %add3A_17 = arith.addi %mul3A_2, %add3A_16 : i32
    %run_scoped3A_18 = arith.constant 0 : i32
    "tpu.region"() ({
      %run_scoped3A_48 = tpu.sem_alloc : memref<!tpu.dma_semaphore, #tpu.memory_space<semaphore_mem>>
      %dma_start3A_49 = arith.constant 0 : i32
      %dma_start3A_50 = arith.constant 0 : i32
      %dma_start3A_51 = tpu.memref_slice %arg8[%run_scoped3A_18, %dma_start3A_49, %dma_start3A_50] : memref<2x128x128xf32, #tpu.memory_space<vmem>> -> memref<1x128x128xf32, #tpu.memory_space<vmem>>
      %dma_start3A_52 = tpu.memref_squeeze %dma_start3A_51 : memref<1x128x128xf32, #tpu.memory_space<vmem>> -> memref<128x128xf32, #tpu.memory_space<vmem>>
      %dma_start3A_53 = arith.constant 0 : i32
      %dma_start3A_54 = tpu.memref_slice %arg9[%add3A_17, %dma_start3A_53] : memref<10112x128xf32, #tpu.memory_space<vmem_shared>> -> memref<128x128xf32, #tpu.memory_space<vmem_shared>>
      %dma_start3A_55 = arith.constant 0 : i32
      %dma_start3A_56 = tpu.memref_slice %arg9[%add3A_17, %dma_start3A_55] : memref<10112x128xf32, #tpu.memory_space<vmem_shared>> -> memref<128x128xf32, #tpu.memory_space<vmem_shared>>
      %dma_start3A_57 = arith.constant 0 : i32
      %dma_start3A_58 = arith.constant 0 : i32
      %dma_start3A_59 = tpu.memref_slice %arg8[%run_scoped3A_18, %dma_start3A_57, %dma_start3A_58] : memref<2x128x128xf32, #tpu.memory_space<vmem>> -> memref<1x128x128xf32, #tpu.memory_space<vmem>>
      %dma_start3A_60 = tpu.memref_squeeze %dma_start3A_59 : memref<1x128x128xf32, #tpu.memory_space<vmem>> -> memref<128x128xf32, #tpu.memory_space<vmem>>
      tpu.enqueue_dma source(%dma_start3A_60 : memref<128x128xf32, #tpu.memory_space<vmem>>) target(%dma_start3A_56 : memref<128x128xf32, #tpu.memory_space<vmem_shared>>) target_semaphore(%run_scoped3A_48 : memref<!tpu.dma_semaphore, #tpu.memory_space<semaphore_mem>>)
      %dma_wait3A = arith.constant 0 : i32
      %dma_wait3A_61 = arith.constant 0 : i32
      %dma_wait3A_62 = tpu.memref_slice %arg8[%run_scoped3A_18, %dma_wait3A, %dma_wait3A_61] : memref<2x128x128xf32, #tpu.memory_space<vmem>> -> memref<1x128x128xf32, #tpu.memory_space<vmem>>
      %dma_wait3A_63 = tpu.memref_squeeze %dma_wait3A_62 : memref<1x128x128xf32, #tpu.memory_space<vmem>> -> memref<128x128xf32, #tpu.memory_space<vmem>>
      %dma_wait3A_64 = arith.constant 0 : i32
      %dma_wait3A_65 = tpu.memref_slice %arg9[%add3A_17, %dma_wait3A_64] : memref<10112x128xf32, #tpu.memory_space<vmem_shared>> -> memref<128x128xf32, #tpu.memory_space<vmem_shared>>
      %dma_wait3A_66 = arith.constant 0 : i32
      %dma_wait3A_67 = tpu.memref_slice %arg9[%add3A_17, %dma_wait3A_66] : memref<10112x128xf32, #tpu.memory_space<vmem_shared>> -> memref<128x128xf32, #tpu.memory_space<vmem_shared>>
      %dma_wait3A_68 = arith.constant 0 : i32
      %dma_wait3A_69 = arith.constant 0 : i32
      %dma_wait3A_70 = tpu.memref_slice %arg8[%run_scoped3A_18, %dma_wait3A_68, %dma_wait3A_69] : memref<2x128x128xf32, #tpu.memory_space<vmem>> -> memref<1x128x128xf32, #tpu.memory_space<vmem>>
      %dma_wait3A_71 = tpu.memref_squeeze %dma_wait3A_70 : memref<1x128x128xf32, #tpu.memory_space<vmem>> -> memref<128x128xf32, #tpu.memory_space<vmem>>
      tpu.wait_dma2 semaphore(%run_scoped3A_48 : memref<!tpu.dma_semaphore, #tpu.memory_space<semaphore_mem>>) src(%dma_wait3A_71 : memref<128x128xf32, #tpu.memory_space<vmem>>) dst(%dma_wait3A_67 : memref<128x128xf32, #tpu.memory_space<vmem_shared>>)
      tpu.yield
    }) : () -> ()
    %add3A_19 = arith.constant 384 : i32
    %add3A_20 = arith.addi %mul3A_2, %add3A_19 : i32
    %run_scoped3A_21 = arith.constant 0 : i32
    "tpu.region"() ({
      %run_scoped3A_48 = tpu.sem_alloc : memref<!tpu.dma_semaphore, #tpu.memory_space<semaphore_mem>>
      %dma_start3A_49 = arith.constant 0 : i32
      %dma_start3A_50 = arith.constant 0 : i32
      %dma_start3A_51 = tpu.memref_slice %arg8[%run_scoped3A_21, %dma_start3A_49, %dma_start3A_50] : memref<2x128x128xf32, #tpu.memory_space<vmem>> -> memref<1x128x128xf32, #tpu.memory_space<vmem>>
      %dma_start3A_52 = tpu.memref_squeeze %dma_start3A_51 : memref<1x128x128xf32, #tpu.memory_space<vmem>> -> memref<128x128xf32, #tpu.memory_space<vmem>>
      %dma_start3A_53 = arith.constant 0 : i32
      %dma_start3A_54 = tpu.memref_slice %arg9[%add3A_20, %dma_start3A_53] : memref<10112x128xf32, #tpu.memory_space<vmem_shared>> -> memref<128x128xf32, #tpu.memory_space<vmem_shared>>
      %dma_start3A_55 = arith.constant 0 : i32
      %dma_start3A_56 = tpu.memref_slice %arg9[%add3A_20, %dma_start3A_55] : memref<10112x128xf32, #tpu.memory_space<vmem_shared>> -> memref<128x128xf32, #tpu.memory_space<vmem_shared>>
      %dma_start3A_57 = arith.constant 0 : i32
      %dma_start3A_58 = arith.constant 0 : i32
      %dma_start3A_59 = tpu.memref_slice %arg8[%run_scoped3A_21, %dma_start3A_57, %dma_start3A_58] : memref<2x128x128xf32, #tpu.memory_space<vmem>> -> memref<1x128x128xf32, #tpu.memory_space<vmem>>
      %dma_start3A_60 = tpu.memref_squeeze %dma_start3A_59 : memref<1x128x128xf32, #tpu.memory_space<vmem>> -> memref<128x128xf32, #tpu.memory_space<vmem>>
      tpu.enqueue_dma source(%dma_start3A_60 : memref<128x128xf32, #tpu.memory_space<vmem>>) target(%dma_start3A_56 : memref<128x128xf32, #tpu.memory_space<vmem_shared>>) target_semaphore(%run_scoped3A_48 : memref<!tpu.dma_semaphore, #tpu.memory_space<semaphore_mem>>)
      %dma_wait3A = arith.constant 0 : i32
      %dma_wait3A_61 = arith.constant 0 : i32
      %dma_wait3A_62 = tpu.memref_slice %arg8[%run_scoped3A_21, %dma_wait3A, %dma_wait3A_61] : memref<2x128x128xf32, #tpu.memory_space<vmem>> -> memref<1x128x128xf32, #tpu.memory_space<vmem>>
      %dma_wait3A_63 = tpu.memref_squeeze %dma_wait3A_62 : memref<1x128x128xf32, #tpu.memory_space<vmem>> -> memref<128x128xf32, #tpu.memory_space<vmem>>
      %dma_wait3A_64 = arith.constant 0 : i32
      %dma_wait3A_65 = tpu.memref_slice %arg9[%add3A_20, %dma_wait3A_64] : memref<10112x128xf32, #tpu.memory_space<vmem_shared>> -> memref<128x128xf32, #tpu.memory_space<vmem_shared>>
      %dma_wait3A_66 = arith.constant 0 : i32
      %dma_wait3A_67 = tpu.memref_slice %arg9[%add3A_20, %dma_wait3A_66] : memref<10112x128xf32, #tpu.memory_space<vmem_shared>> -> memref<128x128xf32, #tpu.memory_space<vmem_shared>>
      %dma_wait3A_68 = arith.constant 0 : i32
      %dma_wait3A_69 = arith.constant 0 : i32
      %dma_wait3A_70 = tpu.memref_slice %arg8[%run_scoped3A_21, %dma_wait3A_68, %dma_wait3A_69] : memref<2x128x128xf32, #tpu.memory_space<vmem>> -> memref<1x128x128xf32, #tpu.memory_space<vmem>>
      %dma_wait3A_71 = tpu.memref_squeeze %dma_wait3A_70 : memref<1x128x128xf32, #tpu.memory_space<vmem>> -> memref<128x128xf32, #tpu.memory_space<vmem>>
      tpu.wait_dma2 semaphore(%run_scoped3A_48 : memref<!tpu.dma_semaphore, #tpu.memory_space<semaphore_mem>>) src(%dma_wait3A_71 : memref<128x128xf32, #tpu.memory_space<vmem>>) dst(%dma_wait3A_67 : memref<128x128xf32, #tpu.memory_space<vmem_shared>>)
      tpu.yield
    }) : () -> ()
    %add3A_22 = arith.constant 512 : i32
    %add3A_23 = arith.addi %mul3A_2, %add3A_22 : i32
    %run_scoped3A_24 = arith.constant 0 : i32
    "tpu.region"() ({
      %run_scoped3A_48 = tpu.sem_alloc : memref<!tpu.dma_semaphore, #tpu.memory_space<semaphore_mem>>
      %dma_start3A_49 = arith.constant 0 : i32
      %dma_start3A_50 = arith.constant 0 : i32
      %dma_start3A_51 = tpu.memref_slice %arg8[%run_scoped3A_24, %dma_start3A_49, %dma_start3A_50] : memref<2x128x128xf32, #tpu.memory_space<vmem>> -> memref<1x120x128xf32, #tpu.memory_space<vmem>>
      %dma_start3A_52 = tpu.memref_squeeze %dma_start3A_51 : memref<1x120x128xf32, #tpu.memory_space<vmem>> -> memref<120x128xf32, #tpu.memory_space<vmem>>
      %dma_start3A_53 = arith.constant 0 : i32
      %dma_start3A_54 = tpu.memref_slice %arg9[%add3A_23, %dma_start3A_53] : memref<10112x128xf32, #tpu.memory_space<vmem_shared>> -> memref<120x128xf32, #tpu.memory_space<vmem_shared>>
      %dma_start3A_55 = arith.constant 0 : i32
      %dma_start3A_56 = tpu.memref_slice %arg9[%add3A_23, %dma_start3A_55] : memref<10112x128xf32, #tpu.memory_space<vmem_shared>> -> memref<120x128xf32, #tpu.memory_space<vmem_shared>>
      %dma_start3A_57 = arith.constant 0 : i32
      %dma_start3A_58 = arith.constant 0 : i32
      %dma_start3A_59 = tpu.memref_slice %arg8[%run_scoped3A_24, %dma_start3A_57, %dma_start3A_58] : memref<2x128x128xf32, #tpu.memory_space<vmem>> -> memref<1x120x128xf32, #tpu.memory_space<vmem>>
      %dma_start3A_60 = tpu.memref_squeeze %dma_start3A_59 : memref<1x120x128xf32, #tpu.memory_space<vmem>> -> memref<120x128xf32, #tpu.memory_space<vmem>>
      tpu.enqueue_dma source(%dma_start3A_60 : memref<120x128xf32, #tpu.memory_space<vmem>>) target(%dma_start3A_56 : memref<120x128xf32, #tpu.memory_space<vmem_shared>>) target_semaphore(%run_scoped3A_48 : memref<!tpu.dma_semaphore, #tpu.memory_space<semaphore_mem>>)
      %dma_wait3A = arith.constant 0 : i32
      %dma_wait3A_61 = arith.constant 0 : i32
      %dma_wait3A_62 = tpu.memref_slice %arg8[%run_scoped3A_24, %dma_wait3A, %dma_wait3A_61] : memref<2x128x128xf32, #tpu.memory_space<vmem>> -> memref<1x120x128xf32, #tpu.memory_space<vmem>>
      %dma_wait3A_63 = tpu.memref_squeeze %dma_wait3A_62 : memref<1x120x128xf32, #tpu.memory_space<vmem>> -> memref<120x128xf32, #tpu.memory_space<vmem>>
      %dma_wait3A_64 = arith.constant 0 : i32
      %dma_wait3A_65 = tpu.memref_slice %arg9[%add3A_23, %dma_wait3A_64] : memref<10112x128xf32, #tpu.memory_space<vmem_shared>> -> memref<120x128xf32, #tpu.memory_space<vmem_shared>>
      %dma_wait3A_66 = arith.constant 0 : i32
      %dma_wait3A_67 = tpu.memref_slice %arg9[%add3A_23, %dma_wait3A_66] : memref<10112x128xf32, #tpu.memory_space<vmem_shared>> -> memref<120x128xf32, #tpu.memory_space<vmem_shared>>
      %dma_wait3A_68 = arith.constant 0 : i32
      %dma_wait3A_69 = arith.constant 0 : i32
      %dma_wait3A_70 = tpu.memref_slice %arg8[%run_scoped3A_24, %dma_wait3A_68, %dma_wait3A_69] : memref<2x128x128xf32, #tpu.memory_space<vmem>> -> memref<1x120x128xf32, #tpu.memory_space<vmem>>
      %dma_wait3A_71 = tpu.memref_squeeze %dma_wait3A_70 : memref<1x120x128xf32, #tpu.memory_space<vmem>> -> memref<120x128xf32, #tpu.memory_space<vmem>>
      tpu.wait_dma2 semaphore(%run_scoped3A_48 : memref<!tpu.dma_semaphore, #tpu.memory_space<semaphore_mem>>) src(%dma_wait3A_71 : memref<120x128xf32, #tpu.memory_space<vmem>>) dst(%dma_wait3A_67 : memref<120x128xf32, #tpu.memory_space<vmem_shared>>)
      tpu.yield
    }) : () -> ()
    %barrier3A = arith.constant 0 : index
    tpu.barrier barrier_id(%barrier3A)
    %mul3A_25 = arith.constant 10240 : i32
    %mul3A_26 = arith.muli %add3A, %mul3A_25 : i32
    %add3A_27 = arith.constant 0 : i32
    %add3A_28 = arith.addi %mul3A_26, %add3A_27 : i32
    %run_scoped3A_29 = arith.constant 0 : i32
    "tpu.region"() ({
      %run_scoped3A_48 = tpu.sem_alloc : memref<!tpu.dma_semaphore, #tpu.memory_space<semaphore_mem>>
      %dma_start3A_49 = arith.constant 0 : i32
      %dma_start3A_50 = tpu.memref_slice %arg6[%run_scoped3A_29, %dma_start3A_49] : memref<2x1024xi32, #tpu.memory_space<vmem>> -> memref<1x1024xi32, #tpu.memory_space<vmem>>
      %dma_start3A_51 = tpu.memref_squeeze %dma_start3A_50 : memref<1x1024xi32, #tpu.memory_space<vmem>> -> memref<1024xi32, #tpu.memory_space<vmem>>
      %dma_start3A_52 = tpu.memref_slice %arg3[%add3A_28] : memref<327680xi32, #tpu.memory_space<hbm>> -> memref<1024xi32, #tpu.memory_space<hbm>>
      %dma_start3A_53 = arith.constant 0 : i32
      %dma_start3A_54 = tpu.memref_slice %arg6[%run_scoped3A_29, %dma_start3A_53] : memref<2x1024xi32, #tpu.memory_space<vmem>> -> memref<1x1024xi32, #tpu.memory_space<vmem>>
      %dma_start3A_55 = tpu.memref_squeeze %dma_start3A_54 : memref<1x1024xi32, #tpu.memory_space<vmem>> -> memref<1024xi32, #tpu.memory_space<vmem>>
      %dma_start3A_56 = tpu.memref_slice %arg3[%add3A_28] : memref<327680xi32, #tpu.memory_space<hbm>> -> memref<1024xi32, #tpu.memory_space<hbm>>
      tpu.enqueue_dma source(%dma_start3A_56 : memref<1024xi32, #tpu.memory_space<hbm>>) target(%dma_start3A_55 : memref<1024xi32, #tpu.memory_space<vmem>>) target_semaphore(%run_scoped3A_48 : memref<!tpu.dma_semaphore, #tpu.memory_space<semaphore_mem>>)
      %dma_wait3A = arith.constant 0 : i32
      %dma_wait3A_57 = tpu.memref_slice %arg6[%run_scoped3A_29, %dma_wait3A] : memref<2x1024xi32, #tpu.memory_space<vmem>> -> memref<1x1024xi32, #tpu.memory_space<vmem>>
      %dma_wait3A_58 = tpu.memref_squeeze %dma_wait3A_57 : memref<1x1024xi32, #tpu.memory_space<vmem>> -> memref<1024xi32, #tpu.memory_space<vmem>>
      %dma_wait3A_59 = tpu.memref_slice %arg3[%add3A_28] : memref<327680xi32, #tpu.memory_space<hbm>> -> memref<1024xi32, #tpu.memory_space<hbm>>
      %dma_wait3A_60 = arith.constant 0 : i32
      %dma_wait3A_61 = tpu.memref_slice %arg6[%run_scoped3A_29, %dma_wait3A_60] : memref<2x1024xi32, #tpu.memory_space<vmem>> -> memref<1x1024xi32, #tpu.memory_space<vmem>>
      %dma_wait3A_62 = tpu.memref_squeeze %dma_wait3A_61 : memref<1x1024xi32, #tpu.memory_space<vmem>> -> memref<1024xi32, #tpu.memory_space<vmem>>
      %dma_wait3A_63 = tpu.memref_slice %arg3[%add3A_28] : memref<327680xi32, #tpu.memory_space<hbm>> -> memref<1024xi32, #tpu.memory_space<hbm>>
      tpu.wait_dma2 semaphore(%run_scoped3A_48 : memref<!tpu.dma_semaphore, #tpu.memory_space<semaphore_mem>>) src(%dma_wait3A_63 : memref<1024xi32, #tpu.memory_space<hbm>>) dst(%dma_wait3A_62 : memref<1024xi32, #tpu.memory_space<vmem>>)
      tpu.yield
    }) : () -> ()
    %dma_start3A = arith.constant 0 : i32
    %dma_start3A_30 = arith.constant 0 : i32
    %dma_start3A_31 = arith.constant 0 : i32
    %dma_start3A_32 = arith.constant 0 : i32
    %dma_start3A_33 = tpu.memref_slice %arg8[%dma_start3A_30, %dma_start3A_31, %dma_start3A_32] : memref<2x128x128xf32, #tpu.memory_space<vmem>> -> memref<1x128x128xf32, #tpu.memory_space<vmem>>
    %dma_start3A_34 = tpu.memref_squeeze %dma_start3A_33 : memref<1x128x128xf32, #tpu.memory_space<vmem>> -> memref<128x128xf32, #tpu.memory_space<vmem>>
    %dma_start3A_35 = arith.constant 0 : i32
    %dma_start3A_36 = tpu.memref_slice %arg6[%dma_start3A, %dma_start3A_35] : memref<2x1024xi32, #tpu.memory_space<vmem>> -> memref<1x128xi32, #tpu.memory_space<vmem>>
    %dma_start3A_37 = tpu.memref_squeeze %dma_start3A_36 : memref<1x128xi32, #tpu.memory_space<vmem>> -> memref<128xi32, #tpu.memory_space<vmem>>
    %dma_start3A_38 = arith.constant 0 : i32
    %dma_start3A_39 = arith.constant 0 : i32
    %dma_start3A_40 = tpu.memref_slice %arg2[%dma_start3A_38, %dma_start3A_39] : memref<10000x128xf32, #tpu.memory_space<hbm>> -> memref<10000x128xf32, #tpu.memory_space<hbm>>
    tpu.enqueue_indirect_dma source(%dma_start3A_40 : memref<10000x128xf32, #tpu.memory_space<hbm>>) target(%dma_start3A_34 : memref<128x128xf32, #tpu.memory_space<vmem>>) offsets(%dma_start3A_37 : memref<128xi32, #tpu.memory_space<vmem>>) semaphore(%arg10 : memref<!tpu.dma_semaphore, #tpu.memory_space<semaphore_mem>>)
    %scan3A_41 = arith.constant 0 : i32
    %scan3A_42 = arith.constant 0 : i32
    %scan3A_43 = arith.constant 5 : i32
    %scan3A_44 = arith.addi %scan3A_42, %scan3A_43 : i32
    %scan3A_45 = arith.constant 1 : i32
    scf.for %scan3A_48 = %scan3A_42 to %scan3A_44 step %scan3A_45  : i32 {
      %mul3A_49 = arith.constant 2 : i32
      %mul3A_50 = arith.muli %mul3A_49, %scan3A_48 : i32
      %add3A_51 = arith.constant 0 : i32
      %add3A_52 = arith.addi %mul3A_50, %add3A_51 : i32
      %add3A_53 = arith.constant 1 : i32
      %add3A_54 = arith.addi %add3A_52, %add3A_53 : i32
      %lt3A = arith.constant 10 : i32
      %lt3A_55 = arith.cmpi slt, %add3A_54, %lt3A : i32
      %convert_element_type3A = arith.extui %lt3A_55 : i1 to i32
      %cond3A = arith.constant 0 : i32
      %cond3A_56 = arith.cmpi ne, %convert_element_type3A, %cond3A : i32
      scf.if %cond3A_56 {
        %add3A_649 = arith.constant 1 : i32
        %add3A_650 = arith.addi %add3A_52, %add3A_649 : i32
        %mul3A_651 = arith.constant 10240 : i32
        %mul3A_652 = arith.muli %add3A, %mul3A_651 : i32
        %mul3A_653 = arith.constant 8 : i32
        %mul3A_654 = arith.muli %add3A_650, %mul3A_653 : i32
        %mul3A_655 = arith.constant 128 : i32
        %mul3A_656 = arith.muli %mul3A_654, %mul3A_655 : i32
        %add3A_657 = arith.addi %mul3A_652, %mul3A_656 : i32
        %run_scoped3A_658 = arith.constant 1 : i32
        "tpu.region"() ({
          %run_scoped3A_659 = tpu.sem_alloc : memref<!tpu.dma_semaphore, #tpu.memory_space<semaphore_mem>>
          %dma_start3A_660 = arith.constant 0 : i32
          %dma_start3A_661 = tpu.memref_slice %arg6[%run_scoped3A_658, %dma_start3A_660] : memref<2x1024xi32, #tpu.memory_space<vmem>> -> memref<1x1024xi32, #tpu.memory_space<vmem>>
          %dma_start3A_662 = tpu.memref_squeeze %dma_start3A_661 : memref<1x1024xi32, #tpu.memory_space<vmem>> -> memref<1024xi32, #tpu.memory_space<vmem>>
          %dma_start3A_663 = tpu.memref_slice %arg3[%add3A_657] : memref<327680xi32, #tpu.memory_space<hbm>> -> memref<1024xi32, #tpu.memory_space<hbm>>
          %dma_start3A_664 = arith.constant 0 : i32
          %dma_start3A_665 = tpu.memref_slice %arg6[%run_scoped3A_658, %dma_start3A_664] : memref<2x1024xi32, #tpu.memory_space<vmem>> -> memref<1x1024xi32, #tpu.memory_space<vmem>>
          %dma_start3A_666 = tpu.memref_squeeze %dma_start3A_665 : memref<1x1024xi32, #tpu.memory_space<vmem>> -> memref<1024xi32, #tpu.memory_space<vmem>>
          %dma_start3A_667 = tpu.memref_slice %arg3[%add3A_657] : memref<327680xi32, #tpu.memory_space<hbm>> -> memref<1024xi32, #tpu.memory_space<hbm>>
          tpu.enqueue_dma source(%dma_start3A_667 : memref<1024xi32, #tpu.memory_space<hbm>>) target(%dma_start3A_666 : memref<1024xi32, #tpu.memory_space<vmem>>) target_semaphore(%run_scoped3A_659 : memref<!tpu.dma_semaphore, #tpu.memory_space<semaphore_mem>>)
          %dma_wait3A_668 = arith.constant 0 : i32
          %dma_wait3A_669 = tpu.memref_slice %arg6[%run_scoped3A_658, %dma_wait3A_668] : memref<2x1024xi32, #tpu.memory_space<vmem>> -> memref<1x1024xi32, #tpu.memory_space<vmem>>
          %dma_wait3A_670 = tpu.memref_squeeze %dma_wait3A_669 : memref<1x1024xi32, #tpu.memory_space<vmem>> -> memref<1024xi32, #tpu.memory_space<vmem>>
          %dma_wait3A_671 = tpu.memref_slice %arg3[%add3A_657] : memref<327680xi32, #tpu.memory_space<hbm>> -> memref<1024xi32, #tpu.memory_space<hbm>>
          %dma_wait3A_672 = arith.constant 0 : i32
          %dma_wait3A_673 = tpu.memref_slice %arg6[%run_scoped3A_658, %dma_wait3A_672] : memref<2x1024xi32, #tpu.memory_space<vmem>> -> memref<1x1024xi32, #tpu.memory_space<vmem>>
          %dma_wait3A_674 = tpu.memref_squeeze %dma_wait3A_673 : memref<1x1024xi32, #tpu.memory_space<vmem>> -> memref<1024xi32, #tpu.memory_space<vmem>>
          %dma_wait3A_675 = tpu.memref_slice %arg3[%add3A_657] : memref<327680xi32, #tpu.memory_space<hbm>> -> memref<1024xi32, #tpu.memory_space<hbm>>
          tpu.wait_dma2 semaphore(%run_scoped3A_659 : memref<!tpu.dma_semaphore, #tpu.memory_space<semaphore_mem>>) src(%dma_wait3A_675 : memref<1024xi32, #tpu.memory_space<hbm>>) dst(%dma_wait3A_674 : memref<1024xi32, #tpu.memory_space<vmem>>)
          tpu.yield
        }) : () -> ()
      } else {
      }
      %mul3A_57 = arith.constant 8 : i32
      %mul3A_58 = arith.muli %add3A_52, %mul3A_57 : i32
      %add3A_59 = arith.constant 0 : i32
      %add3A_60 = arith.addi %mul3A_58, %add3A_59 : i32
      %dma_start3A_61 = arith.constant 0 : i32
      %dma_start3A_62 = arith.constant 1 : i32
      %dma_start3A_63 = arith.constant 0 : i32
      %dma_start3A_64 = arith.constant 0 : i32
      %dma_start3A_65 = tpu.memref_slice %arg8[%dma_start3A_62, %dma_start3A_63, %dma_start3A_64] : memref<2x128x128xf32, #tpu.memory_space<vmem>> -> memref<1x128x128xf32, #tpu.memory_space<vmem>>
      %dma_start3A_66 = tpu.memref_squeeze %dma_start3A_65 : memref<1x128x128xf32, #tpu.memory_space<vmem>> -> memref<128x128xf32, #tpu.memory_space<vmem>>
      %dma_start3A_67 = arith.constant 128 : i32
      %dma_start3A_68 = tpu.memref_slice %arg6[%dma_start3A_61, %dma_start3A_67] : memref<2x1024xi32, #tpu.memory_space<vmem>> -> memref<1x128xi32, #tpu.memory_space<vmem>>
      %dma_start3A_69 = tpu.memref_squeeze %dma_start3A_68 : memref<1x128xi32, #tpu.memory_space<vmem>> -> memref<128xi32, #tpu.memory_space<vmem>>
      %dma_start3A_70 = arith.constant 0 : i32
      %dma_start3A_71 = arith.constant 0 : i32
      %dma_start3A_72 = tpu.memref_slice %arg2[%dma_start3A_70, %dma_start3A_71] : memref<10000x128xf32, #tpu.memory_space<hbm>> -> memref<10000x128xf32, #tpu.memory_space<hbm>>
      tpu.enqueue_indirect_dma source(%dma_start3A_72 : memref<10000x128xf32, #tpu.memory_space<hbm>>) target(%dma_start3A_66 : memref<128x128xf32, #tpu.memory_space<vmem>>) offsets(%dma_start3A_69 : memref<128xi32, #tpu.memory_space<vmem>>) semaphore(%arg11 : memref<!tpu.dma_semaphore, #tpu.memory_space<semaphore_mem>>)
      %dma_wait3A = arith.constant 0 : i32
      %dma_wait3A_73 = arith.constant 0 : i32
      %dma_wait3A_74 = arith.constant 0 : i32
      %dma_wait3A_75 = arith.constant 0 : i32
      %dma_wait3A_76 = tpu.memref_slice %arg8[%dma_wait3A_73, %dma_wait3A_74, %dma_wait3A_75] : memref<2x128x128xf32, #tpu.memory_space<vmem>> -> memref<1x128x128xf32, #tpu.memory_space<vmem>>
      %dma_wait3A_77 = tpu.memref_squeeze %dma_wait3A_76 : memref<1x128x128xf32, #tpu.memory_space<vmem>> -> memref<128x128xf32, #tpu.memory_space<vmem>>
      %dma_wait3A_78 = arith.constant 0 : i32
      %dma_wait3A_79 = tpu.memref_slice %arg6[%dma_wait3A, %dma_wait3A_78] : memref<2x1024xi32, #tpu.memory_space<vmem>> -> memref<1x128xi32, #tpu.memory_space<vmem>>
      %dma_wait3A_80 = tpu.memref_squeeze %dma_wait3A_79 : memref<1x128xi32, #tpu.memory_space<vmem>> -> memref<128xi32, #tpu.memory_space<vmem>>
      %dma_wait3A_81 = arith.constant 0 : i32
      %dma_wait3A_82 = arith.constant 0 : i32
      %dma_wait3A_83 = tpu.memref_slice %arg2[%dma_wait3A_81, %dma_wait3A_82] : memref<10000x128xf32, #tpu.memory_space<hbm>> -> memref<10000x128xf32, #tpu.memory_space<hbm>>
      tpu.wait_indirect_dma semaphore(%arg10 : memref<!tpu.dma_semaphore, #tpu.memory_space<semaphore_mem>>) src(%dma_wait3A_83 : memref<10000x128xf32, #tpu.memory_space<hbm>>) dst(%dma_wait3A_77 : memref<128x128xf32, #tpu.memory_space<vmem>>)
      %scan3A_84 = arith.constant 0 : i32
      %scan3A_85 = arith.constant 0 : i32
      %mul3A_86 = arith.constant 128 : i32
      %mul3A_87 = arith.muli %scan3A_85, %mul3A_86 : i32
      %mul3A_88 = arith.constant 1 : i32
      %mul3A_89 = arith.muli %add3A_60, %mul3A_88 : i32
      %add3A_90 = arith.addi %mul3A_89, %scan3A_85 : i32
      %run_scoped3A_91 = arith.constant 0 : i32
      "tpu.region"() ({
        %run_scoped3A_649 = tpu.sem_alloc : memref<!tpu.dma_semaphore, #tpu.memory_space<semaphore_mem>>
        %dma_start3A_650 = arith.constant 0 : i32
        %dma_start3A_651 = tpu.memref_slice %arg8[%run_scoped3A_91, %mul3A_87, %dma_start3A_650] : memref<2x128x128xf32, #tpu.memory_space<vmem>> -> memref<1x128x128xf32, #tpu.memory_space<vmem>>
        %dma_start3A_652 = tpu.memref_squeeze %dma_start3A_651 : memref<1x128x128xf32, #tpu.memory_space<vmem>> -> memref<128x128xf32, #tpu.memory_space<vmem>>
        %dma_start3A_653 = arith.constant 0 : i32
        %dma_start3A_654 = tpu.memref_slice %arg7[%add3A_90, %dma_start3A_653] : memref<80x128xi32, #tpu.memory_space<vmem>> -> memref<1x128xi32, #tpu.memory_space<vmem>>
        %dma_start3A_655 = tpu.memref_squeeze %dma_start3A_654 : memref<1x128xi32, #tpu.memory_space<vmem>> -> memref<128xi32, #tpu.memory_space<vmem>>
        %dma_start3A_656 = arith.constant 0 : i32
        %dma_start3A_657 = arith.constant 0 : i32
        %dma_start3A_658 = tpu.memref_slice %arg9[%dma_start3A_656, %dma_start3A_657] : memref<10112x128xf32, #tpu.memory_space<vmem_shared>> -> memref<10112x128xf32, #tpu.memory_space<vmem_shared>>
        tpu.enqueue_indirect_dma source(%dma_start3A_652 : memref<128x128xf32, #tpu.memory_space<vmem>>) target(%dma_start3A_658 : memref<10112x128xf32, #tpu.memory_space<vmem_shared>>) offsets(%dma_start3A_655 : memref<128xi32, #tpu.memory_space<vmem>>) semaphore(%run_scoped3A_649 : memref<!tpu.dma_semaphore, #tpu.memory_space<semaphore_mem>>) {add = true}
        %dma_wait3A_659 = arith.constant 0 : i32
        %dma_wait3A_660 = tpu.memref_slice %arg8[%run_scoped3A_91, %mul3A_87, %dma_wait3A_659] : memref<2x128x128xf32, #tpu.memory_space<vmem>> -> memref<1x128x128xf32, #tpu.memory_space<vmem>>
        %dma_wait3A_661 = tpu.memref_squeeze %dma_wait3A_660 : memref<1x128x128xf32, #tpu.memory_space<vmem>> -> memref<128x128xf32, #tpu.memory_space<vmem>>
        %dma_wait3A_662 = arith.constant 0 : i32
        %dma_wait3A_663 = tpu.memref_slice %arg7[%add3A_90, %dma_wait3A_662] : memref<80x128xi32, #tpu.memory_space<vmem>> -> memref<1x128xi32, #tpu.memory_space<vmem>>
        %dma_wait3A_664 = tpu.memref_squeeze %dma_wait3A_663 : memref<1x128xi32, #tpu.memory_space<vmem>> -> memref<128xi32, #tpu.memory_space<vmem>>
        %dma_wait3A_665 = arith.constant 0 : i32
        %dma_wait3A_666 = arith.constant 0 : i32
        %dma_wait3A_667 = tpu.memref_slice %arg9[%dma_wait3A_665, %dma_wait3A_666] : memref<10112x128xf32, #tpu.memory_space<vmem_shared>> -> memref<10112x128xf32, #tpu.memory_space<vmem_shared>>
        tpu.wait_indirect_dma semaphore(%run_scoped3A_649 : memref<!tpu.dma_semaphore, #tpu.memory_space<semaphore_mem>>) src(%dma_wait3A_661 : memref<128x128xf32, #tpu.memory_space<vmem>>) dst(%dma_wait3A_667 : memref<10112x128xf32, #tpu.memory_space<vmem_shared>>)
        tpu.yield
      }) : () -> ()
      %scan3A_92 = arith.constant 1 : i32
      %mul3A_93 = arith.constant 8 : i32
      %mul3A_94 = arith.muli %add3A_52, %mul3A_93 : i32
      %add3A_95 = arith.constant 1 : i32
      %add3A_96 = arith.addi %mul3A_94, %add3A_95 : i32
      %dma_start3A_97 = arith.constant 0 : i32
      %dma_start3A_98 = arith.constant 0 : i32
      %dma_start3A_99 = arith.constant 0 : i32
      %dma_start3A_100 = arith.constant 0 : i32
      %dma_start3A_101 = tpu.memref_slice %arg8[%dma_start3A_98, %dma_start3A_99, %dma_start3A_100] : memref<2x128x128xf32, #tpu.memory_space<vmem>> -> memref<1x128x128xf32, #tpu.memory_space<vmem>>
      %dma_start3A_102 = tpu.memref_squeeze %dma_start3A_101 : memref<1x128x128xf32, #tpu.memory_space<vmem>> -> memref<128x128xf32, #tpu.memory_space<vmem>>
      %dma_start3A_103 = arith.constant 256 : i32
      %dma_start3A_104 = tpu.memref_slice %arg6[%dma_start3A_97, %dma_start3A_103] : memref<2x1024xi32, #tpu.memory_space<vmem>> -> memref<1x128xi32, #tpu.memory_space<vmem>>
      %dma_start3A_105 = tpu.memref_squeeze %dma_start3A_104 : memref<1x128xi32, #tpu.memory_space<vmem>> -> memref<128xi32, #tpu.memory_space<vmem>>
      %dma_start3A_106 = arith.constant 0 : i32
      %dma_start3A_107 = arith.constant 0 : i32
      %dma_start3A_108 = tpu.memref_slice %arg2[%dma_start3A_106, %dma_start3A_107] : memref<10000x128xf32, #tpu.memory_space<hbm>> -> memref<10000x128xf32, #tpu.memory_space<hbm>>
      tpu.enqueue_indirect_dma source(%dma_start3A_108 : memref<10000x128xf32, #tpu.memory_space<hbm>>) target(%dma_start3A_102 : memref<128x128xf32, #tpu.memory_space<vmem>>) offsets(%dma_start3A_105 : memref<128xi32, #tpu.memory_space<vmem>>) semaphore(%arg10 : memref<!tpu.dma_semaphore, #tpu.memory_space<semaphore_mem>>)
      %dma_wait3A_109 = arith.constant 0 : i32
      %dma_wait3A_110 = arith.constant 1 : i32
      %dma_wait3A_111 = arith.constant 0 : i32
      %dma_wait3A_112 = arith.constant 0 : i32
      %dma_wait3A_113 = tpu.memref_slice %arg8[%dma_wait3A_110, %dma_wait3A_111, %dma_wait3A_112] : memref<2x128x128xf32, #tpu.memory_space<vmem>> -> memref<1x128x128xf32, #tpu.memory_space<vmem>>
      %dma_wait3A_114 = tpu.memref_squeeze %dma_wait3A_113 : memref<1x128x128xf32, #tpu.memory_space<vmem>> -> memref<128x128xf32, #tpu.memory_space<vmem>>
      %dma_wait3A_115 = arith.constant 0 : i32
      %dma_wait3A_116 = tpu.memref_slice %arg6[%dma_wait3A_109, %dma_wait3A_115] : memref<2x1024xi32, #tpu.memory_space<vmem>> -> memref<1x128xi32, #tpu.memory_space<vmem>>
      %dma_wait3A_117 = tpu.memref_squeeze %dma_wait3A_116 : memref<1x128xi32, #tpu.memory_space<vmem>> -> memref<128xi32, #tpu.memory_space<vmem>>
      %dma_wait3A_118 = arith.constant 0 : i32
      %dma_wait3A_119 = arith.constant 0 : i32
      %dma_wait3A_120 = tpu.memref_slice %arg2[%dma_wait3A_118, %dma_wait3A_119] : memref<10000x128xf32, #tpu.memory_space<hbm>> -> memref<10000x128xf32, #tpu.memory_space<hbm>>
      tpu.wait_indirect_dma semaphore(%arg11 : memref<!tpu.dma_semaphore, #tpu.memory_space<semaphore_mem>>) src(%dma_wait3A_120 : memref<10000x128xf32, #tpu.memory_space<hbm>>) dst(%dma_wait3A_114 : memref<128x128xf32, #tpu.memory_space<vmem>>)
      %scan3A_121 = arith.constant 0 : i32
      %scan3A_122 = arith.constant 0 : i32
      %mul3A_123 = arith.constant 128 : i32
      %mul3A_124 = arith.muli %scan3A_122, %mul3A_123 : i32
      %mul3A_125 = arith.constant 1 : i32
      %mul3A_126 = arith.muli %add3A_96, %mul3A_125 : i32
      %add3A_127 = arith.addi %mul3A_126, %scan3A_122 : i32
      %run_scoped3A_128 = arith.constant 1 : i32
      "tpu.region"() ({
        %run_scoped3A_649 = tpu.sem_alloc : memref<!tpu.dma_semaphore, #tpu.memory_space<semaphore_mem>>
        %dma_start3A_650 = arith.constant 0 : i32
        %dma_start3A_651 = tpu.memref_slice %arg8[%run_scoped3A_128, %mul3A_124, %dma_start3A_650] : memref<2x128x128xf32, #tpu.memory_space<vmem>> -> memref<1x128x128xf32, #tpu.memory_space<vmem>>
        %dma_start3A_652 = tpu.memref_squeeze %dma_start3A_651 : memref<1x128x128xf32, #tpu.memory_space<vmem>> -> memref<128x128xf32, #tpu.memory_space<vmem>>
        %dma_start3A_653 = arith.constant 0 : i32
        %dma_start3A_654 = tpu.memref_slice %arg7[%add3A_127, %dma_start3A_653] : memref<80x128xi32, #tpu.memory_space<vmem>> -> memref<1x128xi32, #tpu.memory_space<vmem>>
        %dma_start3A_655 = tpu.memref_squeeze %dma_start3A_654 : memref<1x128xi32, #tpu.memory_space<vmem>> -> memref<128xi32, #tpu.memory_space<vmem>>
        %dma_start3A_656 = arith.constant 0 : i32
        %dma_start3A_657 = arith.constant 0 : i32
        %dma_start3A_658 = tpu.memref_slice %arg9[%dma_start3A_656, %dma_start3A_657] : memref<10112x128xf32, #tpu.memory_space<vmem_shared>> -> memref<10112x128xf32, #tpu.memory_space<vmem_shared>>
        tpu.enqueue_indirect_dma source(%dma_start3A_652 : memref<128x128xf32, #tpu.memory_space<vmem>>) target(%dma_start3A_658 : memref<10112x128xf32, #tpu.memory_space<vmem_shared>>) offsets(%dma_start3A_655 : memref<128xi32, #tpu.memory_space<vmem>>) semaphore(%run_scoped3A_649 : memref<!tpu.dma_semaphore, #tpu.memory_space<semaphore_mem>>) {add = true}
        %dma_wait3A_659 = arith.constant 0 : i32
        %dma_wait3A_660 = tpu.memref_slice %arg8[%run_scoped3A_128, %mul3A_124, %dma_wait3A_659] : memref<2x128x128xf32, #tpu.memory_space<vmem>> -> memref<1x128x128xf32, #tpu.memory_space<vmem>>
        %dma_wait3A_661 = tpu.memref_squeeze %dma_wait3A_660 : memref<1x128x128xf32, #tpu.memory_space<vmem>> -> memref<128x128xf32, #tpu.memory_space<vmem>>
        %dma_wait3A_662 = arith.constant 0 : i32
        %dma_wait3A_663 = tpu.memref_slice %arg7[%add3A_127, %dma_wait3A_662] : memref<80x128xi32, #tpu.memory_space<vmem>> -> memref<1x128xi32, #tpu.memory_space<vmem>>
        %dma_wait3A_664 = tpu.memref_squeeze %dma_wait3A_663 : memref<1x128xi32, #tpu.memory_space<vmem>> -> memref<128xi32, #tpu.memory_space<vmem>>
        %dma_wait3A_665 = arith.constant 0 : i32
        %dma_wait3A_666 = arith.constant 0 : i32
        %dma_wait3A_667 = tpu.memref_slice %arg9[%dma_wait3A_665, %dma_wait3A_666] : memref<10112x128xf32, #tpu.memory_space<vmem_shared>> -> memref<10112x128xf32, #tpu.memory_space<vmem_shared>>
        tpu.wait_indirect_dma semaphore(%run_scoped3A_649 : memref<!tpu.dma_semaphore, #tpu.memory_space<semaphore_mem>>) src(%dma_wait3A_661 : memref<128x128xf32, #tpu.memory_space<vmem>>) dst(%dma_wait3A_667 : memref<10112x128xf32, #tpu.memory_space<vmem_shared>>)
        tpu.yield
      }) : () -> ()
      %scan3A_129 = arith.constant 1 : i32
      %mul3A_130 = arith.constant 8 : i32
      %mul3A_131 = arith.muli %add3A_52, %mul3A_130 : i32
      %add3A_132 = arith.constant 2 : i32
      %add3A_133 = arith.addi %mul3A_131, %add3A_132 : i32
      %dma_start3A_134 = arith.constant 0 : i32
      %dma_start3A_135 = arith.constant 1 : i32
      %dma_start3A_136 = arith.constant 0 : i32
      %dma_start3A_137 = arith.constant 0 : i32
      %dma_start3A_138 = tpu.memref_slice %arg8[%dma_start3A_135, %dma_start3A_136, %dma_start3A_137] : memref<2x128x128xf32, #tpu.memory_space<vmem>> -> memref<1x128x128xf32, #tpu.memory_space<vmem>>
      %dma_start3A_139 = tpu.memref_squeeze %dma_start3A_138 : memref<1x128x128xf32, #tpu.memory_space<vmem>> -> memref<128x128xf32, #tpu.memory_space<vmem>>
      %dma_start3A_140 = arith.constant 384 : i32
      %dma_start3A_141 = tpu.memref_slice %arg6[%dma_start3A_134, %dma_start3A_140] : memref<2x1024xi32, #tpu.memory_space<vmem>> -> memref<1x128xi32, #tpu.memory_space<vmem>>
      %dma_start3A_142 = tpu.memref_squeeze %dma_start3A_141 : memref<1x128xi32, #tpu.memory_space<vmem>> -> memref<128xi32, #tpu.memory_space<vmem>>
      %dma_start3A_143 = arith.constant 0 : i32
      %dma_start3A_144 = arith.constant 0 : i32
      %dma_start3A_145 = tpu.memref_slice %arg2[%dma_start3A_143, %dma_start3A_144] : memref<10000x128xf32, #tpu.memory_space<hbm>> -> memref<10000x128xf32, #tpu.memory_space<hbm>>
      tpu.enqueue_indirect_dma source(%dma_start3A_145 : memref<10000x128xf32, #tpu.memory_space<hbm>>) target(%dma_start3A_139 : memref<128x128xf32, #tpu.memory_space<vmem>>) offsets(%dma_start3A_142 : memref<128xi32, #tpu.memory_space<vmem>>) semaphore(%arg11 : memref<!tpu.dma_semaphore, #tpu.memory_space<semaphore_mem>>)
      %dma_wait3A_146 = arith.constant 0 : i32
      %dma_wait3A_147 = arith.constant 0 : i32
      %dma_wait3A_148 = arith.constant 0 : i32
      %dma_wait3A_149 = arith.constant 0 : i32
      %dma_wait3A_150 = tpu.memref_slice %arg8[%dma_wait3A_147, %dma_wait3A_148, %dma_wait3A_149] : memref<2x128x128xf32, #tpu.memory_space<vmem>> -> memref<1x128x128xf32, #tpu.memory_space<vmem>>
      %dma_wait3A_151 = tpu.memref_squeeze %dma_wait3A_150 : memref<1x128x128xf32, #tpu.memory_space<vmem>> -> memref<128x128xf32, #tpu.memory_space<vmem>>
      %dma_wait3A_152 = arith.constant 0 : i32
      %dma_wait3A_153 = tpu.memref_slice %arg6[%dma_wait3A_146, %dma_wait3A_152] : memref<2x1024xi32, #tpu.memory_space<vmem>> -> memref<1x128xi32, #tpu.memory_space<vmem>>
      %dma_wait3A_154 = tpu.memref_squeeze %dma_wait3A_153 : memref<1x128xi32, #tpu.memory_space<vmem>> -> memref<128xi32, #tpu.memory_space<vmem>>
      %dma_wait3A_155 = arith.constant 0 : i32
      %dma_wait3A_156 = arith.constant 0 : i32
      %dma_wait3A_157 = tpu.memref_slice %arg2[%dma_wait3A_155, %dma_wait3A_156] : memref<10000x128xf32, #tpu.memory_space<hbm>> -> memref<10000x128xf32, #tpu.memory_space<hbm>>
      tpu.wait_indirect_dma semaphore(%arg10 : memref<!tpu.dma_semaphore, #tpu.memory_space<semaphore_mem>>) src(%dma_wait3A_157 : memref<10000x128xf32, #tpu.memory_space<hbm>>) dst(%dma_wait3A_151 : memref<128x128xf32, #tpu.memory_space<vmem>>)
      %scan3A_158 = arith.constant 0 : i32
      %scan3A_159 = arith.constant 0 : i32
      %mul3A_160 = arith.constant 128 : i32
      %mul3A_161 = arith.muli %scan3A_159, %mul3A_160 : i32
      %mul3A_162 = arith.constant 1 : i32
      %mul3A_163 = arith.muli %add3A_133, %mul3A_162 : i32
      %add3A_164 = arith.addi %mul3A_163, %scan3A_159 : i32
      %run_scoped3A_165 = arith.constant 0 : i32
      "tpu.region"() ({
        %run_scoped3A_649 = tpu.sem_alloc : memref<!tpu.dma_semaphore, #tpu.memory_space<semaphore_mem>>
        %dma_start3A_650 = arith.constant 0 : i32
        %dma_start3A_651 = tpu.memref_slice %arg8[%run_scoped3A_165, %mul3A_161, %dma_start3A_650] : memref<2x128x128xf32, #tpu.memory_space<vmem>> -> memref<1x128x128xf32, #tpu.memory_space<vmem>>
        %dma_start3A_652 = tpu.memref_squeeze %dma_start3A_651 : memref<1x128x128xf32, #tpu.memory_space<vmem>> -> memref<128x128xf32, #tpu.memory_space<vmem>>
        %dma_start3A_653 = arith.constant 0 : i32
        %dma_start3A_654 = tpu.memref_slice %arg7[%add3A_164, %dma_start3A_653] : memref<80x128xi32, #tpu.memory_space<vmem>> -> memref<1x128xi32, #tpu.memory_space<vmem>>
        %dma_start3A_655 = tpu.memref_squeeze %dma_start3A_654 : memref<1x128xi32, #tpu.memory_space<vmem>> -> memref<128xi32, #tpu.memory_space<vmem>>
        %dma_start3A_656 = arith.constant 0 : i32
        %dma_start3A_657 = arith.constant 0 : i32
        %dma_start3A_658 = tpu.memref_slice %arg9[%dma_start3A_656, %dma_start3A_657] : memref<10112x128xf32, #tpu.memory_space<vmem_shared>> -> memref<10112x128xf32, #tpu.memory_space<vmem_shared>>
        tpu.enqueue_indirect_dma source(%dma_start3A_652 : memref<128x128xf32, #tpu.memory_space<vmem>>) target(%dma_start3A_658 : memref<10112x128xf32, #tpu.memory_space<vmem_shared>>) offsets(%dma_start3A_655 : memref<128xi32, #tpu.memory_space<vmem>>) semaphore(%run_scoped3A_649 : memref<!tpu.dma_semaphore, #tpu.memory_space<semaphore_mem>>) {add = true}
        %dma_wait3A_659 = arith.constant 0 : i32
        %dma_wait3A_660 = tpu.memref_slice %arg8[%run_scoped3A_165, %mul3A_161, %dma_wait3A_659] : memref<2x128x128xf32, #tpu.memory_space<vmem>> -> memref<1x128x128xf32, #tpu.memory_space<vmem>>
        %dma_wait3A_661 = tpu.memref_squeeze %dma_wait3A_660 : memref<1x128x128xf32, #tpu.memory_space<vmem>> -> memref<128x128xf32, #tpu.memory_space<vmem>>
        %dma_wait3A_662 = arith.constant 0 : i32
        %dma_wait3A_663 = tpu.memref_slice %arg7[%add3A_164, %dma_wait3A_662] : memref<80x128xi32, #tpu.memory_space<vmem>> -> memref<1x128xi32, #tpu.memory_space<vmem>>
        %dma_wait3A_664 = tpu.memref_squeeze %dma_wait3A_663 : memref<1x128xi32, #tpu.memory_space<vmem>> -> memref<128xi32, #tpu.memory_space<vmem>>
        %dma_wait3A_665 = arith.constant 0 : i32
        %dma_wait3A_666 = arith.constant 0 : i32
        %dma_wait3A_667 = tpu.memref_slice %arg9[%dma_wait3A_665, %dma_wait3A_666] : memref<10112x128xf32, #tpu.memory_space<vmem_shared>> -> memref<10112x128xf32, #tpu.memory_space<vmem_shared>>
        tpu.wait_indirect_dma semaphore(%run_scoped3A_649 : memref<!tpu.dma_semaphore, #tpu.memory_space<semaphore_mem>>) src(%dma_wait3A_661 : memref<128x128xf32, #tpu.memory_space<vmem>>) dst(%dma_wait3A_667 : memref<10112x128xf32, #tpu.memory_space<vmem_shared>>)
        tpu.yield
      }) : () -> ()
      %scan3A_166 = arith.constant 1 : i32
      %mul3A_167 = arith.constant 8 : i32
      %mul3A_168 = arith.muli %add3A_52, %mul3A_167 : i32
      %add3A_169 = arith.constant 3 : i32
      %add3A_170 = arith.addi %mul3A_168, %add3A_169 : i32
      %dma_start3A_171 = arith.constant 0 : i32
      %dma_start3A_172 = arith.constant 0 : i32
      %dma_start3A_173 = arith.constant 0 : i32
      %dma_start3A_174 = arith.constant 0 : i32
      %dma_start3A_175 = tpu.memref_slice %arg8[%dma_start3A_172, %dma_start3A_173, %dma_start3A_174] : memref<2x128x128xf32, #tpu.memory_space<vmem>> -> memref<1x128x128xf32, #tpu.memory_space<vmem>>
      %dma_start3A_176 = tpu.memref_squeeze %dma_start3A_175 : memref<1x128x128xf32, #tpu.memory_space<vmem>> -> memref<128x128xf32, #tpu.memory_space<vmem>>
      %dma_start3A_177 = arith.constant 512 : i32
      %dma_start3A_178 = tpu.memref_slice %arg6[%dma_start3A_171, %dma_start3A_177] : memref<2x1024xi32, #tpu.memory_space<vmem>> -> memref<1x128xi32, #tpu.memory_space<vmem>>
      %dma_start3A_179 = tpu.memref_squeeze %dma_start3A_178 : memref<1x128xi32, #tpu.memory_space<vmem>> -> memref<128xi32, #tpu.memory_space<vmem>>
      %dma_start3A_180 = arith.constant 0 : i32
      %dma_start3A_181 = arith.constant 0 : i32
      %dma_start3A_182 = tpu.memref_slice %arg2[%dma_start3A_180, %dma_start3A_181] : memref<10000x128xf32, #tpu.memory_space<hbm>> -> memref<10000x128xf32, #tpu.memory_space<hbm>>
      tpu.enqueue_indirect_dma source(%dma_start3A_182 : memref<10000x128xf32, #tpu.memory_space<hbm>>) target(%dma_start3A_176 : memref<128x128xf32, #tpu.memory_space<vmem>>) offsets(%dma_start3A_179 : memref<128xi32, #tpu.memory_space<vmem>>) semaphore(%arg10 : memref<!tpu.dma_semaphore, #tpu.memory_space<semaphore_mem>>)
      %dma_wait3A_183 = arith.constant 0 : i32
      %dma_wait3A_184 = arith.constant 1 : i32
      %dma_wait3A_185 = arith.constant 0 : i32
      %dma_wait3A_186 = arith.constant 0 : i32
      %dma_wait3A_187 = tpu.memref_slice %arg8[%dma_wait3A_184, %dma_wait3A_185, %dma_wait3A_186] : memref<2x128x128xf32, #tpu.memory_space<vmem>> -> memref<1x128x128xf32, #tpu.memory_space<vmem>>
      %dma_wait3A_188 = tpu.memref_squeeze %dma_wait3A_187 : memref<1x128x128xf32, #tpu.memory_space<vmem>> -> memref<128x128xf32, #tpu.memory_space<vmem>>
      %dma_wait3A_189 = arith.constant 0 : i32
      %dma_wait3A_190 = tpu.memref_slice %arg6[%dma_wait3A_183, %dma_wait3A_189] : memref<2x1024xi32, #tpu.memory_space<vmem>> -> memref<1x128xi32, #tpu.memory_space<vmem>>
      %dma_wait3A_191 = tpu.memref_squeeze %dma_wait3A_190 : memref<1x128xi32, #tpu.memory_space<vmem>> -> memref<128xi32, #tpu.memory_space<vmem>>
      %dma_wait3A_192 = arith.constant 0 : i32
      %dma_wait3A_193 = arith.constant 0 : i32
      %dma_wait3A_194 = tpu.memref_slice %arg2[%dma_wait3A_192, %dma_wait3A_193] : memref<10000x128xf32, #tpu.memory_space<hbm>> -> memref<10000x128xf32, #tpu.memory_space<hbm>>
      tpu.wait_indirect_dma semaphore(%arg11 : memref<!tpu.dma_semaphore, #tpu.memory_space<semaphore_mem>>) src(%dma_wait3A_194 : memref<10000x128xf32, #tpu.memory_space<hbm>>) dst(%dma_wait3A_188 : memref<128x128xf32, #tpu.memory_space<vmem>>)
      %scan3A_195 = arith.constant 0 : i32
      %scan3A_196 = arith.constant 0 : i32
      %mul3A_197 = arith.constant 128 : i32
      %mul3A_198 = arith.muli %scan3A_196, %mul3A_197 : i32
      %mul3A_199 = arith.constant 1 : i32
      %mul3A_200 = arith.muli %add3A_170, %mul3A_199 : i32
      %add3A_201 = arith.addi %mul3A_200, %scan3A_196 : i32
      %run_scoped3A_202 = arith.constant 1 : i32
      "tpu.region"() ({
        %run_scoped3A_649 = tpu.sem_alloc : memref<!tpu.dma_semaphore, #tpu.memory_space<semaphore_mem>>
        %dma_start3A_650 = arith.constant 0 : i32
        %dma_start3A_651 = tpu.memref_slice %arg8[%run_scoped3A_202, %mul3A_198, %dma_start3A_650] : memref<2x128x128xf32, #tpu.memory_space<vmem>> -> memref<1x128x128xf32, #tpu.memory_space<vmem>>
        %dma_start3A_652 = tpu.memref_squeeze %dma_start3A_651 : memref<1x128x128xf32, #tpu.memory_space<vmem>> -> memref<128x128xf32, #tpu.memory_space<vmem>>
        %dma_start3A_653 = arith.constant 0 : i32
        %dma_start3A_654 = tpu.memref_slice %arg7[%add3A_201, %dma_start3A_653] : memref<80x128xi32, #tpu.memory_space<vmem>> -> memref<1x128xi32, #tpu.memory_space<vmem>>
        %dma_start3A_655 = tpu.memref_squeeze %dma_start3A_654 : memref<1x128xi32, #tpu.memory_space<vmem>> -> memref<128xi32, #tpu.memory_space<vmem>>
        %dma_start3A_656 = arith.constant 0 : i32
        %dma_start3A_657 = arith.constant 0 : i32
        %dma_start3A_658 = tpu.memref_slice %arg9[%dma_start3A_656, %dma_start3A_657] : memref<10112x128xf32, #tpu.memory_space<vmem_shared>> -> memref<10112x128xf32, #tpu.memory_space<vmem_shared>>
        tpu.enqueue_indirect_dma source(%dma_start3A_652 : memref<128x128xf32, #tpu.memory_space<vmem>>) target(%dma_start3A_658 : memref<10112x128xf32, #tpu.memory_space<vmem_shared>>) offsets(%dma_start3A_655 : memref<128xi32, #tpu.memory_space<vmem>>) semaphore(%run_scoped3A_649 : memref<!tpu.dma_semaphore, #tpu.memory_space<semaphore_mem>>) {add = true}
        %dma_wait3A_659 = arith.constant 0 : i32
        %dma_wait3A_660 = tpu.memref_slice %arg8[%run_scoped3A_202, %mul3A_198, %dma_wait3A_659] : memref<2x128x128xf32, #tpu.memory_space<vmem>> -> memref<1x128x128xf32, #tpu.memory_space<vmem>>
        %dma_wait3A_661 = tpu.memref_squeeze %dma_wait3A_660 : memref<1x128x128xf32, #tpu.memory_space<vmem>> -> memref<128x128xf32, #tpu.memory_space<vmem>>
        %dma_wait3A_662 = arith.constant 0 : i32
        %dma_wait3A_663 = tpu.memref_slice %arg7[%add3A_201, %dma_wait3A_662] : memref<80x128xi32, #tpu.memory_space<vmem>> -> memref<1x128xi32, #tpu.memory_space<vmem>>
        %dma_wait3A_664 = tpu.memref_squeeze %dma_wait3A_663 : memref<1x128xi32, #tpu.memory_space<vmem>> -> memref<128xi32, #tpu.memory_space<vmem>>
        %dma_wait3A_665 = arith.constant 0 : i32
        %dma_wait3A_666 = arith.constant 0 : i32
        %dma_wait3A_667 = tpu.memref_slice %arg9[%dma_wait3A_665, %dma_wait3A_666] : memref<10112x128xf32, #tpu.memory_space<vmem_shared>> -> memref<10112x128xf32, #tpu.memory_space<vmem_shared>>
        tpu.wait_indirect_dma semaphore(%run_scoped3A_649 : memref<!tpu.dma_semaphore, #tpu.memory_space<semaphore_mem>>) src(%dma_wait3A_661 : memref<128x128xf32, #tpu.memory_space<vmem>>) dst(%dma_wait3A_667 : memref<10112x128xf32, #tpu.memory_space<vmem_shared>>)
        tpu.yield
      }) : () -> ()
      %scan3A_203 = arith.constant 1 : i32
      %mul3A_204 = arith.constant 8 : i32
      %mul3A_205 = arith.muli %add3A_52, %mul3A_204 : i32
      %add3A_206 = arith.constant 4 : i32
      %add3A_207 = arith.addi %mul3A_205, %add3A_206 : i32
      %dma_start3A_208 = arith.constant 0 : i32
      %dma_start3A_209 = arith.constant 1 : i32
      %dma_start3A_210 = arith.constant 0 : i32
      %dma_start3A_211 = arith.constant 0 : i32
      %dma_start3A_212 = tpu.memref_slice %arg8[%dma_start3A_209, %dma_start3A_210, %dma_start3A_211] : memref<2x128x128xf32, #tpu.memory_space<vmem>> -> memref<1x128x128xf32, #tpu.memory_space<vmem>>
      %dma_start3A_213 = tpu.memref_squeeze %dma_start3A_212 : memref<1x128x128xf32, #tpu.memory_space<vmem>> -> memref<128x128xf32, #tpu.memory_space<vmem>>
      %dma_start3A_214 = arith.constant 640 : i32
      %dma_start3A_215 = tpu.memref_slice %arg6[%dma_start3A_208, %dma_start3A_214] : memref<2x1024xi32, #tpu.memory_space<vmem>> -> memref<1x128xi32, #tpu.memory_space<vmem>>
      %dma_start3A_216 = tpu.memref_squeeze %dma_start3A_215 : memref<1x128xi32, #tpu.memory_space<vmem>> -> memref<128xi32, #tpu.memory_space<vmem>>
      %dma_start3A_217 = arith.constant 0 : i32
      %dma_start3A_218 = arith.constant 0 : i32
      %dma_start3A_219 = tpu.memref_slice %arg2[%dma_start3A_217, %dma_start3A_218] : memref<10000x128xf32, #tpu.memory_space<hbm>> -> memref<10000x128xf32, #tpu.memory_space<hbm>>
      tpu.enqueue_indirect_dma source(%dma_start3A_219 : memref<10000x128xf32, #tpu.memory_space<hbm>>) target(%dma_start3A_213 : memref<128x128xf32, #tpu.memory_space<vmem>>) offsets(%dma_start3A_216 : memref<128xi32, #tpu.memory_space<vmem>>) semaphore(%arg11 : memref<!tpu.dma_semaphore, #tpu.memory_space<semaphore_mem>>)
      %dma_wait3A_220 = arith.constant 0 : i32
      %dma_wait3A_221 = arith.constant 0 : i32
      %dma_wait3A_222 = arith.constant 0 : i32
      %dma_wait3A_223 = arith.constant 0 : i32
      %dma_wait3A_224 = tpu.memref_slice %arg8[%dma_wait3A_221, %dma_wait3A_222, %dma_wait3A_223] : memref<2x128x128xf32, #tpu.memory_space<vmem>> -> memref<1x128x128xf32, #tpu.memory_space<vmem>>
      %dma_wait3A_225 = tpu.memref_squeeze %dma_wait3A_224 : memref<1x128x128xf32, #tpu.memory_space<vmem>> -> memref<128x128xf32, #tpu.memory_space<vmem>>
      %dma_wait3A_226 = arith.constant 0 : i32
      %dma_wait3A_227 = tpu.memref_slice %arg6[%dma_wait3A_220, %dma_wait3A_226] : memref<2x1024xi32, #tpu.memory_space<vmem>> -> memref<1x128xi32, #tpu.memory_space<vmem>>
      %dma_wait3A_228 = tpu.memref_squeeze %dma_wait3A_227 : memref<1x128xi32, #tpu.memory_space<vmem>> -> memref<128xi32, #tpu.memory_space<vmem>>
      %dma_wait3A_229 = arith.constant 0 : i32
      %dma_wait3A_230 = arith.constant 0 : i32
      %dma_wait3A_231 = tpu.memref_slice %arg2[%dma_wait3A_229, %dma_wait3A_230] : memref<10000x128xf32, #tpu.memory_space<hbm>> -> memref<10000x128xf32, #tpu.memory_space<hbm>>
      tpu.wait_indirect_dma semaphore(%arg10 : memref<!tpu.dma_semaphore, #tpu.memory_space<semaphore_mem>>) src(%dma_wait3A_231 : memref<10000x128xf32, #tpu.memory_space<hbm>>) dst(%dma_wait3A_225 : memref<128x128xf32, #tpu.memory_space<vmem>>)
      %scan3A_232 = arith.constant 0 : i32
      %scan3A_233 = arith.constant 0 : i32
      %mul3A_234 = arith.constant 128 : i32
      %mul3A_235 = arith.muli %scan3A_233, %mul3A_234 : i32
      %mul3A_236 = arith.constant 1 : i32
      %mul3A_237 = arith.muli %add3A_207, %mul3A_236 : i32
      %add3A_238 = arith.addi %mul3A_237, %scan3A_233 : i32
      %run_scoped3A_239 = arith.constant 0 : i32
      "tpu.region"() ({
        %run_scoped3A_649 = tpu.sem_alloc : memref<!tpu.dma_semaphore, #tpu.memory_space<semaphore_mem>>
        %dma_start3A_650 = arith.constant 0 : i32
        %dma_start3A_651 = tpu.memref_slice %arg8[%run_scoped3A_239, %mul3A_235, %dma_start3A_650] : memref<2x128x128xf32, #tpu.memory_space<vmem>> -> memref<1x128x128xf32, #tpu.memory_space<vmem>>
        %dma_start3A_652 = tpu.memref_squeeze %dma_start3A_651 : memref<1x128x128xf32, #tpu.memory_space<vmem>> -> memref<128x128xf32, #tpu.memory_space<vmem>>
        %dma_start3A_653 = arith.constant 0 : i32
        %dma_start3A_654 = tpu.memref_slice %arg7[%add3A_238, %dma_start3A_653] : memref<80x128xi32, #tpu.memory_space<vmem>> -> memref<1x128xi32, #tpu.memory_space<vmem>>
        %dma_start3A_655 = tpu.memref_squeeze %dma_start3A_654 : memref<1x128xi32, #tpu.memory_space<vmem>> -> memref<128xi32, #tpu.memory_space<vmem>>
        %dma_start3A_656 = arith.constant 0 : i32
        %dma_start3A_657 = arith.constant 0 : i32
        %dma_start3A_658 = tpu.memref_slice %arg9[%dma_start3A_656, %dma_start3A_657] : memref<10112x128xf32, #tpu.memory_space<vmem_shared>> -> memref<10112x128xf32, #tpu.memory_space<vmem_shared>>
        tpu.enqueue_indirect_dma source(%dma_start3A_652 : memref<128x128xf32, #tpu.memory_space<vmem>>) target(%dma_start3A_658 : memref<10112x128xf32, #tpu.memory_space<vmem_shared>>) offsets(%dma_start3A_655 : memref<128xi32, #tpu.memory_space<vmem>>) semaphore(%run_scoped3A_649 : memref<!tpu.dma_semaphore, #tpu.memory_space<semaphore_mem>>) {add = true}
        %dma_wait3A_659 = arith.constant 0 : i32
        %dma_wait3A_660 = tpu.memref_slice %arg8[%run_scoped3A_239, %mul3A_235, %dma_wait3A_659] : memref<2x128x128xf32, #tpu.memory_space<vmem>> -> memref<1x128x128xf32, #tpu.memory_space<vmem>>
        %dma_wait3A_661 = tpu.memref_squeeze %dma_wait3A_660 : memref<1x128x128xf32, #tpu.memory_space<vmem>> -> memref<128x128xf32, #tpu.memory_space<vmem>>
        %dma_wait3A_662 = arith.constant 0 : i32
        %dma_wait3A_663 = tpu.memref_slice %arg7[%add3A_238, %dma_wait3A_662] : memref<80x128xi32, #tpu.memory_space<vmem>> -> memref<1x128xi32, #tpu.memory_space<vmem>>
        %dma_wait3A_664 = tpu.memref_squeeze %dma_wait3A_663 : memref<1x128xi32, #tpu.memory_space<vmem>> -> memref<128xi32, #tpu.memory_space<vmem>>
        %dma_wait3A_665 = arith.constant 0 : i32
        %dma_wait3A_666 = arith.constant 0 : i32
        %dma_wait3A_667 = tpu.memref_slice %arg9[%dma_wait3A_665, %dma_wait3A_666] : memref<10112x128xf32, #tpu.memory_space<vmem_shared>> -> memref<10112x128xf32, #tpu.memory_space<vmem_shared>>
        tpu.wait_indirect_dma semaphore(%run_scoped3A_649 : memref<!tpu.dma_semaphore, #tpu.memory_space<semaphore_mem>>) src(%dma_wait3A_661 : memref<128x128xf32, #tpu.memory_space<vmem>>) dst(%dma_wait3A_667 : memref<10112x128xf32, #tpu.memory_space<vmem_shared>>)
        tpu.yield
      }) : () -> ()
      %scan3A_240 = arith.constant 1 : i32
      %mul3A_241 = arith.constant 8 : i32
      %mul3A_242 = arith.muli %add3A_52, %mul3A_241 : i32
      %add3A_243 = arith.constant 5 : i32
      %add3A_244 = arith.addi %mul3A_242, %add3A_243 : i32
      %dma_start3A_245 = arith.constant 0 : i32
      %dma_start3A_246 = arith.constant 0 : i32
      %dma_start3A_247 = arith.constant 0 : i32
      %dma_start3A_248 = arith.constant 0 : i32
      %dma_start3A_249 = tpu.memref_slice %arg8[%dma_start3A_246, %dma_start3A_247, %dma_start3A_248] : memref<2x128x128xf32, #tpu.memory_space<vmem>> -> memref<1x128x128xf32, #tpu.memory_space<vmem>>
      %dma_start3A_250 = tpu.memref_squeeze %dma_start3A_249 : memref<1x128x128xf32, #tpu.memory_space<vmem>> -> memref<128x128xf32, #tpu.memory_space<vmem>>
      %dma_start3A_251 = arith.constant 768 : i32
      %dma_start3A_252 = tpu.memref_slice %arg6[%dma_start3A_245, %dma_start3A_251] : memref<2x1024xi32, #tpu.memory_space<vmem>> -> memref<1x128xi32, #tpu.memory_space<vmem>>
      %dma_start3A_253 = tpu.memref_squeeze %dma_start3A_252 : memref<1x128xi32, #tpu.memory_space<vmem>> -> memref<128xi32, #tpu.memory_space<vmem>>
      %dma_start3A_254 = arith.constant 0 : i32
      %dma_start3A_255 = arith.constant 0 : i32
      %dma_start3A_256 = tpu.memref_slice %arg2[%dma_start3A_254, %dma_start3A_255] : memref<10000x128xf32, #tpu.memory_space<hbm>> -> memref<10000x128xf32, #tpu.memory_space<hbm>>
      tpu.enqueue_indirect_dma source(%dma_start3A_256 : memref<10000x128xf32, #tpu.memory_space<hbm>>) target(%dma_start3A_250 : memref<128x128xf32, #tpu.memory_space<vmem>>) offsets(%dma_start3A_253 : memref<128xi32, #tpu.memory_space<vmem>>) semaphore(%arg10 : memref<!tpu.dma_semaphore, #tpu.memory_space<semaphore_mem>>)
      %dma_wait3A_257 = arith.constant 0 : i32
      %dma_wait3A_258 = arith.constant 1 : i32
      %dma_wait3A_259 = arith.constant 0 : i32
      %dma_wait3A_260 = arith.constant 0 : i32
      %dma_wait3A_261 = tpu.memref_slice %arg8[%dma_wait3A_258, %dma_wait3A_259, %dma_wait3A_260] : memref<2x128x128xf32, #tpu.memory_space<vmem>> -> memref<1x128x128xf32, #tpu.memory_space<vmem>>
      %dma_wait3A_262 = tpu.memref_squeeze %dma_wait3A_261 : memref<1x128x128xf32, #tpu.memory_space<vmem>> -> memref<128x128xf32, #tpu.memory_space<vmem>>
      %dma_wait3A_263 = arith.constant 0 : i32
      %dma_wait3A_264 = tpu.memref_slice %arg6[%dma_wait3A_257, %dma_wait3A_263] : memref<2x1024xi32, #tpu.memory_space<vmem>> -> memref<1x128xi32, #tpu.memory_space<vmem>>
      %dma_wait3A_265 = tpu.memref_squeeze %dma_wait3A_264 : memref<1x128xi32, #tpu.memory_space<vmem>> -> memref<128xi32, #tpu.memory_space<vmem>>
      %dma_wait3A_266 = arith.constant 0 : i32
      %dma_wait3A_267 = arith.constant 0 : i32
      %dma_wait3A_268 = tpu.memref_slice %arg2[%dma_wait3A_266, %dma_wait3A_267] : memref<10000x128xf32, #tpu.memory_space<hbm>> -> memref<10000x128xf32, #tpu.memory_space<hbm>>
      tpu.wait_indirect_dma semaphore(%arg11 : memref<!tpu.dma_semaphore, #tpu.memory_space<semaphore_mem>>) src(%dma_wait3A_268 : memref<10000x128xf32, #tpu.memory_space<hbm>>) dst(%dma_wait3A_262 : memref<128x128xf32, #tpu.memory_space<vmem>>)
      %scan3A_269 = arith.constant 0 : i32
      %scan3A_270 = arith.constant 0 : i32
      %mul3A_271 = arith.constant 128 : i32
      %mul3A_272 = arith.muli %scan3A_270, %mul3A_271 : i32
      %mul3A_273 = arith.constant 1 : i32
      %mul3A_274 = arith.muli %add3A_244, %mul3A_273 : i32
      %add3A_275 = arith.addi %mul3A_274, %scan3A_270 : i32
      %run_scoped3A_276 = arith.constant 1 : i32
      "tpu.region"() ({
        %run_scoped3A_649 = tpu.sem_alloc : memref<!tpu.dma_semaphore, #tpu.memory_space<semaphore_mem>>
        %dma_start3A_650 = arith.constant 0 : i32
        %dma_start3A_651 = tpu.memref_slice %arg8[%run_scoped3A_276, %mul3A_272, %dma_start3A_650] : memref<2x128x128xf32, #tpu.memory_space<vmem>> -> memref<1x128x128xf32, #tpu.memory_space<vmem>>
        %dma_start3A_652 = tpu.memref_squeeze %dma_start3A_651 : memref<1x128x128xf32, #tpu.memory_space<vmem>> -> memref<128x128xf32, #tpu.memory_space<vmem>>
        %dma_start3A_653 = arith.constant 0 : i32
        %dma_start3A_654 = tpu.memref_slice %arg7[%add3A_275, %dma_start3A_653] : memref<80x128xi32, #tpu.memory_space<vmem>> -> memref<1x128xi32, #tpu.memory_space<vmem>>
        %dma_start3A_655 = tpu.memref_squeeze %dma_start3A_654 : memref<1x128xi32, #tpu.memory_space<vmem>> -> memref<128xi32, #tpu.memory_space<vmem>>
        %dma_start3A_656 = arith.constant 0 : i32
        %dma_start3A_657 = arith.constant 0 : i32
        %dma_start3A_658 = tpu.memref_slice %arg9[%dma_start3A_656, %dma_start3A_657] : memref<10112x128xf32, #tpu.memory_space<vmem_shared>> -> memref<10112x128xf32, #tpu.memory_space<vmem_shared>>
        tpu.enqueue_indirect_dma source(%dma_start3A_652 : memref<128x128xf32, #tpu.memory_space<vmem>>) target(%dma_start3A_658 : memref<10112x128xf32, #tpu.memory_space<vmem_shared>>) offsets(%dma_start3A_655 : memref<128xi32, #tpu.memory_space<vmem>>) semaphore(%run_scoped3A_649 : memref<!tpu.dma_semaphore, #tpu.memory_space<semaphore_mem>>) {add = true}
        %dma_wait3A_659 = arith.constant 0 : i32
        %dma_wait3A_660 = tpu.memref_slice %arg8[%run_scoped3A_276, %mul3A_272, %dma_wait3A_659] : memref<2x128x128xf32, #tpu.memory_space<vmem>> -> memref<1x128x128xf32, #tpu.memory_space<vmem>>
        %dma_wait3A_661 = tpu.memref_squeeze %dma_wait3A_660 : memref<1x128x128xf32, #tpu.memory_space<vmem>> -> memref<128x128xf32, #tpu.memory_space<vmem>>
        %dma_wait3A_662 = arith.constant 0 : i32
        %dma_wait3A_663 = tpu.memref_slice %arg7[%add3A_275, %dma_wait3A_662] : memref<80x128xi32, #tpu.memory_space<vmem>> -> memref<1x128xi32, #tpu.memory_space<vmem>>
        %dma_wait3A_664 = tpu.memref_squeeze %dma_wait3A_663 : memref<1x128xi32, #tpu.memory_space<vmem>> -> memref<128xi32, #tpu.memory_space<vmem>>
        %dma_wait3A_665 = arith.constant 0 : i32
        %dma_wait3A_666 = arith.constant 0 : i32
        %dma_wait3A_667 = tpu.memref_slice %arg9[%dma_wait3A_665, %dma_wait3A_666] : memref<10112x128xf32, #tpu.memory_space<vmem_shared>> -> memref<10112x128xf32, #tpu.memory_space<vmem_shared>>
        tpu.wait_indirect_dma semaphore(%run_scoped3A_649 : memref<!tpu.dma_semaphore, #tpu.memory_space<semaphore_mem>>) src(%dma_wait3A_661 : memref<128x128xf32, #tpu.memory_space<vmem>>) dst(%dma_wait3A_667 : memref<10112x128xf32, #tpu.memory_space<vmem_shared>>)
        tpu.yield
      }) : () -> ()
      %scan3A_277 = arith.constant 1 : i32
      %mul3A_278 = arith.constant 8 : i32
      %mul3A_279 = arith.muli %add3A_52, %mul3A_278 : i32
      %add3A_280 = arith.constant 6 : i32
      %add3A_281 = arith.addi %mul3A_279, %add3A_280 : i32
      %dma_start3A_282 = arith.constant 0 : i32
      %dma_start3A_283 = arith.constant 1 : i32
      %dma_start3A_284 = arith.constant 0 : i32
      %dma_start3A_285 = arith.constant 0 : i32
      %dma_start3A_286 = tpu.memref_slice %arg8[%dma_start3A_283, %dma_start3A_284, %dma_start3A_285] : memref<2x128x128xf32, #tpu.memory_space<vmem>> -> memref<1x128x128xf32, #tpu.memory_space<vmem>>
      %dma_start3A_287 = tpu.memref_squeeze %dma_start3A_286 : memref<1x128x128xf32, #tpu.memory_space<vmem>> -> memref<128x128xf32, #tpu.memory_space<vmem>>
      %dma_start3A_288 = arith.constant 896 : i32
      %dma_start3A_289 = tpu.memref_slice %arg6[%dma_start3A_282, %dma_start3A_288] : memref<2x1024xi32, #tpu.memory_space<vmem>> -> memref<1x128xi32, #tpu.memory_space<vmem>>
      %dma_start3A_290 = tpu.memref_squeeze %dma_start3A_289 : memref<1x128xi32, #tpu.memory_space<vmem>> -> memref<128xi32, #tpu.memory_space<vmem>>
      %dma_start3A_291 = arith.constant 0 : i32
      %dma_start3A_292 = arith.constant 0 : i32
      %dma_start3A_293 = tpu.memref_slice %arg2[%dma_start3A_291, %dma_start3A_292] : memref<10000x128xf32, #tpu.memory_space<hbm>> -> memref<10000x128xf32, #tpu.memory_space<hbm>>
      tpu.enqueue_indirect_dma source(%dma_start3A_293 : memref<10000x128xf32, #tpu.memory_space<hbm>>) target(%dma_start3A_287 : memref<128x128xf32, #tpu.memory_space<vmem>>) offsets(%dma_start3A_290 : memref<128xi32, #tpu.memory_space<vmem>>) semaphore(%arg11 : memref<!tpu.dma_semaphore, #tpu.memory_space<semaphore_mem>>)
      %dma_wait3A_294 = arith.constant 0 : i32
      %dma_wait3A_295 = arith.constant 0 : i32
      %dma_wait3A_296 = arith.constant 0 : i32
      %dma_wait3A_297 = arith.constant 0 : i32
      %dma_wait3A_298 = tpu.memref_slice %arg8[%dma_wait3A_295, %dma_wait3A_296, %dma_wait3A_297] : memref<2x128x128xf32, #tpu.memory_space<vmem>> -> memref<1x128x128xf32, #tpu.memory_space<vmem>>
      %dma_wait3A_299 = tpu.memref_squeeze %dma_wait3A_298 : memref<1x128x128xf32, #tpu.memory_space<vmem>> -> memref<128x128xf32, #tpu.memory_space<vmem>>
      %dma_wait3A_300 = arith.constant 0 : i32
      %dma_wait3A_301 = tpu.memref_slice %arg6[%dma_wait3A_294, %dma_wait3A_300] : memref<2x1024xi32, #tpu.memory_space<vmem>> -> memref<1x128xi32, #tpu.memory_space<vmem>>
      %dma_wait3A_302 = tpu.memref_squeeze %dma_wait3A_301 : memref<1x128xi32, #tpu.memory_space<vmem>> -> memref<128xi32, #tpu.memory_space<vmem>>
      %dma_wait3A_303 = arith.constant 0 : i32
      %dma_wait3A_304 = arith.constant 0 : i32
      %dma_wait3A_305 = tpu.memref_slice %arg2[%dma_wait3A_303, %dma_wait3A_304] : memref<10000x128xf32, #tpu.memory_space<hbm>> -> memref<10000x128xf32, #tpu.memory_space<hbm>>
      tpu.wait_indirect_dma semaphore(%arg10 : memref<!tpu.dma_semaphore, #tpu.memory_space<semaphore_mem>>) src(%dma_wait3A_305 : memref<10000x128xf32, #tpu.memory_space<hbm>>) dst(%dma_wait3A_299 : memref<128x128xf32, #tpu.memory_space<vmem>>)
      %scan3A_306 = arith.constant 0 : i32
      %scan3A_307 = arith.constant 0 : i32
      %mul3A_308 = arith.constant 128 : i32
      %mul3A_309 = arith.muli %scan3A_307, %mul3A_308 : i32
      %mul3A_310 = arith.constant 1 : i32
      %mul3A_311 = arith.muli %add3A_281, %mul3A_310 : i32
      %add3A_312 = arith.addi %mul3A_311, %scan3A_307 : i32
      %run_scoped3A_313 = arith.constant 0 : i32
      "tpu.region"() ({
        %run_scoped3A_649 = tpu.sem_alloc : memref<!tpu.dma_semaphore, #tpu.memory_space<semaphore_mem>>
        %dma_start3A_650 = arith.constant 0 : i32
        %dma_start3A_651 = tpu.memref_slice %arg8[%run_scoped3A_313, %mul3A_309, %dma_start3A_650] : memref<2x128x128xf32, #tpu.memory_space<vmem>> -> memref<1x128x128xf32, #tpu.memory_space<vmem>>
        %dma_start3A_652 = tpu.memref_squeeze %dma_start3A_651 : memref<1x128x128xf32, #tpu.memory_space<vmem>> -> memref<128x128xf32, #tpu.memory_space<vmem>>
        %dma_start3A_653 = arith.constant 0 : i32
        %dma_start3A_654 = tpu.memref_slice %arg7[%add3A_312, %dma_start3A_653] : memref<80x128xi32, #tpu.memory_space<vmem>> -> memref<1x128xi32, #tpu.memory_space<vmem>>
        %dma_start3A_655 = tpu.memref_squeeze %dma_start3A_654 : memref<1x128xi32, #tpu.memory_space<vmem>> -> memref<128xi32, #tpu.memory_space<vmem>>
        %dma_start3A_656 = arith.constant 0 : i32
        %dma_start3A_657 = arith.constant 0 : i32
        %dma_start3A_658 = tpu.memref_slice %arg9[%dma_start3A_656, %dma_start3A_657] : memref<10112x128xf32, #tpu.memory_space<vmem_shared>> -> memref<10112x128xf32, #tpu.memory_space<vmem_shared>>
        tpu.enqueue_indirect_dma source(%dma_start3A_652 : memref<128x128xf32, #tpu.memory_space<vmem>>) target(%dma_start3A_658 : memref<10112x128xf32, #tpu.memory_space<vmem_shared>>) offsets(%dma_start3A_655 : memref<128xi32, #tpu.memory_space<vmem>>) semaphore(%run_scoped3A_649 : memref<!tpu.dma_semaphore, #tpu.memory_space<semaphore_mem>>) {add = true}
        %dma_wait3A_659 = arith.constant 0 : i32
        %dma_wait3A_660 = tpu.memref_slice %arg8[%run_scoped3A_313, %mul3A_309, %dma_wait3A_659] : memref<2x128x128xf32, #tpu.memory_space<vmem>> -> memref<1x128x128xf32, #tpu.memory_space<vmem>>
        %dma_wait3A_661 = tpu.memref_squeeze %dma_wait3A_660 : memref<1x128x128xf32, #tpu.memory_space<vmem>> -> memref<128x128xf32, #tpu.memory_space<vmem>>
        %dma_wait3A_662 = arith.constant 0 : i32
        %dma_wait3A_663 = tpu.memref_slice %arg7[%add3A_312, %dma_wait3A_662] : memref<80x128xi32, #tpu.memory_space<vmem>> -> memref<1x128xi32, #tpu.memory_space<vmem>>
        %dma_wait3A_664 = tpu.memref_squeeze %dma_wait3A_663 : memref<1x128xi32, #tpu.memory_space<vmem>> -> memref<128xi32, #tpu.memory_space<vmem>>
        %dma_wait3A_665 = arith.constant 0 : i32
        %dma_wait3A_666 = arith.constant 0 : i32
        %dma_wait3A_667 = tpu.memref_slice %arg9[%dma_wait3A_665, %dma_wait3A_666] : memref<10112x128xf32, #tpu.memory_space<vmem_shared>> -> memref<10112x128xf32, #tpu.memory_space<vmem_shared>>
        tpu.wait_indirect_dma semaphore(%run_scoped3A_649 : memref<!tpu.dma_semaphore, #tpu.memory_space<semaphore_mem>>) src(%dma_wait3A_661 : memref<128x128xf32, #tpu.memory_space<vmem>>) dst(%dma_wait3A_667 : memref<10112x128xf32, #tpu.memory_space<vmem_shared>>)
        tpu.yield
      }) : () -> ()
      %scan3A_314 = arith.constant 1 : i32
      %mul3A_315 = arith.constant 8 : i32
      %mul3A_316 = arith.muli %add3A_52, %mul3A_315 : i32
      %add3A_317 = arith.constant 7 : i32
      %add3A_318 = arith.addi %mul3A_316, %add3A_317 : i32
      %add3A_319 = arith.constant 1 : i32
      %add3A_320 = arith.addi %add3A_318, %add3A_319 : i32
      %lt3A_321 = arith.constant 80 : i32
      %lt3A_322 = arith.cmpi slt, %add3A_320, %lt3A_321 : i32
      %convert_element_type3A_323 = arith.extui %lt3A_322 : i1 to i32
      %cond3A_324 = arith.constant 0 : i32
      %cond3A_325 = arith.cmpi ne, %convert_element_type3A_323, %cond3A_324 : i32
      scf.if %cond3A_325 {
        %dma_start3A_649 = arith.constant 1 : i32
        %dma_start3A_650 = arith.constant 0 : i32
        %dma_start3A_651 = arith.constant 0 : i32
        %dma_start3A_652 = arith.constant 0 : i32
        %dma_start3A_653 = tpu.memref_slice %arg8[%dma_start3A_650, %dma_start3A_651, %dma_start3A_652] : memref<2x128x128xf32, #tpu.memory_space<vmem>> -> memref<1x128x128xf32, #tpu.memory_space<vmem>>
        %dma_start3A_654 = tpu.memref_squeeze %dma_start3A_653 : memref<1x128x128xf32, #tpu.memory_space<vmem>> -> memref<128x128xf32, #tpu.memory_space<vmem>>
        %dma_start3A_655 = arith.constant 0 : i32
        %dma_start3A_656 = tpu.memref_slice %arg6[%dma_start3A_649, %dma_start3A_655] : memref<2x1024xi32, #tpu.memory_space<vmem>> -> memref<1x128xi32, #tpu.memory_space<vmem>>
        %dma_start3A_657 = tpu.memref_squeeze %dma_start3A_656 : memref<1x128xi32, #tpu.memory_space<vmem>> -> memref<128xi32, #tpu.memory_space<vmem>>
        %dma_start3A_658 = arith.constant 0 : i32
        %dma_start3A_659 = arith.constant 0 : i32
        %dma_start3A_660 = tpu.memref_slice %arg2[%dma_start3A_658, %dma_start3A_659] : memref<10000x128xf32, #tpu.memory_space<hbm>> -> memref<10000x128xf32, #tpu.memory_space<hbm>>
        tpu.enqueue_indirect_dma source(%dma_start3A_660 : memref<10000x128xf32, #tpu.memory_space<hbm>>) target(%dma_start3A_654 : memref<128x128xf32, #tpu.memory_space<vmem>>) offsets(%dma_start3A_657 : memref<128xi32, #tpu.memory_space<vmem>>) semaphore(%arg10 : memref<!tpu.dma_semaphore, #tpu.memory_space<semaphore_mem>>)
      } else {
      }
      %dma_wait3A_326 = arith.constant 0 : i32
      %dma_wait3A_327 = arith.constant 1 : i32
      %dma_wait3A_328 = arith.constant 0 : i32
      %dma_wait3A_329 = arith.constant 0 : i32
      %dma_wait3A_330 = tpu.memref_slice %arg8[%dma_wait3A_327, %dma_wait3A_328, %dma_wait3A_329] : memref<2x128x128xf32, #tpu.memory_space<vmem>> -> memref<1x128x128xf32, #tpu.memory_space<vmem>>
      %dma_wait3A_331 = tpu.memref_squeeze %dma_wait3A_330 : memref<1x128x128xf32, #tpu.memory_space<vmem>> -> memref<128x128xf32, #tpu.memory_space<vmem>>
      %dma_wait3A_332 = arith.constant 0 : i32
      %dma_wait3A_333 = tpu.memref_slice %arg6[%dma_wait3A_326, %dma_wait3A_332] : memref<2x1024xi32, #tpu.memory_space<vmem>> -> memref<1x128xi32, #tpu.memory_space<vmem>>
      %dma_wait3A_334 = tpu.memref_squeeze %dma_wait3A_333 : memref<1x128xi32, #tpu.memory_space<vmem>> -> memref<128xi32, #tpu.memory_space<vmem>>
      %dma_wait3A_335 = arith.constant 0 : i32
      %dma_wait3A_336 = arith.constant 0 : i32
      %dma_wait3A_337 = tpu.memref_slice %arg2[%dma_wait3A_335, %dma_wait3A_336] : memref<10000x128xf32, #tpu.memory_space<hbm>> -> memref<10000x128xf32, #tpu.memory_space<hbm>>
      tpu.wait_indirect_dma semaphore(%arg11 : memref<!tpu.dma_semaphore, #tpu.memory_space<semaphore_mem>>) src(%dma_wait3A_337 : memref<10000x128xf32, #tpu.memory_space<hbm>>) dst(%dma_wait3A_331 : memref<128x128xf32, #tpu.memory_space<vmem>>)
      %scan3A_338 = arith.constant 0 : i32
      %scan3A_339 = arith.constant 0 : i32
      %mul3A_340 = arith.constant 128 : i32
      %mul3A_341 = arith.muli %scan3A_339, %mul3A_340 : i32
      %mul3A_342 = arith.constant 1 : i32
      %mul3A_343 = arith.muli %add3A_318, %mul3A_342 : i32
      %add3A_344 = arith.addi %mul3A_343, %scan3A_339 : i32
      %run_scoped3A_345 = arith.constant 1 : i32
      "tpu.region"() ({
        %run_scoped3A_649 = tpu.sem_alloc : memref<!tpu.dma_semaphore, #tpu.memory_space<semaphore_mem>>
        %dma_start3A_650 = arith.constant 0 : i32
        %dma_start3A_651 = tpu.memref_slice %arg8[%run_scoped3A_345, %mul3A_341, %dma_start3A_650] : memref<2x128x128xf32, #tpu.memory_space<vmem>> -> memref<1x128x128xf32, #tpu.memory_space<vmem>>
        %dma_start3A_652 = tpu.memref_squeeze %dma_start3A_651 : memref<1x128x128xf32, #tpu.memory_space<vmem>> -> memref<128x128xf32, #tpu.memory_space<vmem>>
        %dma_start3A_653 = arith.constant 0 : i32
        %dma_start3A_654 = tpu.memref_slice %arg7[%add3A_344, %dma_start3A_653] : memref<80x128xi32, #tpu.memory_space<vmem>> -> memref<1x128xi32, #tpu.memory_space<vmem>>
        %dma_start3A_655 = tpu.memref_squeeze %dma_start3A_654 : memref<1x128xi32, #tpu.memory_space<vmem>> -> memref<128xi32, #tpu.memory_space<vmem>>
        %dma_start3A_656 = arith.constant 0 : i32
        %dma_start3A_657 = arith.constant 0 : i32
        %dma_start3A_658 = tpu.memref_slice %arg9[%dma_start3A_656, %dma_start3A_657] : memref<10112x128xf32, #tpu.memory_space<vmem_shared>> -> memref<10112x128xf32, #tpu.memory_space<vmem_shared>>
        tpu.enqueue_indirect_dma source(%dma_start3A_652 : memref<128x128xf32, #tpu.memory_space<vmem>>) target(%dma_start3A_658 : memref<10112x128xf32, #tpu.memory_space<vmem_shared>>) offsets(%dma_start3A_655 : memref<128xi32, #tpu.memory_space<vmem>>) semaphore(%run_scoped3A_649 : memref<!tpu.dma_semaphore, #tpu.memory_space<semaphore_mem>>) {add = true}
        %dma_wait3A_659 = arith.constant 0 : i32
        %dma_wait3A_660 = tpu.memref_slice %arg8[%run_scoped3A_345, %mul3A_341, %dma_wait3A_659] : memref<2x128x128xf32, #tpu.memory_space<vmem>> -> memref<1x128x128xf32, #tpu.memory_space<vmem>>
        %dma_wait3A_661 = tpu.memref_squeeze %dma_wait3A_660 : memref<1x128x128xf32, #tpu.memory_space<vmem>> -> memref<128x128xf32, #tpu.memory_space<vmem>>
        %dma_wait3A_662 = arith.constant 0 : i32
        %dma_wait3A_663 = tpu.memref_slice %arg7[%add3A_344, %dma_wait3A_662] : memref<80x128xi32, #tpu.memory_space<vmem>> -> memref<1x128xi32, #tpu.memory_space<vmem>>
        %dma_wait3A_664 = tpu.memref_squeeze %dma_wait3A_663 : memref<1x128xi32, #tpu.memory_space<vmem>> -> memref<128xi32, #tpu.memory_space<vmem>>
        %dma_wait3A_665 = arith.constant 0 : i32
        %dma_wait3A_666 = arith.constant 0 : i32
        %dma_wait3A_667 = tpu.memref_slice %arg9[%dma_wait3A_665, %dma_wait3A_666] : memref<10112x128xf32, #tpu.memory_space<vmem_shared>> -> memref<10112x128xf32, #tpu.memory_space<vmem_shared>>
        tpu.wait_indirect_dma semaphore(%run_scoped3A_649 : memref<!tpu.dma_semaphore, #tpu.memory_space<semaphore_mem>>) src(%dma_wait3A_661 : memref<128x128xf32, #tpu.memory_space<vmem>>) dst(%dma_wait3A_667 : memref<10112x128xf32, #tpu.memory_space<vmem_shared>>)
        tpu.yield
      }) : () -> ()
      %scan3A_346 = arith.constant 1 : i32
      %mul3A_347 = arith.constant 2 : i32
      %mul3A_348 = arith.muli %mul3A_347, %scan3A_48 : i32
      %add3A_349 = arith.constant 1 : i32
      %add3A_350 = arith.addi %mul3A_348, %add3A_349 : i32
      %add3A_351 = arith.constant 1 : i32
      %add3A_352 = arith.addi %add3A_350, %add3A_351 : i32
      %lt3A_353 = arith.constant 10 : i32
      %lt3A_354 = arith.cmpi slt, %add3A_352, %lt3A_353 : i32
      %convert_element_type3A_355 = arith.extui %lt3A_354 : i1 to i32
      %cond3A_356 = arith.constant 0 : i32
      %cond3A_357 = arith.cmpi ne, %convert_element_type3A_355, %cond3A_356 : i32
      scf.if %cond3A_357 {
        %add3A_649 = arith.constant 1 : i32
        %add3A_650 = arith.addi %add3A_350, %add3A_649 : i32
        %mul3A_651 = arith.constant 10240 : i32
        %mul3A_652 = arith.muli %add3A, %mul3A_651 : i32
        %mul3A_653 = arith.constant 8 : i32
        %mul3A_654 = arith.muli %add3A_650, %mul3A_653 : i32
        %mul3A_655 = arith.constant 128 : i32
        %mul3A_656 = arith.muli %mul3A_654, %mul3A_655 : i32
        %add3A_657 = arith.addi %mul3A_652, %mul3A_656 : i32
        %run_scoped3A_658 = arith.constant 0 : i32
        "tpu.region"() ({
          %run_scoped3A_659 = tpu.sem_alloc : memref<!tpu.dma_semaphore, #tpu.memory_space<semaphore_mem>>
          %dma_start3A_660 = arith.constant 0 : i32
          %dma_start3A_661 = tpu.memref_slice %arg6[%run_scoped3A_658, %dma_start3A_660] : memref<2x1024xi32, #tpu.memory_space<vmem>> -> memref<1x1024xi32, #tpu.memory_space<vmem>>
          %dma_start3A_662 = tpu.memref_squeeze %dma_start3A_661 : memref<1x1024xi32, #tpu.memory_space<vmem>> -> memref<1024xi32, #tpu.memory_space<vmem>>
          %dma_start3A_663 = tpu.memref_slice %arg3[%add3A_657] : memref<327680xi32, #tpu.memory_space<hbm>> -> memref<1024xi32, #tpu.memory_space<hbm>>
          %dma_start3A_664 = arith.constant 0 : i32
          %dma_start3A_665 = tpu.memref_slice %arg6[%run_scoped3A_658, %dma_start3A_664] : memref<2x1024xi32, #tpu.memory_space<vmem>> -> memref<1x1024xi32, #tpu.memory_space<vmem>>
          %dma_start3A_666 = tpu.memref_squeeze %dma_start3A_665 : memref<1x1024xi32, #tpu.memory_space<vmem>> -> memref<1024xi32, #tpu.memory_space<vmem>>
          %dma_start3A_667 = tpu.memref_slice %arg3[%add3A_657] : memref<327680xi32, #tpu.memory_space<hbm>> -> memref<1024xi32, #tpu.memory_space<hbm>>
          tpu.enqueue_dma source(%dma_start3A_667 : memref<1024xi32, #tpu.memory_space<hbm>>) target(%dma_start3A_666 : memref<1024xi32, #tpu.memory_space<vmem>>) target_semaphore(%run_scoped3A_659 : memref<!tpu.dma_semaphore, #tpu.memory_space<semaphore_mem>>)
          %dma_wait3A_668 = arith.constant 0 : i32
          %dma_wait3A_669 = tpu.memref_slice %arg6[%run_scoped3A_658, %dma_wait3A_668] : memref<2x1024xi32, #tpu.memory_space<vmem>> -> memref<1x1024xi32, #tpu.memory_space<vmem>>
          %dma_wait3A_670 = tpu.memref_squeeze %dma_wait3A_669 : memref<1x1024xi32, #tpu.memory_space<vmem>> -> memref<1024xi32, #tpu.memory_space<vmem>>
          %dma_wait3A_671 = tpu.memref_slice %arg3[%add3A_657] : memref<327680xi32, #tpu.memory_space<hbm>> -> memref<1024xi32, #tpu.memory_space<hbm>>
          %dma_wait3A_672 = arith.constant 0 : i32
          %dma_wait3A_673 = tpu.memref_slice %arg6[%run_scoped3A_658, %dma_wait3A_672] : memref<2x1024xi32, #tpu.memory_space<vmem>> -> memref<1x1024xi32, #tpu.memory_space<vmem>>
          %dma_wait3A_674 = tpu.memref_squeeze %dma_wait3A_673 : memref<1x1024xi32, #tpu.memory_space<vmem>> -> memref<1024xi32, #tpu.memory_space<vmem>>
          %dma_wait3A_675 = tpu.memref_slice %arg3[%add3A_657] : memref<327680xi32, #tpu.memory_space<hbm>> -> memref<1024xi32, #tpu.memory_space<hbm>>
          tpu.wait_dma2 semaphore(%run_scoped3A_659 : memref<!tpu.dma_semaphore, #tpu.memory_space<semaphore_mem>>) src(%dma_wait3A_675 : memref<1024xi32, #tpu.memory_space<hbm>>) dst(%dma_wait3A_674 : memref<1024xi32, #tpu.memory_space<vmem>>)
          tpu.yield
        }) : () -> ()
      } else {
      }
      %mul3A_358 = arith.constant 8 : i32
      %mul3A_359 = arith.muli %add3A_350, %mul3A_358 : i32
      %add3A_360 = arith.constant 0 : i32
      %add3A_361 = arith.addi %mul3A_359, %add3A_360 : i32
      %dma_start3A_362 = arith.constant 1 : i32
      %dma_start3A_363 = arith.constant 1 : i32
      %dma_start3A_364 = arith.constant 0 : i32
      %dma_start3A_365 = arith.constant 0 : i32
      %dma_start3A_366 = tpu.memref_slice %arg8[%dma_start3A_363, %dma_start3A_364, %dma_start3A_365] : memref<2x128x128xf32, #tpu.memory_space<vmem>> -> memref<1x128x128xf32, #tpu.memory_space<vmem>>
      %dma_start3A_367 = tpu.memref_squeeze %dma_start3A_366 : memref<1x128x128xf32, #tpu.memory_space<vmem>> -> memref<128x128xf32, #tpu.memory_space<vmem>>
      %dma_start3A_368 = arith.constant 128 : i32
      %dma_start3A_369 = tpu.memref_slice %arg6[%dma_start3A_362, %dma_start3A_368] : memref<2x1024xi32, #tpu.memory_space<vmem>> -> memref<1x128xi32, #tpu.memory_space<vmem>>
      %dma_start3A_370 = tpu.memref_squeeze %dma_start3A_369 : memref<1x128xi32, #tpu.memory_space<vmem>> -> memref<128xi32, #tpu.memory_space<vmem>>
      %dma_start3A_371 = arith.constant 0 : i32
      %dma_start3A_372 = arith.constant 0 : i32
      %dma_start3A_373 = tpu.memref_slice %arg2[%dma_start3A_371, %dma_start3A_372] : memref<10000x128xf32, #tpu.memory_space<hbm>> -> memref<10000x128xf32, #tpu.memory_space<hbm>>
      tpu.enqueue_indirect_dma source(%dma_start3A_373 : memref<10000x128xf32, #tpu.memory_space<hbm>>) target(%dma_start3A_367 : memref<128x128xf32, #tpu.memory_space<vmem>>) offsets(%dma_start3A_370 : memref<128xi32, #tpu.memory_space<vmem>>) semaphore(%arg11 : memref<!tpu.dma_semaphore, #tpu.memory_space<semaphore_mem>>)
      %dma_wait3A_374 = arith.constant 0 : i32
      %dma_wait3A_375 = arith.constant 0 : i32
      %dma_wait3A_376 = arith.constant 0 : i32
      %dma_wait3A_377 = arith.constant 0 : i32
      %dma_wait3A_378 = tpu.memref_slice %arg8[%dma_wait3A_375, %dma_wait3A_376, %dma_wait3A_377] : memref<2x128x128xf32, #tpu.memory_space<vmem>> -> memref<1x128x128xf32, #tpu.memory_space<vmem>>
      %dma_wait3A_379 = tpu.memref_squeeze %dma_wait3A_378 : memref<1x128x128xf32, #tpu.memory_space<vmem>> -> memref<128x128xf32, #tpu.memory_space<vmem>>
      %dma_wait3A_380 = arith.constant 0 : i32
      %dma_wait3A_381 = tpu.memref_slice %arg6[%dma_wait3A_374, %dma_wait3A_380] : memref<2x1024xi32, #tpu.memory_space<vmem>> -> memref<1x128xi32, #tpu.memory_space<vmem>>
      %dma_wait3A_382 = tpu.memref_squeeze %dma_wait3A_381 : memref<1x128xi32, #tpu.memory_space<vmem>> -> memref<128xi32, #tpu.memory_space<vmem>>
      %dma_wait3A_383 = arith.constant 0 : i32
      %dma_wait3A_384 = arith.constant 0 : i32
      %dma_wait3A_385 = tpu.memref_slice %arg2[%dma_wait3A_383, %dma_wait3A_384] : memref<10000x128xf32, #tpu.memory_space<hbm>> -> memref<10000x128xf32, #tpu.memory_space<hbm>>
      tpu.wait_indirect_dma semaphore(%arg10 : memref<!tpu.dma_semaphore, #tpu.memory_space<semaphore_mem>>) src(%dma_wait3A_385 : memref<10000x128xf32, #tpu.memory_space<hbm>>) dst(%dma_wait3A_379 : memref<128x128xf32, #tpu.memory_space<vmem>>)
      %scan3A_386 = arith.constant 0 : i32
      %scan3A_387 = arith.constant 0 : i32
      %mul3A_388 = arith.constant 128 : i32
      %mul3A_389 = arith.muli %scan3A_387, %mul3A_388 : i32
      %mul3A_390 = arith.constant 1 : i32
      %mul3A_391 = arith.muli %add3A_361, %mul3A_390 : i32
      %add3A_392 = arith.addi %mul3A_391, %scan3A_387 : i32
      %run_scoped3A_393 = arith.constant 0 : i32
      "tpu.region"() ({
        %run_scoped3A_649 = tpu.sem_alloc : memref<!tpu.dma_semaphore, #tpu.memory_space<semaphore_mem>>
        %dma_start3A_650 = arith.constant 0 : i32
        %dma_start3A_651 = tpu.memref_slice %arg8[%run_scoped3A_393, %mul3A_389, %dma_start3A_650] : memref<2x128x128xf32, #tpu.memory_space<vmem>> -> memref<1x128x128xf32, #tpu.memory_space<vmem>>
        %dma_start3A_652 = tpu.memref_squeeze %dma_start3A_651 : memref<1x128x128xf32, #tpu.memory_space<vmem>> -> memref<128x128xf32, #tpu.memory_space<vmem>>
        %dma_start3A_653 = arith.constant 0 : i32
        %dma_start3A_654 = tpu.memref_slice %arg7[%add3A_392, %dma_start3A_653] : memref<80x128xi32, #tpu.memory_space<vmem>> -> memref<1x128xi32, #tpu.memory_space<vmem>>
        %dma_start3A_655 = tpu.memref_squeeze %dma_start3A_654 : memref<1x128xi32, #tpu.memory_space<vmem>> -> memref<128xi32, #tpu.memory_space<vmem>>
        %dma_start3A_656 = arith.constant 0 : i32
        %dma_start3A_657 = arith.constant 0 : i32
        %dma_start3A_658 = tpu.memref_slice %arg9[%dma_start3A_656, %dma_start3A_657] : memref<10112x128xf32, #tpu.memory_space<vmem_shared>> -> memref<10112x128xf32, #tpu.memory_space<vmem_shared>>
        tpu.enqueue_indirect_dma source(%dma_start3A_652 : memref<128x128xf32, #tpu.memory_space<vmem>>) target(%dma_start3A_658 : memref<10112x128xf32, #tpu.memory_space<vmem_shared>>) offsets(%dma_start3A_655 : memref<128xi32, #tpu.memory_space<vmem>>) semaphore(%run_scoped3A_649 : memref<!tpu.dma_semaphore, #tpu.memory_space<semaphore_mem>>) {add = true}
        %dma_wait3A_659 = arith.constant 0 : i32
        %dma_wait3A_660 = tpu.memref_slice %arg8[%run_scoped3A_393, %mul3A_389, %dma_wait3A_659] : memref<2x128x128xf32, #tpu.memory_space<vmem>> -> memref<1x128x128xf32, #tpu.memory_space<vmem>>
        %dma_wait3A_661 = tpu.memref_squeeze %dma_wait3A_660 : memref<1x128x128xf32, #tpu.memory_space<vmem>> -> memref<128x128xf32, #tpu.memory_space<vmem>>
        %dma_wait3A_662 = arith.constant 0 : i32
        %dma_wait3A_663 = tpu.memref_slice %arg7[%add3A_392, %dma_wait3A_662] : memref<80x128xi32, #tpu.memory_space<vmem>> -> memref<1x128xi32, #tpu.memory_space<vmem>>
        %dma_wait3A_664 = tpu.memref_squeeze %dma_wait3A_663 : memref<1x128xi32, #tpu.memory_space<vmem>> -> memref<128xi32, #tpu.memory_space<vmem>>
        %dma_wait3A_665 = arith.constant 0 : i32
        %dma_wait3A_666 = arith.constant 0 : i32
        %dma_wait3A_667 = tpu.memref_slice %arg9[%dma_wait3A_665, %dma_wait3A_666] : memref<10112x128xf32, #tpu.memory_space<vmem_shared>> -> memref<10112x128xf32, #tpu.memory_space<vmem_shared>>
        tpu.wait_indirect_dma semaphore(%run_scoped3A_649 : memref<!tpu.dma_semaphore, #tpu.memory_space<semaphore_mem>>) src(%dma_wait3A_661 : memref<128x128xf32, #tpu.memory_space<vmem>>) dst(%dma_wait3A_667 : memref<10112x128xf32, #tpu.memory_space<vmem_shared>>)
        tpu.yield
      }) : () -> ()
      %scan3A_394 = arith.constant 1 : i32
      %mul3A_395 = arith.constant 8 : i32
      %mul3A_396 = arith.muli %add3A_350, %mul3A_395 : i32
      %add3A_397 = arith.constant 1 : i32
      %add3A_398 = arith.addi %mul3A_396, %add3A_397 : i32
      %dma_start3A_399 = arith.constant 1 : i32
      %dma_start3A_400 = arith.constant 0 : i32
      %dma_start3A_401 = arith.constant 0 : i32
      %dma_start3A_402 = arith.constant 0 : i32
      %dma_start3A_403 = tpu.memref_slice %arg8[%dma_start3A_400, %dma_start3A_401, %dma_start3A_402] : memref<2x128x128xf32, #tpu.memory_space<vmem>> -> memref<1x128x128xf32, #tpu.memory_space<vmem>>
      %dma_start3A_404 = tpu.memref_squeeze %dma_start3A_403 : memref<1x128x128xf32, #tpu.memory_space<vmem>> -> memref<128x128xf32, #tpu.memory_space<vmem>>
      %dma_start3A_405 = arith.constant 256 : i32
      %dma_start3A_406 = tpu.memref_slice %arg6[%dma_start3A_399, %dma_start3A_405] : memref<2x1024xi32, #tpu.memory_space<vmem>> -> memref<1x128xi32, #tpu.memory_space<vmem>>
      %dma_start3A_407 = tpu.memref_squeeze %dma_start3A_406 : memref<1x128xi32, #tpu.memory_space<vmem>> -> memref<128xi32, #tpu.memory_space<vmem>>
      %dma_start3A_408 = arith.constant 0 : i32
      %dma_start3A_409 = arith.constant 0 : i32
      %dma_start3A_410 = tpu.memref_slice %arg2[%dma_start3A_408, %dma_start3A_409] : memref<10000x128xf32, #tpu.memory_space<hbm>> -> memref<10000x128xf32, #tpu.memory_space<hbm>>
      tpu.enqueue_indirect_dma source(%dma_start3A_410 : memref<10000x128xf32, #tpu.memory_space<hbm>>) target(%dma_start3A_404 : memref<128x128xf32, #tpu.memory_space<vmem>>) offsets(%dma_start3A_407 : memref<128xi32, #tpu.memory_space<vmem>>) semaphore(%arg10 : memref<!tpu.dma_semaphore, #tpu.memory_space<semaphore_mem>>)
      %dma_wait3A_411 = arith.constant 0 : i32
      %dma_wait3A_412 = arith.constant 1 : i32
      %dma_wait3A_413 = arith.constant 0 : i32
      %dma_wait3A_414 = arith.constant 0 : i32
      %dma_wait3A_415 = tpu.memref_slice %arg8[%dma_wait3A_412, %dma_wait3A_413, %dma_wait3A_414] : memref<2x128x128xf32, #tpu.memory_space<vmem>> -> memref<1x128x128xf32, #tpu.memory_space<vmem>>
      %dma_wait3A_416 = tpu.memref_squeeze %dma_wait3A_415 : memref<1x128x128xf32, #tpu.memory_space<vmem>> -> memref<128x128xf32, #tpu.memory_space<vmem>>
      %dma_wait3A_417 = arith.constant 0 : i32
      %dma_wait3A_418 = tpu.memref_slice %arg6[%dma_wait3A_411, %dma_wait3A_417] : memref<2x1024xi32, #tpu.memory_space<vmem>> -> memref<1x128xi32, #tpu.memory_space<vmem>>
      %dma_wait3A_419 = tpu.memref_squeeze %dma_wait3A_418 : memref<1x128xi32, #tpu.memory_space<vmem>> -> memref<128xi32, #tpu.memory_space<vmem>>
      %dma_wait3A_420 = arith.constant 0 : i32
      %dma_wait3A_421 = arith.constant 0 : i32
      %dma_wait3A_422 = tpu.memref_slice %arg2[%dma_wait3A_420, %dma_wait3A_421] : memref<10000x128xf32, #tpu.memory_space<hbm>> -> memref<10000x128xf32, #tpu.memory_space<hbm>>
      tpu.wait_indirect_dma semaphore(%arg11 : memref<!tpu.dma_semaphore, #tpu.memory_space<semaphore_mem>>) src(%dma_wait3A_422 : memref<10000x128xf32, #tpu.memory_space<hbm>>) dst(%dma_wait3A_416 : memref<128x128xf32, #tpu.memory_space<vmem>>)
      %scan3A_423 = arith.constant 0 : i32
      %scan3A_424 = arith.constant 0 : i32
      %mul3A_425 = arith.constant 128 : i32
      %mul3A_426 = arith.muli %scan3A_424, %mul3A_425 : i32
      %mul3A_427 = arith.constant 1 : i32
      %mul3A_428 = arith.muli %add3A_398, %mul3A_427 : i32
      %add3A_429 = arith.addi %mul3A_428, %scan3A_424 : i32
      %run_scoped3A_430 = arith.constant 1 : i32
      "tpu.region"() ({
        %run_scoped3A_649 = tpu.sem_alloc : memref<!tpu.dma_semaphore, #tpu.memory_space<semaphore_mem>>
        %dma_start3A_650 = arith.constant 0 : i32
        %dma_start3A_651 = tpu.memref_slice %arg8[%run_scoped3A_430, %mul3A_426, %dma_start3A_650] : memref<2x128x128xf32, #tpu.memory_space<vmem>> -> memref<1x128x128xf32, #tpu.memory_space<vmem>>
        %dma_start3A_652 = tpu.memref_squeeze %dma_start3A_651 : memref<1x128x128xf32, #tpu.memory_space<vmem>> -> memref<128x128xf32, #tpu.memory_space<vmem>>
        %dma_start3A_653 = arith.constant 0 : i32
        %dma_start3A_654 = tpu.memref_slice %arg7[%add3A_429, %dma_start3A_653] : memref<80x128xi32, #tpu.memory_space<vmem>> -> memref<1x128xi32, #tpu.memory_space<vmem>>
        %dma_start3A_655 = tpu.memref_squeeze %dma_start3A_654 : memref<1x128xi32, #tpu.memory_space<vmem>> -> memref<128xi32, #tpu.memory_space<vmem>>
        %dma_start3A_656 = arith.constant 0 : i32
        %dma_start3A_657 = arith.constant 0 : i32
        %dma_start3A_658 = tpu.memref_slice %arg9[%dma_start3A_656, %dma_start3A_657] : memref<10112x128xf32, #tpu.memory_space<vmem_shared>> -> memref<10112x128xf32, #tpu.memory_space<vmem_shared>>
        tpu.enqueue_indirect_dma source(%dma_start3A_652 : memref<128x128xf32, #tpu.memory_space<vmem>>) target(%dma_start3A_658 : memref<10112x128xf32, #tpu.memory_space<vmem_shared>>) offsets(%dma_start3A_655 : memref<128xi32, #tpu.memory_space<vmem>>) semaphore(%run_scoped3A_649 : memref<!tpu.dma_semaphore, #tpu.memory_space<semaphore_mem>>) {add = true}
        %dma_wait3A_659 = arith.constant 0 : i32
        %dma_wait3A_660 = tpu.memref_slice %arg8[%run_scoped3A_430, %mul3A_426, %dma_wait3A_659] : memref<2x128x128xf32, #tpu.memory_space<vmem>> -> memref<1x128x128xf32, #tpu.memory_space<vmem>>
        %dma_wait3A_661 = tpu.memref_squeeze %dma_wait3A_660 : memref<1x128x128xf32, #tpu.memory_space<vmem>> -> memref<128x128xf32, #tpu.memory_space<vmem>>
        %dma_wait3A_662 = arith.constant 0 : i32
        %dma_wait3A_663 = tpu.memref_slice %arg7[%add3A_429, %dma_wait3A_662] : memref<80x128xi32, #tpu.memory_space<vmem>> -> memref<1x128xi32, #tpu.memory_space<vmem>>
        %dma_wait3A_664 = tpu.memref_squeeze %dma_wait3A_663 : memref<1x128xi32, #tpu.memory_space<vmem>> -> memref<128xi32, #tpu.memory_space<vmem>>
        %dma_wait3A_665 = arith.constant 0 : i32
        %dma_wait3A_666 = arith.constant 0 : i32
        %dma_wait3A_667 = tpu.memref_slice %arg9[%dma_wait3A_665, %dma_wait3A_666] : memref<10112x128xf32, #tpu.memory_space<vmem_shared>> -> memref<10112x128xf32, #tpu.memory_space<vmem_shared>>
        tpu.wait_indirect_dma semaphore(%run_scoped3A_649 : memref<!tpu.dma_semaphore, #tpu.memory_space<semaphore_mem>>) src(%dma_wait3A_661 : memref<128x128xf32, #tpu.memory_space<vmem>>) dst(%dma_wait3A_667 : memref<10112x128xf32, #tpu.memory_space<vmem_shared>>)
        tpu.yield
      }) : () -> ()
      %scan3A_431 = arith.constant 1 : i32
      %mul3A_432 = arith.constant 8 : i32
      %mul3A_433 = arith.muli %add3A_350, %mul3A_432 : i32
      %add3A_434 = arith.constant 2 : i32
      %add3A_435 = arith.addi %mul3A_433, %add3A_434 : i32
      %dma_start3A_436 = arith.constant 1 : i32
      %dma_start3A_437 = arith.constant 1 : i32
      %dma_start3A_438 = arith.constant 0 : i32
      %dma_start3A_439 = arith.constant 0 : i32
      %dma_start3A_440 = tpu.memref_slice %arg8[%dma_start3A_437, %dma_start3A_438, %dma_start3A_439] : memref<2x128x128xf32, #tpu.memory_space<vmem>> -> memref<1x128x128xf32, #tpu.memory_space<vmem>>
      %dma_start3A_441 = tpu.memref_squeeze %dma_start3A_440 : memref<1x128x128xf32, #tpu.memory_space<vmem>> -> memref<128x128xf32, #tpu.memory_space<vmem>>
      %dma_start3A_442 = arith.constant 384 : i32
      %dma_start3A_443 = tpu.memref_slice %arg6[%dma_start3A_436, %dma_start3A_442] : memref<2x1024xi32, #tpu.memory_space<vmem>> -> memref<1x128xi32, #tpu.memory_space<vmem>>
      %dma_start3A_444 = tpu.memref_squeeze %dma_start3A_443 : memref<1x128xi32, #tpu.memory_space<vmem>> -> memref<128xi32, #tpu.memory_space<vmem>>
      %dma_start3A_445 = arith.constant 0 : i32
      %dma_start3A_446 = arith.constant 0 : i32
      %dma_start3A_447 = tpu.memref_slice %arg2[%dma_start3A_445, %dma_start3A_446] : memref<10000x128xf32, #tpu.memory_space<hbm>> -> memref<10000x128xf32, #tpu.memory_space<hbm>>
      tpu.enqueue_indirect_dma source(%dma_start3A_447 : memref<10000x128xf32, #tpu.memory_space<hbm>>) target(%dma_start3A_441 : memref<128x128xf32, #tpu.memory_space<vmem>>) offsets(%dma_start3A_444 : memref<128xi32, #tpu.memory_space<vmem>>) semaphore(%arg11 : memref<!tpu.dma_semaphore, #tpu.memory_space<semaphore_mem>>)
      %dma_wait3A_448 = arith.constant 0 : i32
      %dma_wait3A_449 = arith.constant 0 : i32
      %dma_wait3A_450 = arith.constant 0 : i32
      %dma_wait3A_451 = arith.constant 0 : i32
      %dma_wait3A_452 = tpu.memref_slice %arg8[%dma_wait3A_449, %dma_wait3A_450, %dma_wait3A_451] : memref<2x128x128xf32, #tpu.memory_space<vmem>> -> memref<1x128x128xf32, #tpu.memory_space<vmem>>
      %dma_wait3A_453 = tpu.memref_squeeze %dma_wait3A_452 : memref<1x128x128xf32, #tpu.memory_space<vmem>> -> memref<128x128xf32, #tpu.memory_space<vmem>>
      %dma_wait3A_454 = arith.constant 0 : i32
      %dma_wait3A_455 = tpu.memref_slice %arg6[%dma_wait3A_448, %dma_wait3A_454] : memref<2x1024xi32, #tpu.memory_space<vmem>> -> memref<1x128xi32, #tpu.memory_space<vmem>>
      %dma_wait3A_456 = tpu.memref_squeeze %dma_wait3A_455 : memref<1x128xi32, #tpu.memory_space<vmem>> -> memref<128xi32, #tpu.memory_space<vmem>>
      %dma_wait3A_457 = arith.constant 0 : i32
      %dma_wait3A_458 = arith.constant 0 : i32
      %dma_wait3A_459 = tpu.memref_slice %arg2[%dma_wait3A_457, %dma_wait3A_458] : memref<10000x128xf32, #tpu.memory_space<hbm>> -> memref<10000x128xf32, #tpu.memory_space<hbm>>
      tpu.wait_indirect_dma semaphore(%arg10 : memref<!tpu.dma_semaphore, #tpu.memory_space<semaphore_mem>>) src(%dma_wait3A_459 : memref<10000x128xf32, #tpu.memory_space<hbm>>) dst(%dma_wait3A_453 : memref<128x128xf32, #tpu.memory_space<vmem>>)
      %scan3A_460 = arith.constant 0 : i32
      %scan3A_461 = arith.constant 0 : i32
      %mul3A_462 = arith.constant 128 : i32
      %mul3A_463 = arith.muli %scan3A_461, %mul3A_462 : i32
      %mul3A_464 = arith.constant 1 : i32
      %mul3A_465 = arith.muli %add3A_435, %mul3A_464 : i32
      %add3A_466 = arith.addi %mul3A_465, %scan3A_461 : i32
      %run_scoped3A_467 = arith.constant 0 : i32
      "tpu.region"() ({
        %run_scoped3A_649 = tpu.sem_alloc : memref<!tpu.dma_semaphore, #tpu.memory_space<semaphore_mem>>
        %dma_start3A_650 = arith.constant 0 : i32
        %dma_start3A_651 = tpu.memref_slice %arg8[%run_scoped3A_467, %mul3A_463, %dma_start3A_650] : memref<2x128x128xf32, #tpu.memory_space<vmem>> -> memref<1x128x128xf32, #tpu.memory_space<vmem>>
        %dma_start3A_652 = tpu.memref_squeeze %dma_start3A_651 : memref<1x128x128xf32, #tpu.memory_space<vmem>> -> memref<128x128xf32, #tpu.memory_space<vmem>>
        %dma_start3A_653 = arith.constant 0 : i32
        %dma_start3A_654 = tpu.memref_slice %arg7[%add3A_466, %dma_start3A_653] : memref<80x128xi32, #tpu.memory_space<vmem>> -> memref<1x128xi32, #tpu.memory_space<vmem>>
        %dma_start3A_655 = tpu.memref_squeeze %dma_start3A_654 : memref<1x128xi32, #tpu.memory_space<vmem>> -> memref<128xi32, #tpu.memory_space<vmem>>
        %dma_start3A_656 = arith.constant 0 : i32
        %dma_start3A_657 = arith.constant 0 : i32
        %dma_start3A_658 = tpu.memref_slice %arg9[%dma_start3A_656, %dma_start3A_657] : memref<10112x128xf32, #tpu.memory_space<vmem_shared>> -> memref<10112x128xf32, #tpu.memory_space<vmem_shared>>
        tpu.enqueue_indirect_dma source(%dma_start3A_652 : memref<128x128xf32, #tpu.memory_space<vmem>>) target(%dma_start3A_658 : memref<10112x128xf32, #tpu.memory_space<vmem_shared>>) offsets(%dma_start3A_655 : memref<128xi32, #tpu.memory_space<vmem>>) semaphore(%run_scoped3A_649 : memref<!tpu.dma_semaphore, #tpu.memory_space<semaphore_mem>>) {add = true}
        %dma_wait3A_659 = arith.constant 0 : i32
        %dma_wait3A_660 = tpu.memref_slice %arg8[%run_scoped3A_467, %mul3A_463, %dma_wait3A_659] : memref<2x128x128xf32, #tpu.memory_space<vmem>> -> memref<1x128x128xf32, #tpu.memory_space<vmem>>
        %dma_wait3A_661 = tpu.memref_squeeze %dma_wait3A_660 : memref<1x128x128xf32, #tpu.memory_space<vmem>> -> memref<128x128xf32, #tpu.memory_space<vmem>>
        %dma_wait3A_662 = arith.constant 0 : i32
        %dma_wait3A_663 = tpu.memref_slice %arg7[%add3A_466, %dma_wait3A_662] : memref<80x128xi32, #tpu.memory_space<vmem>> -> memref<1x128xi32, #tpu.memory_space<vmem>>
        %dma_wait3A_664 = tpu.memref_squeeze %dma_wait3A_663 : memref<1x128xi32, #tpu.memory_space<vmem>> -> memref<128xi32, #tpu.memory_space<vmem>>
        %dma_wait3A_665 = arith.constant 0 : i32
        %dma_wait3A_666 = arith.constant 0 : i32
        %dma_wait3A_667 = tpu.memref_slice %arg9[%dma_wait3A_665, %dma_wait3A_666] : memref<10112x128xf32, #tpu.memory_space<vmem_shared>> -> memref<10112x128xf32, #tpu.memory_space<vmem_shared>>
        tpu.wait_indirect_dma semaphore(%run_scoped3A_649 : memref<!tpu.dma_semaphore, #tpu.memory_space<semaphore_mem>>) src(%dma_wait3A_661 : memref<128x128xf32, #tpu.memory_space<vmem>>) dst(%dma_wait3A_667 : memref<10112x128xf32, #tpu.memory_space<vmem_shared>>)
        tpu.yield
      }) : () -> ()
      %scan3A_468 = arith.constant 1 : i32
      %mul3A_469 = arith.constant 8 : i32
      %mul3A_470 = arith.muli %add3A_350, %mul3A_469 : i32
      %add3A_471 = arith.constant 3 : i32
      %add3A_472 = arith.addi %mul3A_470, %add3A_471 : i32
      %dma_start3A_473 = arith.constant 1 : i32
      %dma_start3A_474 = arith.constant 0 : i32
      %dma_start3A_475 = arith.constant 0 : i32
      %dma_start3A_476 = arith.constant 0 : i32
      %dma_start3A_477 = tpu.memref_slice %arg8[%dma_start3A_474, %dma_start3A_475, %dma_start3A_476] : memref<2x128x128xf32, #tpu.memory_space<vmem>> -> memref<1x128x128xf32, #tpu.memory_space<vmem>>
      %dma_start3A_478 = tpu.memref_squeeze %dma_start3A_477 : memref<1x128x128xf32, #tpu.memory_space<vmem>> -> memref<128x128xf32, #tpu.memory_space<vmem>>
      %dma_start3A_479 = arith.constant 512 : i32
      %dma_start3A_480 = tpu.memref_slice %arg6[%dma_start3A_473, %dma_start3A_479] : memref<2x1024xi32, #tpu.memory_space<vmem>> -> memref<1x128xi32, #tpu.memory_space<vmem>>
      %dma_start3A_481 = tpu.memref_squeeze %dma_start3A_480 : memref<1x128xi32, #tpu.memory_space<vmem>> -> memref<128xi32, #tpu.memory_space<vmem>>
      %dma_start3A_482 = arith.constant 0 : i32
      %dma_start3A_483 = arith.constant 0 : i32
      %dma_start3A_484 = tpu.memref_slice %arg2[%dma_start3A_482, %dma_start3A_483] : memref<10000x128xf32, #tpu.memory_space<hbm>> -> memref<10000x128xf32, #tpu.memory_space<hbm>>
      tpu.enqueue_indirect_dma source(%dma_start3A_484 : memref<10000x128xf32, #tpu.memory_space<hbm>>) target(%dma_start3A_478 : memref<128x128xf32, #tpu.memory_space<vmem>>) offsets(%dma_start3A_481 : memref<128xi32, #tpu.memory_space<vmem>>) semaphore(%arg10 : memref<!tpu.dma_semaphore, #tpu.memory_space<semaphore_mem>>)
      %dma_wait3A_485 = arith.constant 0 : i32
      %dma_wait3A_486 = arith.constant 1 : i32
      %dma_wait3A_487 = arith.constant 0 : i32
      %dma_wait3A_488 = arith.constant 0 : i32
      %dma_wait3A_489 = tpu.memref_slice %arg8[%dma_wait3A_486, %dma_wait3A_487, %dma_wait3A_488] : memref<2x128x128xf32, #tpu.memory_space<vmem>> -> memref<1x128x128xf32, #tpu.memory_space<vmem>>
      %dma_wait3A_490 = tpu.memref_squeeze %dma_wait3A_489 : memref<1x128x128xf32, #tpu.memory_space<vmem>> -> memref<128x128xf32, #tpu.memory_space<vmem>>
      %dma_wait3A_491 = arith.constant 0 : i32
      %dma_wait3A_492 = tpu.memref_slice %arg6[%dma_wait3A_485, %dma_wait3A_491] : memref<2x1024xi32, #tpu.memory_space<vmem>> -> memref<1x128xi32, #tpu.memory_space<vmem>>
      %dma_wait3A_493 = tpu.memref_squeeze %dma_wait3A_492 : memref<1x128xi32, #tpu.memory_space<vmem>> -> memref<128xi32, #tpu.memory_space<vmem>>
      %dma_wait3A_494 = arith.constant 0 : i32
      %dma_wait3A_495 = arith.constant 0 : i32
      %dma_wait3A_496 = tpu.memref_slice %arg2[%dma_wait3A_494, %dma_wait3A_495] : memref<10000x128xf32, #tpu.memory_space<hbm>> -> memref<10000x128xf32, #tpu.memory_space<hbm>>
      tpu.wait_indirect_dma semaphore(%arg11 : memref<!tpu.dma_semaphore, #tpu.memory_space<semaphore_mem>>) src(%dma_wait3A_496 : memref<10000x128xf32, #tpu.memory_space<hbm>>) dst(%dma_wait3A_490 : memref<128x128xf32, #tpu.memory_space<vmem>>)
      %scan3A_497 = arith.constant 0 : i32
      %scan3A_498 = arith.constant 0 : i32
      %mul3A_499 = arith.constant 128 : i32
      %mul3A_500 = arith.muli %scan3A_498, %mul3A_499 : i32
      %mul3A_501 = arith.constant 1 : i32
      %mul3A_502 = arith.muli %add3A_472, %mul3A_501 : i32
      %add3A_503 = arith.addi %mul3A_502, %scan3A_498 : i32
      %run_scoped3A_504 = arith.constant 1 : i32
      "tpu.region"() ({
        %run_scoped3A_649 = tpu.sem_alloc : memref<!tpu.dma_semaphore, #tpu.memory_space<semaphore_mem>>
        %dma_start3A_650 = arith.constant 0 : i32
        %dma_start3A_651 = tpu.memref_slice %arg8[%run_scoped3A_504, %mul3A_500, %dma_start3A_650] : memref<2x128x128xf32, #tpu.memory_space<vmem>> -> memref<1x128x128xf32, #tpu.memory_space<vmem>>
        %dma_start3A_652 = tpu.memref_squeeze %dma_start3A_651 : memref<1x128x128xf32, #tpu.memory_space<vmem>> -> memref<128x128xf32, #tpu.memory_space<vmem>>
        %dma_start3A_653 = arith.constant 0 : i32
        %dma_start3A_654 = tpu.memref_slice %arg7[%add3A_503, %dma_start3A_653] : memref<80x128xi32, #tpu.memory_space<vmem>> -> memref<1x128xi32, #tpu.memory_space<vmem>>
        %dma_start3A_655 = tpu.memref_squeeze %dma_start3A_654 : memref<1x128xi32, #tpu.memory_space<vmem>> -> memref<128xi32, #tpu.memory_space<vmem>>
        %dma_start3A_656 = arith.constant 0 : i32
        %dma_start3A_657 = arith.constant 0 : i32
        %dma_start3A_658 = tpu.memref_slice %arg9[%dma_start3A_656, %dma_start3A_657] : memref<10112x128xf32, #tpu.memory_space<vmem_shared>> -> memref<10112x128xf32, #tpu.memory_space<vmem_shared>>
        tpu.enqueue_indirect_dma source(%dma_start3A_652 : memref<128x128xf32, #tpu.memory_space<vmem>>) target(%dma_start3A_658 : memref<10112x128xf32, #tpu.memory_space<vmem_shared>>) offsets(%dma_start3A_655 : memref<128xi32, #tpu.memory_space<vmem>>) semaphore(%run_scoped3A_649 : memref<!tpu.dma_semaphore, #tpu.memory_space<semaphore_mem>>) {add = true}
        %dma_wait3A_659 = arith.constant 0 : i32
        %dma_wait3A_660 = tpu.memref_slice %arg8[%run_scoped3A_504, %mul3A_500, %dma_wait3A_659] : memref<2x128x128xf32, #tpu.memory_space<vmem>> -> memref<1x128x128xf32, #tpu.memory_space<vmem>>
        %dma_wait3A_661 = tpu.memref_squeeze %dma_wait3A_660 : memref<1x128x128xf32, #tpu.memory_space<vmem>> -> memref<128x128xf32, #tpu.memory_space<vmem>>
        %dma_wait3A_662 = arith.constant 0 : i32
        %dma_wait3A_663 = tpu.memref_slice %arg7[%add3A_503, %dma_wait3A_662] : memref<80x128xi32, #tpu.memory_space<vmem>> -> memref<1x128xi32, #tpu.memory_space<vmem>>
        %dma_wait3A_664 = tpu.memref_squeeze %dma_wait3A_663 : memref<1x128xi32, #tpu.memory_space<vmem>> -> memref<128xi32, #tpu.memory_space<vmem>>
        %dma_wait3A_665 = arith.constant 0 : i32
        %dma_wait3A_666 = arith.constant 0 : i32
        %dma_wait3A_667 = tpu.memref_slice %arg9[%dma_wait3A_665, %dma_wait3A_666] : memref<10112x128xf32, #tpu.memory_space<vmem_shared>> -> memref<10112x128xf32, #tpu.memory_space<vmem_shared>>
        tpu.wait_indirect_dma semaphore(%run_scoped3A_649 : memref<!tpu.dma_semaphore, #tpu.memory_space<semaphore_mem>>) src(%dma_wait3A_661 : memref<128x128xf32, #tpu.memory_space<vmem>>) dst(%dma_wait3A_667 : memref<10112x128xf32, #tpu.memory_space<vmem_shared>>)
        tpu.yield
      }) : () -> ()
      %scan3A_505 = arith.constant 1 : i32
      %mul3A_506 = arith.constant 8 : i32
      %mul3A_507 = arith.muli %add3A_350, %mul3A_506 : i32
      %add3A_508 = arith.constant 4 : i32
      %add3A_509 = arith.addi %mul3A_507, %add3A_508 : i32
      %dma_start3A_510 = arith.constant 1 : i32
      %dma_start3A_511 = arith.constant 1 : i32
      %dma_start3A_512 = arith.constant 0 : i32
      %dma_start3A_513 = arith.constant 0 : i32
      %dma_start3A_514 = tpu.memref_slice %arg8[%dma_start3A_511, %dma_start3A_512, %dma_start3A_513] : memref<2x128x128xf32, #tpu.memory_space<vmem>> -> memref<1x128x128xf32, #tpu.memory_space<vmem>>
      %dma_start3A_515 = tpu.memref_squeeze %dma_start3A_514 : memref<1x128x128xf32, #tpu.memory_space<vmem>> -> memref<128x128xf32, #tpu.memory_space<vmem>>
      %dma_start3A_516 = arith.constant 640 : i32
      %dma_start3A_517 = tpu.memref_slice %arg6[%dma_start3A_510, %dma_start3A_516] : memref<2x1024xi32, #tpu.memory_space<vmem>> -> memref<1x128xi32, #tpu.memory_space<vmem>>
      %dma_start3A_518 = tpu.memref_squeeze %dma_start3A_517 : memref<1x128xi32, #tpu.memory_space<vmem>> -> memref<128xi32, #tpu.memory_space<vmem>>
      %dma_start3A_519 = arith.constant 0 : i32
      %dma_start3A_520 = arith.constant 0 : i32
      %dma_start3A_521 = tpu.memref_slice %arg2[%dma_start3A_519, %dma_start3A_520] : memref<10000x128xf32, #tpu.memory_space<hbm>> -> memref<10000x128xf32, #tpu.memory_space<hbm>>
      tpu.enqueue_indirect_dma source(%dma_start3A_521 : memref<10000x128xf32, #tpu.memory_space<hbm>>) target(%dma_start3A_515 : memref<128x128xf32, #tpu.memory_space<vmem>>) offsets(%dma_start3A_518 : memref<128xi32, #tpu.memory_space<vmem>>) semaphore(%arg11 : memref<!tpu.dma_semaphore, #tpu.memory_space<semaphore_mem>>)
      %dma_wait3A_522 = arith.constant 0 : i32
      %dma_wait3A_523 = arith.constant 0 : i32
      %dma_wait3A_524 = arith.constant 0 : i32
      %dma_wait3A_525 = arith.constant 0 : i32
      %dma_wait3A_526 = tpu.memref_slice %arg8[%dma_wait3A_523, %dma_wait3A_524, %dma_wait3A_525] : memref<2x128x128xf32, #tpu.memory_space<vmem>> -> memref<1x128x128xf32, #tpu.memory_space<vmem>>
      %dma_wait3A_527 = tpu.memref_squeeze %dma_wait3A_526 : memref<1x128x128xf32, #tpu.memory_space<vmem>> -> memref<128x128xf32, #tpu.memory_space<vmem>>
      %dma_wait3A_528 = arith.constant 0 : i32
      %dma_wait3A_529 = tpu.memref_slice %arg6[%dma_wait3A_522, %dma_wait3A_528] : memref<2x1024xi32, #tpu.memory_space<vmem>> -> memref<1x128xi32, #tpu.memory_space<vmem>>
      %dma_wait3A_530 = tpu.memref_squeeze %dma_wait3A_529 : memref<1x128xi32, #tpu.memory_space<vmem>> -> memref<128xi32, #tpu.memory_space<vmem>>
      %dma_wait3A_531 = arith.constant 0 : i32
      %dma_wait3A_532 = arith.constant 0 : i32
      %dma_wait3A_533 = tpu.memref_slice %arg2[%dma_wait3A_531, %dma_wait3A_532] : memref<10000x128xf32, #tpu.memory_space<hbm>> -> memref<10000x128xf32, #tpu.memory_space<hbm>>
      tpu.wait_indirect_dma semaphore(%arg10 : memref<!tpu.dma_semaphore, #tpu.memory_space<semaphore_mem>>) src(%dma_wait3A_533 : memref<10000x128xf32, #tpu.memory_space<hbm>>) dst(%dma_wait3A_527 : memref<128x128xf32, #tpu.memory_space<vmem>>)
      %scan3A_534 = arith.constant 0 : i32
      %scan3A_535 = arith.constant 0 : i32
      %mul3A_536 = arith.constant 128 : i32
      %mul3A_537 = arith.muli %scan3A_535, %mul3A_536 : i32
      %mul3A_538 = arith.constant 1 : i32
      %mul3A_539 = arith.muli %add3A_509, %mul3A_538 : i32
      %add3A_540 = arith.addi %mul3A_539, %scan3A_535 : i32
      %run_scoped3A_541 = arith.constant 0 : i32
      "tpu.region"() ({
        %run_scoped3A_649 = tpu.sem_alloc : memref<!tpu.dma_semaphore, #tpu.memory_space<semaphore_mem>>
        %dma_start3A_650 = arith.constant 0 : i32
        %dma_start3A_651 = tpu.memref_slice %arg8[%run_scoped3A_541, %mul3A_537, %dma_start3A_650] : memref<2x128x128xf32, #tpu.memory_space<vmem>> -> memref<1x128x128xf32, #tpu.memory_space<vmem>>
        %dma_start3A_652 = tpu.memref_squeeze %dma_start3A_651 : memref<1x128x128xf32, #tpu.memory_space<vmem>> -> memref<128x128xf32, #tpu.memory_space<vmem>>
        %dma_start3A_653 = arith.constant 0 : i32
        %dma_start3A_654 = tpu.memref_slice %arg7[%add3A_540, %dma_start3A_653] : memref<80x128xi32, #tpu.memory_space<vmem>> -> memref<1x128xi32, #tpu.memory_space<vmem>>
        %dma_start3A_655 = tpu.memref_squeeze %dma_start3A_654 : memref<1x128xi32, #tpu.memory_space<vmem>> -> memref<128xi32, #tpu.memory_space<vmem>>
        %dma_start3A_656 = arith.constant 0 : i32
        %dma_start3A_657 = arith.constant 0 : i32
        %dma_start3A_658 = tpu.memref_slice %arg9[%dma_start3A_656, %dma_start3A_657] : memref<10112x128xf32, #tpu.memory_space<vmem_shared>> -> memref<10112x128xf32, #tpu.memory_space<vmem_shared>>
        tpu.enqueue_indirect_dma source(%dma_start3A_652 : memref<128x128xf32, #tpu.memory_space<vmem>>) target(%dma_start3A_658 : memref<10112x128xf32, #tpu.memory_space<vmem_shared>>) offsets(%dma_start3A_655 : memref<128xi32, #tpu.memory_space<vmem>>) semaphore(%run_scoped3A_649 : memref<!tpu.dma_semaphore, #tpu.memory_space<semaphore_mem>>) {add = true}
        %dma_wait3A_659 = arith.constant 0 : i32
        %dma_wait3A_660 = tpu.memref_slice %arg8[%run_scoped3A_541, %mul3A_537, %dma_wait3A_659] : memref<2x128x128xf32, #tpu.memory_space<vmem>> -> memref<1x128x128xf32, #tpu.memory_space<vmem>>
        %dma_wait3A_661 = tpu.memref_squeeze %dma_wait3A_660 : memref<1x128x128xf32, #tpu.memory_space<vmem>> -> memref<128x128xf32, #tpu.memory_space<vmem>>
        %dma_wait3A_662 = arith.constant 0 : i32
        %dma_wait3A_663 = tpu.memref_slice %arg7[%add3A_540, %dma_wait3A_662] : memref<80x128xi32, #tpu.memory_space<vmem>> -> memref<1x128xi32, #tpu.memory_space<vmem>>
        %dma_wait3A_664 = tpu.memref_squeeze %dma_wait3A_663 : memref<1x128xi32, #tpu.memory_space<vmem>> -> memref<128xi32, #tpu.memory_space<vmem>>
        %dma_wait3A_665 = arith.constant 0 : i32
        %dma_wait3A_666 = arith.constant 0 : i32
        %dma_wait3A_667 = tpu.memref_slice %arg9[%dma_wait3A_665, %dma_wait3A_666] : memref<10112x128xf32, #tpu.memory_space<vmem_shared>> -> memref<10112x128xf32, #tpu.memory_space<vmem_shared>>
        tpu.wait_indirect_dma semaphore(%run_scoped3A_649 : memref<!tpu.dma_semaphore, #tpu.memory_space<semaphore_mem>>) src(%dma_wait3A_661 : memref<128x128xf32, #tpu.memory_space<vmem>>) dst(%dma_wait3A_667 : memref<10112x128xf32, #tpu.memory_space<vmem_shared>>)
        tpu.yield
      }) : () -> ()
      %scan3A_542 = arith.constant 1 : i32
      %mul3A_543 = arith.constant 8 : i32
      %mul3A_544 = arith.muli %add3A_350, %mul3A_543 : i32
      %add3A_545 = arith.constant 5 : i32
      %add3A_546 = arith.addi %mul3A_544, %add3A_545 : i32
      %dma_start3A_547 = arith.constant 1 : i32
      %dma_start3A_548 = arith.constant 0 : i32
      %dma_start3A_549 = arith.constant 0 : i32
      %dma_start3A_550 = arith.constant 0 : i32
      %dma_start3A_551 = tpu.memref_slice %arg8[%dma_start3A_548, %dma_start3A_549, %dma_start3A_550] : memref<2x128x128xf32, #tpu.memory_space<vmem>> -> memref<1x128x128xf32, #tpu.memory_space<vmem>>
      %dma_start3A_552 = tpu.memref_squeeze %dma_start3A_551 : memref<1x128x128xf32, #tpu.memory_space<vmem>> -> memref<128x128xf32, #tpu.memory_space<vmem>>
      %dma_start3A_553 = arith.constant 768 : i32
      %dma_start3A_554 = tpu.memref_slice %arg6[%dma_start3A_547, %dma_start3A_553] : memref<2x1024xi32, #tpu.memory_space<vmem>> -> memref<1x128xi32, #tpu.memory_space<vmem>>
      %dma_start3A_555 = tpu.memref_squeeze %dma_start3A_554 : memref<1x128xi32, #tpu.memory_space<vmem>> -> memref<128xi32, #tpu.memory_space<vmem>>
      %dma_start3A_556 = arith.constant 0 : i32
      %dma_start3A_557 = arith.constant 0 : i32
      %dma_start3A_558 = tpu.memref_slice %arg2[%dma_start3A_556, %dma_start3A_557] : memref<10000x128xf32, #tpu.memory_space<hbm>> -> memref<10000x128xf32, #tpu.memory_space<hbm>>
      tpu.enqueue_indirect_dma source(%dma_start3A_558 : memref<10000x128xf32, #tpu.memory_space<hbm>>) target(%dma_start3A_552 : memref<128x128xf32, #tpu.memory_space<vmem>>) offsets(%dma_start3A_555 : memref<128xi32, #tpu.memory_space<vmem>>) semaphore(%arg10 : memref<!tpu.dma_semaphore, #tpu.memory_space<semaphore_mem>>)
      %dma_wait3A_559 = arith.constant 0 : i32
      %dma_wait3A_560 = arith.constant 1 : i32
      %dma_wait3A_561 = arith.constant 0 : i32
      %dma_wait3A_562 = arith.constant 0 : i32
      %dma_wait3A_563 = tpu.memref_slice %arg8[%dma_wait3A_560, %dma_wait3A_561, %dma_wait3A_562] : memref<2x128x128xf32, #tpu.memory_space<vmem>> -> memref<1x128x128xf32, #tpu.memory_space<vmem>>
      %dma_wait3A_564 = tpu.memref_squeeze %dma_wait3A_563 : memref<1x128x128xf32, #tpu.memory_space<vmem>> -> memref<128x128xf32, #tpu.memory_space<vmem>>
      %dma_wait3A_565 = arith.constant 0 : i32
      %dma_wait3A_566 = tpu.memref_slice %arg6[%dma_wait3A_559, %dma_wait3A_565] : memref<2x1024xi32, #tpu.memory_space<vmem>> -> memref<1x128xi32, #tpu.memory_space<vmem>>
      %dma_wait3A_567 = tpu.memref_squeeze %dma_wait3A_566 : memref<1x128xi32, #tpu.memory_space<vmem>> -> memref<128xi32, #tpu.memory_space<vmem>>
      %dma_wait3A_568 = arith.constant 0 : i32
      %dma_wait3A_569 = arith.constant 0 : i32
      %dma_wait3A_570 = tpu.memref_slice %arg2[%dma_wait3A_568, %dma_wait3A_569] : memref<10000x128xf32, #tpu.memory_space<hbm>> -> memref<10000x128xf32, #tpu.memory_space<hbm>>
      tpu.wait_indirect_dma semaphore(%arg11 : memref<!tpu.dma_semaphore, #tpu.memory_space<semaphore_mem>>) src(%dma_wait3A_570 : memref<10000x128xf32, #tpu.memory_space<hbm>>) dst(%dma_wait3A_564 : memref<128x128xf32, #tpu.memory_space<vmem>>)
      %scan3A_571 = arith.constant 0 : i32
      %scan3A_572 = arith.constant 0 : i32
      %mul3A_573 = arith.constant 128 : i32
      %mul3A_574 = arith.muli %scan3A_572, %mul3A_573 : i32
      %mul3A_575 = arith.constant 1 : i32
      %mul3A_576 = arith.muli %add3A_546, %mul3A_575 : i32
      %add3A_577 = arith.addi %mul3A_576, %scan3A_572 : i32
      %run_scoped3A_578 = arith.constant 1 : i32
      "tpu.region"() ({
        %run_scoped3A_649 = tpu.sem_alloc : memref<!tpu.dma_semaphore, #tpu.memory_space<semaphore_mem>>
        %dma_start3A_650 = arith.constant 0 : i32
        %dma_start3A_651 = tpu.memref_slice %arg8[%run_scoped3A_578, %mul3A_574, %dma_start3A_650] : memref<2x128x128xf32, #tpu.memory_space<vmem>> -> memref<1x128x128xf32, #tpu.memory_space<vmem>>
        %dma_start3A_652 = tpu.memref_squeeze %dma_start3A_651 : memref<1x128x128xf32, #tpu.memory_space<vmem>> -> memref<128x128xf32, #tpu.memory_space<vmem>>
        %dma_start3A_653 = arith.constant 0 : i32
        %dma_start3A_654 = tpu.memref_slice %arg7[%add3A_577, %dma_start3A_653] : memref<80x128xi32, #tpu.memory_space<vmem>> -> memref<1x128xi32, #tpu.memory_space<vmem>>
        %dma_start3A_655 = tpu.memref_squeeze %dma_start3A_654 : memref<1x128xi32, #tpu.memory_space<vmem>> -> memref<128xi32, #tpu.memory_space<vmem>>
        %dma_start3A_656 = arith.constant 0 : i32
        %dma_start3A_657 = arith.constant 0 : i32
        %dma_start3A_658 = tpu.memref_slice %arg9[%dma_start3A_656, %dma_start3A_657] : memref<10112x128xf32, #tpu.memory_space<vmem_shared>> -> memref<10112x128xf32, #tpu.memory_space<vmem_shared>>
        tpu.enqueue_indirect_dma source(%dma_start3A_652 : memref<128x128xf32, #tpu.memory_space<vmem>>) target(%dma_start3A_658 : memref<10112x128xf32, #tpu.memory_space<vmem_shared>>) offsets(%dma_start3A_655 : memref<128xi32, #tpu.memory_space<vmem>>) semaphore(%run_scoped3A_649 : memref<!tpu.dma_semaphore, #tpu.memory_space<semaphore_mem>>) {add = true}
        %dma_wait3A_659 = arith.constant 0 : i32
        %dma_wait3A_660 = tpu.memref_slice %arg8[%run_scoped3A_578, %mul3A_574, %dma_wait3A_659] : memref<2x128x128xf32, #tpu.memory_space<vmem>> -> memref<1x128x128xf32, #tpu.memory_space<vmem>>
        %dma_wait3A_661 = tpu.memref_squeeze %dma_wait3A_660 : memref<1x128x128xf32, #tpu.memory_space<vmem>> -> memref<128x128xf32, #tpu.memory_space<vmem>>
        %dma_wait3A_662 = arith.constant 0 : i32
        %dma_wait3A_663 = tpu.memref_slice %arg7[%add3A_577, %dma_wait3A_662] : memref<80x128xi32, #tpu.memory_space<vmem>> -> memref<1x128xi32, #tpu.memory_space<vmem>>
        %dma_wait3A_664 = tpu.memref_squeeze %dma_wait3A_663 : memref<1x128xi32, #tpu.memory_space<vmem>> -> memref<128xi32, #tpu.memory_space<vmem>>
        %dma_wait3A_665 = arith.constant 0 : i32
        %dma_wait3A_666 = arith.constant 0 : i32
        %dma_wait3A_667 = tpu.memref_slice %arg9[%dma_wait3A_665, %dma_wait3A_666] : memref<10112x128xf32, #tpu.memory_space<vmem_shared>> -> memref<10112x128xf32, #tpu.memory_space<vmem_shared>>
        tpu.wait_indirect_dma semaphore(%run_scoped3A_649 : memref<!tpu.dma_semaphore, #tpu.memory_space<semaphore_mem>>) src(%dma_wait3A_661 : memref<128x128xf32, #tpu.memory_space<vmem>>) dst(%dma_wait3A_667 : memref<10112x128xf32, #tpu.memory_space<vmem_shared>>)
        tpu.yield
      }) : () -> ()
      %scan3A_579 = arith.constant 1 : i32
      %mul3A_580 = arith.constant 8 : i32
      %mul3A_581 = arith.muli %add3A_350, %mul3A_580 : i32
      %add3A_582 = arith.constant 6 : i32
      %add3A_583 = arith.addi %mul3A_581, %add3A_582 : i32
      %dma_start3A_584 = arith.constant 1 : i32
      %dma_start3A_585 = arith.constant 1 : i32
      %dma_start3A_586 = arith.constant 0 : i32
      %dma_start3A_587 = arith.constant 0 : i32
      %dma_start3A_588 = tpu.memref_slice %arg8[%dma_start3A_585, %dma_start3A_586, %dma_start3A_587] : memref<2x128x128xf32, #tpu.memory_space<vmem>> -> memref<1x128x128xf32, #tpu.memory_space<vmem>>
      %dma_start3A_589 = tpu.memref_squeeze %dma_start3A_588 : memref<1x128x128xf32, #tpu.memory_space<vmem>> -> memref<128x128xf32, #tpu.memory_space<vmem>>
      %dma_start3A_590 = arith.constant 896 : i32
      %dma_start3A_591 = tpu.memref_slice %arg6[%dma_start3A_584, %dma_start3A_590] : memref<2x1024xi32, #tpu.memory_space<vmem>> -> memref<1x128xi32, #tpu.memory_space<vmem>>
      %dma_start3A_592 = tpu.memref_squeeze %dma_start3A_591 : memref<1x128xi32, #tpu.memory_space<vmem>> -> memref<128xi32, #tpu.memory_space<vmem>>
      %dma_start3A_593 = arith.constant 0 : i32
      %dma_start3A_594 = arith.constant 0 : i32
      %dma_start3A_595 = tpu.memref_slice %arg2[%dma_start3A_593, %dma_start3A_594] : memref<10000x128xf32, #tpu.memory_space<hbm>> -> memref<10000x128xf32, #tpu.memory_space<hbm>>
      tpu.enqueue_indirect_dma source(%dma_start3A_595 : memref<10000x128xf32, #tpu.memory_space<hbm>>) target(%dma_start3A_589 : memref<128x128xf32, #tpu.memory_space<vmem>>) offsets(%dma_start3A_592 : memref<128xi32, #tpu.memory_space<vmem>>) semaphore(%arg11 : memref<!tpu.dma_semaphore, #tpu.memory_space<semaphore_mem>>)
      %dma_wait3A_596 = arith.constant 0 : i32
      %dma_wait3A_597 = arith.constant 0 : i32
      %dma_wait3A_598 = arith.constant 0 : i32
      %dma_wait3A_599 = arith.constant 0 : i32
      %dma_wait3A_600 = tpu.memref_slice %arg8[%dma_wait3A_597, %dma_wait3A_598, %dma_wait3A_599] : memref<2x128x128xf32, #tpu.memory_space<vmem>> -> memref<1x128x128xf32, #tpu.memory_space<vmem>>
      %dma_wait3A_601 = tpu.memref_squeeze %dma_wait3A_600 : memref<1x128x128xf32, #tpu.memory_space<vmem>> -> memref<128x128xf32, #tpu.memory_space<vmem>>
      %dma_wait3A_602 = arith.constant 0 : i32
      %dma_wait3A_603 = tpu.memref_slice %arg6[%dma_wait3A_596, %dma_wait3A_602] : memref<2x1024xi32, #tpu.memory_space<vmem>> -> memref<1x128xi32, #tpu.memory_space<vmem>>
      %dma_wait3A_604 = tpu.memref_squeeze %dma_wait3A_603 : memref<1x128xi32, #tpu.memory_space<vmem>> -> memref<128xi32, #tpu.memory_space<vmem>>
      %dma_wait3A_605 = arith.constant 0 : i32
      %dma_wait3A_606 = arith.constant 0 : i32
      %dma_wait3A_607 = tpu.memref_slice %arg2[%dma_wait3A_605, %dma_wait3A_606] : memref<10000x128xf32, #tpu.memory_space<hbm>> -> memref<10000x128xf32, #tpu.memory_space<hbm>>
      tpu.wait_indirect_dma semaphore(%arg10 : memref<!tpu.dma_semaphore, #tpu.memory_space<semaphore_mem>>) src(%dma_wait3A_607 : memref<10000x128xf32, #tpu.memory_space<hbm>>) dst(%dma_wait3A_601 : memref<128x128xf32, #tpu.memory_space<vmem>>)
      %scan3A_608 = arith.constant 0 : i32
      %scan3A_609 = arith.constant 0 : i32
      %mul3A_610 = arith.constant 128 : i32
      %mul3A_611 = arith.muli %scan3A_609, %mul3A_610 : i32
      %mul3A_612 = arith.constant 1 : i32
      %mul3A_613 = arith.muli %add3A_583, %mul3A_612 : i32
      %add3A_614 = arith.addi %mul3A_613, %scan3A_609 : i32
      %run_scoped3A_615 = arith.constant 0 : i32
      "tpu.region"() ({
        %run_scoped3A_649 = tpu.sem_alloc : memref<!tpu.dma_semaphore, #tpu.memory_space<semaphore_mem>>
        %dma_start3A_650 = arith.constant 0 : i32
        %dma_start3A_651 = tpu.memref_slice %arg8[%run_scoped3A_615, %mul3A_611, %dma_start3A_650] : memref<2x128x128xf32, #tpu.memory_space<vmem>> -> memref<1x128x128xf32, #tpu.memory_space<vmem>>
        %dma_start3A_652 = tpu.memref_squeeze %dma_start3A_651 : memref<1x128x128xf32, #tpu.memory_space<vmem>> -> memref<128x128xf32, #tpu.memory_space<vmem>>
        %dma_start3A_653 = arith.constant 0 : i32
        %dma_start3A_654 = tpu.memref_slice %arg7[%add3A_614, %dma_start3A_653] : memref<80x128xi32, #tpu.memory_space<vmem>> -> memref<1x128xi32, #tpu.memory_space<vmem>>
        %dma_start3A_655 = tpu.memref_squeeze %dma_start3A_654 : memref<1x128xi32, #tpu.memory_space<vmem>> -> memref<128xi32, #tpu.memory_space<vmem>>
        %dma_start3A_656 = arith.constant 0 : i32
        %dma_start3A_657 = arith.constant 0 : i32
        %dma_start3A_658 = tpu.memref_slice %arg9[%dma_start3A_656, %dma_start3A_657] : memref<10112x128xf32, #tpu.memory_space<vmem_shared>> -> memref<10112x128xf32, #tpu.memory_space<vmem_shared>>
        tpu.enqueue_indirect_dma source(%dma_start3A_652 : memref<128x128xf32, #tpu.memory_space<vmem>>) target(%dma_start3A_658 : memref<10112x128xf32, #tpu.memory_space<vmem_shared>>) offsets(%dma_start3A_655 : memref<128xi32, #tpu.memory_space<vmem>>) semaphore(%run_scoped3A_649 : memref<!tpu.dma_semaphore, #tpu.memory_space<semaphore_mem>>) {add = true}
        %dma_wait3A_659 = arith.constant 0 : i32
        %dma_wait3A_660 = tpu.memref_slice %arg8[%run_scoped3A_615, %mul3A_611, %dma_wait3A_659] : memref<2x128x128xf32, #tpu.memory_space<vmem>> -> memref<1x128x128xf32, #tpu.memory_space<vmem>>
        %dma_wait3A_661 = tpu.memref_squeeze %dma_wait3A_660 : memref<1x128x128xf32, #tpu.memory_space<vmem>> -> memref<128x128xf32, #tpu.memory_space<vmem>>
        %dma_wait3A_662 = arith.constant 0 : i32
        %dma_wait3A_663 = tpu.memref_slice %arg7[%add3A_614, %dma_wait3A_662] : memref<80x128xi32, #tpu.memory_space<vmem>> -> memref<1x128xi32, #tpu.memory_space<vmem>>
        %dma_wait3A_664 = tpu.memref_squeeze %dma_wait3A_663 : memref<1x128xi32, #tpu.memory_space<vmem>> -> memref<128xi32, #tpu.memory_space<vmem>>
        %dma_wait3A_665 = arith.constant 0 : i32
        %dma_wait3A_666 = arith.constant 0 : i32
        %dma_wait3A_667 = tpu.memref_slice %arg9[%dma_wait3A_665, %dma_wait3A_666] : memref<10112x128xf32, #tpu.memory_space<vmem_shared>> -> memref<10112x128xf32, #tpu.memory_space<vmem_shared>>
        tpu.wait_indirect_dma semaphore(%run_scoped3A_649 : memref<!tpu.dma_semaphore, #tpu.memory_space<semaphore_mem>>) src(%dma_wait3A_661 : memref<128x128xf32, #tpu.memory_space<vmem>>) dst(%dma_wait3A_667 : memref<10112x128xf32, #tpu.memory_space<vmem_shared>>)
        tpu.yield
      }) : () -> ()
      %scan3A_616 = arith.constant 1 : i32
      %mul3A_617 = arith.constant 8 : i32
      %mul3A_618 = arith.muli %add3A_350, %mul3A_617 : i32
      %add3A_619 = arith.constant 7 : i32
      %add3A_620 = arith.addi %mul3A_618, %add3A_619 : i32
      %add3A_621 = arith.constant 1 : i32
      %add3A_622 = arith.addi %add3A_620, %add3A_621 : i32
      %lt3A_623 = arith.constant 80 : i32
      %lt3A_624 = arith.cmpi slt, %add3A_622, %lt3A_623 : i32
      %convert_element_type3A_625 = arith.extui %lt3A_624 : i1 to i32
      %cond3A_626 = arith.constant 0 : i32
      %cond3A_627 = arith.cmpi ne, %convert_element_type3A_625, %cond3A_626 : i32
      scf.if %cond3A_627 {
        %dma_start3A_649 = arith.constant 0 : i32
        %dma_start3A_650 = arith.constant 0 : i32
        %dma_start3A_651 = arith.constant 0 : i32
        %dma_start3A_652 = arith.constant 0 : i32
        %dma_start3A_653 = tpu.memref_slice %arg8[%dma_start3A_650, %dma_start3A_651, %dma_start3A_652] : memref<2x128x128xf32, #tpu.memory_space<vmem>> -> memref<1x128x128xf32, #tpu.memory_space<vmem>>
        %dma_start3A_654 = tpu.memref_squeeze %dma_start3A_653 : memref<1x128x128xf32, #tpu.memory_space<vmem>> -> memref<128x128xf32, #tpu.memory_space<vmem>>
        %dma_start3A_655 = arith.constant 0 : i32
        %dma_start3A_656 = tpu.memref_slice %arg6[%dma_start3A_649, %dma_start3A_655] : memref<2x1024xi32, #tpu.memory_space<vmem>> -> memref<1x128xi32, #tpu.memory_space<vmem>>
        %dma_start3A_657 = tpu.memref_squeeze %dma_start3A_656 : memref<1x128xi32, #tpu.memory_space<vmem>> -> memref<128xi32, #tpu.memory_space<vmem>>
        %dma_start3A_658 = arith.constant 0 : i32
        %dma_start3A_659 = arith.constant 0 : i32
        %dma_start3A_660 = tpu.memref_slice %arg2[%dma_start3A_658, %dma_start3A_659] : memref<10000x128xf32, #tpu.memory_space<hbm>> -> memref<10000x128xf32, #tpu.memory_space<hbm>>
        tpu.enqueue_indirect_dma source(%dma_start3A_660 : memref<10000x128xf32, #tpu.memory_space<hbm>>) target(%dma_start3A_654 : memref<128x128xf32, #tpu.memory_space<vmem>>) offsets(%dma_start3A_657 : memref<128xi32, #tpu.memory_space<vmem>>) semaphore(%arg10 : memref<!tpu.dma_semaphore, #tpu.memory_space<semaphore_mem>>)
      } else {
      }
      %dma_wait3A_628 = arith.constant 0 : i32
      %dma_wait3A_629 = arith.constant 1 : i32
      %dma_wait3A_630 = arith.constant 0 : i32
      %dma_wait3A_631 = arith.constant 0 : i32
      %dma_wait3A_632 = tpu.memref_slice %arg8[%dma_wait3A_629, %dma_wait3A_630, %dma_wait3A_631] : memref<2x128x128xf32, #tpu.memory_space<vmem>> -> memref<1x128x128xf32, #tpu.memory_space<vmem>>
      %dma_wait3A_633 = tpu.memref_squeeze %dma_wait3A_632 : memref<1x128x128xf32, #tpu.memory_space<vmem>> -> memref<128x128xf32, #tpu.memory_space<vmem>>
      %dma_wait3A_634 = arith.constant 0 : i32
      %dma_wait3A_635 = tpu.memref_slice %arg6[%dma_wait3A_628, %dma_wait3A_634] : memref<2x1024xi32, #tpu.memory_space<vmem>> -> memref<1x128xi32, #tpu.memory_space<vmem>>
      %dma_wait3A_636 = tpu.memref_squeeze %dma_wait3A_635 : memref<1x128xi32, #tpu.memory_space<vmem>> -> memref<128xi32, #tpu.memory_space<vmem>>
      %dma_wait3A_637 = arith.constant 0 : i32
      %dma_wait3A_638 = arith.constant 0 : i32
      %dma_wait3A_639 = tpu.memref_slice %arg2[%dma_wait3A_637, %dma_wait3A_638] : memref<10000x128xf32, #tpu.memory_space<hbm>> -> memref<10000x128xf32, #tpu.memory_space<hbm>>
      tpu.wait_indirect_dma semaphore(%arg11 : memref<!tpu.dma_semaphore, #tpu.memory_space<semaphore_mem>>) src(%dma_wait3A_639 : memref<10000x128xf32, #tpu.memory_space<hbm>>) dst(%dma_wait3A_633 : memref<128x128xf32, #tpu.memory_space<vmem>>)
      %scan3A_640 = arith.constant 0 : i32
      %scan3A_641 = arith.constant 0 : i32
      %mul3A_642 = arith.constant 128 : i32
      %mul3A_643 = arith.muli %scan3A_641, %mul3A_642 : i32
      %mul3A_644 = arith.constant 1 : i32
      %mul3A_645 = arith.muli %add3A_620, %mul3A_644 : i32
      %add3A_646 = arith.addi %mul3A_645, %scan3A_641 : i32
      %run_scoped3A_647 = arith.constant 1 : i32
      "tpu.region"() ({
        %run_scoped3A_649 = tpu.sem_alloc : memref<!tpu.dma_semaphore, #tpu.memory_space<semaphore_mem>>
        %dma_start3A_650 = arith.constant 0 : i32
        %dma_start3A_651 = tpu.memref_slice %arg8[%run_scoped3A_647, %mul3A_643, %dma_start3A_650] : memref<2x128x128xf32, #tpu.memory_space<vmem>> -> memref<1x128x128xf32, #tpu.memory_space<vmem>>
        %dma_start3A_652 = tpu.memref_squeeze %dma_start3A_651 : memref<1x128x128xf32, #tpu.memory_space<vmem>> -> memref<128x128xf32, #tpu.memory_space<vmem>>
        %dma_start3A_653 = arith.constant 0 : i32
        %dma_start3A_654 = tpu.memref_slice %arg7[%add3A_646, %dma_start3A_653] : memref<80x128xi32, #tpu.memory_space<vmem>> -> memref<1x128xi32, #tpu.memory_space<vmem>>
        %dma_start3A_655 = tpu.memref_squeeze %dma_start3A_654 : memref<1x128xi32, #tpu.memory_space<vmem>> -> memref<128xi32, #tpu.memory_space<vmem>>
        %dma_start3A_656 = arith.constant 0 : i32
        %dma_start3A_657 = arith.constant 0 : i32
        %dma_start3A_658 = tpu.memref_slice %arg9[%dma_start3A_656, %dma_start3A_657] : memref<10112x128xf32, #tpu.memory_space<vmem_shared>> -> memref<10112x128xf32, #tpu.memory_space<vmem_shared>>
        tpu.enqueue_indirect_dma source(%dma_start3A_652 : memref<128x128xf32, #tpu.memory_space<vmem>>) target(%dma_start3A_658 : memref<10112x128xf32, #tpu.memory_space<vmem_shared>>) offsets(%dma_start3A_655 : memref<128xi32, #tpu.memory_space<vmem>>) semaphore(%run_scoped3A_649 : memref<!tpu.dma_semaphore, #tpu.memory_space<semaphore_mem>>) {add = true}
        %dma_wait3A_659 = arith.constant 0 : i32
        %dma_wait3A_660 = tpu.memref_slice %arg8[%run_scoped3A_647, %mul3A_643, %dma_wait3A_659] : memref<2x128x128xf32, #tpu.memory_space<vmem>> -> memref<1x128x128xf32, #tpu.memory_space<vmem>>
        %dma_wait3A_661 = tpu.memref_squeeze %dma_wait3A_660 : memref<1x128x128xf32, #tpu.memory_space<vmem>> -> memref<128x128xf32, #tpu.memory_space<vmem>>
        %dma_wait3A_662 = arith.constant 0 : i32
        %dma_wait3A_663 = tpu.memref_slice %arg7[%add3A_646, %dma_wait3A_662] : memref<80x128xi32, #tpu.memory_space<vmem>> -> memref<1x128xi32, #tpu.memory_space<vmem>>
        %dma_wait3A_664 = tpu.memref_squeeze %dma_wait3A_663 : memref<1x128xi32, #tpu.memory_space<vmem>> -> memref<128xi32, #tpu.memory_space<vmem>>
        %dma_wait3A_665 = arith.constant 0 : i32
        %dma_wait3A_666 = arith.constant 0 : i32
        %dma_wait3A_667 = tpu.memref_slice %arg9[%dma_wait3A_665, %dma_wait3A_666] : memref<10112x128xf32, #tpu.memory_space<vmem_shared>> -> memref<10112x128xf32, #tpu.memory_space<vmem_shared>>
        tpu.wait_indirect_dma semaphore(%run_scoped3A_649 : memref<!tpu.dma_semaphore, #tpu.memory_space<semaphore_mem>>) src(%dma_wait3A_661 : memref<128x128xf32, #tpu.memory_space<vmem>>) dst(%dma_wait3A_667 : memref<10112x128xf32, #tpu.memory_space<vmem_shared>>)
        tpu.yield
      }) : () -> ()
      %scan3A_648 = arith.constant 1 : i32
    }
    %scan3A_46 = arith.constant 5 : i32
    %barrier3A_47 = arith.constant 0 : index
    tpu.barrier barrier_id(%barrier3A_47)
    "tpu.region"() ({
      %run_scoped3A_48 = tpu.sem_alloc : memref<!tpu.dma_semaphore, #tpu.memory_space<semaphore_mem>>
      %dma_start3A_49 = arith.constant 0 : i32
      %dma_start3A_50 = tpu.memref_slice %arg5[%arg0, %mul3A_2, %dma_start3A_49] : memref<2x10112x128xf32, #tpu.memory_space<hbm>> -> memref<1x632x128xf32, #tpu.memory_space<hbm>>
      %dma_start3A_51 = tpu.memref_squeeze %dma_start3A_50 : memref<1x632x128xf32, #tpu.memory_space<hbm>> -> memref<632x128xf32, #tpu.memory_space<hbm>>
      %dma_start3A_52 = arith.constant 0 : i32
      %dma_start3A_53 = tpu.memref_slice %arg9[%mul3A_2, %dma_start3A_52] : memref<10112x128xf32, #tpu.memory_space<vmem_shared>> -> memref<632x128xf32, #tpu.memory_space<vmem_shared>>
      tpu.enqueue_dma source(%dma_start3A_53 : memref<632x128xf32, #tpu.memory_space<vmem_shared>>) target(%dma_start3A_51 : memref<632x128xf32, #tpu.memory_space<hbm>>) target_semaphore(%run_scoped3A_48 : memref<!tpu.dma_semaphore, #tpu.memory_space<semaphore_mem>>)
      %dma_wait3A = arith.constant 0 : i32
      %dma_wait3A_54 = tpu.memref_slice %arg5[%arg0, %mul3A_2, %dma_wait3A] : memref<2x10112x128xf32, #tpu.memory_space<hbm>> -> memref<1x632x128xf32, #tpu.memory_space<hbm>>
      %dma_wait3A_55 = tpu.memref_squeeze %dma_wait3A_54 : memref<1x632x128xf32, #tpu.memory_space<hbm>> -> memref<632x128xf32, #tpu.memory_space<hbm>>
      %dma_wait3A_56 = arith.constant 0 : i32
      %dma_wait3A_57 = tpu.memref_slice %arg9[%mul3A_2, %dma_wait3A_56] : memref<10112x128xf32, #tpu.memory_space<vmem_shared>> -> memref<632x128xf32, #tpu.memory_space<vmem_shared>>
      tpu.wait_dma2 semaphore(%run_scoped3A_48 : memref<!tpu.dma_semaphore, #tpu.memory_space<semaphore_mem>>) src(%dma_wait3A_57 : memref<632x128xf32, #tpu.memory_space<vmem_shared>>) dst(%dma_wait3A_55 : memref<632x128xf32, #tpu.memory_space<hbm>>)
      tpu.yield
    }) : () -> ()
    return
  }
}

module attributes {stable_mosaic.version = 14 : i64} {
  func.func @_pre_stage(%arg0: memref<2x10112x16xf32, #tpu.memory_space<vmem>>, %arg1: memref<10000x128xf32, #tpu.memory_space<vmem>>, %arg2: memref<128x128xf32, #tpu.memory_space<vmem>>, %arg3: memref<10000x1xf32, #tpu.memory_space<vmem>>, %arg4: memref<10000x128xf32, #tpu.memory_space<vmem>>) attributes {dimension_semantics = [], scalar_prefetch = 0 : i64, scratch_operands = 0 : i64, tpu.core_type = #tpu.core_type<tc>} {
    %get3A = arith.constant 0 : index
    %get3A_0 = arith.constant 0 : index
    %get3A_1 = arith.constant 0 : index
    %get3A_2 = vector.load %arg0[%get3A, %get3A_0, %get3A_1] : memref<2x10112x16xf32, #tpu.memory_space<vmem>>, vector<1x10000x1xf32>
    %get3A_3 = vector.shape_cast %get3A_2 : vector<1x10000x1xf32> to vector<10000x1xf32>
    %add3A = arith.constant 1.000000e+00 : f32
    %add3A_4 = vector.broadcast %add3A : f32 to vector<10000x1xf32>
    %add3A_5 = arith.addf %add3A_4, %get3A_3 : vector<10000x1xf32>
    %get3A_6 = arith.constant 1 : index
    %get3A_7 = arith.constant 0 : index
    %get3A_8 = arith.constant 0 : index
    %get3A_9 = vector.load %arg0[%get3A_6, %get3A_7, %get3A_8] : memref<2x10112x16xf32, #tpu.memory_space<vmem>>, vector<1x10000x1xf32>
    %get3A_10 = vector.shape_cast %get3A_9 : vector<1x10000x1xf32> to vector<10000x1xf32>
    %add3A_11 = arith.addf %add3A_5, %get3A_10 : vector<10000x1xf32>
    %rsqrt3A = math.rsqrt %add3A_11 : vector<10000x1xf32>
    %swap3A = arith.constant 0 : index
    %swap3A_12 = arith.constant 0 : index
    %swap3A_13 = vector.load %arg3[%swap3A, %swap3A_12] : memref<10000x1xf32, #tpu.memory_space<vmem>>, vector<10000x1xf32>
    tpu.vector_store %arg3[%swap3A, %swap3A_12], %rsqrt3A {strides = array<i32>} : memref<10000x1xf32, #tpu.memory_space<vmem>>, vector<10000x1xf32>,
    %get3A_14 = arith.constant 0 : index
    %get3A_15 = arith.constant 0 : index
    %get3A_16 = vector.load %arg1[%get3A_14, %get3A_15] : memref<10000x128xf32, #tpu.memory_space<vmem>>, vector<10000x128xf32>
    %get3A_17 = arith.constant 0 : index
    %get3A_18 = arith.constant 0 : index
    %get3A_19 = vector.load %arg2[%get3A_17, %get3A_18] : memref<128x128xf32, #tpu.memory_space<vmem>>, vector<128x128xf32>
    %dot_general3A = arith.constant dense<0.000000e+00> : vector<10000x128xf32>
    %dot_general3A_20 = tpu.matmul %get3A_16, %get3A_19, %dot_general3A {dimension_numbers = #tpu.dot_dimension_numbers<[1], [0], [0], [1], [0, 0, 1, 1], [], []>, transpose_lhs_hint = false} : vector<10000x128xf32>, vector<128x128xf32>, vector<10000x128xf32> -> vector<10000x128xf32>
    %mul3A = vector.broadcast %rsqrt3A : vector<10000x1xf32> to vector<10000x128xf32>
    %mul3A_21 = arith.mulf %mul3A, %dot_general3A_20 : vector<10000x128xf32>
    %swap3A_22 = arith.constant 0 : index
    %swap3A_23 = arith.constant 0 : index
    %swap3A_24 = vector.load %arg4[%swap3A_22, %swap3A_23] : memref<10000x128xf32, #tpu.memory_space<vmem>>, vector<10000x128xf32>
    tpu.vector_store %arg4[%swap3A_22, %swap3A_23], %mul3A_21 {strides = array<i32>} : memref<10000x128xf32, #tpu.memory_space<vmem>>, vector<10000x128xf32>,
    return
  }
}

module attributes {stable_mosaic.version = 14 : i64} {
  func.func @_mid_stage(%arg0: memref<10000x1xf32, #tpu.memory_space<vmem>>, %arg1: memref<2x10112x128xf32, #tpu.memory_space<vmem>>, %arg2: memref<10000x128xf32, #tpu.memory_space<vmem>>, %arg3: memref<1x128xf32, #tpu.memory_space<vmem>>, %arg4: memref<128x64xf32, #tpu.memory_space<vmem>>, %arg5: memref<10000x64xf32, #tpu.memory_space<vmem>>) attributes {dimension_semantics = [], scalar_prefetch = 0 : i64, scratch_operands = 0 : i64, tpu.core_type = #tpu.core_type<tc>} {
    %get3A = arith.constant 0 : index
    %get3A_0 = arith.constant 0 : index
    %get3A_1 = vector.load %arg0[%get3A, %get3A_0] : memref<10000x1xf32, #tpu.memory_space<vmem>>, vector<10000x1xf32>
    %get3A_2 = arith.constant 0 : index
    %get3A_3 = arith.constant 0 : index
    %get3A_4 = arith.constant 0 : index
    %get3A_5 = vector.load %arg1[%get3A_2, %get3A_3, %get3A_4] : memref<2x10112x128xf32, #tpu.memory_space<vmem>>, vector<1x10000x128xf32>
    %get3A_6 = vector.shape_cast %get3A_5 : vector<1x10000x128xf32> to vector<10000x128xf32>
    %get3A_7 = arith.constant 1 : index
    %get3A_8 = arith.constant 0 : index
    %get3A_9 = arith.constant 0 : index
    %get3A_10 = vector.load %arg1[%get3A_7, %get3A_8, %get3A_9] : memref<2x10112x128xf32, #tpu.memory_space<vmem>>, vector<1x10000x128xf32>
    %get3A_11 = vector.shape_cast %get3A_10 : vector<1x10000x128xf32> to vector<10000x128xf32>
    %add3A = arith.addf %get3A_6, %get3A_11 : vector<10000x128xf32>
    %get3A_12 = arith.constant 0 : index
    %get3A_13 = arith.constant 0 : index
    %get3A_14 = vector.load %arg2[%get3A_12, %get3A_13] : memref<10000x128xf32, #tpu.memory_space<vmem>>, vector<10000x128xf32>
    %add3A_15 = arith.addf %add3A, %get3A_14 : vector<10000x128xf32>
    %mul3A = vector.broadcast %get3A_1 : vector<10000x1xf32> to vector<10000x128xf32>
    %mul3A_16 = arith.mulf %mul3A, %add3A_15 : vector<10000x128xf32>
    %get3A_17 = arith.constant 0 : index
    %get3A_18 = arith.constant 0 : index
    %get3A_19 = vector.load %arg3[%get3A_17, %get3A_18] : memref<1x128xf32, #tpu.memory_space<vmem>>, vector<1x128xf32>
    %get3A_20 = vector.shape_cast %get3A_19 : vector<1x128xf32> to vector<128xf32>
    %broadcast_in_dim3A = vector.shape_cast %get3A_20 : vector<128xf32> to vector<1x128xf32>
    %add3A_21 = vector.broadcast %broadcast_in_dim3A : vector<1x128xf32> to vector<10000x128xf32>
    %add3A_22 = arith.addf %mul3A_16, %add3A_21 : vector<10000x128xf32>
    %max3A = arith.constant 0.000000e+00 : f32
    %max3A_23 = vector.broadcast %max3A : f32 to vector<10000x128xf32>
    %max3A_24 = arith.maximumf %add3A_22, %max3A_23 : vector<10000x128xf32>
    %get3A_25 = arith.constant 0 : index
    %get3A_26 = arith.constant 0 : index
    %get3A_27 = vector.load %arg4[%get3A_25, %get3A_26] : memref<128x64xf32, #tpu.memory_space<vmem>>, vector<128x64xf32>
    %dot_general3A = arith.constant dense<0.000000e+00> : vector<10000x64xf32>
    %dot_general3A_28 = tpu.matmul %max3A_24, %get3A_27, %dot_general3A {dimension_numbers = #tpu.dot_dimension_numbers<[1], [0], [0], [1], [0, 0, 1, 1], [], []>, transpose_lhs_hint = false} : vector<10000x128xf32>, vector<128x64xf32>, vector<10000x64xf32> -> vector<10000x64xf32>
    %mul3A_29 = vector.broadcast %get3A_1 : vector<10000x1xf32> to vector<10000x64xf32>
    %mul3A_30 = arith.mulf %mul3A_29, %dot_general3A_28 : vector<10000x64xf32>
    %swap3A = arith.constant 0 : index
    %swap3A_31 = arith.constant 0 : index
    %swap3A_32 = vector.load %arg5[%swap3A, %swap3A_31] : memref<10000x64xf32, #tpu.memory_space<vmem>>, vector<10000x64xf32>
    tpu.vector_store %arg5[%swap3A, %swap3A_31], %mul3A_30 {strides = array<i32>} : memref<10000x64xf32, #tpu.memory_space<vmem>>, vector<10000x64xf32>,
    return
  }
}

module attributes {stable_mosaic.version = 14 : i64} {
  func.func @_dense_stage(%arg0: memref<10000x1xf32, #tpu.memory_space<vmem>>, %arg1: memref<2x10112x64xf32, #tpu.memory_space<vmem>>, %arg2: memref<10000x64xf32, #tpu.memory_space<vmem>>, %arg3: memref<1x64xf32, #tpu.memory_space<vmem>>, %arg4: memref<64x16xf32, #tpu.memory_space<vmem>>, %arg5: memref<1x16xf32, #tpu.memory_space<vmem>>, %arg6: memref<64x64xf32, #tpu.memory_space<vmem>>, %arg7: memref<1x64xf32, #tpu.memory_space<vmem>>, %arg8: memref<64x64xf32, #tpu.memory_space<vmem>>, %arg9: memref<1x64xf32, #tpu.memory_space<vmem>>, %arg10: memref<64x128xf32, #tpu.memory_space<vmem>>, %arg11: memref<1x128xf32, #tpu.memory_space<vmem>>, %arg12: memref<10000x208xf32, #tpu.memory_space<vmem>>) attributes {dimension_semantics = [], scalar_prefetch = 0 : i64, scratch_operands = 0 : i64, tpu.core_type = #tpu.core_type<tc>} {
    %get3A = arith.constant 0 : index
    %get3A_0 = arith.constant 0 : index
    %get3A_1 = vector.load %arg0[%get3A, %get3A_0] : memref<10000x1xf32, #tpu.memory_space<vmem>>, vector<10000x1xf32>
    %get3A_2 = arith.constant 0 : index
    %get3A_3 = arith.constant 0 : index
    %get3A_4 = arith.constant 0 : index
    %get3A_5 = vector.load %arg1[%get3A_2, %get3A_3, %get3A_4] : memref<2x10112x64xf32, #tpu.memory_space<vmem>>, vector<1x10000x64xf32>
    %get3A_6 = vector.shape_cast %get3A_5 : vector<1x10000x64xf32> to vector<10000x64xf32>
    %get3A_7 = arith.constant 1 : index
    %get3A_8 = arith.constant 0 : index
    %get3A_9 = arith.constant 0 : index
    %get3A_10 = vector.load %arg1[%get3A_7, %get3A_8, %get3A_9] : memref<2x10112x64xf32, #tpu.memory_space<vmem>>, vector<1x10000x64xf32>
    %get3A_11 = vector.shape_cast %get3A_10 : vector<1x10000x64xf32> to vector<10000x64xf32>
    %add3A = arith.addf %get3A_6, %get3A_11 : vector<10000x64xf32>
    %get3A_12 = arith.constant 0 : index
    %get3A_13 = arith.constant 0 : index
    %get3A_14 = vector.load %arg2[%get3A_12, %get3A_13] : memref<10000x64xf32, #tpu.memory_space<vmem>>, vector<10000x64xf32>
    %add3A_15 = arith.addf %add3A, %get3A_14 : vector<10000x64xf32>
    %mul3A = vector.broadcast %get3A_1 : vector<10000x1xf32> to vector<10000x64xf32>
    %mul3A_16 = arith.mulf %mul3A, %add3A_15 : vector<10000x64xf32>
    %get3A_17 = arith.constant 0 : index
    %get3A_18 = arith.constant 0 : index
    %get3A_19 = vector.load %arg3[%get3A_17, %get3A_18] : memref<1x64xf32, #tpu.memory_space<vmem>>, vector<1x64xf32>
    %get3A_20 = vector.shape_cast %get3A_19 : vector<1x64xf32> to vector<64xf32>
    %broadcast_in_dim3A = vector.shape_cast %get3A_20 : vector<64xf32> to vector<1x64xf32>
    %add3A_21 = vector.broadcast %broadcast_in_dim3A : vector<1x64xf32> to vector<10000x64xf32>
    %add3A_22 = arith.addf %mul3A_16, %add3A_21 : vector<10000x64xf32>
    %max3A = arith.constant 0.000000e+00 : f32
    %max3A_23 = vector.broadcast %max3A : f32 to vector<10000x64xf32>
    %max3A_24 = arith.maximumf %add3A_22, %max3A_23 : vector<10000x64xf32>
    %get3A_25 = arith.constant 0 : index
    %get3A_26 = arith.constant 0 : index
    %get3A_27 = vector.load %arg4[%get3A_25, %get3A_26] : memref<64x16xf32, #tpu.memory_space<vmem>>, vector<64x16xf32>
    %dot_general3A = arith.constant dense<0.000000e+00> : vector<10000x16xf32>
    %dot_general3A_28 = tpu.matmul %max3A_24, %get3A_27, %dot_general3A {dimension_numbers = #tpu.dot_dimension_numbers<[1], [0], [0], [1], [0, 0, 1, 1], [], []>, transpose_lhs_hint = false} : vector<10000x64xf32>, vector<64x16xf32>, vector<10000x16xf32> -> vector<10000x16xf32>
    %get3A_29 = arith.constant 0 : index
    %get3A_30 = arith.constant 0 : index
    %get3A_31 = vector.load %arg5[%get3A_29, %get3A_30] : memref<1x16xf32, #tpu.memory_space<vmem>>, vector<1x16xf32>
    %get3A_32 = vector.shape_cast %get3A_31 : vector<1x16xf32> to vector<16xf32>
    %broadcast_in_dim3A_33 = vector.shape_cast %get3A_32 : vector<16xf32> to vector<1x16xf32>
    %add3A_34 = vector.broadcast %broadcast_in_dim3A_33 : vector<1x16xf32> to vector<10000x16xf32>
    %add3A_35 = arith.addf %dot_general3A_28, %add3A_34 : vector<10000x16xf32>
    %get3A_36 = arith.constant 0 : index
    %get3A_37 = arith.constant 0 : index
    %get3A_38 = vector.load %arg6[%get3A_36, %get3A_37] : memref<64x64xf32, #tpu.memory_space<vmem>>, vector<64x64xf32>
    %dot_general3A_39 = arith.constant dense<0.000000e+00> : vector<10000x64xf32>
    %dot_general3A_40 = tpu.matmul %max3A_24, %get3A_38, %dot_general3A_39 {dimension_numbers = #tpu.dot_dimension_numbers<[1], [0], [0], [1], [0, 0, 1, 1], [], []>, transpose_lhs_hint = false} : vector<10000x64xf32>, vector<64x64xf32>, vector<10000x64xf32> -> vector<10000x64xf32>
    %get3A_41 = arith.constant 0 : index
    %get3A_42 = arith.constant 0 : index
    %get3A_43 = vector.load %arg7[%get3A_41, %get3A_42] : memref<1x64xf32, #tpu.memory_space<vmem>>, vector<1x64xf32>
    %get3A_44 = vector.shape_cast %get3A_43 : vector<1x64xf32> to vector<64xf32>
    %broadcast_in_dim3A_45 = vector.shape_cast %get3A_44 : vector<64xf32> to vector<1x64xf32>
    %add3A_46 = vector.broadcast %broadcast_in_dim3A_45 : vector<1x64xf32> to vector<10000x64xf32>
    %add3A_47 = arith.addf %dot_general3A_40, %add3A_46 : vector<10000x64xf32>
    %max3A_48 = arith.constant 0.000000e+00 : f32
    %max3A_49 = vector.broadcast %max3A_48 : f32 to vector<10000x64xf32>
    %max3A_50 = arith.maximumf %add3A_47, %max3A_49 : vector<10000x64xf32>
    %get3A_51 = arith.constant 0 : index
    %get3A_52 = arith.constant 0 : index
    %get3A_53 = vector.load %arg8[%get3A_51, %get3A_52] : memref<64x64xf32, #tpu.memory_space<vmem>>, vector<64x64xf32>
    %dot_general3A_54 = arith.constant dense<0.000000e+00> : vector<10000x64xf32>
    %dot_general3A_55 = tpu.matmul %max3A_50, %get3A_53, %dot_general3A_54 {dimension_numbers = #tpu.dot_dimension_numbers<[1], [0], [0], [1], [0, 0, 1, 1], [], []>, transpose_lhs_hint = false} : vector<10000x64xf32>, vector<64x64xf32>, vector<10000x64xf32> -> vector<10000x64xf32>
    %get3A_56 = arith.constant 0 : index
    %get3A_57 = arith.constant 0 : index
    %get3A_58 = vector.load %arg9[%get3A_56, %get3A_57] : memref<1x64xf32, #tpu.memory_space<vmem>>, vector<1x64xf32>
    %get3A_59 = vector.shape_cast %get3A_58 : vector<1x64xf32> to vector<64xf32>
    %broadcast_in_dim3A_60 = vector.shape_cast %get3A_59 : vector<64xf32> to vector<1x64xf32>
    %add3A_61 = vector.broadcast %broadcast_in_dim3A_60 : vector<1x64xf32> to vector<10000x64xf32>
    %add3A_62 = arith.addf %dot_general3A_55, %add3A_61 : vector<10000x64xf32>
    %max3A_63 = arith.constant 0.000000e+00 : f32
    %max3A_64 = vector.broadcast %max3A_63 : f32 to vector<10000x64xf32>
    %max3A_65 = arith.maximumf %add3A_62, %max3A_64 : vector<10000x64xf32>
    %get3A_66 = arith.constant 0 : index
    %get3A_67 = arith.constant 0 : index
    %get3A_68 = vector.load %arg10[%get3A_66, %get3A_67] : memref<64x128xf32, #tpu.memory_space<vmem>>, vector<64x128xf32>
    %dot_general3A_69 = arith.constant dense<0.000000e+00> : vector<10000x128xf32>
    %dot_general3A_70 = tpu.matmul %max3A_65, %get3A_68, %dot_general3A_69 {dimension_numbers = #tpu.dot_dimension_numbers<[1], [0], [0], [1], [0, 0, 1, 1], [], []>, transpose_lhs_hint = false} : vector<10000x64xf32>, vector<64x128xf32>, vector<10000x128xf32> -> vector<10000x128xf32>
    %get3A_71 = arith.constant 0 : index
    %get3A_72 = arith.constant 0 : index
    %get3A_73 = vector.load %arg11[%get3A_71, %get3A_72] : memref<1x128xf32, #tpu.memory_space<vmem>>, vector<1x128xf32>
    %get3A_74 = vector.shape_cast %get3A_73 : vector<1x128xf32> to vector<128xf32>
    %broadcast_in_dim3A_75 = vector.shape_cast %get3A_74 : vector<128xf32> to vector<1x128xf32>
    %add3A_76 = vector.broadcast %broadcast_in_dim3A_75 : vector<1x128xf32> to vector<10000x128xf32>
    %add3A_77 = arith.addf %dot_general3A_70, %add3A_76 : vector<10000x128xf32>
    %max3A_78 = arith.constant 0.000000e+00 : f32
    %max3A_79 = vector.broadcast %max3A_78 : f32 to vector<10000x128xf32>
    %max3A_80 = arith.maximumf %add3A_77, %max3A_79 : vector<10000x128xf32>
    %abs3A = math.absf %add3A_77 : vector<10000x128xf32>
    %neg3A = arith.constant 0.000000e+00 : f32
    %neg3A_81 = vector.broadcast %neg3A : f32 to vector<10000x128xf32>
    %neg3A_82 = arith.subf %neg3A_81, %abs3A : vector<10000x128xf32>
    %exp3A = math.exp %neg3A_82 : vector<10000x128xf32>
    %log1p3A = math.log1p %exp3A : vector<10000x128xf32>
    %add3A_83 = arith.addf %max3A_80, %log1p3A : vector<10000x128xf32>
    %concatenate3A = tpu.concatenate %max3A_24, %add3A_35, %add3A_83 in 1 : vector<10000x64xf32>, vector<10000x16xf32>, vector<10000x128xf32> -> vector<10000x208xf32>
    %swap3A = arith.constant 0 : index
    %swap3A_84 = arith.constant 0 : index
    %swap3A_85 = vector.load %arg12[%swap3A, %swap3A_84] : memref<10000x208xf32, #tpu.memory_space<vmem>>, vector<10000x208xf32>
    tpu.vector_store %arg12[%swap3A, %swap3A_84], %concatenate3A {strides = array<i32>} : memref<10000x208xf32, #tpu.memory_space<vmem>>, vector<10000x208xf32>,
    return
  }
}

</mosaic_0001>

<sc_bundles>
// kernel: kernel.11.cloned.1.call-start
scs
__scs_entry_jumppad:
0x0: {  	(pc) =	sbr.rel $0x88, $3  }
0x1: {  	(tag) =	ssettag $0x0;
	lr =	simm.s32 $0x1  }
0x2: {  	[smem:$0x3F93] =	sst lr;
	_ =	strace $0xD0000000  }
0x3: {  	_ = 	snop  }
0x4: {  	_ = 	snop  }
0x5: {  	_ = 	snop  }
0x6: {  	_ = 	snop  }
0x7: {  	_ = 	snop  }
__scs_overlays_trampoline_lowered:
0x8: {  	[smem:$0x3FA2] =	sst s0  }
0x9: {  	[smem:$0x3FA3] =	sst s1  }
0xa: {  	[smem:$0x3FA4] =	sst s2  }
0xb: {  	[smem:$0x3FA5] =	sst s3  }
0xc: {  	[smem:$0x3FA6] =	sst s4  }
0xd: {  	[smem:$0x3FA7] =	sst s5  }
0xe: {  	[smem:$0x3FA8] =	sst s6  }
0xf: {  	[smem:$0x3FA9] =	sst s7  }
0x10: {  	[smem:$0x3FAA] =	sst s8  }
0x11: {  	[smem:$0x3FAB] =	sst s9;
	s0 =	simm.s32 @!p0 $0x0  }
0x12: {  	s1 =	sld [smem:$0x3F91];
	s0 =	simm.s32 @p0 $0x1  }
0x13: {  	[smem:$0x3FAC] =	sst s0;
	s0 =	simm.s32 @!p1 $0x0  }
0x14: {  	s2 =	sld [smem:$0x3F90];
	s0 =	simm.s32 @p1 $0x1  }
0x15: {  	[smem:$0x3FAD] =	sst s0;
	s0 =	simm.s32 @!p2 $0x0  }
0x16: {  	s3 =	sld [smem:$0x3FDB];
	s0 =	simm.s32 @p2 $0x1  }
0x17: {  	s4 =	simm.s32 $0x1BF5;
	[smem:$0x3FAF] =	sst s0  }
0x18: {  	s0 =	sld [smem:$0x3F92];
	_ =	swait.ge [sflag:s4], $0x0  }
0x19: {  	s7 =	sld [smem:$0x3F93]  }
0x1a: {  	s8 =	sadd.s32 $0xFFFFE003, lr  }
0x1b: {  	s9 =	sadd.s32 $0xFFFFFEF7, lr;
	s5 =	simm.s32 $0xFFFFFFFF;
	p2 =	slt.u32 s8, $0xFFFFF086  }
0x1c: {  	p1 =	slt.u32 s9, $0xF7A;
	s5 =	simm.s32 @!p2 $0x0  }
0x1d: {  	s5 =	simm.s32 @p1 $0x1;
	p0 =	seq.s32 s7, s2  }
0x1e: {  	s7 =	smul.u32 @!p0 $0xF7A, s2;
	p2 =	seq.s32 @!p0 s5, $0x0  }
0x1f: {  	s9 =	smul.u32 $0xF7A, s1;
	s8 =	simm.s32 @!p0 $0x1BF5;
	p2 =	por !p2, p0  }
0x20: {  	[sflag:s8] =	ssyncset.s32 @!p0 $0xFFFFF086;
	s6 =	sadd.s32 @!p0 s3, s7;
	s7 =	simm.s32 @!p0 $0x108  }
0x21: {  	s3 =	sadd.s32 s3, s9;
	s6 =	sadd.s32 @!p0 $0x88, s6;
	s7 =	simm.s32 @p2 $0x1082  }
0x22: {  	[simem:s7], [sflag:s8] =	dma.local @!p0 [hbm:s6], $0xF7A  }
0x23: {  	s9 =	sor.u32 $0xD0000000, s2;
	s6 =	simm.s32 $0x108;
	_ =	swait.ge @!p0 [sflag:s8], $0x0  }
0x24: {  	s3 =	sadd.s32 $0x88, s3;
	s6 =	simm.s32 @!p1 $0x1082;
	[sflag:s4] =	ssyncset.s32 $0xFFFFF086  }
0x25: {  	[simem:s6], [sflag:s4] =	dma.local [hbm:s3], $0xF7A  }
0x26: {  	[smem:$0x3F93] =	sst s1;
	(tag) =	ssettag s2;
	_ =	strace s9  }
0x27: {  	s1 =	sld [smem:$0x3FA3]  }
0x28: {  	s2 =	sld [smem:$0x3FA4]  }
0x29: {  	s4 =	sld [smem:$0x3FA6]  }
0x2a: {  	p0 =	seq.s32 s5, $0x0;
	s5 =	sld [smem:$0x3FA7]  }
0x2b: {  	s6 =	sld [smem:$0x3FA8]  }
0x2c: {  	s7 =	sld [smem:$0x3FA9]  }
0x2d: {  	s3 =	simm.s32 $0x108;
	s8 =	sld [smem:$0x3FAA]  }
0x2e: {  	s3 =	simm.s32 @!p0 $0x1082;
	s9 =	sld [smem:$0x3FAB]  }
0x2f: {  	lr =	sadd.s32 s0, s3;
	s0 =	sld [smem:$0x3FA2]  }
0x30: {  	s3 =	sld [smem:$0x3FA5]  }
0x31: {  	[smem:$0x3FAE] =	sst s10  }
0x32: {  	s10 =	sld [smem:$0x3FAC];
	_ =	sdelay $0x3  }
0x33: {  	p0 =	seq.s32 s10, $0x1;
	s10 =	sld [smem:$0x3FAE];
	_ =	sdelay $0x3  }
0x34: {  	[smem:$0x3FAE] =	sst s10  }
0x35: {  	s10 =	sld [smem:$0x3FAD];
	_ =	sdelay $0x3  }
0x36: {  	p1 =	seq.s32 s10, $0x1;
	s10 =	sld [smem:$0x3FAE];
	_ =	sdelay $0x3  }
0x37: {  	[smem:$0x3FAE] =	sst s10  }
0x38: {  	s10 =	sld [smem:$0x3FAF]  }
0x39: {  	_ = 	snop;
	(pc) =	sbr.ind lr, $3  }
0x3a: {  	_ = 	snop  }
0x3b: {  	_ = 	snop  }
0x3c: {  	p2 =	seq.s32 s10, $0x1;
	s10 =	sld [smem:$0x3FAE]  }
0x3d: {  	_ =	shalt  }
0x3e: {  	_ =	shalt  }
0x3f: {  	_ =	shalt  }
0x40: {  	_ =	shalt  }
0x41: {  	_ =	shalt  }
0x42: {  	_ =	shalt  }
0x43: {  	_ =	shalt  }
0x44: {  	_ =	shalt  }
0x45: {  	_ =	shalt  }
0x46: {  	_ =	shalt  }
0x47: {  	_ =	shalt  }
0x48: {  	_ =	shalt  }
0x49: {  	_ =	shalt  }
0x4a: {  	_ =	shalt  }
0x4b: {  	_ =	shalt  }
0x4c: {  	_ =	shalt  }
0x4d: {  	_ =	shalt  }
0x4e: {  	_ =	shalt  }
0x4f: {  	_ =	shalt  }
0x50: {  	_ =	shalt  }
0x51: {  	_ =	shalt  }
0x52: {  	_ =	shalt  }
0x53: {  	_ =	shalt  }
0x54: {  	_ =	shalt  }
0x55: {  	_ =	shalt  }
0x56: {  	_ =	shalt  }
0x57: {  	_ =	shalt  }
0x58: {  	_ =	shalt  }
0x59: {  	_ =	shalt  }
0x5a: {  	_ =	shalt  }
0x5b: {  	_ =	shalt  }
0x5c: {  	_ =	shalt  }
0x5d: {  	_ =	shalt  }
0x5e: {  	_ =	shalt  }
0x5f: {  	_ =	shalt  }
0x60: {  	_ =	shalt  }
0x61: {  	_ =	shalt  }
0x62: {  	_ =	shalt  }
0x63: {  	_ =	shalt  }
0x64: {  	_ =	shalt  }
0x65: {  	_ =	shalt  }
0x66: {  	_ =	shalt  }
0x67: {  	_ =	shalt  }
0x68: {  	_ =	shalt  }
0x69: {  	_ =	shalt  }
0x6a: {  	_ =	shalt  }
0x6b: {  	_ =	shalt  }
0x6c: {  	_ =	shalt  }
0x6d: {  	_ =	shalt  }
0x6e: {  	_ =	shalt  }
0x6f: {  	_ =	shalt  }
0x70: {  	_ =	shalt  }
0x71: {  	_ =	shalt  }
0x72: {  	_ =	shalt  }
0x73: {  	_ =	shalt  }
0x74: {  	_ =	shalt  }
0x75: {  	_ =	shalt  }
0x76: {  	_ =	shalt  }
0x77: {  	_ =	shalt  }
0x78: {  	_ =	shalt  }
0x79: {  	_ =	shalt  }
0x7a: {  	_ =	shalt  }
0x7b: {  	_ =	shalt  }
0x7c: {  	_ =	shalt  }
0x7d: {  	_ =	shalt  }
0x7e: {  	_ =	shalt  }
0x7f: {  	_ =	shalt  }
0x80: {  	_ =	shalt  }
0x81: {  	_ =	shalt  }
0x82: {  	_ =	shalt  }
0x83: {  	_ =	shalt  }
0x84: {  	_ =	shalt  }
0x85: {  	_ =	shalt  }
0x86: {  	_ =	shalt  }
0x87: {  	_ =	shalt  }
.Lfunc_end0:
.L_simem_size_0:
called_computation.1_lowered:
.L_overlay_start_0:
0x88: {  	s2 =	sld [smem:$0x3FD9]  }
0x89: {  	s3 =	sld [smem:$0x3FFE];
	_ =	sdelay $0x1  }
0x8a: {  	s1 =	srdreg.scid  }
0x8b: {  	s0 =	sand.u32 $0x1, s1  }
0x8c: {  	s17 =	sshll.u32 s0, $0xA;
	s2 =	sadd.s32 s3, s2  }
0x8d: {  	s2 =	sadd.s32 s2, s17  }
0x8e: {  	[smem:$0x3FBA] =	sst s2  }
0x8f: {  	_ = 	snop  }
0x90: {  	s2 =	sld [smem:$0x3FD0];
	(tm) =	ssettm $0x1  }
0x91: {  	s18 =	sld [smem:$0x3FFB];
	_ =	sdelay $0x3  }
0x92: {  	_ =	strace s18  }
0x93: {  	s3 =	sld [smem:$0x3FFC];
	_ =	sdelay $0x3  }
0x94: {  	_ =	strace s3  }
0x95: {  	s3 =	sld [smem:$0x3FFD];
	_ =	sdelay $0x3  }
0x96: {  	_ =	strace s3  }
0x97: {  	_ =	strace $0x8FFFFFFF  }
0x98: {  	s19 =	sld [smem:$0x3FDB];
	_ =	sdelay $0x1  }
0x99: {  	s4 =	simm.s32 $_scs_section_size  }
0x9a: {  	s5 =	simm.s32 $_size__tile_overlayer_lowered;
	s6 =	simm.s32 $_tile_overlayer_lowered  }
0x9b: {  	s22 =	simm.s32 $0x1BFF;
	s21 =	sshll.u32 s6, $0x1;
	s3 =	sadd.s32 s4, s19  }
0x9c: {  	s7 =	simm.s32 $0x0;
	s20 =	sshll.u32 s5, $0x1;
	s5 =	sadd.s32 s21, s3  }
0x9d: {  	[timem:s7], [sflag:s22] =	dma.local [hbm:s5], s20  }
0x9e: {  	_ =	swait.ge [sflag:s22], s20  }
0x9f: {  	s4 =	ssub.s32 $0x0, s20;
	[sflag:s22] =	ssyncset.done $0x0  }
0xa0: {  	[sflag:s22] =	ssyncadd.s32 s4;
	_ =	sdelay $0x1  }
0xa1: {  	s23 =	simm.s32 $0x1B8B  }
0xa2: {  	_ =	swait.ge [sflag:s23], $0x1  }
0xa3: {  	[sflag:s23] =	ssyncset.done $0x0  }
0xa4: {  	s25 =	simm.s32 $0x1B8E;
	s24 =	sld [smem:$0x3FFE];
	[sflag:s23] =	ssyncadd.s32 $0xFFFFFFFF  }
0xa5: {  	s26 =	simm.s32 $execute0_lowered;
	[smem:$0x3FD2] =	sst s25  }
0xa6: {  	s5 =	sshll.u32 s26, $0x1;
	_ =	strace $0x80000049;
	[dreg:$0x1] =	wrdreg $0xFFFFFFFF  }
0xa7: {  	s28 =	simm.s32 $_size_execute0_lowered;
	s3 =	sadd.s32 s3, s5;
	[dreg:$0x0] =	wrdreg $0x0  }
0xa8: {  	s5 =	sshll.u32 s28, $0x1;
	[dreg:$0x2] =	wrdreg s3  }
0xa9: {  	[dreg:$0x3] =	wrdreg s5  }
0xaa: {  	[dreg:$0x4] =	wrdreg $0xC0  }
0xab: {  	_ =	task [dreg:s7], $0x5FFFF  }
0xac: {  	[dreg:$0x1] =	wrdreg $0xFFFFFFFF  }
0xad: {  	[dreg:$0x0] =	wrdreg $0x60  }
0xae: {  	[dreg:$0x2] =	wrdreg s2  }
0xaf: {  	[dreg:$0x3] =	wrdreg s24  }
0xb0: {  	[dreg:$0x4] =	wrdreg $0xB0000  }
0xb1: {  	[dreg:$0x5] =	wrdreg $0x9  }
0xb2: {  	_ =	task.clear_ibuf [dreg:s7], $0x6FFFF;
	_ =	strace $0x90000049  }
0xb3: {  	s29 =	simm.s32 $0x9;
	_ =	strace $0x8000004B  }
0xb4: {  	_ =	swait.ge [sflag:s29], $0x1  }
0xb5: {  	[sflag:s29] =	ssyncadd.s32 $0xFFFFFFFF  }
0xb6: {  	_ =	strace $0x9000004B  }
0xb7: {  	_ =	sfence  }
0xb8: {  	s30 =	sld [smem:$0x0];
	_ =	sdelay $0x2  }
0xb9: {  	s31 =	sshll.u32 s1, $0xD;
	s1 =	sshrl.u32 s1, $0x2  }
0xba: {  	s3 =	sand.u32 $0x4000, s31;
	s1 =	sadd.s32 s1, s30  }
0xbb: {  	s0 =	sor.u32 s3, s0;
	s1 =	sshll.u32 s1, $0x11  }
0xbc: {  	s0 =	sor.u32 s1, s0  }
0xbd: {  	s0 =	sadd.s32 $0x8F2B, s0  }
0xbe: {  	[sflag:s0] =	ssyncadd.remote.s32 $0x1  }
0xbf: {  	_ =	sfence.sel $0xFFFF  }
0xc0: {  	[dreg:$0x0] =	wrdreg $0xFFFFFFFF;
	(pc) =	sbr.abs _section_cstart, $3  }
0xc1: {  	[dreg:$0x1] =	wrdreg $0xFFFFFFFF  }
0xc2: {  	_ =	task.clear_ibuf [dreg:s7], $0x2FFFF;
	_ =	strace $0x9FFFFFFF  }
0xc3: {  	(tm) =	ssettm $0x7FFFFFFF  }
tec
execute0_lowered:
.L_overlay_start_1:
0x0: {  	(tag) =	ssettag $0x1  }
0x1: {  	s1 =	rddreg [dreg:$0x0]  }
0x2: {  	s0 =	rddreg [dreg:$0x1]  }
0x3: {  	s3 =	rddreg [dreg:$0x2]  }
0x4: {  	s4 =	srdreg.scid;
	s2 =	stileid.u32  }
0x5: {  	s18 =	simm.s32 $0x100;
	s19 =	simm.s32 $0x180;
	s20 =	simm.s32 $0x200  }
0x6: {  	s21 =	simm.s32 $0x280;
	s11 =	sand.u32 $0x1, s4;
	s4 =	simm.s32 $0x0  }
0x7: {  	s22 =	simm.s32 $0x300;
	s23 =	simm.s32 $0x380;
	[smem:$0x7FF] =	sst s4  }
0x8: {  	s24 =	simm.s32 $0x480;
	_ =	strace $0x8000004A;
	[dreg:$0x4] =	wrdreg s18  }
0x9: {  	s25 =	simm.s32 $0x500;
	s26 =	simm.s32 $0x580;
	[dreg:$0x5] =	wrdreg s19  }
0xa: {  	s28 =	simm.s32 $0x600;
	s29 =	simm.s32 $0x680;
	[dreg:$0x6] =	wrdreg s20  }
0xb: {  	s30 =	simm.s32 $0x700;
	s7 =	smul.u32 $0x13C00, s2;
	[dreg:$0x7] =	wrdreg s21  }
0xc: {  	s31 =	simm.s32 $0x780;
	s12 =	smul.u32 $0x4F000, s2;
	[dreg:$0x8] =	wrdreg s22  }
0xd: {  	s5 =	sshll.u32 s11, $0x4;
	s6 =	smul.u32 $0x13C000, s11;
	[dreg:$0x9] =	wrdreg s23  }
0xe: {  	s10 =	ssub.s32 $0x2, s11;
	s15 =	smul.u32 $0x28000, s11;
	[dreg:$0xa] =	wrdreg s24  }
0xf: {  	s8 =	sor.u32 s2, s5;
	s5 =	sadd.s32 $0xD000, s0;
	[dreg:$0xb] =	wrdreg s25  }
0x10: {  	s13 =	sshrl.u32 s10, $0x1;
	s16 =	sshrl.u32 s12, $0x2;
	[dreg:$0xc] =	wrdreg s26  }
0x11: {  	s18 =	simm.s32 $0x3;
	s19 =	simm.s32 $0x3000;
	[dreg:$0xd] =	wrdreg s28  }
0x12: {  	s20 =	simm.s32 $0x80;
	s21 =	simm.s32 $0x400;
	[dreg:$0xe] =	wrdreg s29  }
0x13: {  	s22 =	simm.s32 $0x7000;
	s23 =	simm.s32 $0x1;
	[dreg:$0xf] =	wrdreg s30  }
0x14: {  	s24 =	simm.s32 $0x2;
	[dreg:$0x10] =	wrdreg s31;
	s25 =	simm.s32 $0x0  }
0x15: {  	s9 =	smul.u32 $0x500, s8;
	s6 =	sadd.s32 s7, s6;
	s14 =	ssub.s32 s10, s13  }
0x16: {  	s12 =	sadd.s32 s16, s3;
	s17 =	smul.u32 $0x2800, s8;
	s7 =	sadd.s32 s7, s3  }
0x17: {  	s16 =	smul.u32 $0x2800, s2;
	s6 =	sshrl.u32 s6, $0x3;
	s8 =	sadd.s32 $0x4000, s12  }
0x18: {  	s10 =	sadd.s32 $0xC000, s12;
	s11 =	sadd.s32 $0x10000, s12;
	s14 =	smax.u32 s14, $0x1  }
0x19: {  	s9 =	sadd.s32 s9, s0;
	s0 =	sadd.s32 s6, s0;
	s16 =	sadd.s32 s16, s15  }
0x1a: {  	s13 =	sshrl.u32 s17, $0x3;
	s15 =	sadd.s32 $0x800, s16;
	s16 =	sor.u32 $0x400, s16  }
0x1b: {  	s6 =	sadd.s32 $0x3000, s9;
	s9 =	sadd.s32 $0x8000, s12;
	s16 =	sshrl.u32 s16, $0x3  }
0x1c: {  	v0 =	vimm.f32 $0.0e+00;
	s12 =	sadd.s32 s5, s13;
	s13 =	sadd.s32 $0x17000, s0;
	s16 =	sadd.s32 s16, s5  }
.LBB2_1:
0x1d: {  	s0 =	simm.s32 $0x800  }
0x1e: {  	[tilespmem:s0], [sflag:$0x3] =	stream.linear.gather [hbm4b:s6+s4], $0x2800, $0x38;
	[tilespmem:$0x1EC00] =	vst v63  }
0x1f: {  	_ =	swait.ge [sflag:s18], $0x2800  }
0x20: {  	[sflag:s18] =	ssyncset.done $0x0  }
0x21: {  	s26 =	simm.s32 $0x200;
	s0 =	simm.s32 $0x0;
	[sflag:s18] =	ssyncadd.s32 $0xFFFFD800  }
.LBB2_2:
0x22: {  	p0 =	sne.s32 s26, $0xFE00;
	[tilespmem:s0+$0x3070] =	vst v0  }
0x23: {  	[tilespmem:s0+$0x3000] =	vst v0  }
0x24: {  	[tilespmem:s0+$0x3010] =	vst v0  }
.Ltmp0:
0x25: {  	[tilespmem:s0+$0x3020] =	vst v0;
	(pc) =	sbr.rel @p0 .LBB2_2-.Ltmp0, $4  }
0x26: {  	[tilespmem:s0+$0x3030] =	vst v0  }
0x27: {  	[tilespmem:s0+$0x3040] =	vst v0  }
0x28: {  	[tilespmem:s0+$0x3050] =	vst v0  }
0x29: {  	[tilespmem:s0+$0x3060] =	vst v0;
	s0 =	sshra.s32 s26, $0x2;
	s26 =	sadd.s32 $0x200, s26  }
0x2a: {  	[tilespmem:s0+$0x3070] =	vst v0  }
0x2b: {  	[tilespmem:s0+$0x3000] =	vst v0  }
0x2c: {  	[tilespmem:s0+$0x3010] =	vst v0  }
0x2d: {  	[tilespmem:s0+$0x3020] =	vst v0  }
0x2e: {  	[tilespmem:s0+$0x3030] =	vst v0  }
0x2f: {  	[tilespmem:s0+$0x3040] =	vst v0  }
0x30: {  	[tilespmem:s0+$0x3050] =	vst v0  }
0x31: {  	[tilespmem:s0+$0x3060] =	vst v0  }
0x32: {  	[spmem:s7] =	stream.linear.scatter [tilespmem:s19], [sflag:$0x3], $0x4000, $0x38;
	[tilespmem:$0x1EC00] =	vst v63  }
0x33: {  	_ =	swait.ge [sflag:s18], $0x4000  }
0x34: {  	[sflag:s18] =	ssyncset.done $0x0  }
0x35: {  	[sflag:s18] =	ssyncadd.s32 $0xFFFFC000  }
0x36: {  	[spmem:s8] =	stream.linear.scatter [tilespmem:s19], [sflag:$0x3], $0x4000, $0x38;
	[tilespmem:$0x1EC00] =	vst v63  }
0x37: {  	_ =	swait.ge [sflag:s18], $0x4000  }
0x38: {  	[sflag:s18] =	ssyncset.done $0x0  }
0x39: {  	[sflag:s18] =	ssyncadd.s32 $0xFFFFC000  }
0x3a: {  	[spmem:s9] =	stream.linear.scatter [tilespmem:s19], [sflag:$0x3], $0x4000, $0x38;
	[tilespmem:$0x1EC00] =	vst v63  }
0x3b: {  	_ =	swait.ge [sflag:s18], $0x4000  }
0x3c: {  	[sflag:s18] =	ssyncset.done $0x0  }
0x3d: {  	[sflag:s18] =	ssyncadd.s32 $0xFFFFC000  }
0x3e: {  	[spmem:s10] =	stream.linear.scatter [tilespmem:s19], [sflag:$0x3], $0x4000, $0x38;
	[tilespmem:$0x1EC00] =	vst v63  }
0x3f: {  	_ =	swait.ge [sflag:s18], $0x4000  }
0x40: {  	[sflag:s18] =	ssyncset.done $0x0  }
0x41: {  	[sflag:s18] =	ssyncadd.s32 $0xFFFFC000  }
0x42: {  	[spmem:s11] =	stream.linear.scatter [tilespmem:s19], [sflag:$0x3], $0x3C00, $0x38;
	[tilespmem:$0x1EC00] =	vst v63  }
0x43: {  	_ =	swait.ge [sflag:s18], $0x3C00  }
0x44: {  	[sflag:s18] =	ssyncset.done $0x0  }
0x45: {  	[sflag:s18] =	ssyncadd.s32 $0xFFFFC400  }
0x46: {  	s26 =	simm.s32 $0x0;
	[bflag:$0x0] =	sbarrier.arrive $0xFFFF  }
0x47: {  	[tilespmem:s26], [sflag:$0x3] =	stream.linear.gather [hbm4b:s12+s26], $0x400, $0x38;
	[tilespmem:$0x1EC00] =	vst v63  }
0x48: {  	_ =	swait.ge [sflag:s18], $0x400  }
0x49: {  	[sflag:s18] =	ssyncset.done $0x0  }
0x4a: {  	[sflag:s18] =	ssyncadd.s32 $0xFFFFFC00  }
0x4b: {  	[tilespmem:s19], [sflag:$0x1] =	stream.indirect.gather [hbm4b:s1+s20], $0x80, s26, s20, $0xb8;
	[tilespmem:$0x1EC00] =	vst v63  }
0x4c: {  	_ = 	snop  }
0x4d: {  	[tilespmem:s21], [sflag:$0x3] =	stream.linear.gather [hbm4b:s16+s4], $0x400, $0x38;
	[tilespmem:$0x1EC00] =	vst v63  }
0x4e: {  	_ =	swait.ge [sflag:s18], $0x400  }
0x4f: {  	[sflag:s18] =	ssyncset.done $0x0  }
0x50: {  	[sflag:s18] =	ssyncadd.s32 $0xFFFFFC00  }
0x51: {  	[tilespmem:s22], [sflag:$0x2] =	stream.indirect.gather [hbm4b:s1+s20], $0x80, s20, s20, $0xb8;
	[tilespmem:$0x1EC00] =	vst v63  }
0x52: {  	_ =	swait.ge [sflag:s23], $0x4000  }
0x53: {  	[sflag:s23] =	ssyncset.done $0x0  }
0x54: {  	s31 =	simm.s32 $0x800;
	[sflag:s23] =	ssyncadd.s32 $0xFFFFC000  }
0x55: {  	[spmem:s3] =	stream.indirect.scatter.add.f32 [tilespmem:s19], [sflag:$0x3], $0x80, s31, s20, $0xb8;
	[tilespmem:$0x1EC00] =	vst v63  }
0x56: {  	_ =	swait.ge [sflag:s18], $0x4000  }
0x57: {  	[sflag:s18] =	ssyncset.done $0x0  }
0x58: {  	s2 =	rddreg [dreg:$0x4];
	[sflag:s18] =	ssyncadd.s32 $0xFFFFC000  }
0x59: {  	[tilespmem:s19], [sflag:$0x1] =	stream.indirect.gather [hbm4b:s1+s20], $0x80, s2, s20, $0xb8;
	[tilespmem:$0x1EC00] =	vst v63  }
0x5a: {  	_ =	swait.ge [sflag:s24], $0x4000  }
0x5b: {  	[sflag:s24] =	ssyncset.done $0x0  }
0x5c: {  	s17 =	simm.s32 $0x880;
	[sflag:s24] =	ssyncadd.s32 $0xFFFFC000  }
0x5d: {  	[spmem:s3] =	stream.indirect.scatter.add.f32 [tilespmem:s22], [sflag:$0x3], $0x80, s17, s20, $0xb8;
	[tilespmem:$0x1EC00] =	vst v63  }
0x5e: {  	_ =	swait.ge [sflag:s18], $0x4000  }
0x5f: {  	[sflag:s18] =	ssyncset.done $0x0  }
0x60: {  	s26 =	rddreg [dreg:$0x5];
	[sflag:s18] =	ssyncadd.s32 $0xFFFFC000  }
0x61: {  	[tilespmem:s22], [sflag:$0x2] =	stream.indirect.gather [hbm4b:s1+s20], $0x80, s26, s20, $0xb8;
	[tilespmem:$0x1EC00] =	vst v63  }
0x62: {  	_ =	swait.ge [sflag:s23], $0x4000  }
0x63: {  	[sflag:s23] =	ssyncset.done $0x0  }
0x64: {  	s31 =	simm.s32 $0x900;
	[sflag:s23] =	ssyncadd.s32 $0xFFFFC000  }
0x65: {  	[spmem:s3] =	stream.indirect.scatter.add.f32 [tilespmem:s19], [sflag:$0x3], $0x80, s31, s20, $0xb8;
	[tilespmem:$0x1EC00] =	vst v63  }
0x66: {  	_ =	swait.ge [sflag:s18], $0x4000  }
0x67: {  	[sflag:s18] =	ssyncset.done $0x0  }
0x68: {  	s2 =	rddreg [dreg:$0x6];
	[sflag:s18] =	ssyncadd.s32 $0xFFFFC000  }
0x69: {  	[tilespmem:s19], [sflag:$0x1] =	stream.indirect.gather [hbm4b:s1+s20], $0x80, s2, s20, $0xb8;
	[tilespmem:$0x1EC00] =	vst v63  }
0x6a: {  	_ =	swait.ge [sflag:s24], $0x4000  }
0x6b: {  	[sflag:s24] =	ssyncset.done $0x0  }
0x6c: {  	s17 =	simm.s32 $0x980;
	[sflag:s24] =	ssyncadd.s32 $0xFFFFC000  }
0x6d: {  	[spmem:s3] =	stream.indirect.scatter.add.f32 [tilespmem:s22], [sflag:$0x3], $0x80, s17, s20, $0xb8;
	[tilespmem:$0x1EC00] =	vst v63  }
0x6e: {  	_ =	swait.ge [sflag:s18], $0x4000  }
0x6f: {  	[sflag:s18] =	ssyncset.done $0x0  }
0x70: {  	s26 =	rddreg [dreg:$0x7];
	[sflag:s18] =	ssyncadd.s32 $0xFFFFC000  }
0x71: {  	[tilespmem:s22], [sflag:$0x2] =	stream.indirect.gather [hbm4b:s1+s20], $0x80, s26, s20, $0xb8;
	[tilespmem:$0x1EC00] =	vst v63  }
0x72: {  	_ =	swait.ge [sflag:s23], $0x4000  }
0x73: {  	[sflag:s23] =	ssyncset.done $0x0  }
0x74: {  	s31 =	simm.s32 $0xA00;
	[sflag:s23] =	ssyncadd.s32 $0xFFFFC000  }
0x75: {  	[spmem:s3] =	stream.indirect.scatter.add.f32 [tilespmem:s19], [sflag:$0x3], $0x80, s31, s20, $0xb8;
	[tilespmem:$0x1EC00] =	vst v63  }
0x76: {  	_ =	swait.ge [sflag:s18], $0x4000  }
0x77: {  	[sflag:s18] =	ssyncset.done $0x0  }
0x78: {  	s2 =	rddreg [dreg:$0x8];
	[sflag:s18] =	ssyncadd.s32 $0xFFFFC000  }
0x79: {  	[tilespmem:s19], [sflag:$0x1] =	stream.indirect.gather [hbm4b:s1+s20], $0x80, s2, s20, $0xb8;
	[tilespmem:$0x1EC00] =	vst v63  }
0x7a: {  	_ =	swait.ge [sflag:s24], $0x4000  }
0x7b: {  	[sflag:s24] =	ssyncset.done $0x0  }
0x7c: {  	s17 =	simm.s32 $0xA80;
	[sflag:s24] =	ssyncadd.s32 $0xFFFFC000  }
0x7d: {  	[spmem:s3] =	stream.indirect.scatter.add.f32 [tilespmem:s22], [sflag:$0x3], $0x80, s17, s20, $0xb8;
	[tilespmem:$0x1EC00] =	vst v63  }
0x7e: {  	_ =	swait.ge [sflag:s18], $0x4000  }
0x7f: {  	[sflag:s18] =	ssyncset.done $0x0  }
0x80: {  	s26 =	rddreg [dreg:$0x9];
	[sflag:s18] =	ssyncadd.s32 $0xFFFFC000  }
0x81: {  	[tilespmem:s22], [sflag:$0x2] =	stream.indirect.gather [hbm4b:s1+s20], $0x80, s26, s20, $0xb8;
	[tilespmem:$0x1EC00] =	vst v63  }
0x82: {  	_ =	swait.ge [sflag:s23], $0x4000  }
0x83: {  	[sflag:s23] =	ssyncset.done $0x0  }
0x84: {  	s31 =	simm.s32 $0xB00;
	[sflag:s23] =	ssyncadd.s32 $0xFFFFC000  }
0x85: {  	[spmem:s3] =	stream.indirect.scatter.add.f32 [tilespmem:s19], [sflag:$0x3], $0x80, s31, s20, $0xb8;
	[tilespmem:$0x1EC00] =	vst v63  }
0x86: {  	_ =	swait.ge [sflag:s18], $0x4000  }
0x87: {  	[sflag:s18] =	ssyncset.done $0x0  }
0x88: {  	[sflag:s18] =	ssyncadd.s32 $0xFFFFC000  }
0x89: {  	[tilespmem:s19], [sflag:$0x1] =	stream.indirect.gather [hbm4b:s1+s20], $0x80, s21, s20, $0xb8;
	[tilespmem:$0x1EC00] =	vst v63  }
0x8a: {  	_ =	swait.ge [sflag:s24], $0x4000  }
0x8b: {  	[sflag:s24] =	ssyncset.done $0x0  }
0x8c: {  	s2 =	simm.s32 $0xB80;
	[sflag:s24] =	ssyncadd.s32 $0xFFFFC000  }
0x8d: {  	[spmem:s3] =	stream.indirect.scatter.add.f32 [tilespmem:s22], [sflag:$0x3], $0x80, s2, s20, $0xb8;
	[tilespmem:$0x1EC00] =	vst v63  }
0x8e: {  	p0 =	por $0x0, $0x0;
	_ =	swait.ge [sflag:s18], $0x4000  }
0x8f: {  	s0 =	sshrl.u32 @!p0 s15, $0x3;
	s28 =	simm.s32 @!p0 $0x0;
	[sflag:s18] =	ssyncset.done $0x0  }
0x90: {  	s0 =	sadd.s32 @!p0 s5, s0;
	s26 =	simm.s32 @!p0 $0x3;
	[sflag:s18] =	ssyncadd.s32 $0xFFFFC000  }
0x91: {  	[tilespmem:s28], [sflag:$0x3] =	stream.linear.gather @!p0 [hbm4b:s0+s28], $0x400, $0x38;
	[tilespmem:$0x1EC00] =	vst v63  }
0x92: {  	_ =	swait.ge @!p0 [sflag:s26], $0x400  }
0x93: {  	[sflag:s26] =	ssyncset.done @!p0 $0x0  }
0x94: {  	s17 =	rddreg [dreg:$0xa];
	[sflag:s26] =	ssyncadd.s32 @!p0 $0xFFFFFC00  }
0x95: {  	[tilespmem:s22], [sflag:$0x2] =	stream.indirect.gather [hbm4b:s1+s20], $0x80, s17, s20, $0xb8;
	[tilespmem:$0x1EC00] =	vst v63  }
0x96: {  	_ =	swait.ge [sflag:s23], $0x4000  }
0x97: {  	[sflag:s23] =	ssyncset.done $0x0  }
0x98: {  	s26 =	simm.s32 $0xC00;
	[sflag:s23] =	ssyncadd.s32 $0xFFFFC000  }
0x99: {  	[spmem:s3] =	stream.indirect.scatter.add.f32 [tilespmem:s19], [sflag:$0x3], $0x80, s26, s20, $0xb8;
	[tilespmem:$0x1EC00] =	vst v63  }
0x9a: {  	_ =	swait.ge [sflag:s18], $0x4000  }
0x9b: {  	[sflag:s18] =	ssyncset.done $0x0  }
0x9c: {  	s31 =	rddreg [dreg:$0xb];
	[sflag:s18] =	ssyncadd.s32 $0xFFFFC000  }
0x9d: {  	[tilespmem:s19], [sflag:$0x1] =	stream.indirect.gather [hbm4b:s1+s20], $0x80, s31, s20, $0xb8;
	[tilespmem:$0x1EC00] =	vst v63  }
0x9e: {  	_ =	swait.ge [sflag:s24], $0x4000  }
0x9f: {  	[sflag:s24] =	ssyncset.done $0x0  }
0xa0: {  	s2 =	simm.s32 $0xC80;
	[sflag:s24] =	ssyncadd.s32 $0xFFFFC000  }
0xa1: {  	[spmem:s3] =	stream.indirect.scatter.add.f32 [tilespmem:s22], [sflag:$0x3], $0x80, s2, s20, $0xb8;
	[tilespmem:$0x1EC00] =	vst v63  }
0xa2: {  	_ =	swait.ge [sflag:s18], $0x4000  }
0xa3: {  	[sflag:s18] =	ssyncset.done $0x0  }
0xa4: {  	s17 =	rddreg [dreg:$0xc];
	[sflag:s18] =	ssyncadd.s32 $0xFFFFC000  }
0xa5: {  	[tilespmem:s22], [sflag:$0x2] =	stream.indirect.gather [hbm4b:s1+s20], $0x80, s17, s20, $0xb8;
	[tilespmem:$0x1EC00] =	vst v63  }
0xa6: {  	_ =	swait.ge [sflag:s23], $0x4000  }
0xa7: {  	[sflag:s23] =	ssyncset.done $0x0  }
0xa8: {  	s26 =	simm.s32 $0xD00;
	[sflag:s23] =	ssyncadd.s32 $0xFFFFC000  }
0xa9: {  	[spmem:s3] =	stream.indirect.scatter.add.f32 [tilespmem:s19], [sflag:$0x3], $0x80, s26, s20, $0xb8;
	[tilespmem:$0x1EC00] =	vst v63  }
0xaa: {  	_ =	swait.ge [sflag:s18], $0x4000  }
0xab: {  	[sflag:s18] =	ssyncset.done $0x0  }
0xac: {  	s31 =	rddreg [dreg:$0xd];
	[sflag:s18] =	ssyncadd.s32 $0xFFFFC000  }
0xad: {  	[tilespmem:s19], [sflag:$0x1] =	stream.indirect.gather [hbm4b:s1+s20], $0x80, s31, s20, $0xb8;
	[tilespmem:$0x1EC00] =	vst v63  }
0xae: {  	_ =	swait.ge [sflag:s24], $0x4000  }
0xaf: {  	[sflag:s24] =	ssyncset.done $0x0  }
0xb0: {  	s2 =	simm.s32 $0xD80;
	[sflag:s24] =	ssyncadd.s32 $0xFFFFC000  }
0xb1: {  	[spmem:s3] =	stream.indirect.scatter.add.f32 [tilespmem:s22], [sflag:$0x3], $0x80, s2, s20, $0xb8;
	[tilespmem:$0x1EC00] =	vst v63  }
0xb2: {  	_ =	swait.ge [sflag:s18], $0x4000  }
0xb3: {  	[sflag:s18] =	ssyncset.done $0x0  }
0xb4: {  	s17 =	rddreg [dreg:$0xe];
	[sflag:s18] =	ssyncadd.s32 $0xFFFFC000  }
0xb5: {  	[tilespmem:s22], [sflag:$0x2] =	stream.indirect.gather [hbm4b:s1+s20], $0x80, s17, s20, $0xb8;
	[tilespmem:$0x1EC00] =	vst v63  }
0xb6: {  	_ =	swait.ge [sflag:s23], $0x4000  }
0xb7: {  	[sflag:s23] =	ssyncset.done $0x0  }
0xb8: {  	s26 =	simm.s32 $0xE00;
	[sflag:s23] =	ssyncadd.s32 $0xFFFFC000  }
0xb9: {  	[spmem:s3] =	stream.indirect.scatter.add.f32 [tilespmem:s19], [sflag:$0x3], $0x80, s26, s20, $0xb8;
	[tilespmem:$0x1EC00] =	vst v63  }
0xba: {  	_ =	swait.ge [sflag:s18], $0x4000  }
0xbb: {  	[sflag:s18] =	ssyncset.done $0x0  }
0xbc: {  	s31 =	rddreg [dreg:$0xf];
	[sflag:s18] =	ssyncadd.s32 $0xFFFFC000  }
0xbd: {  	[tilespmem:s19], [sflag:$0x1] =	stream.indirect.gather [hbm4b:s1+s20], $0x80, s31, s20, $0xb8;
	[tilespmem:$0x1EC00] =	vst v63  }
0xbe: {  	_ =	swait.ge [sflag:s24], $0x4000  }
0xbf: {  	[sflag:s24] =	ssyncset.done $0x0  }
0xc0: {  	s2 =	simm.s32 $0xE80;
	[sflag:s24] =	ssyncadd.s32 $0xFFFFC000  }
0xc1: {  	[spmem:s3] =	stream.indirect.scatter.add.f32 [tilespmem:s22], [sflag:$0x3], $0x80, s2, s20, $0xb8;
	[tilespmem:$0x1EC00] =	vst v63  }
0xc2: {  	_ =	swait.ge [sflag:s18], $0x4000  }
0xc3: {  	[sflag:s18] =	ssyncset.done $0x0  }
0xc4: {  	s17 =	rddreg [dreg:$0x10];
	[sflag:s18] =	ssyncadd.s32 $0xFFFFC000  }
0xc5: {  	[tilespmem:s22], [sflag:$0x2] =	stream.indirect.gather [hbm4b:s1+s20], $0x80, s17, s20, $0xb8;
	[tilespmem:$0x1EC00] =	vst v63  }
0xc6: {  	_ =	swait.ge [sflag:s23], $0x4000  }
0xc7: {  	[sflag:s23] =	ssyncset.done $0x0  }
0xc8: {  	s26 =	simm.s32 $0xF00;
	[sflag:s23] =	ssyncadd.s32 $0xFFFFC000  }
0xc9: {  	[spmem:s3] =	stream.indirect.scatter.add.f32 [tilespmem:s19], [sflag:$0x3], $0x80, s26, s20, $0xb8;
	[tilespmem:$0x1EC00] =	vst v63  }
0xca: {  	p0 =	por $0x0, $0x0;
	_ =	swait.ge [sflag:s18], $0x4000  }
0xcb: {  	s0 =	simm.s32 @!p0 $0x80;
	[sflag:s18] =	ssyncset.done $0x0  }
0xcc: {  	s28 =	simm.s32 @!p0 $0x3000;
	s26 =	simm.s32 @!p0 $0x0;
	[sflag:s18] =	ssyncadd.s32 $0xFFFFC000  }
0xcd: {  	[tilespmem:s28], [sflag:$0x1] =	stream.indirect.gather @!p0 [hbm4b:s1+s0], $0x80, s26, s0, $0xb8;
	[tilespmem:$0x1EC00] =	vst v63  }
0xce: {  	_ =	swait.ge [sflag:s24], $0x4000  }
0xcf: {  	s29 =	simm.s32 $0x3;
	[sflag:s24] =	ssyncset.done $0x0  }
0xd0: {  	s30 =	smov.u32 s15;
	s31 =	simm.s32 $0xF80;
	[sflag:s24] =	ssyncadd.s32 $0xFFFFC000  }
0xd1: {  	[spmem:s3] =	stream.indirect.scatter.add.f32 [tilespmem:s22], [sflag:$0x3], $0x80, s31, s20, $0xb8;
	[tilespmem:$0x1EC00] =	vst v63  }
0xd2: {  	s26 =	simm.s32 $0x2000;
	s28 =	sadd.s32 $0x100, s16;
	_ =	swait.ge [sflag:s18], $0x4000  }
.LBB2_4:
0xd3: {  	[sflag:s18] =	ssyncset.done $0x0  }
0xd4: {  	[sflag:s18] =	ssyncadd.s32 $0xFFFFC000  }
0xd5: {  	[tilespmem:s21], [sflag:$0x3] =	stream.linear.gather [hbm4b:s28+s4], $0x400, $0x38;
	[tilespmem:$0x1EC00] =	vst v63  }
0xd6: {  	_ =	swait.ge [sflag:s18], $0x400  }
0xd7: {  	[sflag:s18] =	ssyncset.done $0x0  }
0xd8: {  	[sflag:s18] =	ssyncadd.s32 $0xFFFFFC00  }
0xd9: {  	[tilespmem:s22], [sflag:$0x2] =	stream.indirect.gather [hbm4b:s1+s20], $0x80, s20, s20, $0xb8;
	[tilespmem:$0x1EC00] =	vst v63  }
0xda: {  	s0 =	smov.u32 s26;
	_ =	swait.ge [sflag:s23], $0x4000  }
0xdb: {  	s31 =	sshra.s32 s0, $0x2;
	[sflag:s23] =	ssyncset.done $0x0  }
0xdc: {  	s17 =	sadd.s32 $0x800, s31;
	[sflag:s23] =	ssyncadd.s32 $0xFFFFC000  }
0xdd: {  	[spmem:s3] =	stream.indirect.scatter.add.f32 [tilespmem:s19], [sflag:$0x3], $0x80, s17, s20, $0xb8;
	[tilespmem:$0x1EC00] =	vst v63  }
0xde: {  	_ =	swait.ge [sflag:s18], $0x4000  }
0xdf: {  	[sflag:s18] =	ssyncset.done $0x0  }
0xe0: {  	s2 =	rddreg [dreg:$0x4];
	[sflag:s18] =	ssyncadd.s32 $0xFFFFC000  }
0xe1: {  	[tilespmem:s19], [sflag:$0x1] =	stream.indirect.gather [hbm4b:s1+s20], $0x80, s2, s20, $0xb8;
	[tilespmem:$0x1EC00] =	vst v63  }
0xe2: {  	_ =	swait.ge [sflag:s24], $0x4000  }
0xe3: {  	[sflag:s24] =	ssyncset.done $0x0  }
0xe4: {  	s2 =	sadd.s32 $0x880, s31;
	[sflag:s24] =	ssyncadd.s32 $0xFFFFC000  }
0xe5: {  	[spmem:s3] =	stream.indirect.scatter.add.f32 [tilespmem:s22], [sflag:$0x3], $0x80, s2, s20, $0xb8;
	[tilespmem:$0x1EC00] =	vst v63  }
0xe6: {  	_ =	swait.ge [sflag:s18], $0x4000  }
0xe7: {  	[sflag:s18] =	ssyncset.done $0x0  }
0xe8: {  	s2 =	rddreg [dreg:$0x5];
	[sflag:s18] =	ssyncadd.s32 $0xFFFFC000  }
0xe9: {  	[tilespmem:s22], [sflag:$0x2] =	stream.indirect.gather [hbm4b:s1+s20], $0x80, s2, s20, $0xb8;
	[tilespmem:$0x1EC00] =	vst v63  }
0xea: {  	_ =	swait.ge [sflag:s23], $0x4000  }
0xeb: {  	[sflag:s23] =	ssyncset.done $0x0  }
0xec: {  	s2 =	sadd.s32 $0x900, s31;
	[sflag:s23] =	ssyncadd.s32 $0xFFFFC000  }
0xed: {  	[spmem:s3] =	stream.indirect.scatter.add.f32 [tilespmem:s19], [sflag:$0x3], $0x80, s2, s20, $0xb8;
	[tilespmem:$0x1EC00] =	vst v63  }
0xee: {  	_ =	swait.ge [sflag:s18], $0x4000  }
0xef: {  	[sflag:s18] =	ssyncset.done $0x0  }
0xf0: {  	s2 =	rddreg [dreg:$0x6];
	[sflag:s18] =	ssyncadd.s32 $0xFFFFC000  }
0xf1: {  	[tilespmem:s19], [sflag:$0x1] =	stream.indirect.gather [hbm4b:s1+s20], $0x80, s2, s20, $0xb8;
	[tilespmem:$0x1EC00] =	vst v63  }
0xf2: {  	_ =	swait.ge [sflag:s24], $0x4000  }
0xf3: {  	[sflag:s24] =	ssyncset.done $0x0  }
0xf4: {  	s2 =	sadd.s32 $0x980, s31;
	[sflag:s24] =	ssyncadd.s32 $0xFFFFC000  }
0xf5: {  	[spmem:s3] =	stream.indirect.scatter.add.f32 [tilespmem:s22], [sflag:$0x3], $0x80, s2, s20, $0xb8;
	[tilespmem:$0x1EC00] =	vst v63  }
0xf6: {  	_ =	swait.ge [sflag:s18], $0x4000  }
0xf7: {  	[sflag:s18] =	ssyncset.done $0x0  }
0xf8: {  	s2 =	rddreg [dreg:$0x7];
	[sflag:s18] =	ssyncadd.s32 $0xFFFFC000  }
0xf9: {  	[tilespmem:s22], [sflag:$0x2] =	stream.indirect.gather [hbm4b:s1+s20], $0x80, s2, s20, $0xb8;
	[tilespmem:$0x1EC00] =	vst v63  }
0xfa: {  	_ =	swait.ge [sflag:s23], $0x4000  }
0xfb: {  	[sflag:s23] =	ssyncset.done $0x0  }
0xfc: {  	s2 =	sadd.s32 $0xA00, s31;
	[sflag:s23] =	ssyncadd.s32 $0xFFFFC000  }
0xfd: {  	[spmem:s3] =	stream.indirect.scatter.add.f32 [tilespmem:s19], [sflag:$0x3], $0x80, s2, s20, $0xb8;
	[tilespmem:$0x1EC00] =	vst v63  }
0xfe: {  	_ =	swait.ge [sflag:s18], $0x4000  }
0xff: {  	[sflag:s18] =	ssyncset.done $0x0  }
0x100: {  	s2 =	rddreg [dreg:$0x8];
	[sflag:s18] =	ssyncadd.s32 $0xFFFFC000  }
0x101: {  	[tilespmem:s19], [sflag:$0x1] =	stream.indirect.gather [hbm4b:s1+s20], $0x80, s2, s20, $0xb8;
	[tilespmem:$0x1EC00] =	vst v63  }
0x102: {  	_ =	swait.ge [sflag:s24], $0x4000  }
0x103: {  	[sflag:s24] =	ssyncset.done $0x0  }
0x104: {  	s2 =	sadd.s32 $0xA80, s31;
	[sflag:s24] =	ssyncadd.s32 $0xFFFFC000  }
0x105: {  	[spmem:s3] =	stream.indirect.scatter.add.f32 [tilespmem:s22], [sflag:$0x3], $0x80, s2, s20, $0xb8;
	[tilespmem:$0x1EC00] =	vst v63  }
0x106: {  	_ =	swait.ge [sflag:s18], $0x4000  }
0x107: {  	[sflag:s18] =	ssyncset.done $0x0  }
0x108: {  	s2 =	rddreg [dreg:$0x9];
	[sflag:s18] =	ssyncadd.s32 $0xFFFFC000  }
0x109: {  	[tilespmem:s22], [sflag:$0x2] =	stream.indirect.gather [hbm4b:s1+s20], $0x80, s2, s20, $0xb8;
	[tilespmem:$0x1EC00] =	vst v63  }
0x10a: {  	_ =	swait.ge [sflag:s23], $0x4000  }
0x10b: {  	[sflag:s23] =	ssyncset.done $0x0  }
0x10c: {  	s2 =	sadd.s32 $0xB00, s31;
	[sflag:s23] =	ssyncadd.s32 $0xFFFFC000  }
0x10d: {  	[spmem:s3] =	stream.indirect.scatter.add.f32 [tilespmem:s19], [sflag:$0x3], $0x80, s2, s20, $0xb8;
	[tilespmem:$0x1EC00] =	vst v63  }
0x10e: {  	_ =	swait.ge [sflag:s18], $0x4000  }
0x10f: {  	[sflag:s18] =	ssyncset.done $0x0  }
0x110: {  	[sflag:s18] =	ssyncadd.s32 $0xFFFFC000  }
0x111: {  	[tilespmem:s19], [sflag:$0x1] =	stream.indirect.gather [hbm4b:s1+s20], $0x80, s21, s20, $0xb8;
	[tilespmem:$0x1EC00] =	vst v63  }
0x112: {  	_ =	swait.ge [sflag:s24], $0x4000  }
0x113: {  	s30 =	sadd.s32 $0x800, s30;
	[sflag:s24] =	ssyncset.done $0x0  }
0x114: {  	p1 =	seq.s32 s0, $0x8000;
	s2 =	sadd.s32 $0xB80, s31;
	[sflag:s24] =	ssyncadd.s32 $0xFFFFC000  }
0x115: {  	[spmem:s3] =	stream.indirect.scatter.add.f32 [tilespmem:s22], [sflag:$0x3], $0x80, s2, s20, $0xb8;
	[tilespmem:$0x1EC00] =	vst v63  }
0x116: {  	s0 =	sshrl.u32 @!p1 s30, $0x3;
	_ =	swait.ge [sflag:s18], $0x4000  }
0x117: {  	s0 =	sadd.s32 @!p1 s5, s0;
	[sflag:s18] =	ssyncset.done $0x0  }
0x118: {  	s17 =	simm.s32 @!p1 $0x3;
	s2 =	simm.s32 @!p1 $0x0;
	[sflag:s18] =	ssyncadd.s32 $0xFFFFC000  }
0x119: {  	[tilespmem:s2], [sflag:$0x3] =	stream.linear.gather @!p1 [hbm4b:s0+s2], $0x400, $0x38;
	[tilespmem:$0x1EC00] =	vst v63  }
0x11a: {  	_ =	swait.ge @!p1 [sflag:s17], $0x400  }
0x11b: {  	[sflag:s17] =	ssyncset.done @!p1 $0x0  }
0x11c: {  	s2 =	rddreg [dreg:$0xa];
	[sflag:s17] =	ssyncadd.s32 @!p1 $0xFFFFFC00  }
0x11d: {  	[tilespmem:s22], [sflag:$0x2] =	stream.indirect.gather [hbm4b:s1+s20], $0x80, s2, s20, $0xb8;
	[tilespmem:$0x1EC00] =	vst v63  }
0x11e: {  	_ =	swait.ge [sflag:s23], $0x4000  }
0x11f: {  	[sflag:s23] =	ssyncset.done $0x0  }
0x120: {  	s17 =	sadd.s32 $0xC00, s31;
	[sflag:s23] =	ssyncadd.s32 $0xFFFFC000  }
0x121: {  	[spmem:s3] =	stream.indirect.scatter.add.f32 [tilespmem:s19], [sflag:$0x3], $0x80, s17, s20, $0xb8;
	[tilespmem:$0x1EC00] =	vst v63  }
0x122: {  	_ =	swait.ge [sflag:s18], $0x4000  }
0x123: {  	[sflag:s18] =	ssyncset.done $0x0  }
0x124: {  	s2 =	rddreg [dreg:$0xb];
	[sflag:s18] =	ssyncadd.s32 $0xFFFFC000  }
0x125: {  	[tilespmem:s19], [sflag:$0x1] =	stream.indirect.gather [hbm4b:s1+s20], $0x80, s2, s20, $0xb8;
	[tilespmem:$0x1EC00] =	vst v63  }
0x126: {  	_ =	swait.ge [sflag:s24], $0x4000  }
0x127: {  	[sflag:s24] =	ssyncset.done $0x0  }
0x128: {  	s17 =	sadd.s32 $0xC80, s31;
	[sflag:s24] =	ssyncadd.s32 $0xFFFFC000  }
0x129: {  	[spmem:s3] =	stream.indirect.scatter.add.f32 [tilespmem:s22], [sflag:$0x3], $0x80, s17, s20, $0xb8;
	[tilespmem:$0x1EC00] =	vst v63  }
0x12a: {  	_ =	swait.ge [sflag:s18], $0x4000  }
0x12b: {  	[sflag:s18] =	ssyncset.done $0x0  }
0x12c: {  	s2 =	rddreg [dreg:$0xc];
	[sflag:s18] =	ssyncadd.s32 $0xFFFFC000  }
0x12d: {  	[tilespmem:s22], [sflag:$0x2] =	stream.indirect.gather [hbm4b:s1+s20], $0x80, s2, s20, $0xb8;
	[tilespmem:$0x1EC00] =	vst v63  }
0x12e: {  	_ =	swait.ge [sflag:s23], $0x4000  }
0x12f: {  	[sflag:s23] =	ssyncset.done $0x0  }
0x130: {  	s17 =	sadd.s32 $0xD00, s31;
	[sflag:s23] =	ssyncadd.s32 $0xFFFFC000  }
0x131: {  	[spmem:s3] =	stream.indirect.scatter.add.f32 [tilespmem:s19], [sflag:$0x3], $0x80, s17, s20, $0xb8;
	[tilespmem:$0x1EC00] =	vst v63  }
0x132: {  	_ =	swait.ge [sflag:s18], $0x4000  }
0x133: {  	[sflag:s18] =	ssyncset.done $0x0  }
0x134: {  	s2 =	rddreg [dreg:$0xd];
	[sflag:s18] =	ssyncadd.s32 $0xFFFFC000  }
0x135: {  	[tilespmem:s19], [sflag:$0x1] =	stream.indirect.gather [hbm4b:s1+s20], $0x80, s2, s20, $0xb8;
	[tilespmem:$0x1EC00] =	vst v63  }
0x136: {  	_ =	swait.ge [sflag:s24], $0x4000  }
0x137: {  	[sflag:s24] =	ssyncset.done $0x0  }
0x138: {  	s17 =	sadd.s32 $0xD80, s31;
	[sflag:s24] =	ssyncadd.s32 $0xFFFFC000  }
0x139: {  	[spmem:s3] =	stream.indirect.scatter.add.f32 [tilespmem:s22], [sflag:$0x3], $0x80, s17, s20, $0xb8;
	[tilespmem:$0x1EC00] =	vst v63  }
0x13a: {  	_ =	swait.ge [sflag:s18], $0x4000  }
0x13b: {  	[sflag:s18] =	ssyncset.done $0x0  }
0x13c: {  	s2 =	rddreg [dreg:$0xe];
	[sflag:s18] =	ssyncadd.s32 $0xFFFFC000  }
0x13d: {  	[tilespmem:s22], [sflag:$0x2] =	stream.indirect.gather [hbm4b:s1+s20], $0x80, s2, s20, $0xb8;
	[tilespmem:$0x1EC00] =	vst v63  }
0x13e: {  	_ =	swait.ge [sflag:s23], $0x4000  }
0x13f: {  	[sflag:s23] =	ssyncset.done $0x0  }
0x140: {  	s17 =	sadd.s32 $0xE00, s31;
	[sflag:s23] =	ssyncadd.s32 $0xFFFFC000  }
0x141: {  	[spmem:s3] =	stream.indirect.scatter.add.f32 [tilespmem:s19], [sflag:$0x3], $0x80, s17, s20, $0xb8;
	[tilespmem:$0x1EC00] =	vst v63  }
0x142: {  	_ =	swait.ge [sflag:s18], $0x4000  }
0x143: {  	[sflag:s18] =	ssyncset.done $0x0  }
0x144: {  	s2 =	rddreg [dreg:$0xf];
	[sflag:s18] =	ssyncadd.s32 $0xFFFFC000  }
0x145: {  	[tilespmem:s19], [sflag:$0x1] =	stream.indirect.gather [hbm4b:s1+s20], $0x80, s2, s20, $0xb8;
	[tilespmem:$0x1EC00] =	vst v63  }
0x146: {  	_ =	swait.ge [sflag:s24], $0x4000  }
0x147: {  	[sflag:s24] =	ssyncset.done $0x0  }
0x148: {  	s17 =	sadd.s32 $0xE80, s31;
	[sflag:s24] =	ssyncadd.s32 $0xFFFFC000  }
0x149: {  	[spmem:s3] =	stream.indirect.scatter.add.f32 [tilespmem:s22], [sflag:$0x3], $0x80, s17, s20, $0xb8;
	[tilespmem:$0x1EC00] =	vst v63  }
0x14a: {  	_ =	swait.ge [sflag:s18], $0x4000  }
0x14b: {  	[sflag:s18] =	ssyncset.done $0x0  }
0x14c: {  	s2 =	rddreg [dreg:$0x10];
	[sflag:s18] =	ssyncadd.s32 $0xFFFFC000  }
0x14d: {  	[tilespmem:s22], [sflag:$0x2] =	stream.indirect.gather [hbm4b:s1+s20], $0x80, s2, s20, $0xb8;
	[tilespmem:$0x1EC00] =	vst v63  }
0x14e: {  	_ =	swait.ge [sflag:s23], $0x4000  }
0x14f: {  	[sflag:s23] =	ssyncset.done $0x0  }
0x150: {  	s17 =	sadd.s32 $0xF00, s31;
	[sflag:s23] =	ssyncadd.s32 $0xFFFFC000  }
0x151: {  	[spmem:s3] =	stream.indirect.scatter.add.f32 [tilespmem:s19], [sflag:$0x3], $0x80, s17, s20, $0xb8;
	[tilespmem:$0x1EC00] =	vst v63  }
0x152: {  	s26 =	sadd.s32 $0x2000, s26;
	p1 =	sgt.u32 s29, $0x8;
	_ =	swait.ge [sflag:s18], $0x4000  }
0x153: {  	p0 =	sne.s32 s26, $0xA000;
	s0 =	simm.s32 @!p1 $0x80;
	[sflag:s18] =	ssyncset.done $0x0  }
0x154: {  	s2 =	simm.s32 @!p1 $0x0;
	s17 =	simm.s32 @!p1 $0x3000;
	[sflag:s18] =	ssyncadd.s32 $0xFFFFC000  }
0x155: {  	[tilespmem:s17], [sflag:$0x1] =	stream.indirect.gather @!p1 [hbm4b:s1+s0], $0x80, s2, s0, $0xb8;
	[tilespmem:$0x1EC00] =	vst v63  }
.Ltmp1:
0x156: {  	_ =	swait.ge [sflag:s24], $0x4000;
	(pc) =	sbr.rel @p0 .LBB2_4-.Ltmp1, $4  }
0x157: {  	[sflag:s24] =	ssyncset.done $0x0  }
0x158: {  	s31 =	sadd.s32 $0xF80, s31;
	[sflag:s24] =	ssyncadd.s32 $0xFFFFC000  }
0x159: {  	[spmem:s3] =	stream.indirect.scatter.add.f32 [tilespmem:s22], [sflag:$0x3], $0x80, s31, s20, $0xb8;
	[tilespmem:$0x1EC00] =	vst v63  }
0x15a: {  	s28 =	sadd.s32 $0x100, s28;
	s29 =	sadd.s32 $0x2, s29;
	_ =	swait.ge [sflag:s18], $0x4000  }
0x15b: {  	[sflag:s18] =	ssyncset.done $0x0  }
0x15c: {  	s0 =	stileid.u32;
	s2 =	sshrl.u32 s7, $0x3;
	s25 =	sadd.s32 $0x1, s25  }
0x15d: {  	[sflag:s18] =	ssyncadd.s32 $0xFFFFC000;
	s0 =	sshll.u32 s0, $0x6;
	p0 =	sne.s32 s25, s14  }
.Ltmp2:
0x15e: {  	[bflag:$0x0] =	sbarrier.arrive $0xFFFF;
	s0 =	sor.u32 $0x1C03, s0;
	(pc) =	sbr.rel @p0 .LBB2_1-.Ltmp2, $4  }
0x15f: {  	[hbm:s13], [sflag:s0] =	dma.local [spmem:s2], $0x2780  }
0x160: {  	_ =	swait.ge [sflag:s18], $0x2780  }
0x161: {  	[sflag:s18] =	ssyncset.done $0x0  }
0x162: {  	[sflag:s18] =	ssyncadd.s32 $0xFFFFD880  }
0x163: {  	_ =	sfence.sel $0x180000  }
0x164: {  	[bflag:$0x0] =	sbarrier.arrive $0xFFFF  }
0x165: {  	_ =	strace $0x9000004A  }
0x166: {  	s0 =	stileid.u32;
	[bflag:$0x2] =	sbarrier.arrive $0xFFFF  }
0x167: {  	p0 =	sne.s32 s0, $0x0;
	s0 =	rddreg [dreg:$0x3]  }
0x168: {  	s0 =	sadd.s32 @!p0 $0x100000, s0  }
0x169: {  	[sflag:s0] =	ssyncadd.tile.s32 @!p0 $0x1;
	_ =	shalt  }
.Lfunc_end2:
_tile_overlayer_lowered:
.L_overlay_start_2:
0x16a: {  	(tag) =	ssettag $0x2  }
0x16b: {  	s0 =	rddreg [dreg:$0x0];
	s2 =	stileid.u32  }
0x16c: {  	s1 =	rddreg [dreg:$0x1];
	p0 =	sne.s32 s2, $0x0  }
0x16d: {  	s3 =	rddreg [dreg:$0x2];
	[bflag:$0x3] =	sbarrier.arrive $0xFFFF;
	s2 =	simm.s32 @!p0 $0x1C03  }
0x16e: {  	[timem:s3], [sflag:s2] =	dma.local @!p0 [hbm:s0], s1  }
0x16f: {  	s0 =	simm.s32 @!p0 $0x3  }
0x170: {  	_ =	swait.ge @!p0 [sflag:s0], s1  }
0x171: {  	s1 =	ssub.s32 @!p0 $0x0, s1;
	[sflag:s0] =	ssyncset.done @!p0 $0x0  }
0x172: {  	[sflag:s0] =	ssyncadd.s32 @!p0 s1  }
0x173: {  	[bflag:$0x3] =	sbarrier.arrive $0xFFFF  }
0x174: {  	_ =	shalt  }

// kernel: kernel.14.cloned.1.call-start
scs
__scs_entry_jumppad:
0x0: {  	(pc) =	sbr.rel $0x88, $3  }
0x1: {  	(tag) =	ssettag $0x0;
	lr =	simm.s32 $0x1  }
0x2: {  	[smem:$0x3F93] =	sst lr;
	_ =	strace $0xD0000000  }
0x3: {  	_ = 	snop  }
0x4: {  	_ = 	snop  }
0x5: {  	_ = 	snop  }
0x6: {  	_ = 	snop  }
0x7: {  	_ = 	snop  }
__scs_overlays_trampoline_lowered:
0x8: {  	[smem:$0x3FA2] =	sst s0  }
0x9: {  	[smem:$0x3FA3] =	sst s1  }
0xa: {  	[smem:$0x3FA4] =	sst s2  }
0xb: {  	[smem:$0x3FA5] =	sst s3  }
0xc: {  	[smem:$0x3FA6] =	sst s4  }
0xd: {  	[smem:$0x3FA7] =	sst s5  }
0xe: {  	[smem:$0x3FA8] =	sst s6  }
0xf: {  	[smem:$0x3FA9] =	sst s7  }
0x10: {  	[smem:$0x3FAA] =	sst s8  }
0x11: {  	[smem:$0x3FAB] =	sst s9;
	s0 =	simm.s32 @!p0 $0x0  }
0x12: {  	s1 =	sld [smem:$0x3F91];
	s0 =	simm.s32 @p0 $0x1  }
0x13: {  	[smem:$0x3FAC] =	sst s0;
	s0 =	simm.s32 @!p1 $0x0  }
0x14: {  	s2 =	sld [smem:$0x3F90];
	s0 =	simm.s32 @p1 $0x1  }
0x15: {  	[smem:$0x3FAD] =	sst s0;
	s0 =	simm.s32 @!p2 $0x0  }
0x16: {  	s3 =	sld [smem:$0x3FDB];
	s0 =	simm.s32 @p2 $0x1  }
0x17: {  	s4 =	simm.s32 $0x1BF5;
	[smem:$0x3FAF] =	sst s0  }
0x18: {  	s0 =	sld [smem:$0x3F92];
	_ =	swait.ge [sflag:s4], $0x0  }
0x19: {  	s7 =	sld [smem:$0x3F93]  }
0x1a: {  	s8 =	sadd.s32 $0xFFFFE003, lr  }
0x1b: {  	s9 =	sadd.s32 $0xFFFFFEF7, lr;
	s5 =	simm.s32 $0xFFFFFFFF;
	p2 =	slt.u32 s8, $0xFFFFF086  }
0x1c: {  	p1 =	slt.u32 s9, $0xF7A;
	s5 =	simm.s32 @!p2 $0x0  }
0x1d: {  	s5 =	simm.s32 @p1 $0x1;
	p0 =	seq.s32 s7, s2  }
0x1e: {  	s7 =	smul.u32 @!p0 $0xF7A, s2;
	p2 =	seq.s32 @!p0 s5, $0x0  }
0x1f: {  	s9 =	smul.u32 $0xF7A, s1;
	s8 =	simm.s32 @!p0 $0x1BF5;
	p2 =	por !p2, p0  }
0x20: {  	[sflag:s8] =	ssyncset.s32 @!p0 $0xFFFFF086;
	s6 =	sadd.s32 @!p0 s3, s7;
	s7 =	simm.s32 @!p0 $0x108  }
0x21: {  	s3 =	sadd.s32 s3, s9;
	s6 =	sadd.s32 @!p0 $0x88, s6;
	s7 =	simm.s32 @p2 $0x1082  }
0x22: {  	[simem:s7], [sflag:s8] =	dma.local @!p0 [hbm:s6], $0xF7A  }
0x23: {  	s9 =	sor.u32 $0xD0000000, s2;
	s6 =	simm.s32 $0x108;
	_ =	swait.ge @!p0 [sflag:s8], $0x0  }
0x24: {  	s3 =	sadd.s32 $0x88, s3;
	s6 =	simm.s32 @!p1 $0x1082;
	[sflag:s4] =	ssyncset.s32 $0xFFFFF086  }
0x25: {  	[simem:s6], [sflag:s4] =	dma.local [hbm:s3], $0xF7A  }
0x26: {  	[smem:$0x3F93] =	sst s1;
	(tag) =	ssettag s2;
	_ =	strace s9  }
0x27: {  	s1 =	sld [smem:$0x3FA3]  }
0x28: {  	s2 =	sld [smem:$0x3FA4]  }
0x29: {  	s4 =	sld [smem:$0x3FA6]  }
0x2a: {  	p0 =	seq.s32 s5, $0x0;
	s5 =	sld [smem:$0x3FA7]  }
0x2b: {  	s6 =	sld [smem:$0x3FA8]  }
0x2c: {  	s7 =	sld [smem:$0x3FA9]  }
0x2d: {  	s3 =	simm.s32 $0x108;
	s8 =	sld [smem:$0x3FAA]  }
0x2e: {  	s3 =	simm.s32 @!p0 $0x1082;
	s9 =	sld [smem:$0x3FAB]  }
0x2f: {  	lr =	sadd.s32 s0, s3;
	s0 =	sld [smem:$0x3FA2]  }
0x30: {  	s3 =	sld [smem:$0x3FA5]  }
0x31: {  	[smem:$0x3FAE] =	sst s10  }
0x32: {  	s10 =	sld [smem:$0x3FAC];
	_ =	sdelay $0x3  }
0x33: {  	p0 =	seq.s32 s10, $0x1;
	s10 =	sld [smem:$0x3FAE];
	_ =	sdelay $0x3  }
0x34: {  	[smem:$0x3FAE] =	sst s10  }
0x35: {  	s10 =	sld [smem:$0x3FAD];
	_ =	sdelay $0x3  }
0x36: {  	p1 =	seq.s32 s10, $0x1;
	s10 =	sld [smem:$0x3FAE];
	_ =	sdelay $0x3  }
0x37: {  	[smem:$0x3FAE] =	sst s10  }
0x38: {  	s10 =	sld [smem:$0x3FAF]  }
0x39: {  	_ = 	snop;
	(pc) =	sbr.ind lr, $3  }
0x3a: {  	_ = 	snop  }
0x3b: {  	_ = 	snop  }
0x3c: {  	p2 =	seq.s32 s10, $0x1;
	s10 =	sld [smem:$0x3FAE]  }
0x3d: {  	_ =	shalt  }
0x3e: {  	_ =	shalt  }
0x3f: {  	_ =	shalt  }
0x40: {  	_ =	shalt  }
0x41: {  	_ =	shalt  }
0x42: {  	_ =	shalt  }
0x43: {  	_ =	shalt  }
0x44: {  	_ =	shalt  }
0x45: {  	_ =	shalt  }
0x46: {  	_ =	shalt  }
0x47: {  	_ =	shalt  }
0x48: {  	_ =	shalt  }
0x49: {  	_ =	shalt  }
0x4a: {  	_ =	shalt  }
0x4b: {  	_ =	shalt  }
0x4c: {  	_ =	shalt  }
0x4d: {  	_ =	shalt  }
0x4e: {  	_ =	shalt  }
0x4f: {  	_ =	shalt  }
0x50: {  	_ =	shalt  }
0x51: {  	_ =	shalt  }
0x52: {  	_ =	shalt  }
0x53: {  	_ =	shalt  }
0x54: {  	_ =	shalt  }
0x55: {  	_ =	shalt  }
0x56: {  	_ =	shalt  }
0x57: {  	_ =	shalt  }
0x58: {  	_ =	shalt  }
0x59: {  	_ =	shalt  }
0x5a: {  	_ =	shalt  }
0x5b: {  	_ =	shalt  }
0x5c: {  	_ =	shalt  }
0x5d: {  	_ =	shalt  }
0x5e: {  	_ =	shalt  }
0x5f: {  	_ =	shalt  }
0x60: {  	_ =	shalt  }
0x61: {  	_ =	shalt  }
0x62: {  	_ =	shalt  }
0x63: {  	_ =	shalt  }
0x64: {  	_ =	shalt  }
0x65: {  	_ =	shalt  }
0x66: {  	_ =	shalt  }
0x67: {  	_ =	shalt  }
0x68: {  	_ =	shalt  }
0x69: {  	_ =	shalt  }
0x6a: {  	_ =	shalt  }
0x6b: {  	_ =	shalt  }
0x6c: {  	_ =	shalt  }
0x6d: {  	_ =	shalt  }
0x6e: {  	_ =	shalt  }
0x6f: {  	_ =	shalt  }
0x70: {  	_ =	shalt  }
0x71: {  	_ =	shalt  }
0x72: {  	_ =	shalt  }
0x73: {  	_ =	shalt  }
0x74: {  	_ =	shalt  }
0x75: {  	_ =	shalt  }
0x76: {  	_ =	shalt  }
0x77: {  	_ =	shalt  }
0x78: {  	_ =	shalt  }
0x79: {  	_ =	shalt  }
0x7a: {  	_ =	shalt  }
0x7b: {  	_ =	shalt  }
0x7c: {  	_ =	shalt  }
0x7d: {  	_ =	shalt  }
0x7e: {  	_ =	shalt  }
0x7f: {  	_ =	shalt  }
0x80: {  	_ =	shalt  }
0x81: {  	_ =	shalt  }
0x82: {  	_ =	shalt  }
0x83: {  	_ =	shalt  }
0x84: {  	_ =	shalt  }
0x85: {  	_ =	shalt  }
0x86: {  	_ =	shalt  }
0x87: {  	_ =	shalt  }
.Lfunc_end0:
.L_simem_size_0:
called_computation.2_lowered:
.L_overlay_start_0:
0x88: {  	s2 =	sld [smem:$0x3FD9]  }
0x89: {  	s3 =	sld [smem:$0x3FFE];
	_ =	sdelay $0x1  }
0x8a: {  	s1 =	srdreg.scid  }
0x8b: {  	s0 =	sand.u32 $0x1, s1  }
0x8c: {  	s17 =	sshll.u32 s0, $0xA;
	s2 =	sadd.s32 s3, s2  }
0x8d: {  	s2 =	sadd.s32 s2, s17  }
0x8e: {  	[smem:$0x3FBA] =	sst s2  }
0x8f: {  	_ = 	snop  }
0x90: {  	s2 =	sld [smem:$0x3FD0];
	(tm) =	ssettm $0x1  }
0x91: {  	s18 =	sld [smem:$0x3FFB];
	_ =	sdelay $0x3  }
0x92: {  	_ =	strace s18  }
0x93: {  	s3 =	sld [smem:$0x3FFC];
	_ =	sdelay $0x3  }
0x94: {  	_ =	strace s3  }
0x95: {  	s3 =	sld [smem:$0x3FFD];
	_ =	sdelay $0x3  }
0x96: {  	_ =	strace s3  }
0x97: {  	_ =	strace $0x8FFFFFFF  }
0x98: {  	s19 =	sld [smem:$0x3FDB];
	_ =	sdelay $0x1  }
0x99: {  	s4 =	simm.s32 $_scs_section_size  }
0x9a: {  	s5 =	simm.s32 $_size__tile_overlayer_lowered;
	s6 =	simm.s32 $_tile_overlayer_lowered  }
0x9b: {  	s22 =	simm.s32 $0x1BFF;
	s21 =	sshll.u32 s6, $0x1;
	s3 =	sadd.s32 s4, s19  }
0x9c: {  	s7 =	simm.s32 $0x0;
	s20 =	sshll.u32 s5, $0x1;
	s5 =	sadd.s32 s21, s3  }
0x9d: {  	[timem:s7], [sflag:s22] =	dma.local [hbm:s5], s20  }
0x9e: {  	_ =	swait.ge [sflag:s22], s20  }
0x9f: {  	s4 =	ssub.s32 $0x0, s20;
	[sflag:s22] =	ssyncset.done $0x0  }
0xa0: {  	[sflag:s22] =	ssyncadd.s32 s4;
	_ =	sdelay $0x1  }
0xa1: {  	s23 =	simm.s32 $0x1B8B  }
0xa2: {  	_ =	swait.ge [sflag:s23], $0x1  }
0xa3: {  	[sflag:s23] =	ssyncset.done $0x0  }
0xa4: {  	s25 =	simm.s32 $0x1B8E;
	s24 =	sld [smem:$0x3FFE];
	[sflag:s23] =	ssyncadd.s32 $0xFFFFFFFF  }
0xa5: {  	s26 =	simm.s32 $execute0_lowered;
	[smem:$0x3FD2] =	sst s25  }
0xa6: {  	s5 =	sshll.u32 s26, $0x1;
	_ =	strace $0x8000004C;
	[dreg:$0x1] =	wrdreg $0xFFFFFFFF  }
0xa7: {  	s28 =	simm.s32 $_size_execute0_lowered;
	s3 =	sadd.s32 s3, s5;
	[dreg:$0x0] =	wrdreg $0x0  }
0xa8: {  	s5 =	sshll.u32 s28, $0x1;
	[dreg:$0x2] =	wrdreg s3  }
0xa9: {  	[dreg:$0x3] =	wrdreg s5  }
0xaa: {  	[dreg:$0x4] =	wrdreg $0xC0  }
0xab: {  	_ =	task [dreg:s7], $0x5FFFF  }
0xac: {  	[dreg:$0x1] =	wrdreg $0xFFFFFFFF  }
0xad: {  	[dreg:$0x0] =	wrdreg $0x60  }
0xae: {  	[dreg:$0x2] =	wrdreg s24  }
0xaf: {  	[dreg:$0x3] =	wrdreg s2  }
0xb0: {  	[dreg:$0x4] =	wrdreg $0x130000  }
0xb1: {  	[dreg:$0x5] =	wrdreg $0x9  }
0xb2: {  	_ =	task.clear_ibuf [dreg:s7], $0x6FFFF;
	_ =	strace $0x9000004C  }
0xb3: {  	s29 =	simm.s32 $0x9;
	_ =	strace $0x8000004E  }
0xb4: {  	_ =	swait.ge [sflag:s29], $0x1  }
0xb5: {  	[sflag:s29] =	ssyncadd.s32 $0xFFFFFFFF  }
0xb6: {  	_ =	strace $0x9000004E  }
0xb7: {  	_ =	sfence  }
0xb8: {  	s30 =	sld [smem:$0x0];
	_ =	sdelay $0x2  }
0xb9: {  	s31 =	sshll.u32 s1, $0xD;
	s1 =	sshrl.u32 s1, $0x2  }
0xba: {  	s3 =	sand.u32 $0x4000, s31;
	s1 =	sadd.s32 s1, s30  }
0xbb: {  	s0 =	sor.u32 s3, s0;
	s1 =	sshll.u32 s1, $0x11  }
0xbc: {  	s0 =	sor.u32 s1, s0  }
0xbd: {  	s0 =	sadd.s32 $0x8F2B, s0  }
0xbe: {  	[sflag:s0] =	ssyncadd.remote.s32 $0x1  }
0xbf: {  	_ =	sfence.sel $0xFFFF  }
0xc0: {  	[dreg:$0x0] =	wrdreg $0xFFFFFFFF;
	(pc) =	sbr.abs _section_cstart, $3  }
0xc1: {  	[dreg:$0x1] =	wrdreg $0xFFFFFFFF  }
0xc2: {  	_ =	task.clear_ibuf [dreg:s7], $0x2FFFF;
	_ =	strace $0x9FFFFFFF  }
0xc3: {  	(tm) =	ssettm $0x7FFFFFFF  }
tec
execute0_lowered:
.L_overlay_start_1:
0x0: {  	(tag) =	ssettag $0x1  }
0x1: {  	s0 =	rddreg [dreg:$0x0]  }
0x2: {  	s6 =	rddreg [dreg:$0x1]  }
0x3: {  	s1 =	srdreg.scid;
	s2 =	rddreg [dreg:$0x2]  }
0x4: {  	s14 =	stileid.u32;
	s3 =	simm.s32 $0x0;
	s15 =	simm.s32 $0x3  }
0x5: {  	s16 =	simm.s32 $0x3000;
	s17 =	simm.s32 $0x200;
	s18 =	simm.s32 $0x400  }
0x6: {  	s19 =	simm.s32 $0xB000;
	s20 =	simm.s32 $0x1;
	s21 =	simm.s32 $0x80  }
0x7: {  	s31 =	simm.s32 $0x600;
	s28 =	simm.s32 $0xF000;
	s9 =	smul.u32 $0x9E00, s14  }
0x8: {  	s29 =	simm.s32 $0x11000;
	s30 =	simm.s32 $0x0;
	s11 =	smul.u32 $0x27800, s14  }
0x9: {  	s1 =	sand.u32 $0x1, s1;
	[smem:$0x7FF] =	sst s3;
	s23 =	smul.u32 $0x2800, s14  }
0xa: {  	s5 =	sadd.s32 $0xD000, s0;
	s4 =	sshll.u32 s1, $0x4;
	s13 =	smul.u32 $0x9E000, s1  }
0xb: {  	_ =	strace $0x8000004D;
	s10 =	ssub.s32 $0x2, s1;
	s1 =	smul.u32 $0x28000, s1  }
0xc: {  	[dreg:$0x4] =	wrdreg s31;
	s8 =	sor.u32 s14, s4;
	s4 =	sadd.s32 $0x17000, s0  }
0xd: {  	s12 =	sshrl.u32 s10, $0x1;
	s22 =	sshrl.u32 s11, $0x2;
	s7 =	smul.u32 $0x500, s8  }
0xe: {  	s12 =	ssub.s32 s10, s12;
	s8 =	smul.u32 $0x2800, s8;
	s1 =	sadd.s32 s23, s1  }
0xf: {  	s24 =	sadd.s32 s9, s13;
	s23 =	simm.s32 $0x7000;
	s25 =	sor.u32 $0x400, s1  }
0x10: {  	s11 =	smax.u32 s12, $0x1;
	s1 =	sadd.s32 $0x800, s1;
	s0 =	sadd.s32 s7, s0  }
0x11: {  	s7 =	sadd.s32 s9, s2;
	s8 =	sshrl.u32 s8, $0x3;
	s0 =	sadd.s32 $0x3000, s0  }
0x12: {  	s26 =	sshrl.u32 s25, $0x3;
	[dreg:$0x5] =	wrdreg s0;
	s0 =	sadd.s32 s22, s2  }
0x13: {  	s25 =	simm.s32 $0x2;
	s8 =	sadd.s32 s5, s8;
	s0 =	sadd.s32 $0x8000, s0  }
0x14: {  	s13 =	sadd.s32 s26, s5;
	[dreg:$0x6] =	wrdreg s0;
	s0 =	sshrl.u32 s24, $0x3  }
0x15: {  	s26 =	simm.s32 $0xD000;
	[dreg:$0x7] =	wrdreg s8;
	s0 =	sadd.s32 s6, s0  }
0x16: {  	v0 =	vimm.f32 $0.0e+00;
	s22 =	simm.s32 $0x5000;
	s24 =	simm.s32 $0x9000;
	[dreg:$0x8] =	wrdreg s0  }
.LBB2_1:
0x17: {  	s0 =	rddreg [dreg:$0x5];
	s6 =	simm.s32 $0x800  }
0x18: {  	[tilespmem:s6], [sflag:$0x3] =	stream.linear.gather [hbm4b:s0+s3], $0x2800, $0x38;
	[tilespmem:$0x1CE00] =	vst v63  }
0x19: {  	_ =	swait.ge [sflag:s15], $0x2800  }
0x1a: {  	[sflag:s15] =	ssyncset.done $0x0  }
0x1b: {  	s6 =	simm.s32 $0x100;
	s0 =	simm.s32 $0x0;
	[sflag:s15] =	ssyncadd.s32 $0xFFFFD800  }
.LBB2_2:
0x1c: {  	p0 =	sne.s32 s6, $0x1FF00;
	[tilespmem:s0+$0x3030] =	vst v0;
	s8 =	smov.u32 s6;
	s6 =	sadd.s32 $0x100, s6  }
.Ltmp0:
0x1d: {  	[tilespmem:s0+$0x3020] =	vst v0;
	(pc) =	sbr.rel @p0 .LBB2_2-.Ltmp0, $3  }
0x1e: {  	[tilespmem:s0+$0x3000] =	vst v0  }
0x1f: {  	[tilespmem:s0+$0x3010] =	vst v0;
	_ =	sdelay $0x1  }
0x20: {  	s0 =	sshra.s32 s8, $0x2  }
0x21: {  	[tilespmem:s0+$0x3030] =	vst v0  }
0x22: {  	[tilespmem:s0+$0x3020] =	vst v0  }
0x23: {  	[tilespmem:s0+$0x3000] =	vst v0  }
0x24: {  	[tilespmem:s0+$0x3010] =	vst v0  }
0x25: {  	[spmem:s7] =	stream.linear.scatter [tilespmem:s16], [sflag:$0x3], $0x8000, $0x38;
	[tilespmem:$0x1CE00] =	vst v63  }
0x26: {  	_ =	swait.ge [sflag:s15], $0x8000  }
0x27: {  	[sflag:s15] =	ssyncset.done $0x0  }
0x28: {  	s12 =	rddreg [dreg:$0x6];
	[sflag:s15] =	ssyncadd.s32 $0xFFFF8000  }
0x29: {  	[spmem:s12] =	stream.linear.scatter [tilespmem:s16], [sflag:$0x3], $0x1E00, $0x38;
	[tilespmem:$0x1CE00] =	vst v63  }
0x2a: {  	_ =	swait.ge [sflag:s15], $0x1E00  }
0x2b: {  	[sflag:s15] =	ssyncset.done $0x0  }
0x2c: {  	[sflag:s15] =	ssyncadd.s32 $0xFFFFE200  }
0x2d: {  	[bflag:$0x0] =	sbarrier.arrive $0xFFFF  }
0x2e: {  	s14 =	simm.s32 $0x0;
	s6 =	rddreg [dreg:$0x7]  }
0x2f: {  	[tilespmem:s14], [sflag:$0x3] =	stream.linear.gather [hbm4b:s6+s14], $0x400, $0x38;
	[tilespmem:$0x1CE00] =	vst v63  }
0x30: {  	_ =	swait.ge [sflag:s15], $0x400  }
0x31: {  	[sflag:s15] =	ssyncset.done $0x0  }
0x32: {  	[sflag:s15] =	ssyncadd.s32 $0xFFFFFC00  }
0x33: {  	[tilespmem:s16], [sflag:$0x1] =	stream.indirect.gather [hbm4b:s4+s17], $0x40, s14, s17, $0xb8;
	[tilespmem:$0x1CE00] =	vst v63  }
0x34: {  	_ = 	snop  }
0x35: {  	[tilespmem:s18], [sflag:$0x3] =	stream.linear.gather [hbm4b:s13+s3], $0x400, $0x38;
	[tilespmem:$0x1CE00] =	vst v63  }
0x36: {  	_ =	swait.ge [sflag:s15], $0x400  }
0x37: {  	[sflag:s15] =	ssyncset.done $0x0  }
0x38: {  	[sflag:s15] =	ssyncadd.s32 $0xFFFFFC00  }
0x39: {  	[tilespmem:s19], [sflag:$0x2] =	stream.indirect.gather [hbm4b:s4+s17], $0x40, s17, s17, $0xb8;
	[tilespmem:$0x1CE00] =	vst v63  }
0x3a: {  	_ =	swait.ge [sflag:s20], $0x8000  }
0x3b: {  	[sflag:s20] =	ssyncset.done $0x0  }
0x3c: {  	s8 =	simm.s32 $0x800;
	[sflag:s20] =	ssyncadd.s32 $0xFFFF8000  }
0x3d: {  	[spmem:s2] =	stream.indirect.scatter.add.f32 [tilespmem:s16], [sflag:$0x3], $0x40, s8, s21, $0xb8;
	[tilespmem:$0x1CE00] =	vst v63  }
0x3e: {  	_ =	swait.ge [sflag:s15], $0x2000  }
0x3f: {  	[sflag:s15] =	ssyncset.done $0x0  }
0x40: {  	s9 =	simm.s32 $0x880;
	[sflag:s15] =	ssyncadd.s32 $0xFFFFE000  }
0x41: {  	[spmem:s2] =	stream.indirect.scatter.add.f32 [tilespmem:s22], [sflag:$0x3], $0x40, s9, s21, $0xb8;
	[tilespmem:$0x1CE00] =	vst v63  }
0x42: {  	_ =	swait.ge [sflag:s15], $0x2000  }
0x43: {  	[sflag:s15] =	ssyncset.done $0x0  }
0x44: {  	s10 =	simm.s32 $0x900;
	[sflag:s15] =	ssyncadd.s32 $0xFFFFE000  }
0x45: {  	[spmem:s2] =	stream.indirect.scatter.add.f32 [tilespmem:s23], [sflag:$0x3], $0x40, s10, s21, $0xb8;
	[tilespmem:$0x1CE00] =	vst v63  }
0x46: {  	_ =	swait.ge [sflag:s15], $0x2000  }
0x47: {  	[sflag:s15] =	ssyncset.done $0x0  }
0x48: {  	s12 =	simm.s32 $0x980;
	[sflag:s15] =	ssyncadd.s32 $0xFFFFE000  }
0x49: {  	[spmem:s2] =	stream.indirect.scatter.add.f32 [tilespmem:s24], [sflag:$0x3], $0x40, s12, s21, $0xb8;
	[tilespmem:$0x1CE00] =	vst v63  }
0x4a: {  	_ =	swait.ge [sflag:s15], $0x2000  }
0x4b: {  	[sflag:s15] =	ssyncset.done $0x0  }
0x4c: {  	[sflag:s15] =	ssyncadd.s32 $0xFFFFE000  }
0x4d: {  	[tilespmem:s16], [sflag:$0x1] =	stream.indirect.gather [hbm4b:s4+s17], $0x40, s18, s17, $0xb8;
	[tilespmem:$0x1CE00] =	vst v63  }
0x4e: {  	_ =	swait.ge [sflag:s25], $0x8000  }
0x4f: {  	[sflag:s25] =	ssyncset.done $0x0  }
0x50: {  	s14 =	simm.s32 $0xA00;
	[sflag:s25] =	ssyncadd.s32 $0xFFFF8000  }
0x51: {  	[spmem:s2] =	stream.indirect.scatter.add.f32 [tilespmem:s19], [sflag:$0x3], $0x40, s14, s21, $0xb8;
	[tilespmem:$0x1CE00] =	vst v63  }
0x52: {  	_ =	swait.ge [sflag:s15], $0x2000  }
0x53: {  	[sflag:s15] =	ssyncset.done $0x0  }
0x54: {  	s6 =	simm.s32 $0xA80;
	[sflag:s15] =	ssyncadd.s32 $0xFFFFE000  }
0x55: {  	[spmem:s2] =	stream.indirect.scatter.add.f32 [tilespmem:s26], [sflag:$0x3], $0x40, s6, s21, $0xb8;
	[tilespmem:$0x1CE00] =	vst v63  }
0x56: {  	_ =	swait.ge [sflag:s15], $0x2000  }
0x57: {  	[sflag:s15] =	ssyncset.done $0x0  }
0x58: {  	s8 =	simm.s32 $0xB00;
	[sflag:s15] =	ssyncadd.s32 $0xFFFFE000  }
0x59: {  	[spmem:s2] =	stream.indirect.scatter.add.f32 [tilespmem:s28], [sflag:$0x3], $0x40, s8, s21, $0xb8;
	[tilespmem:$0x1CE00] =	vst v63  }
0x5a: {  	_ =	swait.ge [sflag:s15], $0x2000  }
0x5b: {  	[sflag:s15] =	ssyncset.done $0x0  }
0x5c: {  	p0 =	por $0x0, $0x0;
	s9 =	simm.s32 $0xB80;
	[sflag:s15] =	ssyncadd.s32 $0xFFFFE000  }
0x5d: {  	[spmem:s2] =	stream.indirect.scatter.add.f32 [tilespmem:s29], [sflag:$0x3], $0x40, s9, s21, $0xb8;
	[tilespmem:$0x1CE00] =	vst v63  }
0x5e: {  	s0 =	sshrl.u32 @!p0 s1, $0x3;
	_ =	swait.ge [sflag:s15], $0x2000  }
0x5f: {  	s0 =	sadd.s32 @!p0 s5, s0;
	[sflag:s15] =	ssyncset.done $0x0  }
0x60: {  	s6 =	simm.s32 @!p0 $0x3;
	s8 =	simm.s32 @!p0 $0x0;
	[sflag:s15] =	ssyncadd.s32 $0xFFFFE000  }
0x61: {  	[tilespmem:s8], [sflag:$0x3] =	stream.linear.gather @!p0 [hbm4b:s0+s8], $0x400, $0x38;
	[tilespmem:$0x1CE00] =	vst v63  }
0x62: {  	_ =	swait.ge @!p0 [sflag:s6], $0x400  }
0x63: {  	[sflag:s6] =	ssyncset.done @!p0 $0x0  }
0x64: {  	s10 =	rddreg [dreg:$0x4];
	[sflag:s6] =	ssyncadd.s32 @!p0 $0xFFFFFC00  }
0x65: {  	[tilespmem:s19], [sflag:$0x2] =	stream.indirect.gather [hbm4b:s4+s17], $0x40, s10, s17, $0xb8;
	[tilespmem:$0x1CE00] =	vst v63  }
0x66: {  	_ =	swait.ge [sflag:s20], $0x8000  }
0x67: {  	[sflag:s20] =	ssyncset.done $0x0  }
0x68: {  	s12 =	simm.s32 $0xC00;
	[sflag:s20] =	ssyncadd.s32 $0xFFFF8000  }
0x69: {  	[spmem:s2] =	stream.indirect.scatter.add.f32 [tilespmem:s16], [sflag:$0x3], $0x40, s12, s21, $0xb8;
	[tilespmem:$0x1CE00] =	vst v63  }
0x6a: {  	_ =	swait.ge [sflag:s15], $0x2000  }
0x6b: {  	[sflag:s15] =	ssyncset.done $0x0  }
0x6c: {  	s14 =	simm.s32 $0xC80;
	[sflag:s15] =	ssyncadd.s32 $0xFFFFE000  }
0x6d: {  	[spmem:s2] =	stream.indirect.scatter.add.f32 [tilespmem:s22], [sflag:$0x3], $0x40, s14, s21, $0xb8;
	[tilespmem:$0x1CE00] =	vst v63  }
0x6e: {  	_ =	swait.ge [sflag:s15], $0x2000  }
0x6f: {  	[sflag:s15] =	ssyncset.done $0x0  }
0x70: {  	s6 =	simm.s32 $0xD00;
	[sflag:s15] =	ssyncadd.s32 $0xFFFFE000  }
0x71: {  	[spmem:s2] =	stream.indirect.scatter.add.f32 [tilespmem:s23], [sflag:$0x3], $0x40, s6, s21, $0xb8;
	[tilespmem:$0x1CE00] =	vst v63  }
0x72: {  	_ =	swait.ge [sflag:s15], $0x2000  }
0x73: {  	[sflag:s15] =	ssyncset.done $0x0  }
0x74: {  	s8 =	simm.s32 $0xD80;
	[sflag:s15] =	ssyncadd.s32 $0xFFFFE000  }
0x75: {  	[spmem:s2] =	stream.indirect.scatter.add.f32 [tilespmem:s24], [sflag:$0x3], $0x40, s8, s21, $0xb8;
	[tilespmem:$0x1CE00] =	vst v63  }
0x76: {  	p0 =	por $0x0, $0x0;
	_ =	swait.ge [sflag:s15], $0x2000  }
0x77: {  	s0 =	simm.s32 @!p0 $0x200;
	[sflag:s15] =	ssyncset.done $0x0  }
0x78: {  	s6 =	simm.s32 @!p0 $0x0;
	s8 =	simm.s32 @!p0 $0x3000;
	[sflag:s15] =	ssyncadd.s32 $0xFFFFE000  }
0x79: {  	[tilespmem:s8], [sflag:$0x1] =	stream.indirect.gather @!p0 [hbm4b:s4+s0], $0x40, s6, s0, $0xb8;
	[tilespmem:$0x1CE00] =	vst v63  }
0x7a: {  	_ =	swait.ge [sflag:s25], $0x8000  }
0x7b: {  	[sflag:s25] =	ssyncset.done $0x0  }
0x7c: {  	s9 =	simm.s32 $0xE00;
	[sflag:s25] =	ssyncadd.s32 $0xFFFF8000  }
0x7d: {  	[spmem:s2] =	stream.indirect.scatter.add.f32 [tilespmem:s19], [sflag:$0x3], $0x40, s9, s21, $0xb8;
	[tilespmem:$0x1CE00] =	vst v63  }
0x7e: {  	_ =	swait.ge [sflag:s15], $0x2000  }
0x7f: {  	[sflag:s15] =	ssyncset.done $0x0  }
0x80: {  	s10 =	simm.s32 $0xE80;
	[sflag:s15] =	ssyncadd.s32 $0xFFFFE000  }
0x81: {  	[spmem:s2] =	stream.indirect.scatter.add.f32 [tilespmem:s26], [sflag:$0x3], $0x40, s10, s21, $0xb8;
	[tilespmem:$0x1CE00] =	vst v63  }
0x82: {  	_ =	swait.ge [sflag:s15], $0x2000  }
0x83: {  	[sflag:s15] =	ssyncset.done $0x0  }
0x84: {  	s12 =	simm.s32 $0xF00;
	[sflag:s15] =	ssyncadd.s32 $0xFFFFE000  }
0x85: {  	[spmem:s2] =	stream.indirect.scatter.add.f32 [tilespmem:s28], [sflag:$0x3], $0x40, s12, s21, $0xb8;
	[tilespmem:$0x1CE00] =	vst v63  }
0x86: {  	_ =	swait.ge [sflag:s15], $0x2000  }
0x87: {  	s31 =	simm.s32 $0x2000;
	[sflag:s15] =	ssyncset.done $0x0  }
0x88: {  	s14 =	simm.s32 $0xF80;
	s0 =	sadd.s32 $0x100, s13;
	[sflag:s15] =	ssyncadd.s32 $0xFFFFE000  }
0x89: {  	[spmem:s2] =	stream.indirect.scatter.add.f32 [tilespmem:s29], [sflag:$0x3], $0x40, s14, s21, $0xb8;
	[tilespmem:$0x1CE00] =	vst v63  }
0x8a: {  	s12 =	smov.u32 s1;
	s14 =	simm.s32 $0x3;
	_ =	swait.ge [sflag:s15], $0x2000  }
.LBB2_4:
0x8b: {  	[sflag:s15] =	ssyncset.done $0x0  }
0x8c: {  	[sflag:s15] =	ssyncadd.s32 $0xFFFFE000  }
0x8d: {  	[tilespmem:s18], [sflag:$0x3] =	stream.linear.gather [hbm4b:s0+s3], $0x400, $0x38;
	[tilespmem:$0x1CE00] =	vst v63  }
0x8e: {  	_ =	swait.ge [sflag:s15], $0x400  }
0x8f: {  	[sflag:s15] =	ssyncset.done $0x0  }
0x90: {  	[sflag:s15] =	ssyncadd.s32 $0xFFFFFC00  }
0x91: {  	[tilespmem:s19], [sflag:$0x2] =	stream.indirect.gather [hbm4b:s4+s17], $0x40, s17, s17, $0xb8;
	[tilespmem:$0x1CE00] =	vst v63  }
0x92: {  	s8 =	smov.u32 s31;
	_ =	swait.ge [sflag:s20], $0x8000  }
0x93: {  	s6 =	sshra.s32 s8, $0x2;
	[sflag:s20] =	ssyncset.done $0x0  }
0x94: {  	s9 =	sadd.s32 $0x800, s6;
	[sflag:s20] =	ssyncadd.s32 $0xFFFF8000  }
0x95: {  	[spmem:s2] =	stream.indirect.scatter.add.f32 [tilespmem:s16], [sflag:$0x3], $0x40, s9, s21, $0xb8;
	[tilespmem:$0x1CE00] =	vst v63  }
0x96: {  	_ =	swait.ge [sflag:s15], $0x2000  }
0x97: {  	[sflag:s15] =	ssyncset.done $0x0  }
0x98: {  	s10 =	sadd.s32 $0x880, s6;
	[sflag:s15] =	ssyncadd.s32 $0xFFFFE000  }
0x99: {  	[spmem:s2] =	stream.indirect.scatter.add.f32 [tilespmem:s22], [sflag:$0x3], $0x40, s10, s21, $0xb8;
	[tilespmem:$0x1CE00] =	vst v63  }
0x9a: {  	_ =	swait.ge [sflag:s15], $0x2000  }
0x9b: {  	[sflag:s15] =	ssyncset.done $0x0  }
0x9c: {  	s10 =	sadd.s32 $0x900, s6;
	[sflag:s15] =	ssyncadd.s32 $0xFFFFE000  }
0x9d: {  	[spmem:s2] =	stream.indirect.scatter.add.f32 [tilespmem:s23], [sflag:$0x3], $0x40, s10, s21, $0xb8;
	[tilespmem:$0x1CE00] =	vst v63  }
0x9e: {  	_ =	swait.ge [sflag:s15], $0x2000  }
0x9f: {  	[sflag:s15] =	ssyncset.done $0x0  }
0xa0: {  	s10 =	sadd.s32 $0x980, s6;
	[sflag:s15] =	ssyncadd.s32 $0xFFFFE000  }
0xa1: {  	[spmem:s2] =	stream.indirect.scatter.add.f32 [tilespmem:s24], [sflag:$0x3], $0x40, s10, s21, $0xb8;
	[tilespmem:$0x1CE00] =	vst v63  }
0xa2: {  	_ =	swait.ge [sflag:s15], $0x2000  }
0xa3: {  	[sflag:s15] =	ssyncset.done $0x0  }
0xa4: {  	[sflag:s15] =	ssyncadd.s32 $0xFFFFE000  }
0xa5: {  	[tilespmem:s16], [sflag:$0x1] =	stream.indirect.gather [hbm4b:s4+s17], $0x40, s18, s17, $0xb8;
	[tilespmem:$0x1CE00] =	vst v63  }
0xa6: {  	_ =	swait.ge [sflag:s25], $0x8000  }
0xa7: {  	[sflag:s25] =	ssyncset.done $0x0  }
0xa8: {  	s10 =	sadd.s32 $0xA00, s6;
	[sflag:s25] =	ssyncadd.s32 $0xFFFF8000  }
0xa9: {  	[spmem:s2] =	stream.indirect.scatter.add.f32 [tilespmem:s19], [sflag:$0x3], $0x40, s10, s21, $0xb8;
	[tilespmem:$0x1CE00] =	vst v63  }
0xaa: {  	_ =	swait.ge [sflag:s15], $0x2000  }
0xab: {  	[sflag:s15] =	ssyncset.done $0x0  }
0xac: {  	s10 =	sadd.s32 $0xA80, s6;
	[sflag:s15] =	ssyncadd.s32 $0xFFFFE000  }
0xad: {  	[spmem:s2] =	stream.indirect.scatter.add.f32 [tilespmem:s26], [sflag:$0x3], $0x40, s10, s21, $0xb8;
	[tilespmem:$0x1CE00] =	vst v63  }
0xae: {  	_ =	swait.ge [sflag:s15], $0x2000  }
0xaf: {  	[sflag:s15] =	ssyncset.done $0x0  }
0xb0: {  	s10 =	sadd.s32 $0xB00, s6;
	[sflag:s15] =	ssyncadd.s32 $0xFFFFE000  }
0xb1: {  	[spmem:s2] =	stream.indirect.scatter.add.f32 [tilespmem:s28], [sflag:$0x3], $0x40, s10, s21, $0xb8;
	[tilespmem:$0x1CE00] =	vst v63  }
0xb2: {  	_ =	swait.ge [sflag:s15], $0x2000  }
0xb3: {  	s12 =	sadd.s32 $0x800, s12;
	[sflag:s15] =	ssyncset.done $0x0  }
0xb4: {  	p1 =	seq.s32 s8, $0x8000;
	s10 =	sadd.s32 $0xB80, s6;
	[sflag:s15] =	ssyncadd.s32 $0xFFFFE000  }
0xb5: {  	[spmem:s2] =	stream.indirect.scatter.add.f32 [tilespmem:s29], [sflag:$0x3], $0x40, s10, s21, $0xb8;
	[tilespmem:$0x1CE00] =	vst v63  }
0xb6: {  	s8 =	sshrl.u32 @!p1 s12, $0x3;
	_ =	swait.ge [sflag:s15], $0x2000  }
0xb7: {  	s8 =	sadd.s32 @!p1 s5, s8;
	[sflag:s15] =	ssyncset.done $0x0  }
0xb8: {  	s9 =	simm.s32 @!p1 $0x3;
	s10 =	simm.s32 @!p1 $0x0;
	[sflag:s15] =	ssyncadd.s32 $0xFFFFE000  }
0xb9: {  	[tilespmem:s10], [sflag:$0x3] =	stream.linear.gather @!p1 [hbm4b:s8+s10], $0x400, $0x38;
	[tilespmem:$0x1CE00] =	vst v63  }
0xba: {  	_ =	swait.ge @!p1 [sflag:s9], $0x400  }
0xbb: {  	[sflag:s9] =	ssyncset.done @!p1 $0x0  }
0xbc: {  	s10 =	rddreg [dreg:$0x4];
	[sflag:s9] =	ssyncadd.s32 @!p1 $0xFFFFFC00  }
0xbd: {  	[tilespmem:s19], [sflag:$0x2] =	stream.indirect.gather [hbm4b:s4+s17], $0x40, s10, s17, $0xb8;
	[tilespmem:$0x1CE00] =	vst v63  }
0xbe: {  	_ =	swait.ge [sflag:s20], $0x8000  }
0xbf: {  	[sflag:s20] =	ssyncset.done $0x0  }
0xc0: {  	s10 =	sadd.s32 $0xC00, s6;
	[sflag:s20] =	ssyncadd.s32 $0xFFFF8000  }
0xc1: {  	[spmem:s2] =	stream.indirect.scatter.add.f32 [tilespmem:s16], [sflag:$0x3], $0x40, s10, s21, $0xb8;
	[tilespmem:$0x1CE00] =	vst v63  }
0xc2: {  	_ =	swait.ge [sflag:s15], $0x2000  }
0xc3: {  	[sflag:s15] =	ssyncset.done $0x0  }
0xc4: {  	s9 =	sadd.s32 $0xC80, s6;
	[sflag:s15] =	ssyncadd.s32 $0xFFFFE000  }
0xc5: {  	[spmem:s2] =	stream.indirect.scatter.add.f32 [tilespmem:s22], [sflag:$0x3], $0x40, s9, s21, $0xb8;
	[tilespmem:$0x1CE00] =	vst v63  }
0xc6: {  	_ =	swait.ge [sflag:s15], $0x2000  }
0xc7: {  	[sflag:s15] =	ssyncset.done $0x0  }
0xc8: {  	s10 =	sadd.s32 $0xD00, s6;
	[sflag:s15] =	ssyncadd.s32 $0xFFFFE000  }
0xc9: {  	[spmem:s2] =	stream.indirect.scatter.add.f32 [tilespmem:s23], [sflag:$0x3], $0x40, s10, s21, $0xb8;
	[tilespmem:$0x1CE00] =	vst v63  }
0xca: {  	_ =	swait.ge [sflag:s15], $0x2000  }
0xcb: {  	[sflag:s15] =	ssyncset.done $0x0  }
0xcc: {  	s9 =	sadd.s32 $0xD80, s6;
	[sflag:s15] =	ssyncadd.s32 $0xFFFFE000  }
0xcd: {  	[spmem:s2] =	stream.indirect.scatter.add.f32 [tilespmem:s24], [sflag:$0x3], $0x40, s9, s21, $0xb8;
	[tilespmem:$0x1CE00] =	vst v63  }
0xce: {  	p1 =	sgt.u32 s14, $0x8;
	_ =	swait.ge [sflag:s15], $0x2000  }
0xcf: {  	s8 =	simm.s32 @!p1 $0x200;
	[sflag:s15] =	ssyncset.done $0x0  }
0xd0: {  	s10 =	simm.s32 @!p1 $0x3000;
	s9 =	simm.s32 @!p1 $0x0;
	[sflag:s15] =	ssyncadd.s32 $0xFFFFE000  }
0xd1: {  	[tilespmem:s10], [sflag:$0x1] =	stream.indirect.gather @!p1 [hbm4b:s4+s8], $0x40, s9, s8, $0xb8;
	[tilespmem:$0x1CE00] =	vst v63  }
0xd2: {  	_ =	swait.ge [sflag:s25], $0x8000  }
0xd3: {  	[sflag:s25] =	ssyncset.done $0x0  }
0xd4: {  	s10 =	sadd.s32 $0xE00, s6;
	[sflag:s25] =	ssyncadd.s32 $0xFFFF8000  }
0xd5: {  	[spmem:s2] =	stream.indirect.scatter.add.f32 [tilespmem:s19], [sflag:$0x3], $0x40, s10, s21, $0xb8;
	[tilespmem:$0x1CE00] =	vst v63  }
0xd6: {  	_ =	swait.ge [sflag:s15], $0x2000  }
0xd7: {  	[sflag:s15] =	ssyncset.done $0x0  }
0xd8: {  	s9 =	sadd.s32 $0xE80, s6;
	[sflag:s15] =	ssyncadd.s32 $0xFFFFE000  }
0xd9: {  	[spmem:s2] =	stream.indirect.scatter.add.f32 [tilespmem:s26], [sflag:$0x3], $0x40, s9, s21, $0xb8;
	[tilespmem:$0x1CE00] =	vst v63  }
0xda: {  	_ =	swait.ge [sflag:s15], $0x2000  }
0xdb: {  	s31 =	sadd.s32 $0x2000, s31;
	[sflag:s15] =	ssyncset.done $0x0  }
0xdc: {  	p0 =	sne.s32 s31, $0xA000;
	s10 =	sadd.s32 $0xF00, s6;
	[sflag:s15] =	ssyncadd.s32 $0xFFFFE000  }
0xdd: {  	[spmem:s2] =	stream.indirect.scatter.add.f32 [tilespmem:s28], [sflag:$0x3], $0x40, s10, s21, $0xb8;
	[tilespmem:$0x1CE00] =	vst v63  }
.Ltmp1:
0xde: {  	_ =	swait.ge [sflag:s15], $0x2000;
	(pc) =	sbr.rel @p0 .LBB2_4-.Ltmp1, $4  }
0xdf: {  	[sflag:s15] =	ssyncset.done $0x0  }
0xe0: {  	s6 =	sadd.s32 $0xF80, s6;
	[sflag:s15] =	ssyncadd.s32 $0xFFFFE000  }
0xe1: {  	[spmem:s2] =	stream.indirect.scatter.add.f32 [tilespmem:s29], [sflag:$0x3], $0x40, s6, s21, $0xb8;
	[tilespmem:$0x1CE00] =	vst v63  }
0xe2: {  	s0 =	sadd.s32 $0x100, s0;
	s14 =	sadd.s32 $0x2, s14;
	_ =	swait.ge [sflag:s15], $0x2000  }
0xe3: {  	[sflag:s15] =	ssyncset.done $0x0;
	s0 =	stileid.u32  }
0xe4: {  	s6 =	sshrl.u32 s7, $0x3;
	s30 =	sadd.s32 $0x1, s30;
	[sflag:s15] =	ssyncadd.s32 $0xFFFFE000  }
0xe5: {  	s0 =	sshll.u32 s0, $0x6;
	p0 =	sne.s32 s30, s11;
	[bflag:$0x0] =	sbarrier.arrive $0xFFFF  }
.Ltmp2:
0xe6: {  	s0 =	sor.u32 $0x1C03, s0;
	s8 =	rddreg [dreg:$0x8];
	(pc) =	sbr.rel @p0 .LBB2_1-.Ltmp2, $4  }
0xe7: {  	[hbm:s8], [sflag:s0] =	dma.local [spmem:s6], $0x13C0  }
0xe8: {  	_ =	swait.ge [sflag:s15], $0x13C0  }
0xe9: {  	[sflag:s15] =	ssyncset.done $0x0  }
0xea: {  	[sflag:s15] =	ssyncadd.s32 $0xFFFFEC40  }
0xeb: {  	_ =	sfence.sel $0x180000  }
0xec: {  	[bflag:$0x0] =	sbarrier.arrive $0xFFFF  }
0xed: {  	_ =	strace $0x9000004D  }
0xee: {  	s0 =	stileid.u32;
	[bflag:$0x2] =	sbarrier.arrive $0xFFFF  }
0xef: {  	p0 =	sne.s32 s0, $0x0;
	s0 =	rddreg [dreg:$0x3]  }
0xf0: {  	s0 =	sadd.s32 @!p0 $0x100000, s0  }
0xf1: {  	[sflag:s0] =	ssyncadd.tile.s32 @!p0 $0x1;
	_ =	shalt  }
.Lfunc_end2:
_tile_overlayer_lowered:
.L_overlay_start_2:
0xf2: {  	(tag) =	ssettag $0x2  }
0xf3: {  	s0 =	rddreg [dreg:$0x0];
	s2 =	stileid.u32  }
0xf4: {  	s1 =	rddreg [dreg:$0x1];
	p0 =	sne.s32 s2, $0x0  }
0xf5: {  	s3 =	rddreg [dreg:$0x2];
	[bflag:$0x3] =	sbarrier.arrive $0xFFFF;
	s2 =	simm.s32 @!p0 $0x1C03  }
0xf6: {  	[timem:s3], [sflag:s2] =	dma.local @!p0 [hbm:s0], s1  }
0xf7: {  	s0 =	simm.s32 @!p0 $0x3  }
0xf8: {  	_ =	swait.ge @!p0 [sflag:s0], s1  }
0xf9: {  	s1 =	ssub.s32 @!p0 $0x0, s1;
	[sflag:s0] =	ssyncset.done @!p0 $0x0  }
0xfa: {  	[sflag:s0] =	ssyncadd.s32 @!p0 s1  }
0xfb: {  	[bflag:$0x3] =	sbarrier.arrive $0xFFFF  }
0xfc: {  	_ =	shalt  }

// kernel: kernel.8.cloned.1.call-start
scs
__scs_entry_jumppad:
0x0: {  	(pc) =	sbr.rel $0x88, $3  }
0x1: {  	(tag) =	ssettag $0x0;
	lr =	simm.s32 $0x1  }
0x2: {  	[smem:$0x3F93] =	sst lr;
	_ =	strace $0xD0000000  }
0x3: {  	_ = 	snop  }
0x4: {  	_ = 	snop  }
0x5: {  	_ = 	snop  }
0x6: {  	_ = 	snop  }
0x7: {  	_ = 	snop  }
__scs_overlays_trampoline_lowered:
0x8: {  	[smem:$0x3FA2] =	sst s0  }
0x9: {  	[smem:$0x3FA3] =	sst s1  }
0xa: {  	[smem:$0x3FA4] =	sst s2  }
0xb: {  	[smem:$0x3FA5] =	sst s3  }
0xc: {  	[smem:$0x3FA6] =	sst s4  }
0xd: {  	[smem:$0x3FA7] =	sst s5  }
0xe: {  	[smem:$0x3FA8] =	sst s6  }
0xf: {  	[smem:$0x3FA9] =	sst s7  }
0x10: {  	[smem:$0x3FAA] =	sst s8  }
0x11: {  	[smem:$0x3FAB] =	sst s9;
	s0 =	simm.s32 @!p0 $0x0  }
0x12: {  	s1 =	sld [smem:$0x3F91];
	s0 =	simm.s32 @p0 $0x1  }
0x13: {  	[smem:$0x3FAC] =	sst s0;
	s0 =	simm.s32 @!p1 $0x0  }
0x14: {  	s2 =	sld [smem:$0x3F90];
	s0 =	simm.s32 @p1 $0x1  }
0x15: {  	[smem:$0x3FAD] =	sst s0;
	s0 =	simm.s32 @!p2 $0x0  }
0x16: {  	s3 =	sld [smem:$0x3FDB];
	s0 =	simm.s32 @p2 $0x1  }
0x17: {  	s4 =	simm.s32 $0x1BF5;
	[smem:$0x3FAF] =	sst s0  }
0x18: {  	s0 =	sld [smem:$0x3F92];
	_ =	swait.ge [sflag:s4], $0x0  }
0x19: {  	s7 =	sld [smem:$0x3F93]  }
0x1a: {  	s8 =	sadd.s32 $0xFFFFE003, lr  }
0x1b: {  	s9 =	sadd.s32 $0xFFFFFEF7, lr;
	s5 =	simm.s32 $0xFFFFFFFF;
	p2 =	slt.u32 s8, $0xFFFFF086  }
0x1c: {  	p1 =	slt.u32 s9, $0xF7A;
	s5 =	simm.s32 @!p2 $0x0  }
0x1d: {  	s5 =	simm.s32 @p1 $0x1;
	p0 =	seq.s32 s7, s2  }
0x1e: {  	s7 =	smul.u32 @!p0 $0xF7A, s2;
	p2 =	seq.s32 @!p0 s5, $0x0  }
0x1f: {  	s9 =	smul.u32 $0xF7A, s1;
	s8 =	simm.s32 @!p0 $0x1BF5;
	p2 =	por !p2, p0  }
0x20: {  	[sflag:s8] =	ssyncset.s32 @!p0 $0xFFFFF086;
	s6 =	sadd.s32 @!p0 s3, s7;
	s7 =	simm.s32 @!p0 $0x108  }
0x21: {  	s3 =	sadd.s32 s3, s9;
	s6 =	sadd.s32 @!p0 $0x88, s6;
	s7 =	simm.s32 @p2 $0x1082  }
0x22: {  	[simem:s7], [sflag:s8] =	dma.local @!p0 [hbm:s6], $0xF7A  }
0x23: {  	s9 =	sor.u32 $0xD0000000, s2;
	s6 =	simm.s32 $0x108;
	_ =	swait.ge @!p0 [sflag:s8], $0x0  }
0x24: {  	s3 =	sadd.s32 $0x88, s3;
	s6 =	simm.s32 @!p1 $0x1082;
	[sflag:s4] =	ssyncset.s32 $0xFFFFF086  }
0x25: {  	[simem:s6], [sflag:s4] =	dma.local [hbm:s3], $0xF7A  }
0x26: {  	[smem:$0x3F93] =	sst s1;
	(tag) =	ssettag s2;
	_ =	strace s9  }
0x27: {  	s1 =	sld [smem:$0x3FA3]  }
0x28: {  	s2 =	sld [smem:$0x3FA4]  }
0x29: {  	s4 =	sld [smem:$0x3FA6]  }
0x2a: {  	p0 =	seq.s32 s5, $0x0;
	s5 =	sld [smem:$0x3FA7]  }
0x2b: {  	s6 =	sld [smem:$0x3FA8]  }
0x2c: {  	s7 =	sld [smem:$0x3FA9]  }
0x2d: {  	s3 =	simm.s32 $0x108;
	s8 =	sld [smem:$0x3FAA]  }
0x2e: {  	s3 =	simm.s32 @!p0 $0x1082;
	s9 =	sld [smem:$0x3FAB]  }
0x2f: {  	lr =	sadd.s32 s0, s3;
	s0 =	sld [smem:$0x3FA2]  }
0x30: {  	s3 =	sld [smem:$0x3FA5]  }
0x31: {  	[smem:$0x3FAE] =	sst s10  }
0x32: {  	s10 =	sld [smem:$0x3FAC];
	_ =	sdelay $0x3  }
0x33: {  	p0 =	seq.s32 s10, $0x1;
	s10 =	sld [smem:$0x3FAE];
	_ =	sdelay $0x3  }
0x34: {  	[smem:$0x3FAE] =	sst s10  }
0x35: {  	s10 =	sld [smem:$0x3FAD];
	_ =	sdelay $0x3  }
0x36: {  	p1 =	seq.s32 s10, $0x1;
	s10 =	sld [smem:$0x3FAE];
	_ =	sdelay $0x3  }
0x37: {  	[smem:$0x3FAE] =	sst s10  }
0x38: {  	s10 =	sld [smem:$0x3FAF]  }
0x39: {  	_ = 	snop;
	(pc) =	sbr.ind lr, $3  }
0x3a: {  	_ = 	snop  }
0x3b: {  	_ = 	snop  }
0x3c: {  	p2 =	seq.s32 s10, $0x1;
	s10 =	sld [smem:$0x3FAE]  }
0x3d: {  	_ =	shalt  }
0x3e: {  	_ =	shalt  }
0x3f: {  	_ =	shalt  }
0x40: {  	_ =	shalt  }
0x41: {  	_ =	shalt  }
0x42: {  	_ =	shalt  }
0x43: {  	_ =	shalt  }
0x44: {  	_ =	shalt  }
0x45: {  	_ =	shalt  }
0x46: {  	_ =	shalt  }
0x47: {  	_ =	shalt  }
0x48: {  	_ =	shalt  }
0x49: {  	_ =	shalt  }
0x4a: {  	_ =	shalt  }
0x4b: {  	_ =	shalt  }
0x4c: {  	_ =	shalt  }
0x4d: {  	_ =	shalt  }
0x4e: {  	_ =	shalt  }
0x4f: {  	_ =	shalt  }
0x50: {  	_ =	shalt  }
0x51: {  	_ =	shalt  }
0x52: {  	_ =	shalt  }
0x53: {  	_ =	shalt  }
0x54: {  	_ =	shalt  }
0x55: {  	_ =	shalt  }
0x56: {  	_ =	shalt  }
0x57: {  	_ =	shalt  }
0x58: {  	_ =	shalt  }
0x59: {  	_ =	shalt  }
0x5a: {  	_ =	shalt  }
0x5b: {  	_ =	shalt  }
0x5c: {  	_ =	shalt  }
0x5d: {  	_ =	shalt  }
0x5e: {  	_ =	shalt  }
0x5f: {  	_ =	shalt  }
0x60: {  	_ =	shalt  }
0x61: {  	_ =	shalt  }
0x62: {  	_ =	shalt  }
0x63: {  	_ =	shalt  }
0x64: {  	_ =	shalt  }
0x65: {  	_ =	shalt  }
0x66: {  	_ =	shalt  }
0x67: {  	_ =	shalt  }
0x68: {  	_ =	shalt  }
0x69: {  	_ =	shalt  }
0x6a: {  	_ =	shalt  }
0x6b: {  	_ =	shalt  }
0x6c: {  	_ =	shalt  }
0x6d: {  	_ =	shalt  }
0x6e: {  	_ =	shalt  }
0x6f: {  	_ =	shalt  }
0x70: {  	_ =	shalt  }
0x71: {  	_ =	shalt  }
0x72: {  	_ =	shalt  }
0x73: {  	_ =	shalt  }
0x74: {  	_ =	shalt  }
0x75: {  	_ =	shalt  }
0x76: {  	_ =	shalt  }
0x77: {  	_ =	shalt  }
0x78: {  	_ =	shalt  }
0x79: {  	_ =	shalt  }
0x7a: {  	_ =	shalt  }
0x7b: {  	_ =	shalt  }
0x7c: {  	_ =	shalt  }
0x7d: {  	_ =	shalt  }
0x7e: {  	_ =	shalt  }
0x7f: {  	_ =	shalt  }
0x80: {  	_ =	shalt  }
0x81: {  	_ =	shalt  }
0x82: {  	_ =	shalt  }
0x83: {  	_ =	shalt  }
0x84: {  	_ =	shalt  }
0x85: {  	_ =	shalt  }
0x86: {  	_ =	shalt  }
0x87: {  	_ =	shalt  }
.Lfunc_end0:
.L_simem_size_0:
called_computation_lowered:
.L_overlay_start_0:
0x88: {  	s2 =	sld [smem:$0x3FD9]  }
0x89: {  	s3 =	sld [smem:$0x3FFE];
	_ =	sdelay $0x1  }
0x8a: {  	s1 =	srdreg.scid  }
0x8b: {  	s0 =	sand.u32 $0x1, s1  }
0x8c: {  	s17 =	sshll.u32 s0, $0xA;
	s2 =	sadd.s32 s3, s2  }
0x8d: {  	s2 =	sadd.s32 s2, s17  }
0x8e: {  	[smem:$0x3FBA] =	sst s2  }
0x8f: {  	_ = 	snop  }
0x90: {  	s2 =	sld [smem:$0x3FD0];
	(tm) =	ssettm $0x1  }
0x91: {  	s18 =	sld [smem:$0x3FFB];
	_ =	sdelay $0x3  }
0x92: {  	_ =	strace s18  }
0x93: {  	s3 =	sld [smem:$0x3FFC];
	_ =	sdelay $0x3  }
0x94: {  	_ =	strace s3  }
0x95: {  	s3 =	sld [smem:$0x3FFD];
	_ =	sdelay $0x3  }
0x96: {  	_ =	strace s3  }
0x97: {  	_ =	strace $0x8FFFFFFF  }
0x98: {  	s19 =	sld [smem:$0x3FDB];
	_ =	sdelay $0x1  }
0x99: {  	s4 =	simm.s32 $_scs_section_size  }
0x9a: {  	s5 =	simm.s32 $_size__tile_overlayer_lowered;
	s6 =	simm.s32 $_tile_overlayer_lowered  }
0x9b: {  	s22 =	simm.s32 $0x1BFF;
	s21 =	sshll.u32 s6, $0x1;
	s3 =	sadd.s32 s4, s19  }
0x9c: {  	s7 =	simm.s32 $0x0;
	s20 =	sshll.u32 s5, $0x1;
	s5 =	sadd.s32 s21, s3  }
0x9d: {  	[timem:s7], [sflag:s22] =	dma.local [hbm:s5], s20  }
0x9e: {  	_ =	swait.ge [sflag:s22], s20  }
0x9f: {  	s4 =	ssub.s32 $0x0, s20;
	[sflag:s22] =	ssyncset.done $0x0  }
0xa0: {  	[sflag:s22] =	ssyncadd.s32 s4;
	_ =	sdelay $0x1  }
0xa1: {  	s23 =	simm.s32 $0x1B8B  }
0xa2: {  	_ =	swait.ge [sflag:s23], $0x1  }
0xa3: {  	[sflag:s23] =	ssyncset.done $0x0  }
0xa4: {  	s25 =	simm.s32 $0x1B8E;
	s24 =	sld [smem:$0x3FFE];
	[sflag:s23] =	ssyncadd.s32 $0xFFFFFFFF  }
0xa5: {  	s26 =	simm.s32 $execute0_lowered;
	[smem:$0x3FD2] =	sst s25  }
0xa6: {  	s5 =	sshll.u32 s26, $0x1;
	_ =	strace $0x80000046;
	[dreg:$0x1] =	wrdreg $0xFFFFFFFF  }
0xa7: {  	s28 =	simm.s32 $_size_execute0_lowered;
	s3 =	sadd.s32 s3, s5;
	[dreg:$0x0] =	wrdreg $0x0  }
0xa8: {  	s5 =	sshll.u32 s28, $0x1;
	[dreg:$0x2] =	wrdreg s3  }
0xa9: {  	[dreg:$0x3] =	wrdreg s5  }
0xaa: {  	[dreg:$0x4] =	wrdreg $0xC0  }
0xab: {  	_ =	task [dreg:s7], $0x5FFFF  }
0xac: {  	[dreg:$0x1] =	wrdreg $0xFFFFFFFF  }
0xad: {  	[dreg:$0x0] =	wrdreg $0x60  }
0xae: {  	[dreg:$0x2] =	wrdreg s24  }
0xaf: {  	[dreg:$0x3] =	wrdreg s2  }
0xb0: {  	[dreg:$0x4] =	wrdreg $0x57800  }
0xb1: {  	[dreg:$0x5] =	wrdreg $0x9  }
0xb2: {  	_ =	task.clear_ibuf [dreg:s7], $0x6FFFF;
	_ =	strace $0x90000046  }
0xb3: {  	s29 =	simm.s32 $0x9;
	_ =	strace $0x80000048  }
0xb4: {  	_ =	swait.ge [sflag:s29], $0x1  }
0xb5: {  	[sflag:s29] =	ssyncadd.s32 $0xFFFFFFFF  }
0xb6: {  	_ =	strace $0x90000048  }
0xb7: {  	_ =	sfence  }
0xb8: {  	s30 =	sld [smem:$0x0];
	_ =	sdelay $0x2  }
0xb9: {  	s31 =	sshll.u32 s1, $0xD;
	s1 =	sshrl.u32 s1, $0x2  }
0xba: {  	s3 =	sand.u32 $0x4000, s31;
	s1 =	sadd.s32 s1, s30  }
0xbb: {  	s0 =	sor.u32 s3, s0;
	s1 =	sshll.u32 s1, $0x11  }
0xbc: {  	s0 =	sor.u32 s1, s0  }
0xbd: {  	s0 =	sadd.s32 $0x8F2B, s0  }
0xbe: {  	[sflag:s0] =	ssyncadd.remote.s32 $0x1  }
0xbf: {  	_ =	sfence.sel $0xFFFF  }
0xc0: {  	[dreg:$0x0] =	wrdreg $0xFFFFFFFF;
	(pc) =	sbr.abs _section_cstart, $3  }
0xc1: {  	[dreg:$0x1] =	wrdreg $0xFFFFFFFF  }
0xc2: {  	_ =	task.clear_ibuf [dreg:s7], $0x2FFFF;
	_ =	strace $0x9FFFFFFF  }
0xc3: {  	(tm) =	ssettm $0x7FFFFFFF  }
tec
execute0_lowered:
.L_overlay_start_1:
0x0: {  	(tag) =	ssettag $0x1  }
0x1: {  	s5 =	rddreg [dreg:$0x0]  }
0x2: {  	s6 =	rddreg [dreg:$0x1]  }
0x3: {  	s0 =	srdreg.scid;
	s2 =	rddreg [dreg:$0x2]  }
0x4: {  	s3 =	simm.s32 $0x0;
	s10 =	simm.s32 $0x80;
	s11 =	simm.s32 $0x2800  }
0x5: {  	s12 =	simm.s32 $0x1;
	s4 =	sand.u32 $0x1, s0;
	s0 =	stileid.u32  }
0x6: {  	s15 =	simm.s32 $0x0;
	[smem:$0x7FF] =	sst s3;
	s8 =	smul.u32 $0x2780, s0  }
0x7: {  	s1 =	sshll.u32 s4, $0x4;
	s9 =	smul.u32 $0x27800, s4;
	s4 =	ssub.s32 $0x2, s4  }
0x8: {  	s13 =	sshll.u32 s0, $0x6;
	s1 =	sor.u32 s0, s1;
	s31 =	sshrl.u32 s4, $0x1  }
0x9: {  	s13 =	sor.u32 $0x1C02, s13;
	s7 =	smul.u32 $0x500, s1;
	s9 =	sadd.s32 s8, s9  }
0xa: {  	s1 =	rddreg [dreg:$0x3];
	_ =	strace $0x80000047;
	s9 =	sshrl.u32 s9, $0x3  }
0xb: {  	s5 =	sadd.s32 s7, s5;
	s7 =	ssub.s32 s4, s31;
	s6 =	sadd.s32 s6, s9  }
0xc: {  	s9 =	simm.s32 $0x3000;
	s4 =	sadd.s32 $0x3000, s5;
	s5 =	sadd.s32 s8, s2  }
0xd: {  	v0 =	vimm.f32 $0.0e+00;
	v1 =	vimm.f32 $1.000000000e+00;
	s7 =	smax.u32 s7, $0x1;
	s8 =	simm.s32 $0x2;
	s14 =	sshrl.u32 s5, $0x3  }
.LBB2_1:
0xe: {  	[tilespmem:s3], [sflag:$0x2] =	stream.linear.gather [hbm4b:s4+s3], $0x2800, $0x38;
	[tilespmem:$0x7F00] =	vst v63  }
0xf: {  	_ =	swait.ge [sflag:s8], $0x2800  }
0x10: {  	[sflag:s8] =	ssyncset.done $0x0  }
0x11: {  	s16 =	simm.s32 $0x0;
	[sflag:s8] =	ssyncadd.s32 $0xFFFFD800  }
.LBB2_2:
0x12: {  	p0 =	sne.s32 s16, $0x9DC0  }
.Ltmp0:
0x13: {  	_ = 	snop;
	(pc) =	sbr.rel @p0 .LBB2_2-.Ltmp0, $3  }
0x14: {  	_ =	sdelay $0x1  }
0x15: {  	s17 =	sshra.s32 s16, $0x2  }
0x16: {  	s16 =	sadd.s32 $0x40, s16;
	[tilespmem:s17+$0x3000] =	vst v0  }
0x17: {  	s16 =	simm.s32 $0x40;
	s17 =	simm.s32 $0x0  }
.LBB2_4:
0x18: {  	p0 =	sne.s32 s16, $0x1FC0;
	[tilespmem:s17+$0x2800] =	vst v1;
	s17 =	smov.u32 s16;
	s16 =	sadd.s32 $0x40, s16  }
.Ltmp1:
0x19: {  	(pc) =	sbr.rel @p0 .LBB2_4-.Ltmp1, $2  }
0x1a: {  	_ =	sdelay $0x2  }
0x1b: {  	s17 =	sshra.s32 s17, $0x2  }
0x1c: {  	[tilespmem:s17+$0x2800] =	vst v1  }
0x1d: {  	[spmem:s5] =	stream.linear.scatter [tilespmem:s9], [sflag:$0x2], $0x2780, $0x38;
	[tilespmem:$0x7F00] =	vst v63  }
0x1e: {  	_ =	swait.ge [sflag:s8], $0x2780  }
0x1f: {  	[sflag:s8] =	ssyncset.done $0x0  }
0x20: {  	[sflag:s8] =	ssyncadd.s32 $0xFFFFD880  }
0x21: {  	s16 =	simm.s32 $0x0;
	[bflag:$0x0] =	sbarrier.arrive $0xFFFF  }
.LBB2_6:
0x22: {  	p0 =	sne.s32 s16, $0x9E00  }
.Ltmp2:
0x23: {  	_ = 	snop;
	(pc) =	sbr.rel @p0 .LBB2_6-.Ltmp2, $3  }
0x24: {  	_ =	sdelay $0x1  }
0x25: {  	s17 =	sshra.s32 s16, $0x2;
	s16 =	sadd.s32 $0x200, s16  }
0x26: {  	[spmem:s2] =	stream.indirect.scatter.add.f32 [tilespmem:s11], [sflag:$0x1], $0x10, s17, s10, $0xb8;
	[tilespmem:$0x7F00] =	vst v63  }
0x27: {  	_ =	swait.ge [sflag:s12], $0x800  }
0x28: {  	s16 =	simm.s32 $0x4F;
	[sflag:s12] =	ssyncset.done $0x0  }
.LBB2_8:
0x29: {  	p0 =	sne.s32 s16, $0x1;
	s16 =	sadd.s32 $0xFFFFFFFF, s16;
	[sflag:s12] =	ssyncadd.s32 $0xFFFFF800  }
.Ltmp3:
0x2a: {  	(pc) =	sbr.rel @p0 .LBB2_8-.Ltmp3, $3  }
0x2b: {  	_ =	sdelay $0x1  }
0x2c: {  	_ =	swait.ge [sflag:s12], $0x800  }
0x2d: {  	[sflag:s12] =	ssyncset.done $0x0  }
0x2e: {  	s15 =	sadd.s32 $0x1, s15  }
0x2f: {  	[sflag:s12] =	ssyncadd.s32 $0xFFFFF800;
	p0 =	sne.s32 s15, s7  }
.Ltmp4:
0x30: {  	[bflag:$0x0] =	sbarrier.arrive $0xFFFF;
	(pc) =	sbr.rel @p0 .LBB2_1-.Ltmp4, $4  }
0x31: {  	[hbm:s6], [sflag:s13] =	dma.local [spmem:s14], $0x4F0  }
0x32: {  	_ =	swait.ge [sflag:s8], $0x4F0  }
0x33: {  	[sflag:s8] =	ssyncset.done $0x0  }
0x34: {  	[sflag:s8] =	ssyncadd.s32 $0xFFFFFB10  }
0x35: {  	_ =	sfence.sel $0x180000  }
0x36: {  	[bflag:$0x0] =	sbarrier.arrive $0xFFFF  }
0x37: {  	p0 =	sne.s32 s0, $0x0;
	_ =	strace $0x90000047  }
0x38: {  	s0 =	sadd.s32 @!p0 $0x100000, s1;
	[bflag:$0x2] =	sbarrier.arrive $0xFFFF  }
0x39: {  	[sflag:s0] =	ssyncadd.tile.s32 @!p0 $0x1;
	_ =	shalt  }
.Lfunc_end2:
_tile_overlayer_lowered:
.L_overlay_start_2:
0x3a: {  	(tag) =	ssettag $0x2  }
0x3b: {  	s0 =	rddreg [dreg:$0x0];
	s2 =	stileid.u32  }
0x3c: {  	s1 =	rddreg [dreg:$0x1];
	p0 =	sne.s32 s2, $0x0  }
0x3d: {  	s3 =	rddreg [dreg:$0x2];
	[bflag:$0x3] =	sbarrier.arrive $0xFFFF;
	s2 =	simm.s32 @!p0 $0x1C02  }
0x3e: {  	[timem:s3], [sflag:s2] =	dma.local @!p0 [hbm:s0], s1  }
0x3f: {  	s0 =	simm.s32 @!p0 $0x2  }
0x40: {  	_ =	swait.ge @!p0 [sflag:s0], s1  }
0x41: {  	s1 =	ssub.s32 @!p0 $0x0, s1;
	[sflag:s0] =	ssyncset.done @!p0 $0x0  }
0x42: {  	[sflag:s0] =	ssyncadd.s32 @!p0 s1  }
0x43: {  	[bflag:$0x3] =	sbarrier.arrive $0xFFFF  }
0x44: {  	_ =	shalt  }

</sc_bundles>
